<compile_context>
chip_gen: v7x
topology: tpu7x:2x2x1
jax: 0.10.2.dev20260603
libtpu: 0.0.44.dev20260713+nightly
codegen_flags: <defaults>
</compile_context>

<pallas_src>
import functools

import jax
import jax.numpy as jnp
from jax import lax
from jax.experimental import pallas as pl
from jax.experimental.pallas import tpu as pltpu
from jax.experimental.pallas import tpu_sc as plsc

_N = 10000
_E = 320000
_NPAD = 10240
_EPAD = 327680
_NW = 32
_CHUNK = 128
_EPW = _EPAD // _NW
_CPW = _EPW // _CHUNK
_RPS = _NPAD // 16

_f32 = jnp.float32
_i32 = jnp.int32


def _mesh():
    return plsc.VectorSubcoreMesh(core_axis_name="c", subcore_axis_name="s")


@functools.partial(
    pl.kernel,
    out_type=(jax.ShapeDtypeStruct((2, 2, _NPAD, 16), _f32),
              jax.ShapeDtypeStruct((2, 2, _NPAD, 16), _f32)),
    mesh=_mesh(),
    compiler_params=pltpu.CompilerParams(needs_layout_passes=False,
                                         use_tc_tiling_on_sc=False),
    scratch_types=[
        pltpu.VMEM((_CHUNK,), _i32),
        pltpu.VMEM((_CHUNK,), _i32),
        pltpu.VMEM((_CHUNK, 16), _f32),
        pltpu.VMEM((_CHUNK, 16), _f32),
        pltpu.VMEM_SHARED((_NPAD, 16), _f32),
        pltpu.VMEM_SHARED((_NPAD, 16), _f32),
        pltpu.VMEM_SHARED((_NPAD, 16), _f32),
        pltpu.VMEM_SHARED((_NPAD, 16), _f32),
    ],
)
def _deg_pass(src_hbm, dst_hbm, wexp_hbm, out_s, out_d,
              srcv, dstv, wexp_v, pay, acc_ws, acc_wd, acc_cs, acc_cd):
    c = lax.axis_index("c")
    s = lax.axis_index("s")
    wid = c * 16 + s

    zero16 = jnp.zeros((16,), _f32)

    def _zrow(i, _):
        pay[i, :] = zero16
        return 0

    lax.fori_loop(0, _CHUNK, _zrow, 0)
    for z in range(_RPS // _CHUNK):
        off = pl.ds(s * _RPS + z * _CHUNK, _CHUNK)
        pltpu.sync_copy(pay, acc_ws.at[off])
        pltpu.sync_copy(pay, acc_wd.at[off])
        pltpu.sync_copy(pay, acc_cs.at[off])
        pltpu.sync_copy(pay, acc_cd.at[off])

    ones16 = jnp.ones((16,), _f32)

    def _orow(i, _):
        pay[i, :] = ones16
        return 0

    lax.fori_loop(0, _CHUNK, _orow, 0)
    plsc.subcore_barrier()

    ebase = wid * _EPW

    def _chunk(t, _):
        base = ebase + t * _CHUNK
        pltpu.sync_copy(src_hbm.at[pl.ds(base, _CHUNK)], srcv)
        pltpu.sync_copy(dst_hbm.at[pl.ds(base, _CHUNK)], dstv)
        pltpu.sync_copy(wexp_hbm.at[pl.ds(base, _CHUNK)], wexp_v)
        pltpu.sync_copy(wexp_v, acc_ws.at[srcv], add=True)
        pltpu.sync_copy(wexp_v, acc_wd.at[dstv], add=True)
        pltpu.sync_copy(pay, acc_cs.at[srcv], add=True)
        pltpu.sync_copy(pay, acc_cd.at[dstv], add=True)
        return 0

    lax.fori_loop(0, _CPW, _chunk, 0)
    plsc.subcore_barrier()
    off = pl.ds(s * _RPS, _RPS)
    pltpu.sync_copy(acc_ws.at[off], out_s.at[c, 0, off])
    pltpu.sync_copy(acc_cs.at[off], out_s.at[c, 1, off])
    pltpu.sync_copy(acc_wd.at[off], out_d.at[c, 0, off])
    pltpu.sync_copy(acc_cd.at[off], out_d.at[c, 1, off])


def _make_agg(width, weighted):
    ck = 64
    cpw = _EPW // ck

    scratch = [
        pltpu.VMEM((ck,), _i32),
        pltpu.VMEM((ck,), _i32),
        pltpu.VMEM((ck,), _i32),
        pltpu.VMEM((ck,), _i32),
        pltpu.VMEM((ck, width), _f32),
        pltpu.VMEM((ck, width), _f32),
        pltpu.VMEM_SHARED((_NPAD, width), _f32),
        pltpu.SemaphoreType.DMA,
        pltpu.SemaphoreType.DMA,
    ]
    if weighted:
        scratch = ([pltpu.VMEM((ck, 16), _f32), pltpu.VMEM((ck, 16), _f32)]
                   + scratch)

    @functools.partial(
        pl.kernel,
        out_type=jax.ShapeDtypeStruct((2, _NPAD, width), _f32),
        mesh=_mesh(),
        compiler_params=pltpu.CompilerParams(
            use_tc_tiling_on_sc=(width % 128 == 0),
            needs_layout_passes=False),
        scratch_types=scratch,
    )
    def _agg(src_hbm, dst_hbm, w_hbm, table_hbm, out_hbm, *refs):
        if weighted:
            wv0, wv1 = refs[0], refs[1]
            refs = refs[2:]
        srcv0, srcv1, dstv0, dstv1, rows0, rows1, acc, gsem0, gsem1 = refs
        c = lax.axis_index("c")
        s = lax.axis_index("s")
        wid = c * 16 + s

        zero16 = jnp.zeros((16,), _f32)

        def _zrow(i, _):
            for j in range(width // 16):
                rows0[i, pl.ds(j * 16, 16)] = zero16
            return 0

        lax.fori_loop(0, ck, _zrow, 0)
        for z in range(_RPS // ck):
            pltpu.sync_copy(rows0, acc.at[pl.ds(s * _RPS + z * ck, ck)])
        plsc.subcore_barrier()

        ebase = wid * _EPW

        def _scale(rows, wv):
            def body(i, _):
                wsp = wv[i, :]
                for j in range(width // 16):
                    rows[i, pl.ds(j * 16, 16)] = rows[i, pl.ds(j * 16, 16)] * wsp
                return 0
            lax.fori_loop(0, ck, body, 0)

        pltpu.sync_copy(src_hbm.at[pl.ds(ebase, ck)], srcv0)
        pltpu.sync_copy(dst_hbm.at[pl.ds(ebase, ck)], dstv0)
        pltpu.async_copy(table_hbm.at[srcv0], rows0, gsem0)

        def _pair(u, _):
            t0 = u * 2
            b0 = ebase + t0 * ck
            pltpu.sync_copy(src_hbm.at[pl.ds(b0 + ck, ck)], srcv1)
            pltpu.sync_copy(dst_hbm.at[pl.ds(b0 + ck, ck)], dstv1)
            if weighted:
                pltpu.sync_copy(w_hbm.at[pl.ds(b0, ck)], wv0)
            pltpu.make_async_copy(table_hbm.at[srcv0], rows0, gsem0).wait()
            pltpu.async_copy(table_hbm.at[srcv1], rows1, gsem1)
            if weighted:
                _scale(rows0, wv0)
            pltpu.sync_copy(rows0, acc.at[dstv0], add=True)

            @pl.when(u + 1 < cpw // 2)
            def _():
                pltpu.sync_copy(src_hbm.at[pl.ds(b0 + 2 * ck, ck)], srcv0)
                pltpu.sync_copy(dst_hbm.at[pl.ds(b0 + 2 * ck, ck)], dstv0)
                pltpu.async_copy(table_hbm.at[srcv0], rows0, gsem0)

            if weighted:
                pltpu.sync_copy(w_hbm.at[pl.ds(b0 + ck, ck)], wv1)
            pltpu.make_async_copy(table_hbm.at[srcv1], rows1, gsem1).wait()
            if weighted:
                _scale(rows1, wv1)
            pltpu.sync_copy(rows1, acc.at[dstv1], add=True)
            return 0

        lax.fori_loop(0, cpw // 2, _pair, 0)
        plsc.subcore_barrier()
        pltpu.sync_copy(acc.at[pl.ds(s * _RPS, _RPS)],
                        out_hbm.at[c, pl.ds(s * _RPS, _RPS)])

    return _agg


_agg128_w = _make_agg(128, True)
_agg128 = _make_agg(128, False)
_agg64 = _make_agg(64, False)


@functools.partial(
    pl.kernel,
    out_type=jax.ShapeDtypeStruct((_EPAD, 16), _f32),
    mesh=_mesh(),
    compiler_params=pltpu.CompilerParams(use_tc_tiling_on_sc=False,
                                         needs_layout_passes=False),
    scratch_types=[
        pltpu.VMEM((_CHUNK,), _i32),
        pltpu.VMEM((_CHUNK,), _i32),
        pltpu.VMEM((_CHUNK, 16), _f32),
        pltpu.VMEM((_CHUNK, 16), _f32),
        pltpu.SemaphoreType.DMA,
        pltpu.SemaphoreType.DMA,
    ],
)
def _score_pass(src_hbm, dst_hbm, p_hbm, q_hbm, out_hbm,
                srcv, dstv, rp, rq, sem1, sem2):
    c = lax.axis_index("c")
    s = lax.axis_index("s")
    wid = c * 16 + s
    ebase = wid * _EPW

    def _chunk(t, _):
        base = ebase + t * _CHUNK
        pltpu.sync_copy(src_hbm.at[pl.ds(base, _CHUNK)], srcv)
        pltpu.sync_copy(dst_hbm.at[pl.ds(base, _CHUNK)], dstv)
        cp1 = pltpu.async_copy(p_hbm.at[srcv], rp, sem1)
        cp2 = pltpu.async_copy(q_hbm.at[dstv], rq, sem2)
        cp1.wait()
        cp2.wait()

        def _add(i, _):
            rp[i, :] = rp[i, :] + rq[i, :]
            return 0

        lax.fori_loop(0, _CHUNK, _add, 0)
        pltpu.sync_copy(rp, out_hbm.at[pl.ds(base, _CHUNK)])
        return 0

    lax.fori_loop(0, _CPW, _chunk, 0)


_BR = 1024
_GRID = _NPAD // _BR


def _wsum(ref):
    return ref[0, 0, :, 0:1] + ref[1, 0, :, 0:1]


def _csum(ref):
    return ref[0, 1, :, 0:1] + ref[1, 1, :, 0:1]


def _tc1_body(x_ref, wn_ref, bn_ref, ds_ref, out_ref):
    h0 = jnp.dot(x_ref[...], wn_ref[...], preferred_element_type=_f32)
    h0 = h0 + bn_ref[...]
    a = lax.rsqrt(jnp.maximum(_wsum(ds_ref), 1e-12))
    out_ref[...] = h0 * a


def _tc2_body(agg_ref, dd_ref, ds_ref, w1_ref, b1_ref, w2_ref,
              t2a_ref, t2b_ref):
    agg = agg_ref[0] + agg_ref[1]
    b = lax.rsqrt(jnp.maximum(_wsum(dd_ref), 1e-12))
    h1 = jnp.dot(agg * b, w1_ref[...], preferred_element_type=_f32)
    h1 = jnp.maximum(h1 + b1_ref[...], 0.0)
    iso = lax.rsqrt(jnp.maximum(_csum(ds_ref), 1.0))
    t2 = jnp.dot(h1 * iso, w2_ref[...], preferred_element_type=_f32)
    t2a_ref[...] = t2[:, :128]
    t2b_ref[...] = t2[:, 128:]


def _tc3_body(aa_ref, ab_ref, dd_ref, ds_ref, b2_ref, w3_ref, out_ref):
    agg = jnp.concatenate([aa_ref[0] + aa_ref[1], ab_ref[0] + ab_ref[1]],
                          axis=1)
    isi = lax.rsqrt(jnp.maximum(_csum(dd_ref), 1.0))
    h2 = jnp.maximum(agg * isi + b2_ref[...], 0.0)
    iso = lax.rsqrt(jnp.maximum(_csum(ds_ref), 1.0))
    out_ref[...] = jnp.dot(h2 * iso, w3_ref[...], preferred_element_type=_f32)


def _tc4_body(agg_ref, dd_ref, ds_ref, b3_ref, w4_ref, out_ref):
    agg = agg_ref[0] + agg_ref[1]
    isi = lax.rsqrt(jnp.maximum(_csum(dd_ref), 1.0))
    h3 = jnp.maximum(agg * isi + b3_ref[...], 0.0)
    iso = lax.rsqrt(jnp.maximum(_csum(ds_ref), 1.0))
    out_ref[...] = jnp.dot(h3 * iso, w4_ref[...], preferred_element_type=_f32)


def _tc5_body(agg_ref, dd_ref, b4_ref, wct_ref, wcb_ref, bc_ref,
              p_ref, q_ref):
    agg = agg_ref[0] + agg_ref[1]
    isi = lax.rsqrt(jnp.maximum(_csum(dd_ref), 1.0))
    h4 = jnp.maximum(agg * isi + b4_ref[...], 0.0)
    p_ref[...] = jnp.dot(h4, wct_ref[...], preferred_element_type=_f32) + bc_ref[...]
    q_ref[...] = jnp.dot(h4, wcb_ref[...], preferred_element_type=_f32)


def _row_spec(width):
    return pl.BlockSpec((_BR, width), lambda i: (i, 0))


def _deg_spec():
    return pl.BlockSpec((2, 2, _BR, 16), lambda i: (0, 0, i, 0))


def _part_spec(width):
    return pl.BlockSpec((2, _BR, width), lambda i: (0, i, 0))


def _full_spec(shape):
    nd = len(shape)
    return pl.BlockSpec(shape, lambda i: (0,) * nd)


def _tc1(x, wn, bn, deg_s):
    return pl.pallas_call(
        _tc1_body,
        grid=(_GRID,),
        in_specs=[_row_spec(128), _full_spec(wn.shape), _full_spec(bn.shape),
                  _deg_spec()],
        out_specs=_row_spec(128),
        out_shape=jax.ShapeDtypeStruct((_NPAD, 128), _f32),
    )(x, wn, bn, deg_s)


def _tc2(agg1, deg_d, deg_s, w1, b1, w2):
    return pl.pallas_call(
        _tc2_body,
        grid=(_GRID,),
        in_specs=[_part_spec(128), _deg_spec(), _deg_spec(),
                  _full_spec(w1.shape), _full_spec(b1.shape),
                  _full_spec(w2.shape)],
        out_specs=(_row_spec(128), _row_spec(128)),
        out_shape=(jax.ShapeDtypeStruct((_NPAD, 128), _f32),
                   jax.ShapeDtypeStruct((_NPAD, 128), _f32)),
    )(agg1, deg_d, deg_s, w1, b1, w2)


def _tc3(agg2a, agg2b, deg_d, deg_s, b2, w3):
    return pl.pallas_call(
        _tc3_body,
        grid=(_GRID,),
        in_specs=[_part_spec(128), _part_spec(128), _deg_spec(), _deg_spec(),
                  _full_spec(b2.shape), _full_spec(w3.shape)],
        out_specs=_row_spec(128),
        out_shape=jax.ShapeDtypeStruct((_NPAD, 128), _f32),
    )(agg2a, agg2b, deg_d, deg_s, b2, w3)


def _tc4(agg3, deg_d, deg_s, b3, w4):
    return pl.pallas_call(
        _tc4_body,
        grid=(_GRID,),
        in_specs=[_part_spec(128), _deg_spec(), _deg_spec(),
                  _full_spec(b3.shape), _full_spec(w4.shape)],
        out_specs=_row_spec(64),
        out_shape=jax.ShapeDtypeStruct((_NPAD, 64), _f32),
    )(agg3, deg_d, deg_s, b3, w4)


def _tc5(agg4, deg_d, b4, wct, wcb, bc):
    return pl.pallas_call(
        _tc5_body,
        grid=(_GRID,),
        in_specs=[_part_spec(64), _deg_spec(),
                  _full_spec(b4.shape), _full_spec(wct.shape),
                  _full_spec(wcb.shape), _full_spec(bc.shape)],
        out_specs=(_row_spec(16), _row_spec(16)),
        out_shape=(jax.ShapeDtypeStruct((_NPAD, 16), _f32),
                   jax.ShapeDtypeStruct((_NPAD, 16), _f32)),
    )(agg4, deg_d, b4, wct, wcb, bc)


def kernel(node_features, edge_features, edge_index,
           Wn, bn, W1, b1, W2, b2, W3, b3, W4, b4, Wc, bc):
    epad = _EPAD - _E
    src = jnp.concatenate(
        [edge_index[0], jnp.full((epad,), _NPAD - 1, _i32)])
    dst = jnp.concatenate(
        [edge_index[1], jnp.full((epad,), _NPAD - 1, _i32)])
    w = jnp.concatenate([edge_features, jnp.zeros((epad,), _f32)])
    wexp = jnp.broadcast_to(w[:, None], (_EPAD, 16))
    x = jnp.pad(node_features, ((0, _NPAD - _N), (0, 0)))

    deg_s, deg_d = _deg_pass(src, dst, wexp)

    h0p = _tc1(x, Wn, bn.reshape(1, -1), deg_s)
    agg1 = _agg128_w(src, dst, wexp, h0p)

    t2a, t2b = _tc2(agg1, deg_d, deg_s, W1, b1.reshape(1, -1), W2)
    agg2a = _agg128(src, dst, w, t2a)
    agg2b = _agg128(src, dst, w, t2b)

    t3 = _tc3(agg2a, agg2b, deg_d, deg_s, b2.reshape(1, -1), W3)
    agg3 = _agg128(src, dst, w, t3)

    t4 = _tc4(agg3, deg_d, deg_s, b3.reshape(1, -1), W4)
    agg4 = _agg64(src, dst, w, t4)

    p, q = _tc5(agg4, deg_d, b4.reshape(1, -1), Wc[:64], Wc[64:],
                bc.reshape(1, -1))
    scores = _score_pass(src, dst, p, q)
    return scores[:_E]

# --- scband reference (transcript-rebuilt; emitter-appended) ---
"""Pipeline reference for scband-gcnmodel-3350074491436 (READ-ONLY COPY).

The authoritative reference and input builder live on the scoring server;
editing this copy changes nothing except your own understanding.
"""

import jax, jax.numpy as jnp
import numpy as np

N = 10000
E = 320000
D = 128
LIN = 128
H1 = 512
H2 = 256
H3 = 128
OUT = 64
NC = 16


def setup_inputs(seed: int = 0) -> dict:
    key = jax.random.key(seed)
    ks = jax.random.split(key, 16)
    node_features = jax.random.normal(ks[0], (N, D), dtype=jnp.float32)
    edge_features = jax.random.uniform(ks[1], (E,), dtype=jnp.float32)
    edge_index = jax.random.randint(ks[2], (2, E), 0, N, dtype=jnp.int32)
    s = 0.05
    params = {
        'Wn': jax.random.normal(ks[3], (D, LIN), jnp.float32) * s,
        'bn': jnp.zeros((LIN,), jnp.float32),
        'W1': jax.random.normal(ks[4], (LIN, H1), jnp.float32) * s,
        'b1': jnp.zeros((H1,), jnp.float32),
        'W2': jax.random.normal(ks[5], (H1, H2), jnp.float32) * s,
        'b2': jnp.zeros((H2,), jnp.float32),
        'W3': jax.random.normal(ks[6], (H2, H3), jnp.float32) * s,
        'b3': jnp.zeros((H3,), jnp.float32),
        'W4': jax.random.normal(ks[7], (H3, OUT), jnp.float32) * s,
        'b4': jnp.zeros((OUT,), jnp.float32),
        'Wc': jax.random.normal(ks[8], (2 * OUT, NC), jnp.float32) * s,
        'bc': jnp.zeros((NC,), jnp.float32),
    }
    inp = {'node_features': node_features, 'edge_features': edge_features, 'edge_index': edge_index}
    inp.update(params)
    return inp


def reference(node_features, edge_features, edge_index, Wn, bn, W1, b1, W2, b2, W3, b3, W4, b4, Wc, bc):
    src = edge_index[0]
    dst = edge_index[1]
    # EdgeWeightNorm(norm='both'): w_e / sqrt(out_deg_w(src) * in_deg_w(dst))
    w = edge_features
    deg_src = jax.ops.segment_sum(w, src, num_segments=N)
    deg_dst = jax.ops.segment_sum(w, dst, num_segments=N)
    norm_w = w / jnp.sqrt(jnp.maximum(deg_src[src], 1e-12) * jnp.maximum(deg_dst[dst], 1e-12))
    # lin_n
    h = node_features @ Wn + bn
    # conv1: GraphConv(norm='none') with edge_weight
    m = (h @ W1)[src] * norm_w[:, None]
    h = jax.nn.relu(jax.ops.segment_sum(m, dst, num_segments=N) + b1)
    # dropout (p=0.2) is identity in eval mode
    ones = jnp.ones((E,), jnp.float32)
    dout = jnp.maximum(jax.ops.segment_sum(ones, src, num_segments=N), 1.0)
    din = jnp.maximum(jax.ops.segment_sum(ones, dst, num_segments=N), 1.0)
    inv_sqrt_out = (dout ** -0.5)[:, None]
    inv_sqrt_in = (din ** -0.5)[:, None]

    def conv_both(hh, W, b):
        hs = hh * inv_sqrt_out
        agg = jax.ops.segment_sum(hs[src], dst, num_segments=N)
        agg = agg * inv_sqrt_in
        return agg @ W + b

    h = jax.nn.relu(conv_both(h, W2, b2))
    h = jax.nn.relu(conv_both(h, W3, b3))
    h = jax.nn.relu(conv_both(h, W4, b4))
    # MLPPredictor: per-edge score from concat(src, dst)
    score = jnp.concatenate([h[src], h[dst]], axis=1) @ Wc + bc
    return score

if __name__ == "__main__":
    import jax
    _d = setup_inputs()
    print(jax.jit(kernel)(*tuple(_d.values())))

</pallas_src>

<mosaic_0001>
#map = affine_map<(d0, d1) -> (0)>
#map1 = affine_map<(d0, d1) -> (0, 0)>
#map2 = affine_map<(d0, d1) -> (0, 0, 0, 0)>
module attributes {stable_mosaic.version = 14 : i64} {
  func.func @_deg_pass(%arg0: i32, %arg1: i32, %arg2: memref<327680xi32, #tpu.memory_space<hbm>>, %arg3: memref<327680xi32, #tpu.memory_space<hbm>>, %arg4: memref<327680x16xf32, #tpu.memory_space<hbm>>, %arg5: memref<2x2x10240x16xf32, #tpu.memory_space<hbm>>, %arg6: memref<2x2x10240x16xf32, #tpu.memory_space<hbm>>, %arg7: memref<128xi32, #tpu.memory_space<vmem>>, %arg8: memref<128xi32, #tpu.memory_space<vmem>>, %arg9: memref<128x16xf32, #tpu.memory_space<vmem>>, %arg10: memref<128x16xf32, #tpu.memory_space<vmem>>, %arg11: memref<10240x16xf32, #tpu.memory_space<vmem_shared>>, %arg12: memref<10240x16xf32, #tpu.memory_space<vmem_shared>>, %arg13: memref<10240x16xf32, #tpu.memory_space<vmem_shared>>, %arg14: memref<10240x16xf32, #tpu.memory_space<vmem_shared>>) attributes {dimension_semantics = [#tpu.dimension_semantics<core_parallel>, #tpu.dimension_semantics<subcore_parallel>], iteration_bounds = array<i64: 2, 16>, scalar_prefetch = 0 : i64, scratch_operands = 8 : i64, tpu.core_type = #tpu.core_type<sc_vector_subcore>, window_params = [{transform_indices = #map}, {transform_indices = #map}, {transform_indices = #map1}, {transform_indices = #map2}, {transform_indices = #map2}]} {
    %mul3A = arith.constant 16 : i32
    %mul3A_0 = arith.muli %arg0, %mul3A : i32
    %add3A = arith.addi %mul3A_0, %arg1 : i32
    %broadcast_in_dim3A = arith.constant 0.000000e+00 : f32
    %broadcast_in_dim3A_1 = vector.broadcast %broadcast_in_dim3A : f32 to vector<16xf32>
    %scan3A = arith.constant 0 : i32
    %scan3A_2 = arith.constant 0 : i32
    %scan3A_3 = arith.constant 128 : i32
    %scan3A_4 = arith.addi %scan3A_2, %scan3A_3 : i32
    %scan3A_5 = arith.constant 1 : i32
    %scan3A_6 = scf.for %scan3A_52 = %scan3A_2 to %scan3A_4 step %scan3A_5 iter_args(%scan3A_53 = %scan3A) -> (i32)  : i32 {
      %swap3A = arith.index_cast %scan3A_52 : i32 to index
      %swap3A_54 = arith.constant 0 : index
      %swap3A_55 = tpu.vector_load %arg10[%swap3A, %swap3A_54] {strides = array<i32>} : memref<128x16xf32, #tpu.memory_space<vmem>>, vector<16xf32>,
      tpu.vector_store %arg10[%swap3A, %swap3A_54], %broadcast_in_dim3A_1 {strides = array<i32>} : memref<128x16xf32, #tpu.memory_space<vmem>>, vector<16xf32>,
      %scan3A_56 = arith.constant 0 : i32
      scf.yield %scan3A_56 : i32
    }
    %scan3A_7 = arith.constant 128 : i32
    %mul3A_8 = arith.constant 640 : i32
    %mul3A_9 = arith.muli %arg1, %mul3A_8 : i32
    %add3A_10 = arith.constant 0 : i32
    %add3A_11 = arith.addi %mul3A_9, %add3A_10 : i32
    "tpu.region"() ({
      %run_scoped3A_52 = tpu.sem_alloc : memref<!tpu.dma_semaphore, #tpu.memory_space<semaphore_mem>>
      %dma_start3A = arith.constant 0 : i32
      %dma_start3A_53 = tpu.memref_slice %arg11[%add3A_11, %dma_start3A] : memref<10240x16xf32, #tpu.memory_space<vmem_shared>> -> memref<128x16xf32, #tpu.memory_space<vmem_shared>>
      %dma_start3A_54 = arith.constant 0 : i32
      %dma_start3A_55 = tpu.memref_slice %arg11[%add3A_11, %dma_start3A_54] : memref<10240x16xf32, #tpu.memory_space<vmem_shared>> -> memref<128x16xf32, #tpu.memory_space<vmem_shared>>
      tpu.enqueue_dma source(%arg10 : memref<128x16xf32, #tpu.memory_space<vmem>>) target(%dma_start3A_55 : memref<128x16xf32, #tpu.memory_space<vmem_shared>>) target_semaphore(%run_scoped3A_52 : memref<!tpu.dma_semaphore, #tpu.memory_space<semaphore_mem>>)
      %dma_wait3A = arith.constant 0 : i32
      %dma_wait3A_56 = tpu.memref_slice %arg11[%add3A_11, %dma_wait3A] : memref<10240x16xf32, #tpu.memory_space<vmem_shared>> -> memref<128x16xf32, #tpu.memory_space<vmem_shared>>
      %dma_wait3A_57 = arith.constant 0 : i32
      %dma_wait3A_58 = tpu.memref_slice %arg11[%add3A_11, %dma_wait3A_57] : memref<10240x16xf32, #tpu.memory_space<vmem_shared>> -> memref<128x16xf32, #tpu.memory_space<vmem_shared>>
      tpu.wait_dma2 semaphore(%run_scoped3A_52 : memref<!tpu.dma_semaphore, #tpu.memory_space<semaphore_mem>>) src(%arg10 : memref<128x16xf32, #tpu.memory_space<vmem>>) dst(%dma_wait3A_58 : memref<128x16xf32, #tpu.memory_space<vmem_shared>>)
      tpu.yield
    }) : () -> ()
    "tpu.region"() ({
      %run_scoped3A_52 = tpu.sem_alloc : memref<!tpu.dma_semaphore, #tpu.memory_space<semaphore_mem>>
      %dma_start3A = arith.constant 0 : i32
      %dma_start3A_53 = tpu.memref_slice %arg12[%add3A_11, %dma_start3A] : memref<10240x16xf32, #tpu.memory_space<vmem_shared>> -> memref<128x16xf32, #tpu.memory_space<vmem_shared>>
      %dma_start3A_54 = arith.constant 0 : i32
      %dma_start3A_55 = tpu.memref_slice %arg12[%add3A_11, %dma_start3A_54] : memref<10240x16xf32, #tpu.memory_space<vmem_shared>> -> memref<128x16xf32, #tpu.memory_space<vmem_shared>>
      tpu.enqueue_dma source(%arg10 : memref<128x16xf32, #tpu.memory_space<vmem>>) target(%dma_start3A_55 : memref<128x16xf32, #tpu.memory_space<vmem_shared>>) target_semaphore(%run_scoped3A_52 : memref<!tpu.dma_semaphore, #tpu.memory_space<semaphore_mem>>)
      %dma_wait3A = arith.constant 0 : i32
      %dma_wait3A_56 = tpu.memref_slice %arg12[%add3A_11, %dma_wait3A] : memref<10240x16xf32, #tpu.memory_space<vmem_shared>> -> memref<128x16xf32, #tpu.memory_space<vmem_shared>>
      %dma_wait3A_57 = arith.constant 0 : i32
      %dma_wait3A_58 = tpu.memref_slice %arg12[%add3A_11, %dma_wait3A_57] : memref<10240x16xf32, #tpu.memory_space<vmem_shared>> -> memref<128x16xf32, #tpu.memory_space<vmem_shared>>
      tpu.wait_dma2 semaphore(%run_scoped3A_52 : memref<!tpu.dma_semaphore, #tpu.memory_space<semaphore_mem>>) src(%arg10 : memref<128x16xf32, #tpu.memory_space<vmem>>) dst(%dma_wait3A_58 : memref<128x16xf32, #tpu.memory_space<vmem_shared>>)
      tpu.yield
    }) : () -> ()
    "tpu.region"() ({
      %run_scoped3A_52 = tpu.sem_alloc : memref<!tpu.dma_semaphore, #tpu.memory_space<semaphore_mem>>
      %dma_start3A = arith.constant 0 : i32
      %dma_start3A_53 = tpu.memref_slice %arg13[%add3A_11, %dma_start3A] : memref<10240x16xf32, #tpu.memory_space<vmem_shared>> -> memref<128x16xf32, #tpu.memory_space<vmem_shared>>
      %dma_start3A_54 = arith.constant 0 : i32
      %dma_start3A_55 = tpu.memref_slice %arg13[%add3A_11, %dma_start3A_54] : memref<10240x16xf32, #tpu.memory_space<vmem_shared>> -> memref<128x16xf32, #tpu.memory_space<vmem_shared>>
      tpu.enqueue_dma source(%arg10 : memref<128x16xf32, #tpu.memory_space<vmem>>) target(%dma_start3A_55 : memref<128x16xf32, #tpu.memory_space<vmem_shared>>) target_semaphore(%run_scoped3A_52 : memref<!tpu.dma_semaphore, #tpu.memory_space<semaphore_mem>>)
      %dma_wait3A = arith.constant 0 : i32
      %dma_wait3A_56 = tpu.memref_slice %arg13[%add3A_11, %dma_wait3A] : memref<10240x16xf32, #tpu.memory_space<vmem_shared>> -> memref<128x16xf32, #tpu.memory_space<vmem_shared>>
      %dma_wait3A_57 = arith.constant 0 : i32
      %dma_wait3A_58 = tpu.memref_slice %arg13[%add3A_11, %dma_wait3A_57] : memref<10240x16xf32, #tpu.memory_space<vmem_shared>> -> memref<128x16xf32, #tpu.memory_space<vmem_shared>>
      tpu.wait_dma2 semaphore(%run_scoped3A_52 : memref<!tpu.dma_semaphore, #tpu.memory_space<semaphore_mem>>) src(%arg10 : memref<128x16xf32, #tpu.memory_space<vmem>>) dst(%dma_wait3A_58 : memref<128x16xf32, #tpu.memory_space<vmem_shared>>)
      tpu.yield
    }) : () -> ()
    "tpu.region"() ({
      %run_scoped3A_52 = tpu.sem_alloc : memref<!tpu.dma_semaphore, #tpu.memory_space<semaphore_mem>>
      %dma_start3A = arith.constant 0 : i32
      %dma_start3A_53 = tpu.memref_slice %arg14[%add3A_11, %dma_start3A] : memref<10240x16xf32, #tpu.memory_space<vmem_shared>> -> memref<128x16xf32, #tpu.memory_space<vmem_shared>>
      %dma_start3A_54 = arith.constant 0 : i32
      %dma_start3A_55 = tpu.memref_slice %arg14[%add3A_11, %dma_start3A_54] : memref<10240x16xf32, #tpu.memory_space<vmem_shared>> -> memref<128x16xf32, #tpu.memory_space<vmem_shared>>
      tpu.enqueue_dma source(%arg10 : memref<128x16xf32, #tpu.memory_space<vmem>>) target(%dma_start3A_55 : memref<128x16xf32, #tpu.memory_space<vmem_shared>>) target_semaphore(%run_scoped3A_52 : memref<!tpu.dma_semaphore, #tpu.memory_space<semaphore_mem>>)
      %dma_wait3A = arith.constant 0 : i32
      %dma_wait3A_56 = tpu.memref_slice %arg14[%add3A_11, %dma_wait3A] : memref<10240x16xf32, #tpu.memory_space<vmem_shared>> -> memref<128x16xf32, #tpu.memory_space<vmem_shared>>
      %dma_wait3A_57 = arith.constant 0 : i32
      %dma_wait3A_58 = tpu.memref_slice %arg14[%add3A_11, %dma_wait3A_57] : memref<10240x16xf32, #tpu.memory_space<vmem_shared>> -> memref<128x16xf32, #tpu.memory_space<vmem_shared>>
      tpu.wait_dma2 semaphore(%run_scoped3A_52 : memref<!tpu.dma_semaphore, #tpu.memory_space<semaphore_mem>>) src(%arg10 : memref<128x16xf32, #tpu.memory_space<vmem>>) dst(%dma_wait3A_58 : memref<128x16xf32, #tpu.memory_space<vmem_shared>>)
      tpu.yield
    }) : () -> ()
    %mul3A_12 = arith.constant 640 : i32
    %mul3A_13 = arith.muli %arg1, %mul3A_12 : i32
    %add3A_14 = arith.constant 128 : i32
    %add3A_15 = arith.addi %mul3A_13, %add3A_14 : i32
    "tpu.region"() ({
      %run_scoped3A_52 = tpu.sem_alloc : memref<!tpu.dma_semaphore, #tpu.memory_space<semaphore_mem>>
      %dma_start3A = arith.constant 0 : i32
      %dma_start3A_53 = tpu.memref_slice %arg11[%add3A_15, %dma_start3A] : memref<10240x16xf32, #tpu.memory_space<vmem_shared>> -> memref<128x16xf32, #tpu.memory_space<vmem_shared>>
      %dma_start3A_54 = arith.constant 0 : i32
      %dma_start3A_55 = tpu.memref_slice %arg11[%add3A_15, %dma_start3A_54] : memref<10240x16xf32, #tpu.memory_space<vmem_shared>> -> memref<128x16xf32, #tpu.memory_space<vmem_shared>>
      tpu.enqueue_dma source(%arg10 : memref<128x16xf32, #tpu.memory_space<vmem>>) target(%dma_start3A_55 : memref<128x16xf32, #tpu.memory_space<vmem_shared>>) target_semaphore(%run_scoped3A_52 : memref<!tpu.dma_semaphore, #tpu.memory_space<semaphore_mem>>)
      %dma_wait3A = arith.constant 0 : i32
      %dma_wait3A_56 = tpu.memref_slice %arg11[%add3A_15, %dma_wait3A] : memref<10240x16xf32, #tpu.memory_space<vmem_shared>> -> memref<128x16xf32, #tpu.memory_space<vmem_shared>>
      %dma_wait3A_57 = arith.constant 0 : i32
      %dma_wait3A_58 = tpu.memref_slice %arg11[%add3A_15, %dma_wait3A_57] : memref<10240x16xf32, #tpu.memory_space<vmem_shared>> -> memref<128x16xf32, #tpu.memory_space<vmem_shared>>
      tpu.wait_dma2 semaphore(%run_scoped3A_52 : memref<!tpu.dma_semaphore, #tpu.memory_space<semaphore_mem>>) src(%arg10 : memref<128x16xf32, #tpu.memory_space<vmem>>) dst(%dma_wait3A_58 : memref<128x16xf32, #tpu.memory_space<vmem_shared>>)
      tpu.yield
    }) : () -> ()
    "tpu.region"() ({
      %run_scoped3A_52 = tpu.sem_alloc : memref<!tpu.dma_semaphore, #tpu.memory_space<semaphore_mem>>
      %dma_start3A = arith.constant 0 : i32
      %dma_start3A_53 = tpu.memref_slice %arg12[%add3A_15, %dma_start3A] : memref<10240x16xf32, #tpu.memory_space<vmem_shared>> -> memref<128x16xf32, #tpu.memory_space<vmem_shared>>
      %dma_start3A_54 = arith.constant 0 : i32
      %dma_start3A_55 = tpu.memref_slice %arg12[%add3A_15, %dma_start3A_54] : memref<10240x16xf32, #tpu.memory_space<vmem_shared>> -> memref<128x16xf32, #tpu.memory_space<vmem_shared>>
      tpu.enqueue_dma source(%arg10 : memref<128x16xf32, #tpu.memory_space<vmem>>) target(%dma_start3A_55 : memref<128x16xf32, #tpu.memory_space<vmem_shared>>) target_semaphore(%run_scoped3A_52 : memref<!tpu.dma_semaphore, #tpu.memory_space<semaphore_mem>>)
      %dma_wait3A = arith.constant 0 : i32
      %dma_wait3A_56 = tpu.memref_slice %arg12[%add3A_15, %dma_wait3A] : memref<10240x16xf32, #tpu.memory_space<vmem_shared>> -> memref<128x16xf32, #tpu.memory_space<vmem_shared>>
      %dma_wait3A_57 = arith.constant 0 : i32
      %dma_wait3A_58 = tpu.memref_slice %arg12[%add3A_15, %dma_wait3A_57] : memref<10240x16xf32, #tpu.memory_space<vmem_shared>> -> memref<128x16xf32, #tpu.memory_space<vmem_shared>>
      tpu.wait_dma2 semaphore(%run_scoped3A_52 : memref<!tpu.dma_semaphore, #tpu.memory_space<semaphore_mem>>) src(%arg10 : memref<128x16xf32, #tpu.memory_space<vmem>>) dst(%dma_wait3A_58 : memref<128x16xf32, #tpu.memory_space<vmem_shared>>)
      tpu.yield
    }) : () -> ()
    "tpu.region"() ({
      %run_scoped3A_52 = tpu.sem_alloc : memref<!tpu.dma_semaphore, #tpu.memory_space<semaphore_mem>>
      %dma_start3A = arith.constant 0 : i32
      %dma_start3A_53 = tpu.memref_slice %arg13[%add3A_15, %dma_start3A] : memref<10240x16xf32, #tpu.memory_space<vmem_shared>> -> memref<128x16xf32, #tpu.memory_space<vmem_shared>>
      %dma_start3A_54 = arith.constant 0 : i32
      %dma_start3A_55 = tpu.memref_slice %arg13[%add3A_15, %dma_start3A_54] : memref<10240x16xf32, #tpu.memory_space<vmem_shared>> -> memref<128x16xf32, #tpu.memory_space<vmem_shared>>
      tpu.enqueue_dma source(%arg10 : memref<128x16xf32, #tpu.memory_space<vmem>>) target(%dma_start3A_55 : memref<128x16xf32, #tpu.memory_space<vmem_shared>>) target_semaphore(%run_scoped3A_52 : memref<!tpu.dma_semaphore, #tpu.memory_space<semaphore_mem>>)
      %dma_wait3A = arith.constant 0 : i32
      %dma_wait3A_56 = tpu.memref_slice %arg13[%add3A_15, %dma_wait3A] : memref<10240x16xf32, #tpu.memory_space<vmem_shared>> -> memref<128x16xf32, #tpu.memory_space<vmem_shared>>
      %dma_wait3A_57 = arith.constant 0 : i32
      %dma_wait3A_58 = tpu.memref_slice %arg13[%add3A_15, %dma_wait3A_57] : memref<10240x16xf32, #tpu.memory_space<vmem_shared>> -> memref<128x16xf32, #tpu.memory_space<vmem_shared>>
      tpu.wait_dma2 semaphore(%run_scoped3A_52 : memref<!tpu.dma_semaphore, #tpu.memory_space<semaphore_mem>>) src(%arg10 : memref<128x16xf32, #tpu.memory_space<vmem>>) dst(%dma_wait3A_58 : memref<128x16xf32, #tpu.memory_space<vmem_shared>>)
      tpu.yield
    }) : () -> ()
    "tpu.region"() ({
      %run_scoped3A_52 = tpu.sem_alloc : memref<!tpu.dma_semaphore, #tpu.memory_space<semaphore_mem>>
      %dma_start3A = arith.constant 0 : i32
      %dma_start3A_53 = tpu.memref_slice %arg14[%add3A_15, %dma_start3A] : memref<10240x16xf32, #tpu.memory_space<vmem_shared>> -> memref<128x16xf32, #tpu.memory_space<vmem_shared>>
      %dma_start3A_54 = arith.constant 0 : i32
      %dma_start3A_55 = tpu.memref_slice %arg14[%add3A_15, %dma_start3A_54] : memref<10240x16xf32, #tpu.memory_space<vmem_shared>> -> memref<128x16xf32, #tpu.memory_space<vmem_shared>>
      tpu.enqueue_dma source(%arg10 : memref<128x16xf32, #tpu.memory_space<vmem>>) target(%dma_start3A_55 : memref<128x16xf32, #tpu.memory_space<vmem_shared>>) target_semaphore(%run_scoped3A_52 : memref<!tpu.dma_semaphore, #tpu.memory_space<semaphore_mem>>)
      %dma_wait3A = arith.constant 0 : i32
      %dma_wait3A_56 = tpu.memref_slice %arg14[%add3A_15, %dma_wait3A] : memref<10240x16xf32, #tpu.memory_space<vmem_shared>> -> memref<128x16xf32, #tpu.memory_space<vmem_shared>>
      %dma_wait3A_57 = arith.constant 0 : i32
      %dma_wait3A_58 = tpu.memref_slice %arg14[%add3A_15, %dma_wait3A_57] : memref<10240x16xf32, #tpu.memory_space<vmem_shared>> -> memref<128x16xf32, #tpu.memory_space<vmem_shared>>
      tpu.wait_dma2 semaphore(%run_scoped3A_52 : memref<!tpu.dma_semaphore, #tpu.memory_space<semaphore_mem>>) src(%arg10 : memref<128x16xf32, #tpu.memory_space<vmem>>) dst(%dma_wait3A_58 : memref<128x16xf32, #tpu.memory_space<vmem_shared>>)
      tpu.yield
    }) : () -> ()
    %mul3A_16 = arith.constant 640 : i32
    %mul3A_17 = arith.muli %arg1, %mul3A_16 : i32
    %add3A_18 = arith.constant 256 : i32
    %add3A_19 = arith.addi %mul3A_17, %add3A_18 : i32
    "tpu.region"() ({
      %run_scoped3A_52 = tpu.sem_alloc : memref<!tpu.dma_semaphore, #tpu.memory_space<semaphore_mem>>
      %dma_start3A = arith.constant 0 : i32
      %dma_start3A_53 = tpu.memref_slice %arg11[%add3A_19, %dma_start3A] : memref<10240x16xf32, #tpu.memory_space<vmem_shared>> -> memref<128x16xf32, #tpu.memory_space<vmem_shared>>
      %dma_start3A_54 = arith.constant 0 : i32
      %dma_start3A_55 = tpu.memref_slice %arg11[%add3A_19, %dma_start3A_54] : memref<10240x16xf32, #tpu.memory_space<vmem_shared>> -> memref<128x16xf32, #tpu.memory_space<vmem_shared>>
      tpu.enqueue_dma source(%arg10 : memref<128x16xf32, #tpu.memory_space<vmem>>) target(%dma_start3A_55 : memref<128x16xf32, #tpu.memory_space<vmem_shared>>) target_semaphore(%run_scoped3A_52 : memref<!tpu.dma_semaphore, #tpu.memory_space<semaphore_mem>>)
      %dma_wait3A = arith.constant 0 : i32
      %dma_wait3A_56 = tpu.memref_slice %arg11[%add3A_19, %dma_wait3A] : memref<10240x16xf32, #tpu.memory_space<vmem_shared>> -> memref<128x16xf32, #tpu.memory_space<vmem_shared>>
      %dma_wait3A_57 = arith.constant 0 : i32
      %dma_wait3A_58 = tpu.memref_slice %arg11[%add3A_19, %dma_wait3A_57] : memref<10240x16xf32, #tpu.memory_space<vmem_shared>> -> memref<128x16xf32, #tpu.memory_space<vmem_shared>>
      tpu.wait_dma2 semaphore(%run_scoped3A_52 : memref<!tpu.dma_semaphore, #tpu.memory_space<semaphore_mem>>) src(%arg10 : memref<128x16xf32, #tpu.memory_space<vmem>>) dst(%dma_wait3A_58 : memref<128x16xf32, #tpu.memory_space<vmem_shared>>)
      tpu.yield
    }) : () -> ()
    "tpu.region"() ({
      %run_scoped3A_52 = tpu.sem_alloc : memref<!tpu.dma_semaphore, #tpu.memory_space<semaphore_mem>>
      %dma_start3A = arith.constant 0 : i32
      %dma_start3A_53 = tpu.memref_slice %arg12[%add3A_19, %dma_start3A] : memref<10240x16xf32, #tpu.memory_space<vmem_shared>> -> memref<128x16xf32, #tpu.memory_space<vmem_shared>>
      %dma_start3A_54 = arith.constant 0 : i32
      %dma_start3A_55 = tpu.memref_slice %arg12[%add3A_19, %dma_start3A_54] : memref<10240x16xf32, #tpu.memory_space<vmem_shared>> -> memref<128x16xf32, #tpu.memory_space<vmem_shared>>
      tpu.enqueue_dma source(%arg10 : memref<128x16xf32, #tpu.memory_space<vmem>>) target(%dma_start3A_55 : memref<128x16xf32, #tpu.memory_space<vmem_shared>>) target_semaphore(%run_scoped3A_52 : memref<!tpu.dma_semaphore, #tpu.memory_space<semaphore_mem>>)
      %dma_wait3A = arith.constant 0 : i32
      %dma_wait3A_56 = tpu.memref_slice %arg12[%add3A_19, %dma_wait3A] : memref<10240x16xf32, #tpu.memory_space<vmem_shared>> -> memref<128x16xf32, #tpu.memory_space<vmem_shared>>
      %dma_wait3A_57 = arith.constant 0 : i32
      %dma_wait3A_58 = tpu.memref_slice %arg12[%add3A_19, %dma_wait3A_57] : memref<10240x16xf32, #tpu.memory_space<vmem_shared>> -> memref<128x16xf32, #tpu.memory_space<vmem_shared>>
      tpu.wait_dma2 semaphore(%run_scoped3A_52 : memref<!tpu.dma_semaphore, #tpu.memory_space<semaphore_mem>>) src(%arg10 : memref<128x16xf32, #tpu.memory_space<vmem>>) dst(%dma_wait3A_58 : memref<128x16xf32, #tpu.memory_space<vmem_shared>>)
      tpu.yield
    }) : () -> ()
    "tpu.region"() ({
      %run_scoped3A_52 = tpu.sem_alloc : memref<!tpu.dma_semaphore, #tpu.memory_space<semaphore_mem>>
      %dma_start3A = arith.constant 0 : i32
      %dma_start3A_53 = tpu.memref_slice %arg13[%add3A_19, %dma_start3A] : memref<10240x16xf32, #tpu.memory_space<vmem_shared>> -> memref<128x16xf32, #tpu.memory_space<vmem_shared>>
      %dma_start3A_54 = arith.constant 0 : i32
      %dma_start3A_55 = tpu.memref_slice %arg13[%add3A_19, %dma_start3A_54] : memref<10240x16xf32, #tpu.memory_space<vmem_shared>> -> memref<128x16xf32, #tpu.memory_space<vmem_shared>>
      tpu.enqueue_dma source(%arg10 : memref<128x16xf32, #tpu.memory_space<vmem>>) target(%dma_start3A_55 : memref<128x16xf32, #tpu.memory_space<vmem_shared>>) target_semaphore(%run_scoped3A_52 : memref<!tpu.dma_semaphore, #tpu.memory_space<semaphore_mem>>)
      %dma_wait3A = arith.constant 0 : i32
      %dma_wait3A_56 = tpu.memref_slice %arg13[%add3A_19, %dma_wait3A] : memref<10240x16xf32, #tpu.memory_space<vmem_shared>> -> memref<128x16xf32, #tpu.memory_space<vmem_shared>>
      %dma_wait3A_57 = arith.constant 0 : i32
      %dma_wait3A_58 = tpu.memref_slice %arg13[%add3A_19, %dma_wait3A_57] : memref<10240x16xf32, #tpu.memory_space<vmem_shared>> -> memref<128x16xf32, #tpu.memory_space<vmem_shared>>
      tpu.wait_dma2 semaphore(%run_scoped3A_52 : memref<!tpu.dma_semaphore, #tpu.memory_space<semaphore_mem>>) src(%arg10 : memref<128x16xf32, #tpu.memory_space<vmem>>) dst(%dma_wait3A_58 : memref<128x16xf32, #tpu.memory_space<vmem_shared>>)
      tpu.yield
    }) : () -> ()
    "tpu.region"() ({
      %run_scoped3A_52 = tpu.sem_alloc : memref<!tpu.dma_semaphore, #tpu.memory_space<semaphore_mem>>
      %dma_start3A = arith.constant 0 : i32
      %dma_start3A_53 = tpu.memref_slice %arg14[%add3A_19, %dma_start3A] : memref<10240x16xf32, #tpu.memory_space<vmem_shared>> -> memref<128x16xf32, #tpu.memory_space<vmem_shared>>
      %dma_start3A_54 = arith.constant 0 : i32
      %dma_start3A_55 = tpu.memref_slice %arg14[%add3A_19, %dma_start3A_54] : memref<10240x16xf32, #tpu.memory_space<vmem_shared>> -> memref<128x16xf32, #tpu.memory_space<vmem_shared>>
      tpu.enqueue_dma source(%arg10 : memref<128x16xf32, #tpu.memory_space<vmem>>) target(%dma_start3A_55 : memref<128x16xf32, #tpu.memory_space<vmem_shared>>) target_semaphore(%run_scoped3A_52 : memref<!tpu.dma_semaphore, #tpu.memory_space<semaphore_mem>>)
      %dma_wait3A = arith.constant 0 : i32
      %dma_wait3A_56 = tpu.memref_slice %arg14[%add3A_19, %dma_wait3A] : memref<10240x16xf32, #tpu.memory_space<vmem_shared>> -> memref<128x16xf32, #tpu.memory_space<vmem_shared>>
      %dma_wait3A_57 = arith.constant 0 : i32
      %dma_wait3A_58 = tpu.memref_slice %arg14[%add3A_19, %dma_wait3A_57] : memref<10240x16xf32, #tpu.memory_space<vmem_shared>> -> memref<128x16xf32, #tpu.memory_space<vmem_shared>>
      tpu.wait_dma2 semaphore(%run_scoped3A_52 : memref<!tpu.dma_semaphore, #tpu.memory_space<semaphore_mem>>) src(%arg10 : memref<128x16xf32, #tpu.memory_space<vmem>>) dst(%dma_wait3A_58 : memref<128x16xf32, #tpu.memory_space<vmem_shared>>)
      tpu.yield
    }) : () -> ()
    %mul3A_20 = arith.constant 640 : i32
    %mul3A_21 = arith.muli %arg1, %mul3A_20 : i32
    %add3A_22 = arith.constant 384 : i32
    %add3A_23 = arith.addi %mul3A_21, %add3A_22 : i32
    "tpu.region"() ({
      %run_scoped3A_52 = tpu.sem_alloc : memref<!tpu.dma_semaphore, #tpu.memory_space<semaphore_mem>>
      %dma_start3A = arith.constant 0 : i32
      %dma_start3A_53 = tpu.memref_slice %arg11[%add3A_23, %dma_start3A] : memref<10240x16xf32, #tpu.memory_space<vmem_shared>> -> memref<128x16xf32, #tpu.memory_space<vmem_shared>>
      %dma_start3A_54 = arith.constant 0 : i32
      %dma_start3A_55 = tpu.memref_slice %arg11[%add3A_23, %dma_start3A_54] : memref<10240x16xf32, #tpu.memory_space<vmem_shared>> -> memref<128x16xf32, #tpu.memory_space<vmem_shared>>
      tpu.enqueue_dma source(%arg10 : memref<128x16xf32, #tpu.memory_space<vmem>>) target(%dma_start3A_55 : memref<128x16xf32, #tpu.memory_space<vmem_shared>>) target_semaphore(%run_scoped3A_52 : memref<!tpu.dma_semaphore, #tpu.memory_space<semaphore_mem>>)
      %dma_wait3A = arith.constant 0 : i32
      %dma_wait3A_56 = tpu.memref_slice %arg11[%add3A_23, %dma_wait3A] : memref<10240x16xf32, #tpu.memory_space<vmem_shared>> -> memref<128x16xf32, #tpu.memory_space<vmem_shared>>
      %dma_wait3A_57 = arith.constant 0 : i32
      %dma_wait3A_58 = tpu.memref_slice %arg11[%add3A_23, %dma_wait3A_57] : memref<10240x16xf32, #tpu.memory_space<vmem_shared>> -> memref<128x16xf32, #tpu.memory_space<vmem_shared>>
      tpu.wait_dma2 semaphore(%run_scoped3A_52 : memref<!tpu.dma_semaphore, #tpu.memory_space<semaphore_mem>>) src(%arg10 : memref<128x16xf32, #tpu.memory_space<vmem>>) dst(%dma_wait3A_58 : memref<128x16xf32, #tpu.memory_space<vmem_shared>>)
      tpu.yield
    }) : () -> ()
    "tpu.region"() ({
      %run_scoped3A_52 = tpu.sem_alloc : memref<!tpu.dma_semaphore, #tpu.memory_space<semaphore_mem>>
      %dma_start3A = arith.constant 0 : i32
      %dma_start3A_53 = tpu.memref_slice %arg12[%add3A_23, %dma_start3A] : memref<10240x16xf32, #tpu.memory_space<vmem_shared>> -> memref<128x16xf32, #tpu.memory_space<vmem_shared>>
      %dma_start3A_54 = arith.constant 0 : i32
      %dma_start3A_55 = tpu.memref_slice %arg12[%add3A_23, %dma_start3A_54] : memref<10240x16xf32, #tpu.memory_space<vmem_shared>> -> memref<128x16xf32, #tpu.memory_space<vmem_shared>>
      tpu.enqueue_dma source(%arg10 : memref<128x16xf32, #tpu.memory_space<vmem>>) target(%dma_start3A_55 : memref<128x16xf32, #tpu.memory_space<vmem_shared>>) target_semaphore(%run_scoped3A_52 : memref<!tpu.dma_semaphore, #tpu.memory_space<semaphore_mem>>)
      %dma_wait3A = arith.constant 0 : i32
      %dma_wait3A_56 = tpu.memref_slice %arg12[%add3A_23, %dma_wait3A] : memref<10240x16xf32, #tpu.memory_space<vmem_shared>> -> memref<128x16xf32, #tpu.memory_space<vmem_shared>>
      %dma_wait3A_57 = arith.constant 0 : i32
      %dma_wait3A_58 = tpu.memref_slice %arg12[%add3A_23, %dma_wait3A_57] : memref<10240x16xf32, #tpu.memory_space<vmem_shared>> -> memref<128x16xf32, #tpu.memory_space<vmem_shared>>
      tpu.wait_dma2 semaphore(%run_scoped3A_52 : memref<!tpu.dma_semaphore, #tpu.memory_space<semaphore_mem>>) src(%arg10 : memref<128x16xf32, #tpu.memory_space<vmem>>) dst(%dma_wait3A_58 : memref<128x16xf32, #tpu.memory_space<vmem_shared>>)
      tpu.yield
    }) : () -> ()
    "tpu.region"() ({
      %run_scoped3A_52 = tpu.sem_alloc : memref<!tpu.dma_semaphore, #tpu.memory_space<semaphore_mem>>
      %dma_start3A = arith.constant 0 : i32
      %dma_start3A_53 = tpu.memref_slice %arg13[%add3A_23, %dma_start3A] : memref<10240x16xf32, #tpu.memory_space<vmem_shared>> -> memref<128x16xf32, #tpu.memory_space<vmem_shared>>
      %dma_start3A_54 = arith.constant 0 : i32
      %dma_start3A_55 = tpu.memref_slice %arg13[%add3A_23, %dma_start3A_54] : memref<10240x16xf32, #tpu.memory_space<vmem_shared>> -> memref<128x16xf32, #tpu.memory_space<vmem_shared>>
      tpu.enqueue_dma source(%arg10 : memref<128x16xf32, #tpu.memory_space<vmem>>) target(%dma_start3A_55 : memref<128x16xf32, #tpu.memory_space<vmem_shared>>) target_semaphore(%run_scoped3A_52 : memref<!tpu.dma_semaphore, #tpu.memory_space<semaphore_mem>>)
      %dma_wait3A = arith.constant 0 : i32
      %dma_wait3A_56 = tpu.memref_slice %arg13[%add3A_23, %dma_wait3A] : memref<10240x16xf32, #tpu.memory_space<vmem_shared>> -> memref<128x16xf32, #tpu.memory_space<vmem_shared>>
      %dma_wait3A_57 = arith.constant 0 : i32
      %dma_wait3A_58 = tpu.memref_slice %arg13[%add3A_23, %dma_wait3A_57] : memref<10240x16xf32, #tpu.memory_space<vmem_shared>> -> memref<128x16xf32, #tpu.memory_space<vmem_shared>>
      tpu.wait_dma2 semaphore(%run_scoped3A_52 : memref<!tpu.dma_semaphore, #tpu.memory_space<semaphore_mem>>) src(%arg10 : memref<128x16xf32, #tpu.memory_space<vmem>>) dst(%dma_wait3A_58 : memref<128x16xf32, #tpu.memory_space<vmem_shared>>)
      tpu.yield
    }) : () -> ()
    "tpu.region"() ({
      %run_scoped3A_52 = tpu.sem_alloc : memref<!tpu.dma_semaphore, #tpu.memory_space<semaphore_mem>>
      %dma_start3A = arith.constant 0 : i32
      %dma_start3A_53 = tpu.memref_slice %arg14[%add3A_23, %dma_start3A] : memref<10240x16xf32, #tpu.memory_space<vmem_shared>> -> memref<128x16xf32, #tpu.memory_space<vmem_shared>>
      %dma_start3A_54 = arith.constant 0 : i32
      %dma_start3A_55 = tpu.memref_slice %arg14[%add3A_23, %dma_start3A_54] : memref<10240x16xf32, #tpu.memory_space<vmem_shared>> -> memref<128x16xf32, #tpu.memory_space<vmem_shared>>
      tpu.enqueue_dma source(%arg10 : memref<128x16xf32, #tpu.memory_space<vmem>>) target(%dma_start3A_55 : memref<128x16xf32, #tpu.memory_space<vmem_shared>>) target_semaphore(%run_scoped3A_52 : memref<!tpu.dma_semaphore, #tpu.memory_space<semaphore_mem>>)
      %dma_wait3A = arith.constant 0 : i32
      %dma_wait3A_56 = tpu.memref_slice %arg14[%add3A_23, %dma_wait3A] : memref<10240x16xf32, #tpu.memory_space<vmem_shared>> -> memref<128x16xf32, #tpu.memory_space<vmem_shared>>
      %dma_wait3A_57 = arith.constant 0 : i32
      %dma_wait3A_58 = tpu.memref_slice %arg14[%add3A_23, %dma_wait3A_57] : memref<10240x16xf32, #tpu.memory_space<vmem_shared>> -> memref<128x16xf32, #tpu.memory_space<vmem_shared>>
      tpu.wait_dma2 semaphore(%run_scoped3A_52 : memref<!tpu.dma_semaphore, #tpu.memory_space<semaphore_mem>>) src(%arg10 : memref<128x16xf32, #tpu.memory_space<vmem>>) dst(%dma_wait3A_58 : memref<128x16xf32, #tpu.memory_space<vmem_shared>>)
      tpu.yield
    }) : () -> ()
    %mul3A_24 = arith.constant 640 : i32
    %mul3A_25 = arith.muli %arg1, %mul3A_24 : i32
    %add3A_26 = arith.constant 512 : i32
    %add3A_27 = arith.addi %mul3A_25, %add3A_26 : i32
    "tpu.region"() ({
      %run_scoped3A_52 = tpu.sem_alloc : memref<!tpu.dma_semaphore, #tpu.memory_space<semaphore_mem>>
      %dma_start3A = arith.constant 0 : i32
      %dma_start3A_53 = tpu.memref_slice %arg11[%add3A_27, %dma_start3A] : memref<10240x16xf32, #tpu.memory_space<vmem_shared>> -> memref<128x16xf32, #tpu.memory_space<vmem_shared>>
      %dma_start3A_54 = arith.constant 0 : i32
      %dma_start3A_55 = tpu.memref_slice %arg11[%add3A_27, %dma_start3A_54] : memref<10240x16xf32, #tpu.memory_space<vmem_shared>> -> memref<128x16xf32, #tpu.memory_space<vmem_shared>>
      tpu.enqueue_dma source(%arg10 : memref<128x16xf32, #tpu.memory_space<vmem>>) target(%dma_start3A_55 : memref<128x16xf32, #tpu.memory_space<vmem_shared>>) target_semaphore(%run_scoped3A_52 : memref<!tpu.dma_semaphore, #tpu.memory_space<semaphore_mem>>)
      %dma_wait3A = arith.constant 0 : i32
      %dma_wait3A_56 = tpu.memref_slice %arg11[%add3A_27, %dma_wait3A] : memref<10240x16xf32, #tpu.memory_space<vmem_shared>> -> memref<128x16xf32, #tpu.memory_space<vmem_shared>>
      %dma_wait3A_57 = arith.constant 0 : i32
      %dma_wait3A_58 = tpu.memref_slice %arg11[%add3A_27, %dma_wait3A_57] : memref<10240x16xf32, #tpu.memory_space<vmem_shared>> -> memref<128x16xf32, #tpu.memory_space<vmem_shared>>
      tpu.wait_dma2 semaphore(%run_scoped3A_52 : memref<!tpu.dma_semaphore, #tpu.memory_space<semaphore_mem>>) src(%arg10 : memref<128x16xf32, #tpu.memory_space<vmem>>) dst(%dma_wait3A_58 : memref<128x16xf32, #tpu.memory_space<vmem_shared>>)
      tpu.yield
    }) : () -> ()
    "tpu.region"() ({
      %run_scoped3A_52 = tpu.sem_alloc : memref<!tpu.dma_semaphore, #tpu.memory_space<semaphore_mem>>
      %dma_start3A = arith.constant 0 : i32
      %dma_start3A_53 = tpu.memref_slice %arg12[%add3A_27, %dma_start3A] : memref<10240x16xf32, #tpu.memory_space<vmem_shared>> -> memref<128x16xf32, #tpu.memory_space<vmem_shared>>
      %dma_start3A_54 = arith.constant 0 : i32
      %dma_start3A_55 = tpu.memref_slice %arg12[%add3A_27, %dma_start3A_54] : memref<10240x16xf32, #tpu.memory_space<vmem_shared>> -> memref<128x16xf32, #tpu.memory_space<vmem_shared>>
      tpu.enqueue_dma source(%arg10 : memref<128x16xf32, #tpu.memory_space<vmem>>) target(%dma_start3A_55 : memref<128x16xf32, #tpu.memory_space<vmem_shared>>) target_semaphore(%run_scoped3A_52 : memref<!tpu.dma_semaphore, #tpu.memory_space<semaphore_mem>>)
      %dma_wait3A = arith.constant 0 : i32
      %dma_wait3A_56 = tpu.memref_slice %arg12[%add3A_27, %dma_wait3A] : memref<10240x16xf32, #tpu.memory_space<vmem_shared>> -> memref<128x16xf32, #tpu.memory_space<vmem_shared>>
      %dma_wait3A_57 = arith.constant 0 : i32
      %dma_wait3A_58 = tpu.memref_slice %arg12[%add3A_27, %dma_wait3A_57] : memref<10240x16xf32, #tpu.memory_space<vmem_shared>> -> memref<128x16xf32, #tpu.memory_space<vmem_shared>>
      tpu.wait_dma2 semaphore(%run_scoped3A_52 : memref<!tpu.dma_semaphore, #tpu.memory_space<semaphore_mem>>) src(%arg10 : memref<128x16xf32, #tpu.memory_space<vmem>>) dst(%dma_wait3A_58 : memref<128x16xf32, #tpu.memory_space<vmem_shared>>)
      tpu.yield
    }) : () -> ()
    "tpu.region"() ({
      %run_scoped3A_52 = tpu.sem_alloc : memref<!tpu.dma_semaphore, #tpu.memory_space<semaphore_mem>>
      %dma_start3A = arith.constant 0 : i32
      %dma_start3A_53 = tpu.memref_slice %arg13[%add3A_27, %dma_start3A] : memref<10240x16xf32, #tpu.memory_space<vmem_shared>> -> memref<128x16xf32, #tpu.memory_space<vmem_shared>>
      %dma_start3A_54 = arith.constant 0 : i32
      %dma_start3A_55 = tpu.memref_slice %arg13[%add3A_27, %dma_start3A_54] : memref<10240x16xf32, #tpu.memory_space<vmem_shared>> -> memref<128x16xf32, #tpu.memory_space<vmem_shared>>
      tpu.enqueue_dma source(%arg10 : memref<128x16xf32, #tpu.memory_space<vmem>>) target(%dma_start3A_55 : memref<128x16xf32, #tpu.memory_space<vmem_shared>>) target_semaphore(%run_scoped3A_52 : memref<!tpu.dma_semaphore, #tpu.memory_space<semaphore_mem>>)
      %dma_wait3A = arith.constant 0 : i32
      %dma_wait3A_56 = tpu.memref_slice %arg13[%add3A_27, %dma_wait3A] : memref<10240x16xf32, #tpu.memory_space<vmem_shared>> -> memref<128x16xf32, #tpu.memory_space<vmem_shared>>
      %dma_wait3A_57 = arith.constant 0 : i32
      %dma_wait3A_58 = tpu.memref_slice %arg13[%add3A_27, %dma_wait3A_57] : memref<10240x16xf32, #tpu.memory_space<vmem_shared>> -> memref<128x16xf32, #tpu.memory_space<vmem_shared>>
      tpu.wait_dma2 semaphore(%run_scoped3A_52 : memref<!tpu.dma_semaphore, #tpu.memory_space<semaphore_mem>>) src(%arg10 : memref<128x16xf32, #tpu.memory_space<vmem>>) dst(%dma_wait3A_58 : memref<128x16xf32, #tpu.memory_space<vmem_shared>>)
      tpu.yield
    }) : () -> ()
    "tpu.region"() ({
      %run_scoped3A_52 = tpu.sem_alloc : memref<!tpu.dma_semaphore, #tpu.memory_space<semaphore_mem>>
      %dma_start3A = arith.constant 0 : i32
      %dma_start3A_53 = tpu.memref_slice %arg14[%add3A_27, %dma_start3A] : memref<10240x16xf32, #tpu.memory_space<vmem_shared>> -> memref<128x16xf32, #tpu.memory_space<vmem_shared>>
      %dma_start3A_54 = arith.constant 0 : i32
      %dma_start3A_55 = tpu.memref_slice %arg14[%add3A_27, %dma_start3A_54] : memref<10240x16xf32, #tpu.memory_space<vmem_shared>> -> memref<128x16xf32, #tpu.memory_space<vmem_shared>>
      tpu.enqueue_dma source(%arg10 : memref<128x16xf32, #tpu.memory_space<vmem>>) target(%dma_start3A_55 : memref<128x16xf32, #tpu.memory_space<vmem_shared>>) target_semaphore(%run_scoped3A_52 : memref<!tpu.dma_semaphore, #tpu.memory_space<semaphore_mem>>)
      %dma_wait3A = arith.constant 0 : i32
      %dma_wait3A_56 = tpu.memref_slice %arg14[%add3A_27, %dma_wait3A] : memref<10240x16xf32, #tpu.memory_space<vmem_shared>> -> memref<128x16xf32, #tpu.memory_space<vmem_shared>>
      %dma_wait3A_57 = arith.constant 0 : i32
      %dma_wait3A_58 = tpu.memref_slice %arg14[%add3A_27, %dma_wait3A_57] : memref<10240x16xf32, #tpu.memory_space<vmem_shared>> -> memref<128x16xf32, #tpu.memory_space<vmem_shared>>
      tpu.wait_dma2 semaphore(%run_scoped3A_52 : memref<!tpu.dma_semaphore, #tpu.memory_space<semaphore_mem>>) src(%arg10 : memref<128x16xf32, #tpu.memory_space<vmem>>) dst(%dma_wait3A_58 : memref<128x16xf32, #tpu.memory_space<vmem_shared>>)
      tpu.yield
    }) : () -> ()
    %broadcast_in_dim3A_28 = arith.constant 1.000000e+00 : f32
    %broadcast_in_dim3A_29 = vector.broadcast %broadcast_in_dim3A_28 : f32 to vector<16xf32>
    %scan3A_30 = arith.constant 0 : i32
    %scan3A_31 = arith.constant 0 : i32
    %scan3A_32 = arith.constant 128 : i32
    %scan3A_33 = arith.addi %scan3A_31, %scan3A_32 : i32
    %scan3A_34 = arith.constant 1 : i32
    %scan3A_35 = scf.for %scan3A_52 = %scan3A_31 to %scan3A_33 step %scan3A_34 iter_args(%scan3A_53 = %scan3A_30) -> (i32)  : i32 {
      %swap3A = arith.index_cast %scan3A_52 : i32 to index
      %swap3A_54 = arith.constant 0 : index
      %swap3A_55 = tpu.vector_load %arg10[%swap3A, %swap3A_54] {strides = array<i32>} : memref<128x16xf32, #tpu.memory_space<vmem>>, vector<16xf32>,
      tpu.vector_store %arg10[%swap3A, %swap3A_54], %broadcast_in_dim3A_29 {strides = array<i32>} : memref<128x16xf32, #tpu.memory_space<vmem>>, vector<16xf32>,
      %scan3A_56 = arith.constant 0 : i32
      scf.yield %scan3A_56 : i32
    }
    %scan3A_36 = arith.constant 128 : i32
    %barrier3A = arith.constant 0 : index
    tpu.barrier barrier_id(%barrier3A)
    %mul3A_37 = arith.constant 10240 : i32
    %mul3A_38 = arith.muli %add3A, %mul3A_37 : i32
    %scan3A_39 = arith.constant 0 : i32
    %scan3A_40 = arith.constant 0 : i32
    %scan3A_41 = arith.constant 80 : i32
    %scan3A_42 = arith.addi %scan3A_40, %scan3A_41 : i32
    %scan3A_43 = arith.constant 1 : i32
    %scan3A_44 = scf.for %scan3A_52 = %scan3A_40 to %scan3A_42 step %scan3A_43 iter_args(%scan3A_53 = %scan3A_39) -> (i32)  : i32 {
      %mul3A_54 = arith.constant 128 : i32
      %mul3A_55 = arith.muli %scan3A_52, %mul3A_54 : i32
      %add3A_56 = arith.addi %mul3A_38, %mul3A_55 : i32
      "tpu.region"() ({
        %run_scoped3A_58 = tpu.sem_alloc : memref<!tpu.dma_semaphore, #tpu.memory_space<semaphore_mem>>
        %dma_start3A = tpu.memref_slice %arg2[%add3A_56] : memref<327680xi32, #tpu.memory_space<hbm>> -> memref<128xi32, #tpu.memory_space<hbm>>
        %dma_start3A_59 = tpu.memref_slice %arg2[%add3A_56] : memref<327680xi32, #tpu.memory_space<hbm>> -> memref<128xi32, #tpu.memory_space<hbm>>
        tpu.enqueue_dma source(%dma_start3A_59 : memref<128xi32, #tpu.memory_space<hbm>>) target(%arg7 : memref<128xi32, #tpu.memory_space<vmem>>) target_semaphore(%run_scoped3A_58 : memref<!tpu.dma_semaphore, #tpu.memory_space<semaphore_mem>>)
        %dma_wait3A = tpu.memref_slice %arg2[%add3A_56] : memref<327680xi32, #tpu.memory_space<hbm>> -> memref<128xi32, #tpu.memory_space<hbm>>
        %dma_wait3A_60 = tpu.memref_slice %arg2[%add3A_56] : memref<327680xi32, #tpu.memory_space<hbm>> -> memref<128xi32, #tpu.memory_space<hbm>>
        tpu.wait_dma2 semaphore(%run_scoped3A_58 : memref<!tpu.dma_semaphore, #tpu.memory_space<semaphore_mem>>) src(%dma_wait3A_60 : memref<128xi32, #tpu.memory_space<hbm>>) dst(%arg7 : memref<128xi32, #tpu.memory_space<vmem>>)
        tpu.yield
      }) : () -> ()
      "tpu.region"() ({
        %run_scoped3A_58 = tpu.sem_alloc : memref<!tpu.dma_semaphore, #tpu.memory_space<semaphore_mem>>
        %dma_start3A = tpu.memref_slice %arg3[%add3A_56] : memref<327680xi32, #tpu.memory_space<hbm>> -> memref<128xi32, #tpu.memory_space<hbm>>
        %dma_start3A_59 = tpu.memref_slice %arg3[%add3A_56] : memref<327680xi32, #tpu.memory_space<hbm>> -> memref<128xi32, #tpu.memory_space<hbm>>
        tpu.enqueue_dma source(%dma_start3A_59 : memref<128xi32, #tpu.memory_space<hbm>>) target(%arg8 : memref<128xi32, #tpu.memory_space<vmem>>) target_semaphore(%run_scoped3A_58 : memref<!tpu.dma_semaphore, #tpu.memory_space<semaphore_mem>>)
        %dma_wait3A = tpu.memref_slice %arg3[%add3A_56] : memref<327680xi32, #tpu.memory_space<hbm>> -> memref<128xi32, #tpu.memory_space<hbm>>
        %dma_wait3A_60 = tpu.memref_slice %arg3[%add3A_56] : memref<327680xi32, #tpu.memory_space<hbm>> -> memref<128xi32, #tpu.memory_space<hbm>>
        tpu.wait_dma2 semaphore(%run_scoped3A_58 : memref<!tpu.dma_semaphore, #tpu.memory_space<semaphore_mem>>) src(%dma_wait3A_60 : memref<128xi32, #tpu.memory_space<hbm>>) dst(%arg8 : memref<128xi32, #tpu.memory_space<vmem>>)
        tpu.yield
      }) : () -> ()
      "tpu.region"() ({
        %run_scoped3A_58 = tpu.sem_alloc : memref<!tpu.dma_semaphore, #tpu.memory_space<semaphore_mem>>
        %dma_start3A = arith.constant 0 : i32
        %dma_start3A_59 = tpu.memref_slice %arg4[%add3A_56, %dma_start3A] : memref<327680x16xf32, #tpu.memory_space<hbm>> -> memref<128x16xf32, #tpu.memory_space<hbm>>
        %dma_start3A_60 = arith.constant 0 : i32
        %dma_start3A_61 = tpu.memref_slice %arg4[%add3A_56, %dma_start3A_60] : memref<327680x16xf32, #tpu.memory_space<hbm>> -> memref<128x16xf32, #tpu.memory_space<hbm>>
        tpu.enqueue_dma source(%dma_start3A_61 : memref<128x16xf32, #tpu.memory_space<hbm>>) target(%arg9 : memref<128x16xf32, #tpu.memory_space<vmem>>) target_semaphore(%run_scoped3A_58 : memref<!tpu.dma_semaphore, #tpu.memory_space<semaphore_mem>>)
        %dma_wait3A = arith.constant 0 : i32
        %dma_wait3A_62 = tpu.memref_slice %arg4[%add3A_56, %dma_wait3A] : memref<327680x16xf32, #tpu.memory_space<hbm>> -> memref<128x16xf32, #tpu.memory_space<hbm>>
        %dma_wait3A_63 = arith.constant 0 : i32
        %dma_wait3A_64 = tpu.memref_slice %arg4[%add3A_56, %dma_wait3A_63] : memref<327680x16xf32, #tpu.memory_space<hbm>> -> memref<128x16xf32, #tpu.memory_space<hbm>>
        tpu.wait_dma2 semaphore(%run_scoped3A_58 : memref<!tpu.dma_semaphore, #tpu.memory_space<semaphore_mem>>) src(%dma_wait3A_64 : memref<128x16xf32, #tpu.memory_space<hbm>>) dst(%arg9 : memref<128x16xf32, #tpu.memory_space<vmem>>)
        tpu.yield
      }) : () -> ()
      "tpu.region"() ({
        %run_scoped3A_58 = tpu.sem_alloc : memref<!tpu.dma_semaphore, #tpu.memory_space<semaphore_mem>>
        %dma_start3A = arith.constant 0 : i32
        %dma_start3A_59 = arith.constant 0 : i32
        %dma_start3A_60 = tpu.memref_slice %arg11[%dma_start3A, %dma_start3A_59] : memref<10240x16xf32, #tpu.memory_space<vmem_shared>> -> memref<10240x16xf32, #tpu.memory_space<vmem_shared>>
        tpu.enqueue_indirect_dma source(%arg9 : memref<128x16xf32, #tpu.memory_space<vmem>>) target(%dma_start3A_60 : memref<10240x16xf32, #tpu.memory_space<vmem_shared>>) offsets(%arg7 : memref<128xi32, #tpu.memory_space<vmem>>) semaphore(%run_scoped3A_58 : memref<!tpu.dma_semaphore, #tpu.memory_space<semaphore_mem>>) {add = true}
        %dma_wait3A = arith.constant 0 : i32
        %dma_wait3A_61 = arith.constant 0 : i32
        %dma_wait3A_62 = tpu.memref_slice %arg11[%dma_wait3A, %dma_wait3A_61] : memref<10240x16xf32, #tpu.memory_space<vmem_shared>> -> memref<10240x16xf32, #tpu.memory_space<vmem_shared>>
        tpu.wait_indirect_dma semaphore(%run_scoped3A_58 : memref<!tpu.dma_semaphore, #tpu.memory_space<semaphore_mem>>) src(%arg9 : memref<128x16xf32, #tpu.memory_space<vmem>>) dst(%dma_wait3A_62 : memref<10240x16xf32, #tpu.memory_space<vmem_shared>>)
        tpu.yield
      }) : () -> ()
      "tpu.region"() ({
        %run_scoped3A_58 = tpu.sem_alloc : memref<!tpu.dma_semaphore, #tpu.memory_space<semaphore_mem>>
        %dma_start3A = arith.constant 0 : i32
        %dma_start3A_59 = arith.constant 0 : i32
        %dma_start3A_60 = tpu.memref_slice %arg12[%dma_start3A, %dma_start3A_59] : memref<10240x16xf32, #tpu.memory_space<vmem_shared>> -> memref<10240x16xf32, #tpu.memory_space<vmem_shared>>
        tpu.enqueue_indirect_dma source(%arg9 : memref<128x16xf32, #tpu.memory_space<vmem>>) target(%dma_start3A_60 : memref<10240x16xf32, #tpu.memory_space<vmem_shared>>) offsets(%arg8 : memref<128xi32, #tpu.memory_space<vmem>>) semaphore(%run_scoped3A_58 : memref<!tpu.dma_semaphore, #tpu.memory_space<semaphore_mem>>) {add = true}
        %dma_wait3A = arith.constant 0 : i32
        %dma_wait3A_61 = arith.constant 0 : i32
        %dma_wait3A_62 = tpu.memref_slice %arg12[%dma_wait3A, %dma_wait3A_61] : memref<10240x16xf32, #tpu.memory_space<vmem_shared>> -> memref<10240x16xf32, #tpu.memory_space<vmem_shared>>
        tpu.wait_indirect_dma semaphore(%run_scoped3A_58 : memref<!tpu.dma_semaphore, #tpu.memory_space<semaphore_mem>>) src(%arg9 : memref<128x16xf32, #tpu.memory_space<vmem>>) dst(%dma_wait3A_62 : memref<10240x16xf32, #tpu.memory_space<vmem_shared>>)
        tpu.yield
      }) : () -> ()
      "tpu.region"() ({
        %run_scoped3A_58 = tpu.sem_alloc : memref<!tpu.dma_semaphore, #tpu.memory_space<semaphore_mem>>
        %dma_start3A = arith.constant 0 : i32
        %dma_start3A_59 = arith.constant 0 : i32
        %dma_start3A_60 = tpu.memref_slice %arg13[%dma_start3A, %dma_start3A_59] : memref<10240x16xf32, #tpu.memory_space<vmem_shared>> -> memref<10240x16xf32, #tpu.memory_space<vmem_shared>>
        tpu.enqueue_indirect_dma source(%arg10 : memref<128x16xf32, #tpu.memory_space<vmem>>) target(%dma_start3A_60 : memref<10240x16xf32, #tpu.memory_space<vmem_shared>>) offsets(%arg7 : memref<128xi32, #tpu.memory_space<vmem>>) semaphore(%run_scoped3A_58 : memref<!tpu.dma_semaphore, #tpu.memory_space<semaphore_mem>>) {add = true}
        %dma_wait3A = arith.constant 0 : i32
        %dma_wait3A_61 = arith.constant 0 : i32
        %dma_wait3A_62 = tpu.memref_slice %arg13[%dma_wait3A, %dma_wait3A_61] : memref<10240x16xf32, #tpu.memory_space<vmem_shared>> -> memref<10240x16xf32, #tpu.memory_space<vmem_shared>>
        tpu.wait_indirect_dma semaphore(%run_scoped3A_58 : memref<!tpu.dma_semaphore, #tpu.memory_space<semaphore_mem>>) src(%arg10 : memref<128x16xf32, #tpu.memory_space<vmem>>) dst(%dma_wait3A_62 : memref<10240x16xf32, #tpu.memory_space<vmem_shared>>)
        tpu.yield
      }) : () -> ()
      "tpu.region"() ({
        %run_scoped3A_58 = tpu.sem_alloc : memref<!tpu.dma_semaphore, #tpu.memory_space<semaphore_mem>>
        %dma_start3A = arith.constant 0 : i32
        %dma_start3A_59 = arith.constant 0 : i32
        %dma_start3A_60 = tpu.memref_slice %arg14[%dma_start3A, %dma_start3A_59] : memref<10240x16xf32, #tpu.memory_space<vmem_shared>> -> memref<10240x16xf32, #tpu.memory_space<vmem_shared>>
        tpu.enqueue_indirect_dma source(%arg10 : memref<128x16xf32, #tpu.memory_space<vmem>>) target(%dma_start3A_60 : memref<10240x16xf32, #tpu.memory_space<vmem_shared>>) offsets(%arg8 : memref<128xi32, #tpu.memory_space<vmem>>) semaphore(%run_scoped3A_58 : memref<!tpu.dma_semaphore, #tpu.memory_space<semaphore_mem>>) {add = true}
        %dma_wait3A = arith.constant 0 : i32
        %dma_wait3A_61 = arith.constant 0 : i32
        %dma_wait3A_62 = tpu.memref_slice %arg14[%dma_wait3A, %dma_wait3A_61] : memref<10240x16xf32, #tpu.memory_space<vmem_shared>> -> memref<10240x16xf32, #tpu.memory_space<vmem_shared>>
        tpu.wait_indirect_dma semaphore(%run_scoped3A_58 : memref<!tpu.dma_semaphore, #tpu.memory_space<semaphore_mem>>) src(%arg10 : memref<128x16xf32, #tpu.memory_space<vmem>>) dst(%dma_wait3A_62 : memref<10240x16xf32, #tpu.memory_space<vmem_shared>>)
        tpu.yield
      }) : () -> ()
      %scan3A_57 = arith.constant 0 : i32
      scf.yield %scan3A_57 : i32
    }
    %scan3A_45 = arith.constant 80 : i32
    %barrier3A_46 = arith.constant 0 : index
    tpu.barrier barrier_id(%barrier3A_46)
    %mul3A_47 = arith.constant 640 : i32
    %mul3A_48 = arith.muli %arg1, %mul3A_47 : i32
    %run_scoped3A = arith.constant 0 : i32
    "tpu.region"() ({
      %run_scoped3A_52 = tpu.sem_alloc : memref<!tpu.dma_semaphore, #tpu.memory_space<semaphore_mem>>
      %dma_start3A = arith.constant 0 : i32
      %dma_start3A_53 = tpu.memref_slice %arg5[%arg0, %run_scoped3A, %mul3A_48, %dma_start3A] : memref<2x2x10240x16xf32, #tpu.memory_space<hbm>> -> memref<1x1x640x16xf32, #tpu.memory_space<hbm>>
      %dma_start3A_54 = tpu.memref_squeeze %dma_start3A_53 : memref<1x1x640x16xf32, #tpu.memory_space<hbm>> -> memref<640x16xf32, #tpu.memory_space<hbm>>
      %dma_start3A_55 = arith.constant 0 : i32
      %dma_start3A_56 = tpu.memref_slice %arg11[%mul3A_48, %dma_start3A_55] : memref<10240x16xf32, #tpu.memory_space<vmem_shared>> -> memref<640x16xf32, #tpu.memory_space<vmem_shared>>
      tpu.enqueue_dma source(%dma_start3A_56 : memref<640x16xf32, #tpu.memory_space<vmem_shared>>) target(%dma_start3A_54 : memref<640x16xf32, #tpu.memory_space<hbm>>) target_semaphore(%run_scoped3A_52 : memref<!tpu.dma_semaphore, #tpu.memory_space<semaphore_mem>>)
      %dma_wait3A = arith.constant 0 : i32
      %dma_wait3A_57 = tpu.memref_slice %arg5[%arg0, %run_scoped3A, %mul3A_48, %dma_wait3A] : memref<2x2x10240x16xf32, #tpu.memory_space<hbm>> -> memref<1x1x640x16xf32, #tpu.memory_space<hbm>>
      %dma_wait3A_58 = tpu.memref_squeeze %dma_wait3A_57 : memref<1x1x640x16xf32, #tpu.memory_space<hbm>> -> memref<640x16xf32, #tpu.memory_space<hbm>>
      %dma_wait3A_59 = arith.constant 0 : i32
      %dma_wait3A_60 = tpu.memref_slice %arg11[%mul3A_48, %dma_wait3A_59] : memref<10240x16xf32, #tpu.memory_space<vmem_shared>> -> memref<640x16xf32, #tpu.memory_space<vmem_shared>>
      tpu.wait_dma2 semaphore(%run_scoped3A_52 : memref<!tpu.dma_semaphore, #tpu.memory_space<semaphore_mem>>) src(%dma_wait3A_60 : memref<640x16xf32, #tpu.memory_space<vmem_shared>>) dst(%dma_wait3A_58 : memref<640x16xf32, #tpu.memory_space<hbm>>)
      tpu.yield
    }) : () -> ()
    %run_scoped3A_49 = arith.constant 1 : i32
    "tpu.region"() ({
      %run_scoped3A_52 = tpu.sem_alloc : memref<!tpu.dma_semaphore, #tpu.memory_space<semaphore_mem>>
      %dma_start3A = arith.constant 0 : i32
      %dma_start3A_53 = tpu.memref_slice %arg5[%arg0, %run_scoped3A_49, %mul3A_48, %dma_start3A] : memref<2x2x10240x16xf32, #tpu.memory_space<hbm>> -> memref<1x1x640x16xf32, #tpu.memory_space<hbm>>
      %dma_start3A_54 = tpu.memref_squeeze %dma_start3A_53 : memref<1x1x640x16xf32, #tpu.memory_space<hbm>> -> memref<640x16xf32, #tpu.memory_space<hbm>>
      %dma_start3A_55 = arith.constant 0 : i32
      %dma_start3A_56 = tpu.memref_slice %arg13[%mul3A_48, %dma_start3A_55] : memref<10240x16xf32, #tpu.memory_space<vmem_shared>> -> memref<640x16xf32, #tpu.memory_space<vmem_shared>>
      tpu.enqueue_dma source(%dma_start3A_56 : memref<640x16xf32, #tpu.memory_space<vmem_shared>>) target(%dma_start3A_54 : memref<640x16xf32, #tpu.memory_space<hbm>>) target_semaphore(%run_scoped3A_52 : memref<!tpu.dma_semaphore, #tpu.memory_space<semaphore_mem>>)
      %dma_wait3A = arith.constant 0 : i32
      %dma_wait3A_57 = tpu.memref_slice %arg5[%arg0, %run_scoped3A_49, %mul3A_48, %dma_wait3A] : memref<2x2x10240x16xf32, #tpu.memory_space<hbm>> -> memref<1x1x640x16xf32, #tpu.memory_space<hbm>>
      %dma_wait3A_58 = tpu.memref_squeeze %dma_wait3A_57 : memref<1x1x640x16xf32, #tpu.memory_space<hbm>> -> memref<640x16xf32, #tpu.memory_space<hbm>>
      %dma_wait3A_59 = arith.constant 0 : i32
      %dma_wait3A_60 = tpu.memref_slice %arg13[%mul3A_48, %dma_wait3A_59] : memref<10240x16xf32, #tpu.memory_space<vmem_shared>> -> memref<640x16xf32, #tpu.memory_space<vmem_shared>>
      tpu.wait_dma2 semaphore(%run_scoped3A_52 : memref<!tpu.dma_semaphore, #tpu.memory_space<semaphore_mem>>) src(%dma_wait3A_60 : memref<640x16xf32, #tpu.memory_space<vmem_shared>>) dst(%dma_wait3A_58 : memref<640x16xf32, #tpu.memory_space<hbm>>)
      tpu.yield
    }) : () -> ()
    %run_scoped3A_50 = arith.constant 0 : i32
    "tpu.region"() ({
      %run_scoped3A_52 = tpu.sem_alloc : memref<!tpu.dma_semaphore, #tpu.memory_space<semaphore_mem>>
      %dma_start3A = arith.constant 0 : i32
      %dma_start3A_53 = tpu.memref_slice %arg6[%arg0, %run_scoped3A_50, %mul3A_48, %dma_start3A] : memref<2x2x10240x16xf32, #tpu.memory_space<hbm>> -> memref<1x1x640x16xf32, #tpu.memory_space<hbm>>
      %dma_start3A_54 = tpu.memref_squeeze %dma_start3A_53 : memref<1x1x640x16xf32, #tpu.memory_space<hbm>> -> memref<640x16xf32, #tpu.memory_space<hbm>>
      %dma_start3A_55 = arith.constant 0 : i32
      %dma_start3A_56 = tpu.memref_slice %arg12[%mul3A_48, %dma_start3A_55] : memref<10240x16xf32, #tpu.memory_space<vmem_shared>> -> memref<640x16xf32, #tpu.memory_space<vmem_shared>>
      tpu.enqueue_dma source(%dma_start3A_56 : memref<640x16xf32, #tpu.memory_space<vmem_shared>>) target(%dma_start3A_54 : memref<640x16xf32, #tpu.memory_space<hbm>>) target_semaphore(%run_scoped3A_52 : memref<!tpu.dma_semaphore, #tpu.memory_space<semaphore_mem>>)
      %dma_wait3A = arith.constant 0 : i32
      %dma_wait3A_57 = tpu.memref_slice %arg6[%arg0, %run_scoped3A_50, %mul3A_48, %dma_wait3A] : memref<2x2x10240x16xf32, #tpu.memory_space<hbm>> -> memref<1x1x640x16xf32, #tpu.memory_space<hbm>>
      %dma_wait3A_58 = tpu.memref_squeeze %dma_wait3A_57 : memref<1x1x640x16xf32, #tpu.memory_space<hbm>> -> memref<640x16xf32, #tpu.memory_space<hbm>>
      %dma_wait3A_59 = arith.constant 0 : i32
      %dma_wait3A_60 = tpu.memref_slice %arg12[%mul3A_48, %dma_wait3A_59] : memref<10240x16xf32, #tpu.memory_space<vmem_shared>> -> memref<640x16xf32, #tpu.memory_space<vmem_shared>>
      tpu.wait_dma2 semaphore(%run_scoped3A_52 : memref<!tpu.dma_semaphore, #tpu.memory_space<semaphore_mem>>) src(%dma_wait3A_60 : memref<640x16xf32, #tpu.memory_space<vmem_shared>>) dst(%dma_wait3A_58 : memref<640x16xf32, #tpu.memory_space<hbm>>)
      tpu.yield
    }) : () -> ()
    %run_scoped3A_51 = arith.constant 1 : i32
    "tpu.region"() ({
      %run_scoped3A_52 = tpu.sem_alloc : memref<!tpu.dma_semaphore, #tpu.memory_space<semaphore_mem>>
      %dma_start3A = arith.constant 0 : i32
      %dma_start3A_53 = tpu.memref_slice %arg6[%arg0, %run_scoped3A_51, %mul3A_48, %dma_start3A] : memref<2x2x10240x16xf32, #tpu.memory_space<hbm>> -> memref<1x1x640x16xf32, #tpu.memory_space<hbm>>
      %dma_start3A_54 = tpu.memref_squeeze %dma_start3A_53 : memref<1x1x640x16xf32, #tpu.memory_space<hbm>> -> memref<640x16xf32, #tpu.memory_space<hbm>>
      %dma_start3A_55 = arith.constant 0 : i32
      %dma_start3A_56 = tpu.memref_slice %arg14[%mul3A_48, %dma_start3A_55] : memref<10240x16xf32, #tpu.memory_space<vmem_shared>> -> memref<640x16xf32, #tpu.memory_space<vmem_shared>>
      tpu.enqueue_dma source(%dma_start3A_56 : memref<640x16xf32, #tpu.memory_space<vmem_shared>>) target(%dma_start3A_54 : memref<640x16xf32, #tpu.memory_space<hbm>>) target_semaphore(%run_scoped3A_52 : memref<!tpu.dma_semaphore, #tpu.memory_space<semaphore_mem>>)
      %dma_wait3A = arith.constant 0 : i32
      %dma_wait3A_57 = tpu.memref_slice %arg6[%arg0, %run_scoped3A_51, %mul3A_48, %dma_wait3A] : memref<2x2x10240x16xf32, #tpu.memory_space<hbm>> -> memref<1x1x640x16xf32, #tpu.memory_space<hbm>>
      %dma_wait3A_58 = tpu.memref_squeeze %dma_wait3A_57 : memref<1x1x640x16xf32, #tpu.memory_space<hbm>> -> memref<640x16xf32, #tpu.memory_space<hbm>>
      %dma_wait3A_59 = arith.constant 0 : i32
      %dma_wait3A_60 = tpu.memref_slice %arg14[%mul3A_48, %dma_wait3A_59] : memref<10240x16xf32, #tpu.memory_space<vmem_shared>> -> memref<640x16xf32, #tpu.memory_space<vmem_shared>>
      tpu.wait_dma2 semaphore(%run_scoped3A_52 : memref<!tpu.dma_semaphore, #tpu.memory_space<semaphore_mem>>) src(%dma_wait3A_60 : memref<640x16xf32, #tpu.memory_space<vmem_shared>>) dst(%dma_wait3A_58 : memref<640x16xf32, #tpu.memory_space<hbm>>)
      tpu.yield
    }) : () -> ()
    return
  }
}

#map = affine_map<(d0, d1) -> (0)>
#map1 = affine_map<(d0, d1) -> (0, 0)>
#map2 = affine_map<(d0, d1) -> (0, 0, 0)>
module attributes {stable_mosaic.version = 14 : i64} {
  func.func @_agg(%arg0: i32, %arg1: i32, %arg2: memref<327680xi32, #tpu.memory_space<hbm>>, %arg3: memref<327680xi32, #tpu.memory_space<hbm>>, %arg4: memref<327680x16xf32, #tpu.memory_space<hbm>>, %arg5: memref<10240x128xf32, #tpu.memory_space<hbm>>, %arg6: memref<2x10240x128xf32, #tpu.memory_space<hbm>>, %arg7: memref<64x16xf32, #tpu.memory_space<vmem>>, %arg8: memref<64x16xf32, #tpu.memory_space<vmem>>, %arg9: memref<64xi32, #tpu.memory_space<vmem>>, %arg10: memref<64xi32, #tpu.memory_space<vmem>>, %arg11: memref<64xi32, #tpu.memory_space<vmem>>, %arg12: memref<64xi32, #tpu.memory_space<vmem>>, %arg13: memref<64x128xf32, #tpu.memory_space<vmem>>, %arg14: memref<64x128xf32, #tpu.memory_space<vmem>>, %arg15: memref<10240x128xf32, #tpu.memory_space<vmem_shared>>, %arg16: memref<!tpu.dma_semaphore, #tpu.memory_space<semaphore_mem>>, %arg17: memref<!tpu.dma_semaphore, #tpu.memory_space<semaphore_mem>>) attributes {dimension_semantics = [#tpu.dimension_semantics<core_parallel>, #tpu.dimension_semantics<subcore_parallel>], iteration_bounds = array<i64: 2, 16>, scalar_prefetch = 0 : i64, scratch_operands = 11 : i64, tpu.core_type = #tpu.core_type<sc_vector_subcore>, window_params = [{transform_indices = #map}, {transform_indices = #map}, {transform_indices = #map1}, {transform_indices = #map1}, {transform_indices = #map2}]} {
    %mul3A = arith.constant 16 : i32
    %mul3A_0 = arith.muli %arg0, %mul3A : i32
    %add3A = arith.addi %mul3A_0, %arg1 : i32
    %broadcast_in_dim3A = arith.constant 0.000000e+00 : f32
    %broadcast_in_dim3A_1 = vector.broadcast %broadcast_in_dim3A : f32 to vector<16xf32>
    %scan3A = arith.constant 0 : i32
    %scan3A_2 = arith.constant 0 : i32
    %scan3A_3 = arith.constant 64 : i32
    %scan3A_4 = arith.addi %scan3A_2, %scan3A_3 : i32
    %scan3A_5 = arith.constant 1 : i32
    %scan3A_6 = scf.for %scan3A_64 = %scan3A_2 to %scan3A_4 step %scan3A_5 iter_args(%scan3A_65 = %scan3A) -> (i32)  : i32 {
      %swap3A = arith.index_cast %scan3A_64 : i32 to index
      %swap3A_66 = arith.constant 0 : index
      %swap3A_67 = tpu.vector_load %arg13[%swap3A, %swap3A_66] {strides = array<i32>} : memref<64x128xf32, #tpu.memory_space<vmem>>, vector<16xf32>,
      tpu.vector_store %arg13[%swap3A, %swap3A_66], %broadcast_in_dim3A_1 {strides = array<i32>} : memref<64x128xf32, #tpu.memory_space<vmem>>, vector<16xf32>,
      %swap3A_68 = arith.index_cast %scan3A_64 : i32 to index
      %swap3A_69 = arith.constant 16 : index
      %swap3A_70 = tpu.vector_load %arg13[%swap3A_68, %swap3A_69] {strides = array<i32>} : memref<64x128xf32, #tpu.memory_space<vmem>>, vector<16xf32>,
      tpu.vector_store %arg13[%swap3A_68, %swap3A_69], %broadcast_in_dim3A_1 {strides = array<i32>} : memref<64x128xf32, #tpu.memory_space<vmem>>, vector<16xf32>,
      %swap3A_71 = arith.index_cast %scan3A_64 : i32 to index
      %swap3A_72 = arith.constant 32 : index
      %swap3A_73 = tpu.vector_load %arg13[%swap3A_71, %swap3A_72] {strides = array<i32>} : memref<64x128xf32, #tpu.memory_space<vmem>>, vector<16xf32>,
      tpu.vector_store %arg13[%swap3A_71, %swap3A_72], %broadcast_in_dim3A_1 {strides = array<i32>} : memref<64x128xf32, #tpu.memory_space<vmem>>, vector<16xf32>,
      %swap3A_74 = arith.index_cast %scan3A_64 : i32 to index
      %swap3A_75 = arith.constant 48 : index
      %swap3A_76 = tpu.vector_load %arg13[%swap3A_74, %swap3A_75] {strides = array<i32>} : memref<64x128xf32, #tpu.memory_space<vmem>>, vector<16xf32>,
      tpu.vector_store %arg13[%swap3A_74, %swap3A_75], %broadcast_in_dim3A_1 {strides = array<i32>} : memref<64x128xf32, #tpu.memory_space<vmem>>, vector<16xf32>,
      %swap3A_77 = arith.index_cast %scan3A_64 : i32 to index
      %swap3A_78 = arith.constant 64 : index
      %swap3A_79 = tpu.vector_load %arg13[%swap3A_77, %swap3A_78] {strides = array<i32>} : memref<64x128xf32, #tpu.memory_space<vmem>>, vector<16xf32>,
      tpu.vector_store %arg13[%swap3A_77, %swap3A_78], %broadcast_in_dim3A_1 {strides = array<i32>} : memref<64x128xf32, #tpu.memory_space<vmem>>, vector<16xf32>,
      %swap3A_80 = arith.index_cast %scan3A_64 : i32 to index
      %swap3A_81 = arith.constant 80 : index
      %swap3A_82 = tpu.vector_load %arg13[%swap3A_80, %swap3A_81] {strides = array<i32>} : memref<64x128xf32, #tpu.memory_space<vmem>>, vector<16xf32>,
      tpu.vector_store %arg13[%swap3A_80, %swap3A_81], %broadcast_in_dim3A_1 {strides = array<i32>} : memref<64x128xf32, #tpu.memory_space<vmem>>, vector<16xf32>,
      %swap3A_83 = arith.index_cast %scan3A_64 : i32 to index
      %swap3A_84 = arith.constant 96 : index
      %swap3A_85 = tpu.vector_load %arg13[%swap3A_83, %swap3A_84] {strides = array<i32>} : memref<64x128xf32, #tpu.memory_space<vmem>>, vector<16xf32>,
      tpu.vector_store %arg13[%swap3A_83, %swap3A_84], %broadcast_in_dim3A_1 {strides = array<i32>} : memref<64x128xf32, #tpu.memory_space<vmem>>, vector<16xf32>,
      %swap3A_86 = arith.index_cast %scan3A_64 : i32 to index
      %swap3A_87 = arith.constant 112 : index
      %swap3A_88 = tpu.vector_load %arg13[%swap3A_86, %swap3A_87] {strides = array<i32>} : memref<64x128xf32, #tpu.memory_space<vmem>>, vector<16xf32>,
      tpu.vector_store %arg13[%swap3A_86, %swap3A_87], %broadcast_in_dim3A_1 {strides = array<i32>} : memref<64x128xf32, #tpu.memory_space<vmem>>, vector<16xf32>,
      %scan3A_89 = arith.constant 0 : i32
      scf.yield %scan3A_89 : i32
    }
    %scan3A_7 = arith.constant 64 : i32
    %mul3A_8 = arith.constant 640 : i32
    %mul3A_9 = arith.muli %arg1, %mul3A_8 : i32
    %add3A_10 = arith.constant 0 : i32
    %add3A_11 = arith.addi %mul3A_9, %add3A_10 : i32
    "tpu.region"() ({
      %run_scoped3A = tpu.sem_alloc : memref<!tpu.dma_semaphore, #tpu.memory_space<semaphore_mem>>
      %dma_start3A_64 = arith.constant 0 : i32
      %dma_start3A_65 = tpu.memref_slice %arg15[%add3A_11, %dma_start3A_64] : memref<10240x128xf32, #tpu.memory_space<vmem_shared>> -> memref<64x128xf32, #tpu.memory_space<vmem_shared>>
      %dma_start3A_66 = arith.constant 0 : i32
      %dma_start3A_67 = tpu.memref_slice %arg15[%add3A_11, %dma_start3A_66] : memref<10240x128xf32, #tpu.memory_space<vmem_shared>> -> memref<64x128xf32, #tpu.memory_space<vmem_shared>>
      tpu.enqueue_dma source(%arg13 : memref<64x128xf32, #tpu.memory_space<vmem>>) target(%dma_start3A_67 : memref<64x128xf32, #tpu.memory_space<vmem_shared>>) target_semaphore(%run_scoped3A : memref<!tpu.dma_semaphore, #tpu.memory_space<semaphore_mem>>)
      %dma_wait3A = arith.constant 0 : i32
      %dma_wait3A_68 = tpu.memref_slice %arg15[%add3A_11, %dma_wait3A] : memref<10240x128xf32, #tpu.memory_space<vmem_shared>> -> memref<64x128xf32, #tpu.memory_space<vmem_shared>>
      %dma_wait3A_69 = arith.constant 0 : i32
      %dma_wait3A_70 = tpu.memref_slice %arg15[%add3A_11, %dma_wait3A_69] : memref<10240x128xf32, #tpu.memory_space<vmem_shared>> -> memref<64x128xf32, #tpu.memory_space<vmem_shared>>
      tpu.wait_dma2 semaphore(%run_scoped3A : memref<!tpu.dma_semaphore, #tpu.memory_space<semaphore_mem>>) src(%arg13 : memref<64x128xf32, #tpu.memory_space<vmem>>) dst(%dma_wait3A_70 : memref<64x128xf32, #tpu.memory_space<vmem_shared>>)
      tpu.yield
    }) : () -> ()
    %mul3A_12 = arith.constant 640 : i32
    %mul3A_13 = arith.muli %arg1, %mul3A_12 : i32
    %add3A_14 = arith.constant 64 : i32
    %add3A_15 = arith.addi %mul3A_13, %add3A_14 : i32
    "tpu.region"() ({
      %run_scoped3A = tpu.sem_alloc : memref<!tpu.dma_semaphore, #tpu.memory_space<semaphore_mem>>
      %dma_start3A_64 = arith.constant 0 : i32
      %dma_start3A_65 = tpu.memref_slice %arg15[%add3A_15, %dma_start3A_64] : memref<10240x128xf32, #tpu.memory_space<vmem_shared>> -> memref<64x128xf32, #tpu.memory_space<vmem_shared>>
      %dma_start3A_66 = arith.constant 0 : i32
      %dma_start3A_67 = tpu.memref_slice %arg15[%add3A_15, %dma_start3A_66] : memref<10240x128xf32, #tpu.memory_space<vmem_shared>> -> memref<64x128xf32, #tpu.memory_space<vmem_shared>>
      tpu.enqueue_dma source(%arg13 : memref<64x128xf32, #tpu.memory_space<vmem>>) target(%dma_start3A_67 : memref<64x128xf32, #tpu.memory_space<vmem_shared>>) target_semaphore(%run_scoped3A : memref<!tpu.dma_semaphore, #tpu.memory_space<semaphore_mem>>)
      %dma_wait3A = arith.constant 0 : i32
      %dma_wait3A_68 = tpu.memref_slice %arg15[%add3A_15, %dma_wait3A] : memref<10240x128xf32, #tpu.memory_space<vmem_shared>> -> memref<64x128xf32, #tpu.memory_space<vmem_shared>>
      %dma_wait3A_69 = arith.constant 0 : i32
      %dma_wait3A_70 = tpu.memref_slice %arg15[%add3A_15, %dma_wait3A_69] : memref<10240x128xf32, #tpu.memory_space<vmem_shared>> -> memref<64x128xf32, #tpu.memory_space<vmem_shared>>
      tpu.wait_dma2 semaphore(%run_scoped3A : memref<!tpu.dma_semaphore, #tpu.memory_space<semaphore_mem>>) src(%arg13 : memref<64x128xf32, #tpu.memory_space<vmem>>) dst(%dma_wait3A_70 : memref<64x128xf32, #tpu.memory_space<vmem_shared>>)
      tpu.yield
    }) : () -> ()
    %mul3A_16 = arith.constant 640 : i32
    %mul3A_17 = arith.muli %arg1, %mul3A_16 : i32
    %add3A_18 = arith.constant 128 : i32
    %add3A_19 = arith.addi %mul3A_17, %add3A_18 : i32
    "tpu.region"() ({
      %run_scoped3A = tpu.sem_alloc : memref<!tpu.dma_semaphore, #tpu.memory_space<semaphore_mem>>
      %dma_start3A_64 = arith.constant 0 : i32
      %dma_start3A_65 = tpu.memref_slice %arg15[%add3A_19, %dma_start3A_64] : memref<10240x128xf32, #tpu.memory_space<vmem_shared>> -> memref<64x128xf32, #tpu.memory_space<vmem_shared>>
      %dma_start3A_66 = arith.constant 0 : i32
      %dma_start3A_67 = tpu.memref_slice %arg15[%add3A_19, %dma_start3A_66] : memref<10240x128xf32, #tpu.memory_space<vmem_shared>> -> memref<64x128xf32, #tpu.memory_space<vmem_shared>>
      tpu.enqueue_dma source(%arg13 : memref<64x128xf32, #tpu.memory_space<vmem>>) target(%dma_start3A_67 : memref<64x128xf32, #tpu.memory_space<vmem_shared>>) target_semaphore(%run_scoped3A : memref<!tpu.dma_semaphore, #tpu.memory_space<semaphore_mem>>)
      %dma_wait3A = arith.constant 0 : i32
      %dma_wait3A_68 = tpu.memref_slice %arg15[%add3A_19, %dma_wait3A] : memref<10240x128xf32, #tpu.memory_space<vmem_shared>> -> memref<64x128xf32, #tpu.memory_space<vmem_shared>>
      %dma_wait3A_69 = arith.constant 0 : i32
      %dma_wait3A_70 = tpu.memref_slice %arg15[%add3A_19, %dma_wait3A_69] : memref<10240x128xf32, #tpu.memory_space<vmem_shared>> -> memref<64x128xf32, #tpu.memory_space<vmem_shared>>
      tpu.wait_dma2 semaphore(%run_scoped3A : memref<!tpu.dma_semaphore, #tpu.memory_space<semaphore_mem>>) src(%arg13 : memref<64x128xf32, #tpu.memory_space<vmem>>) dst(%dma_wait3A_70 : memref<64x128xf32, #tpu.memory_space<vmem_shared>>)
      tpu.yield
    }) : () -> ()
    %mul3A_20 = arith.constant 640 : i32
    %mul3A_21 = arith.muli %arg1, %mul3A_20 : i32
    %add3A_22 = arith.constant 192 : i32
    %add3A_23 = arith.addi %mul3A_21, %add3A_22 : i32
    "tpu.region"() ({
      %run_scoped3A = tpu.sem_alloc : memref<!tpu.dma_semaphore, #tpu.memory_space<semaphore_mem>>
      %dma_start3A_64 = arith.constant 0 : i32
      %dma_start3A_65 = tpu.memref_slice %arg15[%add3A_23, %dma_start3A_64] : memref<10240x128xf32, #tpu.memory_space<vmem_shared>> -> memref<64x128xf32, #tpu.memory_space<vmem_shared>>
      %dma_start3A_66 = arith.constant 0 : i32
      %dma_start3A_67 = tpu.memref_slice %arg15[%add3A_23, %dma_start3A_66] : memref<10240x128xf32, #tpu.memory_space<vmem_shared>> -> memref<64x128xf32, #tpu.memory_space<vmem_shared>>
      tpu.enqueue_dma source(%arg13 : memref<64x128xf32, #tpu.memory_space<vmem>>) target(%dma_start3A_67 : memref<64x128xf32, #tpu.memory_space<vmem_shared>>) target_semaphore(%run_scoped3A : memref<!tpu.dma_semaphore, #tpu.memory_space<semaphore_mem>>)
      %dma_wait3A = arith.constant 0 : i32
      %dma_wait3A_68 = tpu.memref_slice %arg15[%add3A_23, %dma_wait3A] : memref<10240x128xf32, #tpu.memory_space<vmem_shared>> -> memref<64x128xf32, #tpu.memory_space<vmem_shared>>
      %dma_wait3A_69 = arith.constant 0 : i32
      %dma_wait3A_70 = tpu.memref_slice %arg15[%add3A_23, %dma_wait3A_69] : memref<10240x128xf32, #tpu.memory_space<vmem_shared>> -> memref<64x128xf32, #tpu.memory_space<vmem_shared>>
      tpu.wait_dma2 semaphore(%run_scoped3A : memref<!tpu.dma_semaphore, #tpu.memory_space<semaphore_mem>>) src(%arg13 : memref<64x128xf32, #tpu.memory_space<vmem>>) dst(%dma_wait3A_70 : memref<64x128xf32, #tpu.memory_space<vmem_shared>>)
      tpu.yield
    }) : () -> ()
    %mul3A_24 = arith.constant 640 : i32
    %mul3A_25 = arith.muli %arg1, %mul3A_24 : i32
    %add3A_26 = arith.constant 256 : i32
    %add3A_27 = arith.addi %mul3A_25, %add3A_26 : i32
    "tpu.region"() ({
      %run_scoped3A = tpu.sem_alloc : memref<!tpu.dma_semaphore, #tpu.memory_space<semaphore_mem>>
      %dma_start3A_64 = arith.constant 0 : i32
      %dma_start3A_65 = tpu.memref_slice %arg15[%add3A_27, %dma_start3A_64] : memref<10240x128xf32, #tpu.memory_space<vmem_shared>> -> memref<64x128xf32, #tpu.memory_space<vmem_shared>>
      %dma_start3A_66 = arith.constant 0 : i32
      %dma_start3A_67 = tpu.memref_slice %arg15[%add3A_27, %dma_start3A_66] : memref<10240x128xf32, #tpu.memory_space<vmem_shared>> -> memref<64x128xf32, #tpu.memory_space<vmem_shared>>
      tpu.enqueue_dma source(%arg13 : memref<64x128xf32, #tpu.memory_space<vmem>>) target(%dma_start3A_67 : memref<64x128xf32, #tpu.memory_space<vmem_shared>>) target_semaphore(%run_scoped3A : memref<!tpu.dma_semaphore, #tpu.memory_space<semaphore_mem>>)
      %dma_wait3A = arith.constant 0 : i32
      %dma_wait3A_68 = tpu.memref_slice %arg15[%add3A_27, %dma_wait3A] : memref<10240x128xf32, #tpu.memory_space<vmem_shared>> -> memref<64x128xf32, #tpu.memory_space<vmem_shared>>
      %dma_wait3A_69 = arith.constant 0 : i32
      %dma_wait3A_70 = tpu.memref_slice %arg15[%add3A_27, %dma_wait3A_69] : memref<10240x128xf32, #tpu.memory_space<vmem_shared>> -> memref<64x128xf32, #tpu.memory_space<vmem_shared>>
      tpu.wait_dma2 semaphore(%run_scoped3A : memref<!tpu.dma_semaphore, #tpu.memory_space<semaphore_mem>>) src(%arg13 : memref<64x128xf32, #tpu.memory_space<vmem>>) dst(%dma_wait3A_70 : memref<64x128xf32, #tpu.memory_space<vmem_shared>>)
      tpu.yield
    }) : () -> ()
    %mul3A_28 = arith.constant 640 : i32
    %mul3A_29 = arith.muli %arg1, %mul3A_28 : i32
    %add3A_30 = arith.constant 320 : i32
    %add3A_31 = arith.addi %mul3A_29, %add3A_30 : i32
    "tpu.region"() ({
      %run_scoped3A = tpu.sem_alloc : memref<!tpu.dma_semaphore, #tpu.memory_space<semaphore_mem>>
      %dma_start3A_64 = arith.constant 0 : i32
      %dma_start3A_65 = tpu.memref_slice %arg15[%add3A_31, %dma_start3A_64] : memref<10240x128xf32, #tpu.memory_space<vmem_shared>> -> memref<64x128xf32, #tpu.memory_space<vmem_shared>>
      %dma_start3A_66 = arith.constant 0 : i32
      %dma_start3A_67 = tpu.memref_slice %arg15[%add3A_31, %dma_start3A_66] : memref<10240x128xf32, #tpu.memory_space<vmem_shared>> -> memref<64x128xf32, #tpu.memory_space<vmem_shared>>
      tpu.enqueue_dma source(%arg13 : memref<64x128xf32, #tpu.memory_space<vmem>>) target(%dma_start3A_67 : memref<64x128xf32, #tpu.memory_space<vmem_shared>>) target_semaphore(%run_scoped3A : memref<!tpu.dma_semaphore, #tpu.memory_space<semaphore_mem>>)
      %dma_wait3A = arith.constant 0 : i32
      %dma_wait3A_68 = tpu.memref_slice %arg15[%add3A_31, %dma_wait3A] : memref<10240x128xf32, #tpu.memory_space<vmem_shared>> -> memref<64x128xf32, #tpu.memory_space<vmem_shared>>
      %dma_wait3A_69 = arith.constant 0 : i32
      %dma_wait3A_70 = tpu.memref_slice %arg15[%add3A_31, %dma_wait3A_69] : memref<10240x128xf32, #tpu.memory_space<vmem_shared>> -> memref<64x128xf32, #tpu.memory_space<vmem_shared>>
      tpu.wait_dma2 semaphore(%run_scoped3A : memref<!tpu.dma_semaphore, #tpu.memory_space<semaphore_mem>>) src(%arg13 : memref<64x128xf32, #tpu.memory_space<vmem>>) dst(%dma_wait3A_70 : memref<64x128xf32, #tpu.memory_space<vmem_shared>>)
      tpu.yield
    }) : () -> ()
    %mul3A_32 = arith.constant 640 : i32
    %mul3A_33 = arith.muli %arg1, %mul3A_32 : i32
    %add3A_34 = arith.constant 384 : i32
    %add3A_35 = arith.addi %mul3A_33, %add3A_34 : i32
    "tpu.region"() ({
      %run_scoped3A = tpu.sem_alloc : memref<!tpu.dma_semaphore, #tpu.memory_space<semaphore_mem>>
      %dma_start3A_64 = arith.constant 0 : i32
      %dma_start3A_65 = tpu.memref_slice %arg15[%add3A_35, %dma_start3A_64] : memref<10240x128xf32, #tpu.memory_space<vmem_shared>> -> memref<64x128xf32, #tpu.memory_space<vmem_shared>>
      %dma_start3A_66 = arith.constant 0 : i32
      %dma_start3A_67 = tpu.memref_slice %arg15[%add3A_35, %dma_start3A_66] : memref<10240x128xf32, #tpu.memory_space<vmem_shared>> -> memref<64x128xf32, #tpu.memory_space<vmem_shared>>
      tpu.enqueue_dma source(%arg13 : memref<64x128xf32, #tpu.memory_space<vmem>>) target(%dma_start3A_67 : memref<64x128xf32, #tpu.memory_space<vmem_shared>>) target_semaphore(%run_scoped3A : memref<!tpu.dma_semaphore, #tpu.memory_space<semaphore_mem>>)
      %dma_wait3A = arith.constant 0 : i32
      %dma_wait3A_68 = tpu.memref_slice %arg15[%add3A_35, %dma_wait3A] : memref<10240x128xf32, #tpu.memory_space<vmem_shared>> -> memref<64x128xf32, #tpu.memory_space<vmem_shared>>
      %dma_wait3A_69 = arith.constant 0 : i32
      %dma_wait3A_70 = tpu.memref_slice %arg15[%add3A_35, %dma_wait3A_69] : memref<10240x128xf32, #tpu.memory_space<vmem_shared>> -> memref<64x128xf32, #tpu.memory_space<vmem_shared>>
      tpu.wait_dma2 semaphore(%run_scoped3A : memref<!tpu.dma_semaphore, #tpu.memory_space<semaphore_mem>>) src(%arg13 : memref<64x128xf32, #tpu.memory_space<vmem>>) dst(%dma_wait3A_70 : memref<64x128xf32, #tpu.memory_space<vmem_shared>>)
      tpu.yield
    }) : () -> ()
    %mul3A_36 = arith.constant 640 : i32
    %mul3A_37 = arith.muli %arg1, %mul3A_36 : i32
    %add3A_38 = arith.constant 448 : i32
    %add3A_39 = arith.addi %mul3A_37, %add3A_38 : i32
    "tpu.region"() ({
      %run_scoped3A = tpu.sem_alloc : memref<!tpu.dma_semaphore, #tpu.memory_space<semaphore_mem>>
      %dma_start3A_64 = arith.constant 0 : i32
      %dma_start3A_65 = tpu.memref_slice %arg15[%add3A_39, %dma_start3A_64] : memref<10240x128xf32, #tpu.memory_space<vmem_shared>> -> memref<64x128xf32, #tpu.memory_space<vmem_shared>>
      %dma_start3A_66 = arith.constant 0 : i32
      %dma_start3A_67 = tpu.memref_slice %arg15[%add3A_39, %dma_start3A_66] : memref<10240x128xf32, #tpu.memory_space<vmem_shared>> -> memref<64x128xf32, #tpu.memory_space<vmem_shared>>
      tpu.enqueue_dma source(%arg13 : memref<64x128xf32, #tpu.memory_space<vmem>>) target(%dma_start3A_67 : memref<64x128xf32, #tpu.memory_space<vmem_shared>>) target_semaphore(%run_scoped3A : memref<!tpu.dma_semaphore, #tpu.memory_space<semaphore_mem>>)
      %dma_wait3A = arith.constant 0 : i32
      %dma_wait3A_68 = tpu.memref_slice %arg15[%add3A_39, %dma_wait3A] : memref<10240x128xf32, #tpu.memory_space<vmem_shared>> -> memref<64x128xf32, #tpu.memory_space<vmem_shared>>
      %dma_wait3A_69 = arith.constant 0 : i32
      %dma_wait3A_70 = tpu.memref_slice %arg15[%add3A_39, %dma_wait3A_69] : memref<10240x128xf32, #tpu.memory_space<vmem_shared>> -> memref<64x128xf32, #tpu.memory_space<vmem_shared>>
      tpu.wait_dma2 semaphore(%run_scoped3A : memref<!tpu.dma_semaphore, #tpu.memory_space<semaphore_mem>>) src(%arg13 : memref<64x128xf32, #tpu.memory_space<vmem>>) dst(%dma_wait3A_70 : memref<64x128xf32, #tpu.memory_space<vmem_shared>>)
      tpu.yield
    }) : () -> ()
    %mul3A_40 = arith.constant 640 : i32
    %mul3A_41 = arith.muli %arg1, %mul3A_40 : i32
    %add3A_42 = arith.constant 512 : i32
    %add3A_43 = arith.addi %mul3A_41, %add3A_42 : i32
    "tpu.region"() ({
      %run_scoped3A = tpu.sem_alloc : memref<!tpu.dma_semaphore, #tpu.memory_space<semaphore_mem>>
      %dma_start3A_64 = arith.constant 0 : i32
      %dma_start3A_65 = tpu.memref_slice %arg15[%add3A_43, %dma_start3A_64] : memref<10240x128xf32, #tpu.memory_space<vmem_shared>> -> memref<64x128xf32, #tpu.memory_space<vmem_shared>>
      %dma_start3A_66 = arith.constant 0 : i32
      %dma_start3A_67 = tpu.memref_slice %arg15[%add3A_43, %dma_start3A_66] : memref<10240x128xf32, #tpu.memory_space<vmem_shared>> -> memref<64x128xf32, #tpu.memory_space<vmem_shared>>
      tpu.enqueue_dma source(%arg13 : memref<64x128xf32, #tpu.memory_space<vmem>>) target(%dma_start3A_67 : memref<64x128xf32, #tpu.memory_space<vmem_shared>>) target_semaphore(%run_scoped3A : memref<!tpu.dma_semaphore, #tpu.memory_space<semaphore_mem>>)
      %dma_wait3A = arith.constant 0 : i32
      %dma_wait3A_68 = tpu.memref_slice %arg15[%add3A_43, %dma_wait3A] : memref<10240x128xf32, #tpu.memory_space<vmem_shared>> -> memref<64x128xf32, #tpu.memory_space<vmem_shared>>
      %dma_wait3A_69 = arith.constant 0 : i32
      %dma_wait3A_70 = tpu.memref_slice %arg15[%add3A_43, %dma_wait3A_69] : memref<10240x128xf32, #tpu.memory_space<vmem_shared>> -> memref<64x128xf32, #tpu.memory_space<vmem_shared>>
      tpu.wait_dma2 semaphore(%run_scoped3A : memref<!tpu.dma_semaphore, #tpu.memory_space<semaphore_mem>>) src(%arg13 : memref<64x128xf32, #tpu.memory_space<vmem>>) dst(%dma_wait3A_70 : memref<64x128xf32, #tpu.memory_space<vmem_shared>>)
      tpu.yield
    }) : () -> ()
    %mul3A_44 = arith.constant 640 : i32
    %mul3A_45 = arith.muli %arg1, %mul3A_44 : i32
    %add3A_46 = arith.constant 576 : i32
    %add3A_47 = arith.addi %mul3A_45, %add3A_46 : i32
    "tpu.region"() ({
      %run_scoped3A = tpu.sem_alloc : memref<!tpu.dma_semaphore, #tpu.memory_space<semaphore_mem>>
      %dma_start3A_64 = arith.constant 0 : i32
      %dma_start3A_65 = tpu.memref_slice %arg15[%add3A_47, %dma_start3A_64] : memref<10240x128xf32, #tpu.memory_space<vmem_shared>> -> memref<64x128xf32, #tpu.memory_space<vmem_shared>>
      %dma_start3A_66 = arith.constant 0 : i32
      %dma_start3A_67 = tpu.memref_slice %arg15[%add3A_47, %dma_start3A_66] : memref<10240x128xf32, #tpu.memory_space<vmem_shared>> -> memref<64x128xf32, #tpu.memory_space<vmem_shared>>
      tpu.enqueue_dma source(%arg13 : memref<64x128xf32, #tpu.memory_space<vmem>>) target(%dma_start3A_67 : memref<64x128xf32, #tpu.memory_space<vmem_shared>>) target_semaphore(%run_scoped3A : memref<!tpu.dma_semaphore, #tpu.memory_space<semaphore_mem>>)
      %dma_wait3A = arith.constant 0 : i32
      %dma_wait3A_68 = tpu.memref_slice %arg15[%add3A_47, %dma_wait3A] : memref<10240x128xf32, #tpu.memory_space<vmem_shared>> -> memref<64x128xf32, #tpu.memory_space<vmem_shared>>
      %dma_wait3A_69 = arith.constant 0 : i32
      %dma_wait3A_70 = tpu.memref_slice %arg15[%add3A_47, %dma_wait3A_69] : memref<10240x128xf32, #tpu.memory_space<vmem_shared>> -> memref<64x128xf32, #tpu.memory_space<vmem_shared>>
      tpu.wait_dma2 semaphore(%run_scoped3A : memref<!tpu.dma_semaphore, #tpu.memory_space<semaphore_mem>>) src(%arg13 : memref<64x128xf32, #tpu.memory_space<vmem>>) dst(%dma_wait3A_70 : memref<64x128xf32, #tpu.memory_space<vmem_shared>>)
      tpu.yield
    }) : () -> ()
    %barrier3A = arith.constant 0 : index
    tpu.barrier barrier_id(%barrier3A)
    %mul3A_48 = arith.constant 10240 : i32
    %mul3A_49 = arith.muli %add3A, %mul3A_48 : i32
    "tpu.region"() ({
      %run_scoped3A = tpu.sem_alloc : memref<!tpu.dma_semaphore, #tpu.memory_space<semaphore_mem>>
      %dma_start3A_64 = tpu.memref_slice %arg2[%mul3A_49] : memref<327680xi32, #tpu.memory_space<hbm>> -> memref<64xi32, #tpu.memory_space<hbm>>
      %dma_start3A_65 = tpu.memref_slice %arg2[%mul3A_49] : memref<327680xi32, #tpu.memory_space<hbm>> -> memref<64xi32, #tpu.memory_space<hbm>>
      tpu.enqueue_dma source(%dma_start3A_65 : memref<64xi32, #tpu.memory_space<hbm>>) target(%arg9 : memref<64xi32, #tpu.memory_space<vmem>>) target_semaphore(%run_scoped3A : memref<!tpu.dma_semaphore, #tpu.memory_space<semaphore_mem>>)
      %dma_wait3A = tpu.memref_slice %arg2[%mul3A_49] : memref<327680xi32, #tpu.memory_space<hbm>> -> memref<64xi32, #tpu.memory_space<hbm>>
      %dma_wait3A_66 = tpu.memref_slice %arg2[%mul3A_49] : memref<327680xi32, #tpu.memory_space<hbm>> -> memref<64xi32, #tpu.memory_space<hbm>>
      tpu.wait_dma2 semaphore(%run_scoped3A : memref<!tpu.dma_semaphore, #tpu.memory_space<semaphore_mem>>) src(%dma_wait3A_66 : memref<64xi32, #tpu.memory_space<hbm>>) dst(%arg9 : memref<64xi32, #tpu.memory_space<vmem>>)
      tpu.yield
    }) : () -> ()
    "tpu.region"() ({
      %run_scoped3A = tpu.sem_alloc : memref<!tpu.dma_semaphore, #tpu.memory_space<semaphore_mem>>
      %dma_start3A_64 = tpu.memref_slice %arg3[%mul3A_49] : memref<327680xi32, #tpu.memory_space<hbm>> -> memref<64xi32, #tpu.memory_space<hbm>>
      %dma_start3A_65 = tpu.memref_slice %arg3[%mul3A_49] : memref<327680xi32, #tpu.memory_space<hbm>> -> memref<64xi32, #tpu.memory_space<hbm>>
      tpu.enqueue_dma source(%dma_start3A_65 : memref<64xi32, #tpu.memory_space<hbm>>) target(%arg11 : memref<64xi32, #tpu.memory_space<vmem>>) target_semaphore(%run_scoped3A : memref<!tpu.dma_semaphore, #tpu.memory_space<semaphore_mem>>)
      %dma_wait3A = tpu.memref_slice %arg3[%mul3A_49] : memref<327680xi32, #tpu.memory_space<hbm>> -> memref<64xi32, #tpu.memory_space<hbm>>
      %dma_wait3A_66 = tpu.memref_slice %arg3[%mul3A_49] : memref<327680xi32, #tpu.memory_space<hbm>> -> memref<64xi32, #tpu.memory_space<hbm>>
      tpu.wait_dma2 semaphore(%run_scoped3A : memref<!tpu.dma_semaphore, #tpu.memory_space<semaphore_mem>>) src(%dma_wait3A_66 : memref<64xi32, #tpu.memory_space<hbm>>) dst(%arg11 : memref<64xi32, #tpu.memory_space<vmem>>)
      tpu.yield
    }) : () -> ()
    %dma_start3A = arith.constant 0 : i32
    %dma_start3A_50 = arith.constant 0 : i32
    %dma_start3A_51 = tpu.memref_slice %arg5[%dma_start3A, %dma_start3A_50] : memref<10240x128xf32, #tpu.memory_space<hbm>> -> memref<10240x128xf32, #tpu.memory_space<hbm>>
    tpu.enqueue_indirect_dma source(%dma_start3A_51 : memref<10240x128xf32, #tpu.memory_space<hbm>>) target(%arg13 : memref<64x128xf32, #tpu.memory_space<vmem>>) offsets(%arg9 : memref<64xi32, #tpu.memory_space<vmem>>) semaphore(%arg16 : memref<!tpu.dma_semaphore, #tpu.memory_space<semaphore_mem>>)
    %scan3A_52 = arith.constant 0 : i32
    %scan3A_53 = arith.constant 0 : i32
    %scan3A_54 = arith.constant 80 : i32
    %scan3A_55 = arith.addi %scan3A_53, %scan3A_54 : i32
    %scan3A_56 = arith.constant 1 : i32
    %scan3A_57 = scf.for %scan3A_64 = %scan3A_53 to %scan3A_55 step %scan3A_56 iter_args(%scan3A_65 = %scan3A_52) -> (i32)  : i32 {
      %mul3A_66 = arith.constant 2 : i32
      %mul3A_67 = arith.muli %scan3A_64, %mul3A_66 : i32
      %mul3A_68 = arith.constant 64 : i32
      %mul3A_69 = arith.muli %mul3A_67, %mul3A_68 : i32
      %add3A_70 = arith.addi %mul3A_49, %mul3A_69 : i32
      %add3A_71 = arith.constant 64 : i32
      %add3A_72 = arith.addi %add3A_70, %add3A_71 : i32
      "tpu.region"() ({
        %run_scoped3A = tpu.sem_alloc : memref<!tpu.dma_semaphore, #tpu.memory_space<semaphore_mem>>
        %dma_start3A_104 = tpu.memref_slice %arg2[%add3A_72] : memref<327680xi32, #tpu.memory_space<hbm>> -> memref<64xi32, #tpu.memory_space<hbm>>
        %dma_start3A_105 = tpu.memref_slice %arg2[%add3A_72] : memref<327680xi32, #tpu.memory_space<hbm>> -> memref<64xi32, #tpu.memory_space<hbm>>
        tpu.enqueue_dma source(%dma_start3A_105 : memref<64xi32, #tpu.memory_space<hbm>>) target(%arg10 : memref<64xi32, #tpu.memory_space<vmem>>) target_semaphore(%run_scoped3A : memref<!tpu.dma_semaphore, #tpu.memory_space<semaphore_mem>>)
        %dma_wait3A_106 = tpu.memref_slice %arg2[%add3A_72] : memref<327680xi32, #tpu.memory_space<hbm>> -> memref<64xi32, #tpu.memory_space<hbm>>
        %dma_wait3A_107 = tpu.memref_slice %arg2[%add3A_72] : memref<327680xi32, #tpu.memory_space<hbm>> -> memref<64xi32, #tpu.memory_space<hbm>>
        tpu.wait_dma2 semaphore(%run_scoped3A : memref<!tpu.dma_semaphore, #tpu.memory_space<semaphore_mem>>) src(%dma_wait3A_107 : memref<64xi32, #tpu.memory_space<hbm>>) dst(%arg10 : memref<64xi32, #tpu.memory_space<vmem>>)
        tpu.yield
      }) : () -> ()
      %add3A_73 = arith.constant 64 : i32
      %add3A_74 = arith.addi %add3A_70, %add3A_73 : i32
      "tpu.region"() ({
        %run_scoped3A = tpu.sem_alloc : memref<!tpu.dma_semaphore, #tpu.memory_space<semaphore_mem>>
        %dma_start3A_104 = tpu.memref_slice %arg3[%add3A_74] : memref<327680xi32, #tpu.memory_space<hbm>> -> memref<64xi32, #tpu.memory_space<hbm>>
        %dma_start3A_105 = tpu.memref_slice %arg3[%add3A_74] : memref<327680xi32, #tpu.memory_space<hbm>> -> memref<64xi32, #tpu.memory_space<hbm>>
        tpu.enqueue_dma source(%dma_start3A_105 : memref<64xi32, #tpu.memory_space<hbm>>) target(%arg12 : memref<64xi32, #tpu.memory_space<vmem>>) target_semaphore(%run_scoped3A : memref<!tpu.dma_semaphore, #tpu.memory_space<semaphore_mem>>)
        %dma_wait3A_106 = tpu.memref_slice %arg3[%add3A_74] : memref<327680xi32, #tpu.memory_space<hbm>> -> memref<64xi32, #tpu.memory_space<hbm>>
        %dma_wait3A_107 = tpu.memref_slice %arg3[%add3A_74] : memref<327680xi32, #tpu.memory_space<hbm>> -> memref<64xi32, #tpu.memory_space<hbm>>
        tpu.wait_dma2 semaphore(%run_scoped3A : memref<!tpu.dma_semaphore, #tpu.memory_space<semaphore_mem>>) src(%dma_wait3A_107 : memref<64xi32, #tpu.memory_space<hbm>>) dst(%arg12 : memref<64xi32, #tpu.memory_space<vmem>>)
        tpu.yield
      }) : () -> ()
      "tpu.region"() ({
        %run_scoped3A = tpu.sem_alloc : memref<!tpu.dma_semaphore, #tpu.memory_space<semaphore_mem>>
        %dma_start3A_104 = arith.constant 0 : i32
        %dma_start3A_105 = tpu.memref_slice %arg4[%add3A_70, %dma_start3A_104] : memref<327680x16xf32, #tpu.memory_space<hbm>> -> memref<64x16xf32, #tpu.memory_space<hbm>>
        %dma_start3A_106 = arith.constant 0 : i32
        %dma_start3A_107 = tpu.memref_slice %arg4[%add3A_70, %dma_start3A_106] : memref<327680x16xf32, #tpu.memory_space<hbm>> -> memref<64x16xf32, #tpu.memory_space<hbm>>
        tpu.enqueue_dma source(%dma_start3A_107 : memref<64x16xf32, #tpu.memory_space<hbm>>) target(%arg7 : memref<64x16xf32, #tpu.memory_space<vmem>>) target_semaphore(%run_scoped3A : memref<!tpu.dma_semaphore, #tpu.memory_space<semaphore_mem>>)
        %dma_wait3A_108 = arith.constant 0 : i32
        %dma_wait3A_109 = tpu.memref_slice %arg4[%add3A_70, %dma_wait3A_108] : memref<327680x16xf32, #tpu.memory_space<hbm>> -> memref<64x16xf32, #tpu.memory_space<hbm>>
        %dma_wait3A_110 = arith.constant 0 : i32
        %dma_wait3A_111 = tpu.memref_slice %arg4[%add3A_70, %dma_wait3A_110] : memref<327680x16xf32, #tpu.memory_space<hbm>> -> memref<64x16xf32, #tpu.memory_space<hbm>>
        tpu.wait_dma2 semaphore(%run_scoped3A : memref<!tpu.dma_semaphore, #tpu.memory_space<semaphore_mem>>) src(%dma_wait3A_111 : memref<64x16xf32, #tpu.memory_space<hbm>>) dst(%arg7 : memref<64x16xf32, #tpu.memory_space<vmem>>)
        tpu.yield
      }) : () -> ()
      %dma_wait3A = arith.constant 0 : i32
      %dma_wait3A_75 = arith.constant 0 : i32
      %dma_wait3A_76 = tpu.memref_slice %arg5[%dma_wait3A, %dma_wait3A_75] : memref<10240x128xf32, #tpu.memory_space<hbm>> -> memref<10240x128xf32, #tpu.memory_space<hbm>>
      tpu.wait_indirect_dma semaphore(%arg16 : memref<!tpu.dma_semaphore, #tpu.memory_space<semaphore_mem>>) src(%dma_wait3A_76 : memref<10240x128xf32, #tpu.memory_space<hbm>>) dst(%arg13 : memref<64x128xf32, #tpu.memory_space<vmem>>)
      %dma_start3A_77 = arith.constant 0 : i32
      %dma_start3A_78 = arith.constant 0 : i32
      %dma_start3A_79 = tpu.memref_slice %arg5[%dma_start3A_77, %dma_start3A_78] : memref<10240x128xf32, #tpu.memory_space<hbm>> -> memref<10240x128xf32, #tpu.memory_space<hbm>>
      tpu.enqueue_indirect_dma source(%dma_start3A_79 : memref<10240x128xf32, #tpu.memory_space<hbm>>) target(%arg14 : memref<64x128xf32, #tpu.memory_space<vmem>>) offsets(%arg10 : memref<64xi32, #tpu.memory_space<vmem>>) semaphore(%arg17 : memref<!tpu.dma_semaphore, #tpu.memory_space<semaphore_mem>>)
      %scan3A_80 = arith.constant 0 : i32
      %scan3A_81 = arith.constant 0 : i32
      %scan3A_82 = arith.constant 64 : i32
      %scan3A_83 = arith.addi %scan3A_81, %scan3A_82 : i32
      %scan3A_84 = arith.constant 1 : i32
      %scan3A_85 = scf.for %scan3A_104 = %scan3A_81 to %scan3A_83 step %scan3A_84 iter_args(%scan3A_105 = %scan3A_80) -> (i32)  : i32 {
        %get3A = arith.index_cast %scan3A_104 : i32 to index
        %get3A_106 = arith.constant 0 : index
        %get3A_107 = tpu.vector_load %arg7[%get3A, %get3A_106] {strides = array<i32>} : memref<64x16xf32, #tpu.memory_space<vmem>>, vector<16xf32>,
        %get3A_108 = arith.index_cast %scan3A_104 : i32 to index
        %get3A_109 = arith.constant 0 : index
        %get3A_110 = tpu.vector_load %arg13[%get3A_108, %get3A_109] {strides = array<i32>} : memref<64x128xf32, #tpu.memory_space<vmem>>, vector<16xf32>,
        %mul3A_111 = arith.mulf %get3A_110, %get3A_107 : vector<16xf32>
        %swap3A = arith.index_cast %scan3A_104 : i32 to index
        %swap3A_112 = arith.constant 0 : index
        %swap3A_113 = tpu.vector_load %arg13[%swap3A, %swap3A_112] {strides = array<i32>} : memref<64x128xf32, #tpu.memory_space<vmem>>, vector<16xf32>,
        tpu.vector_store %arg13[%swap3A, %swap3A_112], %mul3A_111 {strides = array<i32>} : memref<64x128xf32, #tpu.memory_space<vmem>>, vector<16xf32>,
        %get3A_114 = arith.index_cast %scan3A_104 : i32 to index
        %get3A_115 = arith.constant 16 : index
        %get3A_116 = tpu.vector_load %arg13[%get3A_114, %get3A_115] {strides = array<i32>} : memref<64x128xf32, #tpu.memory_space<vmem>>, vector<16xf32>,
        %mul3A_117 = arith.mulf %get3A_116, %get3A_107 : vector<16xf32>
        %swap3A_118 = arith.index_cast %scan3A_104 : i32 to index
        %swap3A_119 = arith.constant 16 : index
        %swap3A_120 = tpu.vector_load %arg13[%swap3A_118, %swap3A_119] {strides = array<i32>} : memref<64x128xf32, #tpu.memory_space<vmem>>, vector<16xf32>,
        tpu.vector_store %arg13[%swap3A_118, %swap3A_119], %mul3A_117 {strides = array<i32>} : memref<64x128xf32, #tpu.memory_space<vmem>>, vector<16xf32>,
        %get3A_121 = arith.index_cast %scan3A_104 : i32 to index
        %get3A_122 = arith.constant 32 : index
        %get3A_123 = tpu.vector_load %arg13[%get3A_121, %get3A_122] {strides = array<i32>} : memref<64x128xf32, #tpu.memory_space<vmem>>, vector<16xf32>,
        %mul3A_124 = arith.mulf %get3A_123, %get3A_107 : vector<16xf32>
        %swap3A_125 = arith.index_cast %scan3A_104 : i32 to index
        %swap3A_126 = arith.constant 32 : index
        %swap3A_127 = tpu.vector_load %arg13[%swap3A_125, %swap3A_126] {strides = array<i32>} : memref<64x128xf32, #tpu.memory_space<vmem>>, vector<16xf32>,
        tpu.vector_store %arg13[%swap3A_125, %swap3A_126], %mul3A_124 {strides = array<i32>} : memref<64x128xf32, #tpu.memory_space<vmem>>, vector<16xf32>,
        %get3A_128 = arith.index_cast %scan3A_104 : i32 to index
        %get3A_129 = arith.constant 48 : index
        %get3A_130 = tpu.vector_load %arg13[%get3A_128, %get3A_129] {strides = array<i32>} : memref<64x128xf32, #tpu.memory_space<vmem>>, vector<16xf32>,
        %mul3A_131 = arith.mulf %get3A_130, %get3A_107 : vector<16xf32>
        %swap3A_132 = arith.index_cast %scan3A_104 : i32 to index
        %swap3A_133 = arith.constant 48 : index
        %swap3A_134 = tpu.vector_load %arg13[%swap3A_132, %swap3A_133] {strides = array<i32>} : memref<64x128xf32, #tpu.memory_space<vmem>>, vector<16xf32>,
        tpu.vector_store %arg13[%swap3A_132, %swap3A_133], %mul3A_131 {strides = array<i32>} : memref<64x128xf32, #tpu.memory_space<vmem>>, vector<16xf32>,
        %get3A_135 = arith.index_cast %scan3A_104 : i32 to index
        %get3A_136 = arith.constant 64 : index
        %get3A_137 = tpu.vector_load %arg13[%get3A_135, %get3A_136] {strides = array<i32>} : memref<64x128xf32, #tpu.memory_space<vmem>>, vector<16xf32>,
        %mul3A_138 = arith.mulf %get3A_137, %get3A_107 : vector<16xf32>
        %swap3A_139 = arith.index_cast %scan3A_104 : i32 to index
        %swap3A_140 = arith.constant 64 : index
        %swap3A_141 = tpu.vector_load %arg13[%swap3A_139, %swap3A_140] {strides = array<i32>} : memref<64x128xf32, #tpu.memory_space<vmem>>, vector<16xf32>,
        tpu.vector_store %arg13[%swap3A_139, %swap3A_140], %mul3A_138 {strides = array<i32>} : memref<64x128xf32, #tpu.memory_space<vmem>>, vector<16xf32>,
        %get3A_142 = arith.index_cast %scan3A_104 : i32 to index
        %get3A_143 = arith.constant 80 : index
        %get3A_144 = tpu.vector_load %arg13[%get3A_142, %get3A_143] {strides = array<i32>} : memref<64x128xf32, #tpu.memory_space<vmem>>, vector<16xf32>,
        %mul3A_145 = arith.mulf %get3A_144, %get3A_107 : vector<16xf32>
        %swap3A_146 = arith.index_cast %scan3A_104 : i32 to index
        %swap3A_147 = arith.constant 80 : index
        %swap3A_148 = tpu.vector_load %arg13[%swap3A_146, %swap3A_147] {strides = array<i32>} : memref<64x128xf32, #tpu.memory_space<vmem>>, vector<16xf32>,
        tpu.vector_store %arg13[%swap3A_146, %swap3A_147], %mul3A_145 {strides = array<i32>} : memref<64x128xf32, #tpu.memory_space<vmem>>, vector<16xf32>,
        %get3A_149 = arith.index_cast %scan3A_104 : i32 to index
        %get3A_150 = arith.constant 96 : index
        %get3A_151 = tpu.vector_load %arg13[%get3A_149, %get3A_150] {strides = array<i32>} : memref<64x128xf32, #tpu.memory_space<vmem>>, vector<16xf32>,
        %mul3A_152 = arith.mulf %get3A_151, %get3A_107 : vector<16xf32>
        %swap3A_153 = arith.index_cast %scan3A_104 : i32 to index
        %swap3A_154 = arith.constant 96 : index
        %swap3A_155 = tpu.vector_load %arg13[%swap3A_153, %swap3A_154] {strides = array<i32>} : memref<64x128xf32, #tpu.memory_space<vmem>>, vector<16xf32>,
        tpu.vector_store %arg13[%swap3A_153, %swap3A_154], %mul3A_152 {strides = array<i32>} : memref<64x128xf32, #tpu.memory_space<vmem>>, vector<16xf32>,
        %get3A_156 = arith.index_cast %scan3A_104 : i32 to index
        %get3A_157 = arith.constant 112 : index
        %get3A_158 = tpu.vector_load %arg13[%get3A_156, %get3A_157] {strides = array<i32>} : memref<64x128xf32, #tpu.memory_space<vmem>>, vector<16xf32>,
        %mul3A_159 = arith.mulf %get3A_158, %get3A_107 : vector<16xf32>
        %swap3A_160 = arith.index_cast %scan3A_104 : i32 to index
        %swap3A_161 = arith.constant 112 : index
        %swap3A_162 = tpu.vector_load %arg13[%swap3A_160, %swap3A_161] {strides = array<i32>} : memref<64x128xf32, #tpu.memory_space<vmem>>, vector<16xf32>,
        tpu.vector_store %arg13[%swap3A_160, %swap3A_161], %mul3A_159 {strides = array<i32>} : memref<64x128xf32, #tpu.memory_space<vmem>>, vector<16xf32>,
        %scan3A_163 = arith.constant 0 : i32
        scf.yield %scan3A_163 : i32
      }
      %scan3A_86 = arith.constant 64 : i32
      "tpu.region"() ({
        %run_scoped3A = tpu.sem_alloc : memref<!tpu.dma_semaphore, #tpu.memory_space<semaphore_mem>>
        %dma_start3A_104 = arith.constant 0 : i32
        %dma_start3A_105 = arith.constant 0 : i32
        %dma_start3A_106 = tpu.memref_slice %arg15[%dma_start3A_104, %dma_start3A_105] : memref<10240x128xf32, #tpu.memory_space<vmem_shared>> -> memref<10240x128xf32, #tpu.memory_space<vmem_shared>>
        tpu.enqueue_indirect_dma source(%arg13 : memref<64x128xf32, #tpu.memory_space<vmem>>) target(%dma_start3A_106 : memref<10240x128xf32, #tpu.memory_space<vmem_shared>>) offsets(%arg11 : memref<64xi32, #tpu.memory_space<vmem>>) semaphore(%run_scoped3A : memref<!tpu.dma_semaphore, #tpu.memory_space<semaphore_mem>>) {add = true}
        %dma_wait3A_107 = arith.constant 0 : i32
        %dma_wait3A_108 = arith.constant 0 : i32
        %dma_wait3A_109 = tpu.memref_slice %arg15[%dma_wait3A_107, %dma_wait3A_108] : memref<10240x128xf32, #tpu.memory_space<vmem_shared>> -> memref<10240x128xf32, #tpu.memory_space<vmem_shared>>
        tpu.wait_indirect_dma semaphore(%run_scoped3A : memref<!tpu.dma_semaphore, #tpu.memory_space<semaphore_mem>>) src(%arg13 : memref<64x128xf32, #tpu.memory_space<vmem>>) dst(%dma_wait3A_109 : memref<10240x128xf32, #tpu.memory_space<vmem_shared>>)
        tpu.yield
      }) : () -> ()
      %add3A_87 = arith.constant 1 : i32
      %add3A_88 = arith.addi %scan3A_64, %add3A_87 : i32
      %lt3A = arith.constant 80 : i32
      %lt3A_89 = arith.cmpi slt, %add3A_88, %lt3A : i32
      %convert_element_type3A = arith.extui %lt3A_89 : i1 to i32
      %cond3A = arith.constant 0 : i32
      %cond3A_90 = arith.cmpi ne, %convert_element_type3A, %cond3A : i32
      scf.if %cond3A_90 {
        %add3A_104 = arith.constant 128 : i32
        %add3A_105 = arith.addi %add3A_70, %add3A_104 : i32
        "tpu.region"() ({
          %run_scoped3A = tpu.sem_alloc : memref<!tpu.dma_semaphore, #tpu.memory_space<semaphore_mem>>
          %dma_start3A_111 = tpu.memref_slice %arg2[%add3A_105] : memref<327680xi32, #tpu.memory_space<hbm>> -> memref<64xi32, #tpu.memory_space<hbm>>
          %dma_start3A_112 = tpu.memref_slice %arg2[%add3A_105] : memref<327680xi32, #tpu.memory_space<hbm>> -> memref<64xi32, #tpu.memory_space<hbm>>
          tpu.enqueue_dma source(%dma_start3A_112 : memref<64xi32, #tpu.memory_space<hbm>>) target(%arg9 : memref<64xi32, #tpu.memory_space<vmem>>) target_semaphore(%run_scoped3A : memref<!tpu.dma_semaphore, #tpu.memory_space<semaphore_mem>>)
          %dma_wait3A_113 = tpu.memref_slice %arg2[%add3A_105] : memref<327680xi32, #tpu.memory_space<hbm>> -> memref<64xi32, #tpu.memory_space<hbm>>
          %dma_wait3A_114 = tpu.memref_slice %arg2[%add3A_105] : memref<327680xi32, #tpu.memory_space<hbm>> -> memref<64xi32, #tpu.memory_space<hbm>>
          tpu.wait_dma2 semaphore(%run_scoped3A : memref<!tpu.dma_semaphore, #tpu.memory_space<semaphore_mem>>) src(%dma_wait3A_114 : memref<64xi32, #tpu.memory_space<hbm>>) dst(%arg9 : memref<64xi32, #tpu.memory_space<vmem>>)
          tpu.yield
        }) : () -> ()
        %add3A_106 = arith.constant 128 : i32
        %add3A_107 = arith.addi %add3A_70, %add3A_106 : i32
        "tpu.region"() ({
          %run_scoped3A = tpu.sem_alloc : memref<!tpu.dma_semaphore, #tpu.memory_space<semaphore_mem>>
          %dma_start3A_111 = tpu.memref_slice %arg3[%add3A_107] : memref<327680xi32, #tpu.memory_space<hbm>> -> memref<64xi32, #tpu.memory_space<hbm>>
          %dma_start3A_112 = tpu.memref_slice %arg3[%add3A_107] : memref<327680xi32, #tpu.memory_space<hbm>> -> memref<64xi32, #tpu.memory_space<hbm>>
          tpu.enqueue_dma source(%dma_start3A_112 : memref<64xi32, #tpu.memory_space<hbm>>) target(%arg11 : memref<64xi32, #tpu.memory_space<vmem>>) target_semaphore(%run_scoped3A : memref<!tpu.dma_semaphore, #tpu.memory_space<semaphore_mem>>)
          %dma_wait3A_113 = tpu.memref_slice %arg3[%add3A_107] : memref<327680xi32, #tpu.memory_space<hbm>> -> memref<64xi32, #tpu.memory_space<hbm>>
          %dma_wait3A_114 = tpu.memref_slice %arg3[%add3A_107] : memref<327680xi32, #tpu.memory_space<hbm>> -> memref<64xi32, #tpu.memory_space<hbm>>
          tpu.wait_dma2 semaphore(%run_scoped3A : memref<!tpu.dma_semaphore, #tpu.memory_space<semaphore_mem>>) src(%dma_wait3A_114 : memref<64xi32, #tpu.memory_space<hbm>>) dst(%arg11 : memref<64xi32, #tpu.memory_space<vmem>>)
          tpu.yield
        }) : () -> ()
        %dma_start3A_108 = arith.constant 0 : i32
        %dma_start3A_109 = arith.constant 0 : i32
        %dma_start3A_110 = tpu.memref_slice %arg5[%dma_start3A_108, %dma_start3A_109] : memref<10240x128xf32, #tpu.memory_space<hbm>> -> memref<10240x128xf32, #tpu.memory_space<hbm>>
        tpu.enqueue_indirect_dma source(%dma_start3A_110 : memref<10240x128xf32, #tpu.memory_space<hbm>>) target(%arg13 : memref<64x128xf32, #tpu.memory_space<vmem>>) offsets(%arg9 : memref<64xi32, #tpu.memory_space<vmem>>) semaphore(%arg16 : memref<!tpu.dma_semaphore, #tpu.memory_space<semaphore_mem>>)
      } else {
      }
      %add3A_91 = arith.constant 64 : i32
      %add3A_92 = arith.addi %add3A_70, %add3A_91 : i32
      "tpu.region"() ({
        %run_scoped3A = tpu.sem_alloc : memref<!tpu.dma_semaphore, #tpu.memory_space<semaphore_mem>>
        %dma_start3A_104 = arith.constant 0 : i32
        %dma_start3A_105 = tpu.memref_slice %arg4[%add3A_92, %dma_start3A_104] : memref<327680x16xf32, #tpu.memory_space<hbm>> -> memref<64x16xf32, #tpu.memory_space<hbm>>
        %dma_start3A_106 = arith.constant 0 : i32
        %dma_start3A_107 = tpu.memref_slice %arg4[%add3A_92, %dma_start3A_106] : memref<327680x16xf32, #tpu.memory_space<hbm>> -> memref<64x16xf32, #tpu.memory_space<hbm>>
        tpu.enqueue_dma source(%dma_start3A_107 : memref<64x16xf32, #tpu.memory_space<hbm>>) target(%arg8 : memref<64x16xf32, #tpu.memory_space<vmem>>) target_semaphore(%run_scoped3A : memref<!tpu.dma_semaphore, #tpu.memory_space<semaphore_mem>>)
        %dma_wait3A_108 = arith.constant 0 : i32
        %dma_wait3A_109 = tpu.memref_slice %arg4[%add3A_92, %dma_wait3A_108] : memref<327680x16xf32, #tpu.memory_space<hbm>> -> memref<64x16xf32, #tpu.memory_space<hbm>>
        %dma_wait3A_110 = arith.constant 0 : i32
        %dma_wait3A_111 = tpu.memref_slice %arg4[%add3A_92, %dma_wait3A_110] : memref<327680x16xf32, #tpu.memory_space<hbm>> -> memref<64x16xf32, #tpu.memory_space<hbm>>
        tpu.wait_dma2 semaphore(%run_scoped3A : memref<!tpu.dma_semaphore, #tpu.memory_space<semaphore_mem>>) src(%dma_wait3A_111 : memref<64x16xf32, #tpu.memory_space<hbm>>) dst(%arg8 : memref<64x16xf32, #tpu.memory_space<vmem>>)
        tpu.yield
      }) : () -> ()
      %dma_wait3A_93 = arith.constant 0 : i32
      %dma_wait3A_94 = arith.constant 0 : i32
      %dma_wait3A_95 = tpu.memref_slice %arg5[%dma_wait3A_93, %dma_wait3A_94] : memref<10240x128xf32, #tpu.memory_space<hbm>> -> memref<10240x128xf32, #tpu.memory_space<hbm>>
      tpu.wait_indirect_dma semaphore(%arg17 : memref<!tpu.dma_semaphore, #tpu.memory_space<semaphore_mem>>) src(%dma_wait3A_95 : memref<10240x128xf32, #tpu.memory_space<hbm>>) dst(%arg14 : memref<64x128xf32, #tpu.memory_space<vmem>>)
      %scan3A_96 = arith.constant 0 : i32
      %scan3A_97 = arith.constant 0 : i32
      %scan3A_98 = arith.constant 64 : i32
      %scan3A_99 = arith.addi %scan3A_97, %scan3A_98 : i32
      %scan3A_100 = arith.constant 1 : i32
      %scan3A_101 = scf.for %scan3A_104 = %scan3A_97 to %scan3A_99 step %scan3A_100 iter_args(%scan3A_105 = %scan3A_96) -> (i32)  : i32 {
        %get3A = arith.index_cast %scan3A_104 : i32 to index
        %get3A_106 = arith.constant 0 : index
        %get3A_107 = tpu.vector_load %arg8[%get3A, %get3A_106] {strides = array<i32>} : memref<64x16xf32, #tpu.memory_space<vmem>>, vector<16xf32>,
        %get3A_108 = arith.index_cast %scan3A_104 : i32 to index
        %get3A_109 = arith.constant 0 : index
        %get3A_110 = tpu.vector_load %arg14[%get3A_108, %get3A_109] {strides = array<i32>} : memref<64x128xf32, #tpu.memory_space<vmem>>, vector<16xf32>,
        %mul3A_111 = arith.mulf %get3A_110, %get3A_107 : vector<16xf32>
        %swap3A = arith.index_cast %scan3A_104 : i32 to index
        %swap3A_112 = arith.constant 0 : index
        %swap3A_113 = tpu.vector_load %arg14[%swap3A, %swap3A_112] {strides = array<i32>} : memref<64x128xf32, #tpu.memory_space<vmem>>, vector<16xf32>,
        tpu.vector_store %arg14[%swap3A, %swap3A_112], %mul3A_111 {strides = array<i32>} : memref<64x128xf32, #tpu.memory_space<vmem>>, vector<16xf32>,
        %get3A_114 = arith.index_cast %scan3A_104 : i32 to index
        %get3A_115 = arith.constant 16 : index
        %get3A_116 = tpu.vector_load %arg14[%get3A_114, %get3A_115] {strides = array<i32>} : memref<64x128xf32, #tpu.memory_space<vmem>>, vector<16xf32>,
        %mul3A_117 = arith.mulf %get3A_116, %get3A_107 : vector<16xf32>
        %swap3A_118 = arith.index_cast %scan3A_104 : i32 to index
        %swap3A_119 = arith.constant 16 : index
        %swap3A_120 = tpu.vector_load %arg14[%swap3A_118, %swap3A_119] {strides = array<i32>} : memref<64x128xf32, #tpu.memory_space<vmem>>, vector<16xf32>,
        tpu.vector_store %arg14[%swap3A_118, %swap3A_119], %mul3A_117 {strides = array<i32>} : memref<64x128xf32, #tpu.memory_space<vmem>>, vector<16xf32>,
        %get3A_121 = arith.index_cast %scan3A_104 : i32 to index
        %get3A_122 = arith.constant 32 : index
        %get3A_123 = tpu.vector_load %arg14[%get3A_121, %get3A_122] {strides = array<i32>} : memref<64x128xf32, #tpu.memory_space<vmem>>, vector<16xf32>,
        %mul3A_124 = arith.mulf %get3A_123, %get3A_107 : vector<16xf32>
        %swap3A_125 = arith.index_cast %scan3A_104 : i32 to index
        %swap3A_126 = arith.constant 32 : index
        %swap3A_127 = tpu.vector_load %arg14[%swap3A_125, %swap3A_126] {strides = array<i32>} : memref<64x128xf32, #tpu.memory_space<vmem>>, vector<16xf32>,
        tpu.vector_store %arg14[%swap3A_125, %swap3A_126], %mul3A_124 {strides = array<i32>} : memref<64x128xf32, #tpu.memory_space<vmem>>, vector<16xf32>,
        %get3A_128 = arith.index_cast %scan3A_104 : i32 to index
        %get3A_129 = arith.constant 48 : index
        %get3A_130 = tpu.vector_load %arg14[%get3A_128, %get3A_129] {strides = array<i32>} : memref<64x128xf32, #tpu.memory_space<vmem>>, vector<16xf32>,
        %mul3A_131 = arith.mulf %get3A_130, %get3A_107 : vector<16xf32>
        %swap3A_132 = arith.index_cast %scan3A_104 : i32 to index
        %swap3A_133 = arith.constant 48 : index
        %swap3A_134 = tpu.vector_load %arg14[%swap3A_132, %swap3A_133] {strides = array<i32>} : memref<64x128xf32, #tpu.memory_space<vmem>>, vector<16xf32>,
        tpu.vector_store %arg14[%swap3A_132, %swap3A_133], %mul3A_131 {strides = array<i32>} : memref<64x128xf32, #tpu.memory_space<vmem>>, vector<16xf32>,
        %get3A_135 = arith.index_cast %scan3A_104 : i32 to index
        %get3A_136 = arith.constant 64 : index
        %get3A_137 = tpu.vector_load %arg14[%get3A_135, %get3A_136] {strides = array<i32>} : memref<64x128xf32, #tpu.memory_space<vmem>>, vector<16xf32>,
        %mul3A_138 = arith.mulf %get3A_137, %get3A_107 : vector<16xf32>
        %swap3A_139 = arith.index_cast %scan3A_104 : i32 to index
        %swap3A_140 = arith.constant 64 : index
        %swap3A_141 = tpu.vector_load %arg14[%swap3A_139, %swap3A_140] {strides = array<i32>} : memref<64x128xf32, #tpu.memory_space<vmem>>, vector<16xf32>,
        tpu.vector_store %arg14[%swap3A_139, %swap3A_140], %mul3A_138 {strides = array<i32>} : memref<64x128xf32, #tpu.memory_space<vmem>>, vector<16xf32>,
        %get3A_142 = arith.index_cast %scan3A_104 : i32 to index
        %get3A_143 = arith.constant 80 : index
        %get3A_144 = tpu.vector_load %arg14[%get3A_142, %get3A_143] {strides = array<i32>} : memref<64x128xf32, #tpu.memory_space<vmem>>, vector<16xf32>,
        %mul3A_145 = arith.mulf %get3A_144, %get3A_107 : vector<16xf32>
        %swap3A_146 = arith.index_cast %scan3A_104 : i32 to index
        %swap3A_147 = arith.constant 80 : index
        %swap3A_148 = tpu.vector_load %arg14[%swap3A_146, %swap3A_147] {strides = array<i32>} : memref<64x128xf32, #tpu.memory_space<vmem>>, vector<16xf32>,
        tpu.vector_store %arg14[%swap3A_146, %swap3A_147], %mul3A_145 {strides = array<i32>} : memref<64x128xf32, #tpu.memory_space<vmem>>, vector<16xf32>,
        %get3A_149 = arith.index_cast %scan3A_104 : i32 to index
        %get3A_150 = arith.constant 96 : index
        %get3A_151 = tpu.vector_load %arg14[%get3A_149, %get3A_150] {strides = array<i32>} : memref<64x128xf32, #tpu.memory_space<vmem>>, vector<16xf32>,
        %mul3A_152 = arith.mulf %get3A_151, %get3A_107 : vector<16xf32>
        %swap3A_153 = arith.index_cast %scan3A_104 : i32 to index
        %swap3A_154 = arith.constant 96 : index
        %swap3A_155 = tpu.vector_load %arg14[%swap3A_153, %swap3A_154] {strides = array<i32>} : memref<64x128xf32, #tpu.memory_space<vmem>>, vector<16xf32>,
        tpu.vector_store %arg14[%swap3A_153, %swap3A_154], %mul3A_152 {strides = array<i32>} : memref<64x128xf32, #tpu.memory_space<vmem>>, vector<16xf32>,
        %get3A_156 = arith.index_cast %scan3A_104 : i32 to index
        %get3A_157 = arith.constant 112 : index
        %get3A_158 = tpu.vector_load %arg14[%get3A_156, %get3A_157] {strides = array<i32>} : memref<64x128xf32, #tpu.memory_space<vmem>>, vector<16xf32>,
        %mul3A_159 = arith.mulf %get3A_158, %get3A_107 : vector<16xf32>
        %swap3A_160 = arith.index_cast %scan3A_104 : i32 to index
        %swap3A_161 = arith.constant 112 : index
        %swap3A_162 = tpu.vector_load %arg14[%swap3A_160, %swap3A_161] {strides = array<i32>} : memref<64x128xf32, #tpu.memory_space<vmem>>, vector<16xf32>,
        tpu.vector_store %arg14[%swap3A_160, %swap3A_161], %mul3A_159 {strides = array<i32>} : memref<64x128xf32, #tpu.memory_space<vmem>>, vector<16xf32>,
        %scan3A_163 = arith.constant 0 : i32
        scf.yield %scan3A_163 : i32
      }
      %scan3A_102 = arith.constant 64 : i32
      "tpu.region"() ({
        %run_scoped3A = tpu.sem_alloc : memref<!tpu.dma_semaphore, #tpu.memory_space<semaphore_mem>>
        %dma_start3A_104 = arith.constant 0 : i32
        %dma_start3A_105 = arith.constant 0 : i32
        %dma_start3A_106 = tpu.memref_slice %arg15[%dma_start3A_104, %dma_start3A_105] : memref<10240x128xf32, #tpu.memory_space<vmem_shared>> -> memref<10240x128xf32, #tpu.memory_space<vmem_shared>>
        tpu.enqueue_indirect_dma source(%arg14 : memref<64x128xf32, #tpu.memory_space<vmem>>) target(%dma_start3A_106 : memref<10240x128xf32, #tpu.memory_space<vmem_shared>>) offsets(%arg12 : memref<64xi32, #tpu.memory_space<vmem>>) semaphore(%run_scoped3A : memref<!tpu.dma_semaphore, #tpu.memory_space<semaphore_mem>>) {add = true}
        %dma_wait3A_107 = arith.constant 0 : i32
        %dma_wait3A_108 = arith.constant 0 : i32
        %dma_wait3A_109 = tpu.memref_slice %arg15[%dma_wait3A_107, %dma_wait3A_108] : memref<10240x128xf32, #tpu.memory_space<vmem_shared>> -> memref<10240x128xf32, #tpu.memory_space<vmem_shared>>
        tpu.wait_indirect_dma semaphore(%run_scoped3A : memref<!tpu.dma_semaphore, #tpu.memory_space<semaphore_mem>>) src(%arg14 : memref<64x128xf32, #tpu.memory_space<vmem>>) dst(%dma_wait3A_109 : memref<10240x128xf32, #tpu.memory_space<vmem_shared>>)
        tpu.yield
      }) : () -> ()
      %scan3A_103 = arith.constant 0 : i32
      scf.yield %scan3A_103 : i32
    }
    %scan3A_58 = arith.constant 80 : i32
    %barrier3A_59 = arith.constant 0 : index
    tpu.barrier barrier_id(%barrier3A_59)
    %mul3A_60 = arith.constant 640 : i32
    %mul3A_61 = arith.muli %arg1, %mul3A_60 : i32
    %mul3A_62 = arith.constant 640 : i32
    %mul3A_63 = arith.muli %arg1, %mul3A_62 : i32
    "tpu.region"() ({
      %run_scoped3A = tpu.sem_alloc : memref<!tpu.dma_semaphore, #tpu.memory_space<semaphore_mem>>
      %dma_start3A_64 = arith.constant 0 : i32
      %dma_start3A_65 = tpu.memref_slice %arg6[%arg0, %mul3A_63, %dma_start3A_64] : memref<2x10240x128xf32, #tpu.memory_space<hbm>> -> memref<1x640x128xf32, #tpu.memory_space<hbm>>
      %dma_start3A_66 = tpu.memref_squeeze %dma_start3A_65 : memref<1x640x128xf32, #tpu.memory_space<hbm>> -> memref<640x128xf32, #tpu.memory_space<hbm>>
      %dma_start3A_67 = arith.constant 0 : i32
      %dma_start3A_68 = tpu.memref_slice %arg15[%mul3A_61, %dma_start3A_67] : memref<10240x128xf32, #tpu.memory_space<vmem_shared>> -> memref<640x128xf32, #tpu.memory_space<vmem_shared>>
      tpu.enqueue_dma source(%dma_start3A_68 : memref<640x128xf32, #tpu.memory_space<vmem_shared>>) target(%dma_start3A_66 : memref<640x128xf32, #tpu.memory_space<hbm>>) target_semaphore(%run_scoped3A : memref<!tpu.dma_semaphore, #tpu.memory_space<semaphore_mem>>)
      %dma_wait3A = arith.constant 0 : i32
      %dma_wait3A_69 = tpu.memref_slice %arg6[%arg0, %mul3A_63, %dma_wait3A] : memref<2x10240x128xf32, #tpu.memory_space<hbm>> -> memref<1x640x128xf32, #tpu.memory_space<hbm>>
      %dma_wait3A_70 = tpu.memref_squeeze %dma_wait3A_69 : memref<1x640x128xf32, #tpu.memory_space<hbm>> -> memref<640x128xf32, #tpu.memory_space<hbm>>
      %dma_wait3A_71 = arith.constant 0 : i32
      %dma_wait3A_72 = tpu.memref_slice %arg15[%mul3A_61, %dma_wait3A_71] : memref<10240x128xf32, #tpu.memory_space<vmem_shared>> -> memref<640x128xf32, #tpu.memory_space<vmem_shared>>
      tpu.wait_dma2 semaphore(%run_scoped3A : memref<!tpu.dma_semaphore, #tpu.memory_space<semaphore_mem>>) src(%dma_wait3A_72 : memref<640x128xf32, #tpu.memory_space<vmem_shared>>) dst(%dma_wait3A_70 : memref<640x128xf32, #tpu.memory_space<hbm>>)
      tpu.yield
    }) : () -> ()
    return
  }
}

#map = affine_map<(d0, d1) -> (0)>
#map1 = affine_map<(d0, d1) -> (0, 0)>
#map2 = affine_map<(d0, d1) -> (0, 0, 0)>
module attributes {stable_mosaic.version = 14 : i64} {
  func.func @_agg(%arg0: i32, %arg1: i32, %arg2: memref<327680xi32, #tpu.memory_space<hbm>>, %arg3: memref<327680xi32, #tpu.memory_space<hbm>>, %arg4: memref<327680xf32, #tpu.memory_space<hbm>>, %arg5: memref<10240x128xf32, #tpu.memory_space<hbm>>, %arg6: memref<2x10240x128xf32, #tpu.memory_space<hbm>>, %arg7: memref<64xi32, #tpu.memory_space<vmem>>, %arg8: memref<64xi32, #tpu.memory_space<vmem>>, %arg9: memref<64xi32, #tpu.memory_space<vmem>>, %arg10: memref<64xi32, #tpu.memory_space<vmem>>, %arg11: memref<64x128xf32, #tpu.memory_space<vmem>>, %arg12: memref<64x128xf32, #tpu.memory_space<vmem>>, %arg13: memref<10240x128xf32, #tpu.memory_space<vmem_shared>>, %arg14: memref<!tpu.dma_semaphore, #tpu.memory_space<semaphore_mem>>, %arg15: memref<!tpu.dma_semaphore, #tpu.memory_space<semaphore_mem>>) attributes {dimension_semantics = [#tpu.dimension_semantics<core_parallel>, #tpu.dimension_semantics<subcore_parallel>], iteration_bounds = array<i64: 2, 16>, scalar_prefetch = 0 : i64, scratch_operands = 9 : i64, tpu.core_type = #tpu.core_type<sc_vector_subcore>, window_params = [{transform_indices = #map}, {transform_indices = #map}, {transform_indices = #map}, {transform_indices = #map1}, {transform_indices = #map2}]} {
    %mul3A = arith.constant 16 : i32
    %mul3A_0 = arith.muli %arg0, %mul3A : i32
    %add3A = arith.addi %mul3A_0, %arg1 : i32
    %broadcast_in_dim3A = arith.constant 0.000000e+00 : f32
    %broadcast_in_dim3A_1 = vector.broadcast %broadcast_in_dim3A : f32 to vector<16xf32>
    %scan3A = arith.constant 0 : i32
    %scan3A_2 = arith.constant 0 : i32
    %scan3A_3 = arith.constant 64 : i32
    %scan3A_4 = arith.addi %scan3A_2, %scan3A_3 : i32
    %scan3A_5 = arith.constant 1 : i32
    %scan3A_6 = scf.for %scan3A_64 = %scan3A_2 to %scan3A_4 step %scan3A_5 iter_args(%scan3A_65 = %scan3A) -> (i32)  : i32 {
      %swap3A = arith.index_cast %scan3A_64 : i32 to index
      %swap3A_66 = arith.constant 0 : index
      %swap3A_67 = tpu.vector_load %arg11[%swap3A, %swap3A_66] {strides = array<i32>} : memref<64x128xf32, #tpu.memory_space<vmem>>, vector<16xf32>,
      tpu.vector_store %arg11[%swap3A, %swap3A_66], %broadcast_in_dim3A_1 {strides = array<i32>} : memref<64x128xf32, #tpu.memory_space<vmem>>, vector<16xf32>,
      %swap3A_68 = arith.index_cast %scan3A_64 : i32 to index
      %swap3A_69 = arith.constant 16 : index
      %swap3A_70 = tpu.vector_load %arg11[%swap3A_68, %swap3A_69] {strides = array<i32>} : memref<64x128xf32, #tpu.memory_space<vmem>>, vector<16xf32>,
      tpu.vector_store %arg11[%swap3A_68, %swap3A_69], %broadcast_in_dim3A_1 {strides = array<i32>} : memref<64x128xf32, #tpu.memory_space<vmem>>, vector<16xf32>,
      %swap3A_71 = arith.index_cast %scan3A_64 : i32 to index
      %swap3A_72 = arith.constant 32 : index
      %swap3A_73 = tpu.vector_load %arg11[%swap3A_71, %swap3A_72] {strides = array<i32>} : memref<64x128xf32, #tpu.memory_space<vmem>>, vector<16xf32>,
      tpu.vector_store %arg11[%swap3A_71, %swap3A_72], %broadcast_in_dim3A_1 {strides = array<i32>} : memref<64x128xf32, #tpu.memory_space<vmem>>, vector<16xf32>,
      %swap3A_74 = arith.index_cast %scan3A_64 : i32 to index
      %swap3A_75 = arith.constant 48 : index
      %swap3A_76 = tpu.vector_load %arg11[%swap3A_74, %swap3A_75] {strides = array<i32>} : memref<64x128xf32, #tpu.memory_space<vmem>>, vector<16xf32>,
      tpu.vector_store %arg11[%swap3A_74, %swap3A_75], %broadcast_in_dim3A_1 {strides = array<i32>} : memref<64x128xf32, #tpu.memory_space<vmem>>, vector<16xf32>,
      %swap3A_77 = arith.index_cast %scan3A_64 : i32 to index
      %swap3A_78 = arith.constant 64 : index
      %swap3A_79 = tpu.vector_load %arg11[%swap3A_77, %swap3A_78] {strides = array<i32>} : memref<64x128xf32, #tpu.memory_space<vmem>>, vector<16xf32>,
      tpu.vector_store %arg11[%swap3A_77, %swap3A_78], %broadcast_in_dim3A_1 {strides = array<i32>} : memref<64x128xf32, #tpu.memory_space<vmem>>, vector<16xf32>,
      %swap3A_80 = arith.index_cast %scan3A_64 : i32 to index
      %swap3A_81 = arith.constant 80 : index
      %swap3A_82 = tpu.vector_load %arg11[%swap3A_80, %swap3A_81] {strides = array<i32>} : memref<64x128xf32, #tpu.memory_space<vmem>>, vector<16xf32>,
      tpu.vector_store %arg11[%swap3A_80, %swap3A_81], %broadcast_in_dim3A_1 {strides = array<i32>} : memref<64x128xf32, #tpu.memory_space<vmem>>, vector<16xf32>,
      %swap3A_83 = arith.index_cast %scan3A_64 : i32 to index
      %swap3A_84 = arith.constant 96 : index
      %swap3A_85 = tpu.vector_load %arg11[%swap3A_83, %swap3A_84] {strides = array<i32>} : memref<64x128xf32, #tpu.memory_space<vmem>>, vector<16xf32>,
      tpu.vector_store %arg11[%swap3A_83, %swap3A_84], %broadcast_in_dim3A_1 {strides = array<i32>} : memref<64x128xf32, #tpu.memory_space<vmem>>, vector<16xf32>,
      %swap3A_86 = arith.index_cast %scan3A_64 : i32 to index
      %swap3A_87 = arith.constant 112 : index
      %swap3A_88 = tpu.vector_load %arg11[%swap3A_86, %swap3A_87] {strides = array<i32>} : memref<64x128xf32, #tpu.memory_space<vmem>>, vector<16xf32>,
      tpu.vector_store %arg11[%swap3A_86, %swap3A_87], %broadcast_in_dim3A_1 {strides = array<i32>} : memref<64x128xf32, #tpu.memory_space<vmem>>, vector<16xf32>,
      %scan3A_89 = arith.constant 0 : i32
      scf.yield %scan3A_89 : i32
    }
    %scan3A_7 = arith.constant 64 : i32
    %mul3A_8 = arith.constant 640 : i32
    %mul3A_9 = arith.muli %arg1, %mul3A_8 : i32
    %add3A_10 = arith.constant 0 : i32
    %add3A_11 = arith.addi %mul3A_9, %add3A_10 : i32
    "tpu.region"() ({
      %run_scoped3A = tpu.sem_alloc : memref<!tpu.dma_semaphore, #tpu.memory_space<semaphore_mem>>
      %dma_start3A_64 = arith.constant 0 : i32
      %dma_start3A_65 = tpu.memref_slice %arg13[%add3A_11, %dma_start3A_64] : memref<10240x128xf32, #tpu.memory_space<vmem_shared>> -> memref<64x128xf32, #tpu.memory_space<vmem_shared>>
      %dma_start3A_66 = arith.constant 0 : i32
      %dma_start3A_67 = tpu.memref_slice %arg13[%add3A_11, %dma_start3A_66] : memref<10240x128xf32, #tpu.memory_space<vmem_shared>> -> memref<64x128xf32, #tpu.memory_space<vmem_shared>>
      tpu.enqueue_dma source(%arg11 : memref<64x128xf32, #tpu.memory_space<vmem>>) target(%dma_start3A_67 : memref<64x128xf32, #tpu.memory_space<vmem_shared>>) target_semaphore(%run_scoped3A : memref<!tpu.dma_semaphore, #tpu.memory_space<semaphore_mem>>)
      %dma_wait3A = arith.constant 0 : i32
      %dma_wait3A_68 = tpu.memref_slice %arg13[%add3A_11, %dma_wait3A] : memref<10240x128xf32, #tpu.memory_space<vmem_shared>> -> memref<64x128xf32, #tpu.memory_space<vmem_shared>>
      %dma_wait3A_69 = arith.constant 0 : i32
      %dma_wait3A_70 = tpu.memref_slice %arg13[%add3A_11, %dma_wait3A_69] : memref<10240x128xf32, #tpu.memory_space<vmem_shared>> -> memref<64x128xf32, #tpu.memory_space<vmem_shared>>
      tpu.wait_dma2 semaphore(%run_scoped3A : memref<!tpu.dma_semaphore, #tpu.memory_space<semaphore_mem>>) src(%arg11 : memref<64x128xf32, #tpu.memory_space<vmem>>) dst(%dma_wait3A_70 : memref<64x128xf32, #tpu.memory_space<vmem_shared>>)
      tpu.yield
    }) : () -> ()
    %mul3A_12 = arith.constant 640 : i32
    %mul3A_13 = arith.muli %arg1, %mul3A_12 : i32
    %add3A_14 = arith.constant 64 : i32
    %add3A_15 = arith.addi %mul3A_13, %add3A_14 : i32
    "tpu.region"() ({
      %run_scoped3A = tpu.sem_alloc : memref<!tpu.dma_semaphore, #tpu.memory_space<semaphore_mem>>
      %dma_start3A_64 = arith.constant 0 : i32
      %dma_start3A_65 = tpu.memref_slice %arg13[%add3A_15, %dma_start3A_64] : memref<10240x128xf32, #tpu.memory_space<vmem_shared>> -> memref<64x128xf32, #tpu.memory_space<vmem_shared>>
      %dma_start3A_66 = arith.constant 0 : i32
      %dma_start3A_67 = tpu.memref_slice %arg13[%add3A_15, %dma_start3A_66] : memref<10240x128xf32, #tpu.memory_space<vmem_shared>> -> memref<64x128xf32, #tpu.memory_space<vmem_shared>>
      tpu.enqueue_dma source(%arg11 : memref<64x128xf32, #tpu.memory_space<vmem>>) target(%dma_start3A_67 : memref<64x128xf32, #tpu.memory_space<vmem_shared>>) target_semaphore(%run_scoped3A : memref<!tpu.dma_semaphore, #tpu.memory_space<semaphore_mem>>)
      %dma_wait3A = arith.constant 0 : i32
      %dma_wait3A_68 = tpu.memref_slice %arg13[%add3A_15, %dma_wait3A] : memref<10240x128xf32, #tpu.memory_space<vmem_shared>> -> memref<64x128xf32, #tpu.memory_space<vmem_shared>>
      %dma_wait3A_69 = arith.constant 0 : i32
      %dma_wait3A_70 = tpu.memref_slice %arg13[%add3A_15, %dma_wait3A_69] : memref<10240x128xf32, #tpu.memory_space<vmem_shared>> -> memref<64x128xf32, #tpu.memory_space<vmem_shared>>
      tpu.wait_dma2 semaphore(%run_scoped3A : memref<!tpu.dma_semaphore, #tpu.memory_space<semaphore_mem>>) src(%arg11 : memref<64x128xf32, #tpu.memory_space<vmem>>) dst(%dma_wait3A_70 : memref<64x128xf32, #tpu.memory_space<vmem_shared>>)
      tpu.yield
    }) : () -> ()
    %mul3A_16 = arith.constant 640 : i32
    %mul3A_17 = arith.muli %arg1, %mul3A_16 : i32
    %add3A_18 = arith.constant 128 : i32
    %add3A_19 = arith.addi %mul3A_17, %add3A_18 : i32
    "tpu.region"() ({
      %run_scoped3A = tpu.sem_alloc : memref<!tpu.dma_semaphore, #tpu.memory_space<semaphore_mem>>
      %dma_start3A_64 = arith.constant 0 : i32
      %dma_start3A_65 = tpu.memref_slice %arg13[%add3A_19, %dma_start3A_64] : memref<10240x128xf32, #tpu.memory_space<vmem_shared>> -> memref<64x128xf32, #tpu.memory_space<vmem_shared>>
      %dma_start3A_66 = arith.constant 0 : i32
      %dma_start3A_67 = tpu.memref_slice %arg13[%add3A_19, %dma_start3A_66] : memref<10240x128xf32, #tpu.memory_space<vmem_shared>> -> memref<64x128xf32, #tpu.memory_space<vmem_shared>>
      tpu.enqueue_dma source(%arg11 : memref<64x128xf32, #tpu.memory_space<vmem>>) target(%dma_start3A_67 : memref<64x128xf32, #tpu.memory_space<vmem_shared>>) target_semaphore(%run_scoped3A : memref<!tpu.dma_semaphore, #tpu.memory_space<semaphore_mem>>)
      %dma_wait3A = arith.constant 0 : i32
      %dma_wait3A_68 = tpu.memref_slice %arg13[%add3A_19, %dma_wait3A] : memref<10240x128xf32, #tpu.memory_space<vmem_shared>> -> memref<64x128xf32, #tpu.memory_space<vmem_shared>>
      %dma_wait3A_69 = arith.constant 0 : i32
      %dma_wait3A_70 = tpu.memref_slice %arg13[%add3A_19, %dma_wait3A_69] : memref<10240x128xf32, #tpu.memory_space<vmem_shared>> -> memref<64x128xf32, #tpu.memory_space<vmem_shared>>
      tpu.wait_dma2 semaphore(%run_scoped3A : memref<!tpu.dma_semaphore, #tpu.memory_space<semaphore_mem>>) src(%arg11 : memref<64x128xf32, #tpu.memory_space<vmem>>) dst(%dma_wait3A_70 : memref<64x128xf32, #tpu.memory_space<vmem_shared>>)
      tpu.yield
    }) : () -> ()
    %mul3A_20 = arith.constant 640 : i32
    %mul3A_21 = arith.muli %arg1, %mul3A_20 : i32
    %add3A_22 = arith.constant 192 : i32
    %add3A_23 = arith.addi %mul3A_21, %add3A_22 : i32
    "tpu.region"() ({
      %run_scoped3A = tpu.sem_alloc : memref<!tpu.dma_semaphore, #tpu.memory_space<semaphore_mem>>
      %dma_start3A_64 = arith.constant 0 : i32
      %dma_start3A_65 = tpu.memref_slice %arg13[%add3A_23, %dma_start3A_64] : memref<10240x128xf32, #tpu.memory_space<vmem_shared>> -> memref<64x128xf32, #tpu.memory_space<vmem_shared>>
      %dma_start3A_66 = arith.constant 0 : i32
      %dma_start3A_67 = tpu.memref_slice %arg13[%add3A_23, %dma_start3A_66] : memref<10240x128xf32, #tpu.memory_space<vmem_shared>> -> memref<64x128xf32, #tpu.memory_space<vmem_shared>>
      tpu.enqueue_dma source(%arg11 : memref<64x128xf32, #tpu.memory_space<vmem>>) target(%dma_start3A_67 : memref<64x128xf32, #tpu.memory_space<vmem_shared>>) target_semaphore(%run_scoped3A : memref<!tpu.dma_semaphore, #tpu.memory_space<semaphore_mem>>)
      %dma_wait3A = arith.constant 0 : i32
      %dma_wait3A_68 = tpu.memref_slice %arg13[%add3A_23, %dma_wait3A] : memref<10240x128xf32, #tpu.memory_space<vmem_shared>> -> memref<64x128xf32, #tpu.memory_space<vmem_shared>>
      %dma_wait3A_69 = arith.constant 0 : i32
      %dma_wait3A_70 = tpu.memref_slice %arg13[%add3A_23, %dma_wait3A_69] : memref<10240x128xf32, #tpu.memory_space<vmem_shared>> -> memref<64x128xf32, #tpu.memory_space<vmem_shared>>
      tpu.wait_dma2 semaphore(%run_scoped3A : memref<!tpu.dma_semaphore, #tpu.memory_space<semaphore_mem>>) src(%arg11 : memref<64x128xf32, #tpu.memory_space<vmem>>) dst(%dma_wait3A_70 : memref<64x128xf32, #tpu.memory_space<vmem_shared>>)
      tpu.yield
    }) : () -> ()
    %mul3A_24 = arith.constant 640 : i32
    %mul3A_25 = arith.muli %arg1, %mul3A_24 : i32
    %add3A_26 = arith.constant 256 : i32
    %add3A_27 = arith.addi %mul3A_25, %add3A_26 : i32
    "tpu.region"() ({
      %run_scoped3A = tpu.sem_alloc : memref<!tpu.dma_semaphore, #tpu.memory_space<semaphore_mem>>
      %dma_start3A_64 = arith.constant 0 : i32
      %dma_start3A_65 = tpu.memref_slice %arg13[%add3A_27, %dma_start3A_64] : memref<10240x128xf32, #tpu.memory_space<vmem_shared>> -> memref<64x128xf32, #tpu.memory_space<vmem_shared>>
      %dma_start3A_66 = arith.constant 0 : i32
      %dma_start3A_67 = tpu.memref_slice %arg13[%add3A_27, %dma_start3A_66] : memref<10240x128xf32, #tpu.memory_space<vmem_shared>> -> memref<64x128xf32, #tpu.memory_space<vmem_shared>>
      tpu.enqueue_dma source(%arg11 : memref<64x128xf32, #tpu.memory_space<vmem>>) target(%dma_start3A_67 : memref<64x128xf32, #tpu.memory_space<vmem_shared>>) target_semaphore(%run_scoped3A : memref<!tpu.dma_semaphore, #tpu.memory_space<semaphore_mem>>)
      %dma_wait3A = arith.constant 0 : i32
      %dma_wait3A_68 = tpu.memref_slice %arg13[%add3A_27, %dma_wait3A] : memref<10240x128xf32, #tpu.memory_space<vmem_shared>> -> memref<64x128xf32, #tpu.memory_space<vmem_shared>>
      %dma_wait3A_69 = arith.constant 0 : i32
      %dma_wait3A_70 = tpu.memref_slice %arg13[%add3A_27, %dma_wait3A_69] : memref<10240x128xf32, #tpu.memory_space<vmem_shared>> -> memref<64x128xf32, #tpu.memory_space<vmem_shared>>
      tpu.wait_dma2 semaphore(%run_scoped3A : memref<!tpu.dma_semaphore, #tpu.memory_space<semaphore_mem>>) src(%arg11 : memref<64x128xf32, #tpu.memory_space<vmem>>) dst(%dma_wait3A_70 : memref<64x128xf32, #tpu.memory_space<vmem_shared>>)
      tpu.yield
    }) : () -> ()
    %mul3A_28 = arith.constant 640 : i32
    %mul3A_29 = arith.muli %arg1, %mul3A_28 : i32
    %add3A_30 = arith.constant 320 : i32
    %add3A_31 = arith.addi %mul3A_29, %add3A_30 : i32
    "tpu.region"() ({
      %run_scoped3A = tpu.sem_alloc : memref<!tpu.dma_semaphore, #tpu.memory_space<semaphore_mem>>
      %dma_start3A_64 = arith.constant 0 : i32
      %dma_start3A_65 = tpu.memref_slice %arg13[%add3A_31, %dma_start3A_64] : memref<10240x128xf32, #tpu.memory_space<vmem_shared>> -> memref<64x128xf32, #tpu.memory_space<vmem_shared>>
      %dma_start3A_66 = arith.constant 0 : i32
      %dma_start3A_67 = tpu.memref_slice %arg13[%add3A_31, %dma_start3A_66] : memref<10240x128xf32, #tpu.memory_space<vmem_shared>> -> memref<64x128xf32, #tpu.memory_space<vmem_shared>>
      tpu.enqueue_dma source(%arg11 : memref<64x128xf32, #tpu.memory_space<vmem>>) target(%dma_start3A_67 : memref<64x128xf32, #tpu.memory_space<vmem_shared>>) target_semaphore(%run_scoped3A : memref<!tpu.dma_semaphore, #tpu.memory_space<semaphore_mem>>)
      %dma_wait3A = arith.constant 0 : i32
      %dma_wait3A_68 = tpu.memref_slice %arg13[%add3A_31, %dma_wait3A] : memref<10240x128xf32, #tpu.memory_space<vmem_shared>> -> memref<64x128xf32, #tpu.memory_space<vmem_shared>>
      %dma_wait3A_69 = arith.constant 0 : i32
      %dma_wait3A_70 = tpu.memref_slice %arg13[%add3A_31, %dma_wait3A_69] : memref<10240x128xf32, #tpu.memory_space<vmem_shared>> -> memref<64x128xf32, #tpu.memory_space<vmem_shared>>
      tpu.wait_dma2 semaphore(%run_scoped3A : memref<!tpu.dma_semaphore, #tpu.memory_space<semaphore_mem>>) src(%arg11 : memref<64x128xf32, #tpu.memory_space<vmem>>) dst(%dma_wait3A_70 : memref<64x128xf32, #tpu.memory_space<vmem_shared>>)
      tpu.yield
    }) : () -> ()
    %mul3A_32 = arith.constant 640 : i32
    %mul3A_33 = arith.muli %arg1, %mul3A_32 : i32
    %add3A_34 = arith.constant 384 : i32
    %add3A_35 = arith.addi %mul3A_33, %add3A_34 : i32
    "tpu.region"() ({
      %run_scoped3A = tpu.sem_alloc : memref<!tpu.dma_semaphore, #tpu.memory_space<semaphore_mem>>
      %dma_start3A_64 = arith.constant 0 : i32
      %dma_start3A_65 = tpu.memref_slice %arg13[%add3A_35, %dma_start3A_64] : memref<10240x128xf32, #tpu.memory_space<vmem_shared>> -> memref<64x128xf32, #tpu.memory_space<vmem_shared>>
      %dma_start3A_66 = arith.constant 0 : i32
      %dma_start3A_67 = tpu.memref_slice %arg13[%add3A_35, %dma_start3A_66] : memref<10240x128xf32, #tpu.memory_space<vmem_shared>> -> memref<64x128xf32, #tpu.memory_space<vmem_shared>>
      tpu.enqueue_dma source(%arg11 : memref<64x128xf32, #tpu.memory_space<vmem>>) target(%dma_start3A_67 : memref<64x128xf32, #tpu.memory_space<vmem_shared>>) target_semaphore(%run_scoped3A : memref<!tpu.dma_semaphore, #tpu.memory_space<semaphore_mem>>)
      %dma_wait3A = arith.constant 0 : i32
      %dma_wait3A_68 = tpu.memref_slice %arg13[%add3A_35, %dma_wait3A] : memref<10240x128xf32, #tpu.memory_space<vmem_shared>> -> memref<64x128xf32, #tpu.memory_space<vmem_shared>>
      %dma_wait3A_69 = arith.constant 0 : i32
      %dma_wait3A_70 = tpu.memref_slice %arg13[%add3A_35, %dma_wait3A_69] : memref<10240x128xf32, #tpu.memory_space<vmem_shared>> -> memref<64x128xf32, #tpu.memory_space<vmem_shared>>
      tpu.wait_dma2 semaphore(%run_scoped3A : memref<!tpu.dma_semaphore, #tpu.memory_space<semaphore_mem>>) src(%arg11 : memref<64x128xf32, #tpu.memory_space<vmem>>) dst(%dma_wait3A_70 : memref<64x128xf32, #tpu.memory_space<vmem_shared>>)
      tpu.yield
    }) : () -> ()
    %mul3A_36 = arith.constant 640 : i32
    %mul3A_37 = arith.muli %arg1, %mul3A_36 : i32
    %add3A_38 = arith.constant 448 : i32
    %add3A_39 = arith.addi %mul3A_37, %add3A_38 : i32
    "tpu.region"() ({
      %run_scoped3A = tpu.sem_alloc : memref<!tpu.dma_semaphore, #tpu.memory_space<semaphore_mem>>
      %dma_start3A_64 = arith.constant 0 : i32
      %dma_start3A_65 = tpu.memref_slice %arg13[%add3A_39, %dma_start3A_64] : memref<10240x128xf32, #tpu.memory_space<vmem_shared>> -> memref<64x128xf32, #tpu.memory_space<vmem_shared>>
      %dma_start3A_66 = arith.constant 0 : i32
      %dma_start3A_67 = tpu.memref_slice %arg13[%add3A_39, %dma_start3A_66] : memref<10240x128xf32, #tpu.memory_space<vmem_shared>> -> memref<64x128xf32, #tpu.memory_space<vmem_shared>>
      tpu.enqueue_dma source(%arg11 : memref<64x128xf32, #tpu.memory_space<vmem>>) target(%dma_start3A_67 : memref<64x128xf32, #tpu.memory_space<vmem_shared>>) target_semaphore(%run_scoped3A : memref<!tpu.dma_semaphore, #tpu.memory_space<semaphore_mem>>)
      %dma_wait3A = arith.constant 0 : i32
      %dma_wait3A_68 = tpu.memref_slice %arg13[%add3A_39, %dma_wait3A] : memref<10240x128xf32, #tpu.memory_space<vmem_shared>> -> memref<64x128xf32, #tpu.memory_space<vmem_shared>>
      %dma_wait3A_69 = arith.constant 0 : i32
      %dma_wait3A_70 = tpu.memref_slice %arg13[%add3A_39, %dma_wait3A_69] : memref<10240x128xf32, #tpu.memory_space<vmem_shared>> -> memref<64x128xf32, #tpu.memory_space<vmem_shared>>
      tpu.wait_dma2 semaphore(%run_scoped3A : memref<!tpu.dma_semaphore, #tpu.memory_space<semaphore_mem>>) src(%arg11 : memref<64x128xf32, #tpu.memory_space<vmem>>) dst(%dma_wait3A_70 : memref<64x128xf32, #tpu.memory_space<vmem_shared>>)
      tpu.yield
    }) : () -> ()
    %mul3A_40 = arith.constant 640 : i32
    %mul3A_41 = arith.muli %arg1, %mul3A_40 : i32
    %add3A_42 = arith.constant 512 : i32
    %add3A_43 = arith.addi %mul3A_41, %add3A_42 : i32
    "tpu.region"() ({
      %run_scoped3A = tpu.sem_alloc : memref<!tpu.dma_semaphore, #tpu.memory_space<semaphore_mem>>
      %dma_start3A_64 = arith.constant 0 : i32
      %dma_start3A_65 = tpu.memref_slice %arg13[%add3A_43, %dma_start3A_64] : memref<10240x128xf32, #tpu.memory_space<vmem_shared>> -> memref<64x128xf32, #tpu.memory_space<vmem_shared>>
      %dma_start3A_66 = arith.constant 0 : i32
      %dma_start3A_67 = tpu.memref_slice %arg13[%add3A_43, %dma_start3A_66] : memref<10240x128xf32, #tpu.memory_space<vmem_shared>> -> memref<64x128xf32, #tpu.memory_space<vmem_shared>>
      tpu.enqueue_dma source(%arg11 : memref<64x128xf32, #tpu.memory_space<vmem>>) target(%dma_start3A_67 : memref<64x128xf32, #tpu.memory_space<vmem_shared>>) target_semaphore(%run_scoped3A : memref<!tpu.dma_semaphore, #tpu.memory_space<semaphore_mem>>)
      %dma_wait3A = arith.constant 0 : i32
      %dma_wait3A_68 = tpu.memref_slice %arg13[%add3A_43, %dma_wait3A] : memref<10240x128xf32, #tpu.memory_space<vmem_shared>> -> memref<64x128xf32, #tpu.memory_space<vmem_shared>>
      %dma_wait3A_69 = arith.constant 0 : i32
      %dma_wait3A_70 = tpu.memref_slice %arg13[%add3A_43, %dma_wait3A_69] : memref<10240x128xf32, #tpu.memory_space<vmem_shared>> -> memref<64x128xf32, #tpu.memory_space<vmem_shared>>
      tpu.wait_dma2 semaphore(%run_scoped3A : memref<!tpu.dma_semaphore, #tpu.memory_space<semaphore_mem>>) src(%arg11 : memref<64x128xf32, #tpu.memory_space<vmem>>) dst(%dma_wait3A_70 : memref<64x128xf32, #tpu.memory_space<vmem_shared>>)
      tpu.yield
    }) : () -> ()
    %mul3A_44 = arith.constant 640 : i32
    %mul3A_45 = arith.muli %arg1, %mul3A_44 : i32
    %add3A_46 = arith.constant 576 : i32
    %add3A_47 = arith.addi %mul3A_45, %add3A_46 : i32
    "tpu.region"() ({
      %run_scoped3A = tpu.sem_alloc : memref<!tpu.dma_semaphore, #tpu.memory_space<semaphore_mem>>
      %dma_start3A_64 = arith.constant 0 : i32
      %dma_start3A_65 = tpu.memref_slice %arg13[%add3A_47, %dma_start3A_64] : memref<10240x128xf32, #tpu.memory_space<vmem_shared>> -> memref<64x128xf32, #tpu.memory_space<vmem_shared>>
      %dma_start3A_66 = arith.constant 0 : i32
      %dma_start3A_67 = tpu.memref_slice %arg13[%add3A_47, %dma_start3A_66] : memref<10240x128xf32, #tpu.memory_space<vmem_shared>> -> memref<64x128xf32, #tpu.memory_space<vmem_shared>>
      tpu.enqueue_dma source(%arg11 : memref<64x128xf32, #tpu.memory_space<vmem>>) target(%dma_start3A_67 : memref<64x128xf32, #tpu.memory_space<vmem_shared>>) target_semaphore(%run_scoped3A : memref<!tpu.dma_semaphore, #tpu.memory_space<semaphore_mem>>)
      %dma_wait3A = arith.constant 0 : i32
      %dma_wait3A_68 = tpu.memref_slice %arg13[%add3A_47, %dma_wait3A] : memref<10240x128xf32, #tpu.memory_space<vmem_shared>> -> memref<64x128xf32, #tpu.memory_space<vmem_shared>>
      %dma_wait3A_69 = arith.constant 0 : i32
      %dma_wait3A_70 = tpu.memref_slice %arg13[%add3A_47, %dma_wait3A_69] : memref<10240x128xf32, #tpu.memory_space<vmem_shared>> -> memref<64x128xf32, #tpu.memory_space<vmem_shared>>
      tpu.wait_dma2 semaphore(%run_scoped3A : memref<!tpu.dma_semaphore, #tpu.memory_space<semaphore_mem>>) src(%arg11 : memref<64x128xf32, #tpu.memory_space<vmem>>) dst(%dma_wait3A_70 : memref<64x128xf32, #tpu.memory_space<vmem_shared>>)
      tpu.yield
    }) : () -> ()
    %barrier3A = arith.constant 0 : index
    tpu.barrier barrier_id(%barrier3A)
    %mul3A_48 = arith.constant 10240 : i32
    %mul3A_49 = arith.muli %add3A, %mul3A_48 : i32
    "tpu.region"() ({
      %run_scoped3A = tpu.sem_alloc : memref<!tpu.dma_semaphore, #tpu.memory_space<semaphore_mem>>
      %dma_start3A_64 = tpu.memref_slice %arg2[%mul3A_49] : memref<327680xi32, #tpu.memory_space<hbm>> -> memref<64xi32, #tpu.memory_space<hbm>>
      %dma_start3A_65 = tpu.memref_slice %arg2[%mul3A_49] : memref<327680xi32, #tpu.memory_space<hbm>> -> memref<64xi32, #tpu.memory_space<hbm>>
      tpu.enqueue_dma source(%dma_start3A_65 : memref<64xi32, #tpu.memory_space<hbm>>) target(%arg7 : memref<64xi32, #tpu.memory_space<vmem>>) target_semaphore(%run_scoped3A : memref<!tpu.dma_semaphore, #tpu.memory_space<semaphore_mem>>)
      %dma_wait3A = tpu.memref_slice %arg2[%mul3A_49] : memref<327680xi32, #tpu.memory_space<hbm>> -> memref<64xi32, #tpu.memory_space<hbm>>
      %dma_wait3A_66 = tpu.memref_slice %arg2[%mul3A_49] : memref<327680xi32, #tpu.memory_space<hbm>> -> memref<64xi32, #tpu.memory_space<hbm>>
      tpu.wait_dma2 semaphore(%run_scoped3A : memref<!tpu.dma_semaphore, #tpu.memory_space<semaphore_mem>>) src(%dma_wait3A_66 : memref<64xi32, #tpu.memory_space<hbm>>) dst(%arg7 : memref<64xi32, #tpu.memory_space<vmem>>)
      tpu.yield
    }) : () -> ()
    "tpu.region"() ({
      %run_scoped3A = tpu.sem_alloc : memref<!tpu.dma_semaphore, #tpu.memory_space<semaphore_mem>>
      %dma_start3A_64 = tpu.memref_slice %arg3[%mul3A_49] : memref<327680xi32, #tpu.memory_space<hbm>> -> memref<64xi32, #tpu.memory_space<hbm>>
      %dma_start3A_65 = tpu.memref_slice %arg3[%mul3A_49] : memref<327680xi32, #tpu.memory_space<hbm>> -> memref<64xi32, #tpu.memory_space<hbm>>
      tpu.enqueue_dma source(%dma_start3A_65 : memref<64xi32, #tpu.memory_space<hbm>>) target(%arg9 : memref<64xi32, #tpu.memory_space<vmem>>) target_semaphore(%run_scoped3A : memref<!tpu.dma_semaphore, #tpu.memory_space<semaphore_mem>>)
      %dma_wait3A = tpu.memref_slice %arg3[%mul3A_49] : memref<327680xi32, #tpu.memory_space<hbm>> -> memref<64xi32, #tpu.memory_space<hbm>>
      %dma_wait3A_66 = tpu.memref_slice %arg3[%mul3A_49] : memref<327680xi32, #tpu.memory_space<hbm>> -> memref<64xi32, #tpu.memory_space<hbm>>
      tpu.wait_dma2 semaphore(%run_scoped3A : memref<!tpu.dma_semaphore, #tpu.memory_space<semaphore_mem>>) src(%dma_wait3A_66 : memref<64xi32, #tpu.memory_space<hbm>>) dst(%arg9 : memref<64xi32, #tpu.memory_space<vmem>>)
      tpu.yield
    }) : () -> ()
    %dma_start3A = arith.constant 0 : i32
    %dma_start3A_50 = arith.constant 0 : i32
    %dma_start3A_51 = tpu.memref_slice %arg5[%dma_start3A, %dma_start3A_50] : memref<10240x128xf32, #tpu.memory_space<hbm>> -> memref<10240x128xf32, #tpu.memory_space<hbm>>
    tpu.enqueue_indirect_dma source(%dma_start3A_51 : memref<10240x128xf32, #tpu.memory_space<hbm>>) target(%arg11 : memref<64x128xf32, #tpu.memory_space<vmem>>) offsets(%arg7 : memref<64xi32, #tpu.memory_space<vmem>>) semaphore(%arg14 : memref<!tpu.dma_semaphore, #tpu.memory_space<semaphore_mem>>)
    %scan3A_52 = arith.constant 0 : i32
    %scan3A_53 = arith.constant 0 : i32
    %scan3A_54 = arith.constant 80 : i32
    %scan3A_55 = arith.addi %scan3A_53, %scan3A_54 : i32
    %scan3A_56 = arith.constant 1 : i32
    %scan3A_57 = scf.for %scan3A_64 = %scan3A_53 to %scan3A_55 step %scan3A_56 iter_args(%scan3A_65 = %scan3A_52) -> (i32)  : i32 {
      %mul3A_66 = arith.constant 2 : i32
      %mul3A_67 = arith.muli %scan3A_64, %mul3A_66 : i32
      %mul3A_68 = arith.constant 64 : i32
      %mul3A_69 = arith.muli %mul3A_67, %mul3A_68 : i32
      %add3A_70 = arith.addi %mul3A_49, %mul3A_69 : i32
      %add3A_71 = arith.constant 64 : i32
      %add3A_72 = arith.addi %add3A_70, %add3A_71 : i32
      "tpu.region"() ({
        %run_scoped3A = tpu.sem_alloc : memref<!tpu.dma_semaphore, #tpu.memory_space<semaphore_mem>>
        %dma_start3A_88 = tpu.memref_slice %arg2[%add3A_72] : memref<327680xi32, #tpu.memory_space<hbm>> -> memref<64xi32, #tpu.memory_space<hbm>>
        %dma_start3A_89 = tpu.memref_slice %arg2[%add3A_72] : memref<327680xi32, #tpu.memory_space<hbm>> -> memref<64xi32, #tpu.memory_space<hbm>>
        tpu.enqueue_dma source(%dma_start3A_89 : memref<64xi32, #tpu.memory_space<hbm>>) target(%arg8 : memref<64xi32, #tpu.memory_space<vmem>>) target_semaphore(%run_scoped3A : memref<!tpu.dma_semaphore, #tpu.memory_space<semaphore_mem>>)
        %dma_wait3A_90 = tpu.memref_slice %arg2[%add3A_72] : memref<327680xi32, #tpu.memory_space<hbm>> -> memref<64xi32, #tpu.memory_space<hbm>>
        %dma_wait3A_91 = tpu.memref_slice %arg2[%add3A_72] : memref<327680xi32, #tpu.memory_space<hbm>> -> memref<64xi32, #tpu.memory_space<hbm>>
        tpu.wait_dma2 semaphore(%run_scoped3A : memref<!tpu.dma_semaphore, #tpu.memory_space<semaphore_mem>>) src(%dma_wait3A_91 : memref<64xi32, #tpu.memory_space<hbm>>) dst(%arg8 : memref<64xi32, #tpu.memory_space<vmem>>)
        tpu.yield
      }) : () -> ()
      %add3A_73 = arith.constant 64 : i32
      %add3A_74 = arith.addi %add3A_70, %add3A_73 : i32
      "tpu.region"() ({
        %run_scoped3A = tpu.sem_alloc : memref<!tpu.dma_semaphore, #tpu.memory_space<semaphore_mem>>
        %dma_start3A_88 = tpu.memref_slice %arg3[%add3A_74] : memref<327680xi32, #tpu.memory_space<hbm>> -> memref<64xi32, #tpu.memory_space<hbm>>
        %dma_start3A_89 = tpu.memref_slice %arg3[%add3A_74] : memref<327680xi32, #tpu.memory_space<hbm>> -> memref<64xi32, #tpu.memory_space<hbm>>
        tpu.enqueue_dma source(%dma_start3A_89 : memref<64xi32, #tpu.memory_space<hbm>>) target(%arg10 : memref<64xi32, #tpu.memory_space<vmem>>) target_semaphore(%run_scoped3A : memref<!tpu.dma_semaphore, #tpu.memory_space<semaphore_mem>>)
        %dma_wait3A_90 = tpu.memref_slice %arg3[%add3A_74] : memref<327680xi32, #tpu.memory_space<hbm>> -> memref<64xi32, #tpu.memory_space<hbm>>
        %dma_wait3A_91 = tpu.memref_slice %arg3[%add3A_74] : memref<327680xi32, #tpu.memory_space<hbm>> -> memref<64xi32, #tpu.memory_space<hbm>>
        tpu.wait_dma2 semaphore(%run_scoped3A : memref<!tpu.dma_semaphore, #tpu.memory_space<semaphore_mem>>) src(%dma_wait3A_91 : memref<64xi32, #tpu.memory_space<hbm>>) dst(%arg10 : memref<64xi32, #tpu.memory_space<vmem>>)
        tpu.yield
      }) : () -> ()
      %dma_wait3A = arith.constant 0 : i32
      %dma_wait3A_75 = arith.constant 0 : i32
      %dma_wait3A_76 = tpu.memref_slice %arg5[%dma_wait3A, %dma_wait3A_75] : memref<10240x128xf32, #tpu.memory_space<hbm>> -> memref<10240x128xf32, #tpu.memory_space<hbm>>
      tpu.wait_indirect_dma semaphore(%arg14 : memref<!tpu.dma_semaphore, #tpu.memory_space<semaphore_mem>>) src(%dma_wait3A_76 : memref<10240x128xf32, #tpu.memory_space<hbm>>) dst(%arg11 : memref<64x128xf32, #tpu.memory_space<vmem>>)
      %dma_start3A_77 = arith.constant 0 : i32
      %dma_start3A_78 = arith.constant 0 : i32
      %dma_start3A_79 = tpu.memref_slice %arg5[%dma_start3A_77, %dma_start3A_78] : memref<10240x128xf32, #tpu.memory_space<hbm>> -> memref<10240x128xf32, #tpu.memory_space<hbm>>
      tpu.enqueue_indirect_dma source(%dma_start3A_79 : memref<10240x128xf32, #tpu.memory_space<hbm>>) target(%arg12 : memref<64x128xf32, #tpu.memory_space<vmem>>) offsets(%arg8 : memref<64xi32, #tpu.memory_space<vmem>>) semaphore(%arg15 : memref<!tpu.dma_semaphore, #tpu.memory_space<semaphore_mem>>)
      "tpu.region"() ({
        %run_scoped3A = tpu.sem_alloc : memref<!tpu.dma_semaphore, #tpu.memory_space<semaphore_mem>>
        %dma_start3A_88 = arith.constant 0 : i32
        %dma_start3A_89 = arith.constant 0 : i32
        %dma_start3A_90 = tpu.memref_slice %arg13[%dma_start3A_88, %dma_start3A_89] : memref<10240x128xf32, #tpu.memory_space<vmem_shared>> -> memref<10240x128xf32, #tpu.memory_space<vmem_shared>>
        tpu.enqueue_indirect_dma source(%arg11 : memref<64x128xf32, #tpu.memory_space<vmem>>) target(%dma_start3A_90 : memref<10240x128xf32, #tpu.memory_space<vmem_shared>>) offsets(%arg9 : memref<64xi32, #tpu.memory_space<vmem>>) semaphore(%run_scoped3A : memref<!tpu.dma_semaphore, #tpu.memory_space<semaphore_mem>>) {add = true}
        %dma_wait3A_91 = arith.constant 0 : i32
        %dma_wait3A_92 = arith.constant 0 : i32
        %dma_wait3A_93 = tpu.memref_slice %arg13[%dma_wait3A_91, %dma_wait3A_92] : memref<10240x128xf32, #tpu.memory_space<vmem_shared>> -> memref<10240x128xf32, #tpu.memory_space<vmem_shared>>
        tpu.wait_indirect_dma semaphore(%run_scoped3A : memref<!tpu.dma_semaphore, #tpu.memory_space<semaphore_mem>>) src(%arg11 : memref<64x128xf32, #tpu.memory_space<vmem>>) dst(%dma_wait3A_93 : memref<10240x128xf32, #tpu.memory_space<vmem_shared>>)
        tpu.yield
      }) : () -> ()
      %add3A_80 = arith.constant 1 : i32
      %add3A_81 = arith.addi %scan3A_64, %add3A_80 : i32
      %lt3A = arith.constant 80 : i32
      %lt3A_82 = arith.cmpi slt, %add3A_81, %lt3A : i32
      %convert_element_type3A = arith.extui %lt3A_82 : i1 to i32
      %cond3A = arith.constant 0 : i32
      %cond3A_83 = arith.cmpi ne, %convert_element_type3A, %cond3A : i32
      scf.if %cond3A_83 {
        %add3A_88 = arith.constant 128 : i32
        %add3A_89 = arith.addi %add3A_70, %add3A_88 : i32
        "tpu.region"() ({
          %run_scoped3A = tpu.sem_alloc : memref<!tpu.dma_semaphore, #tpu.memory_space<semaphore_mem>>
          %dma_start3A_95 = tpu.memref_slice %arg2[%add3A_89] : memref<327680xi32, #tpu.memory_space<hbm>> -> memref<64xi32, #tpu.memory_space<hbm>>
          %dma_start3A_96 = tpu.memref_slice %arg2[%add3A_89] : memref<327680xi32, #tpu.memory_space<hbm>> -> memref<64xi32, #tpu.memory_space<hbm>>
          tpu.enqueue_dma source(%dma_start3A_96 : memref<64xi32, #tpu.memory_space<hbm>>) target(%arg7 : memref<64xi32, #tpu.memory_space<vmem>>) target_semaphore(%run_scoped3A : memref<!tpu.dma_semaphore, #tpu.memory_space<semaphore_mem>>)
          %dma_wait3A_97 = tpu.memref_slice %arg2[%add3A_89] : memref<327680xi32, #tpu.memory_space<hbm>> -> memref<64xi32, #tpu.memory_space<hbm>>
          %dma_wait3A_98 = tpu.memref_slice %arg2[%add3A_89] : memref<327680xi32, #tpu.memory_space<hbm>> -> memref<64xi32, #tpu.memory_space<hbm>>
          tpu.wait_dma2 semaphore(%run_scoped3A : memref<!tpu.dma_semaphore, #tpu.memory_space<semaphore_mem>>) src(%dma_wait3A_98 : memref<64xi32, #tpu.memory_space<hbm>>) dst(%arg7 : memref<64xi32, #tpu.memory_space<vmem>>)
          tpu.yield
        }) : () -> ()
        %add3A_90 = arith.constant 128 : i32
        %add3A_91 = arith.addi %add3A_70, %add3A_90 : i32
        "tpu.region"() ({
          %run_scoped3A = tpu.sem_alloc : memref<!tpu.dma_semaphore, #tpu.memory_space<semaphore_mem>>
          %dma_start3A_95 = tpu.memref_slice %arg3[%add3A_91] : memref<327680xi32, #tpu.memory_space<hbm>> -> memref<64xi32, #tpu.memory_space<hbm>>
          %dma_start3A_96 = tpu.memref_slice %arg3[%add3A_91] : memref<327680xi32, #tpu.memory_space<hbm>> -> memref<64xi32, #tpu.memory_space<hbm>>
          tpu.enqueue_dma source(%dma_start3A_96 : memref<64xi32, #tpu.memory_space<hbm>>) target(%arg9 : memref<64xi32, #tpu.memory_space<vmem>>) target_semaphore(%run_scoped3A : memref<!tpu.dma_semaphore, #tpu.memory_space<semaphore_mem>>)
          %dma_wait3A_97 = tpu.memref_slice %arg3[%add3A_91] : memref<327680xi32, #tpu.memory_space<hbm>> -> memref<64xi32, #tpu.memory_space<hbm>>
          %dma_wait3A_98 = tpu.memref_slice %arg3[%add3A_91] : memref<327680xi32, #tpu.memory_space<hbm>> -> memref<64xi32, #tpu.memory_space<hbm>>
          tpu.wait_dma2 semaphore(%run_scoped3A : memref<!tpu.dma_semaphore, #tpu.memory_space<semaphore_mem>>) src(%dma_wait3A_98 : memref<64xi32, #tpu.memory_space<hbm>>) dst(%arg9 : memref<64xi32, #tpu.memory_space<vmem>>)
          tpu.yield
        }) : () -> ()
        %dma_start3A_92 = arith.constant 0 : i32
        %dma_start3A_93 = arith.constant 0 : i32
        %dma_start3A_94 = tpu.memref_slice %arg5[%dma_start3A_92, %dma_start3A_93] : memref<10240x128xf32, #tpu.memory_space<hbm>> -> memref<10240x128xf32, #tpu.memory_space<hbm>>
        tpu.enqueue_indirect_dma source(%dma_start3A_94 : memref<10240x128xf32, #tpu.memory_space<hbm>>) target(%arg11 : memref<64x128xf32, #tpu.memory_space<vmem>>) offsets(%arg7 : memref<64xi32, #tpu.memory_space<vmem>>) semaphore(%arg14 : memref<!tpu.dma_semaphore, #tpu.memory_space<semaphore_mem>>)
      } else {
      }
      %dma_wait3A_84 = arith.constant 0 : i32
      %dma_wait3A_85 = arith.constant 0 : i32
      %dma_wait3A_86 = tpu.memref_slice %arg5[%dma_wait3A_84, %dma_wait3A_85] : memref<10240x128xf32, #tpu.memory_space<hbm>> -> memref<10240x128xf32, #tpu.memory_space<hbm>>
      tpu.wait_indirect_dma semaphore(%arg15 : memref<!tpu.dma_semaphore, #tpu.memory_space<semaphore_mem>>) src(%dma_wait3A_86 : memref<10240x128xf32, #tpu.memory_space<hbm>>) dst(%arg12 : memref<64x128xf32, #tpu.memory_space<vmem>>)
      "tpu.region"() ({
        %run_scoped3A = tpu.sem_alloc : memref<!tpu.dma_semaphore, #tpu.memory_space<semaphore_mem>>
        %dma_start3A_88 = arith.constant 0 : i32
        %dma_start3A_89 = arith.constant 0 : i32
        %dma_start3A_90 = tpu.memref_slice %arg13[%dma_start3A_88, %dma_start3A_89] : memref<10240x128xf32, #tpu.memory_space<vmem_shared>> -> memref<10240x128xf32, #tpu.memory_space<vmem_shared>>
        tpu.enqueue_indirect_dma source(%arg12 : memref<64x128xf32, #tpu.memory_space<vmem>>) target(%dma_start3A_90 : memref<10240x128xf32, #tpu.memory_space<vmem_shared>>) offsets(%arg10 : memref<64xi32, #tpu.memory_space<vmem>>) semaphore(%run_scoped3A : memref<!tpu.dma_semaphore, #tpu.memory_space<semaphore_mem>>) {add = true}
        %dma_wait3A_91 = arith.constant 0 : i32
        %dma_wait3A_92 = arith.constant 0 : i32
        %dma_wait3A_93 = tpu.memref_slice %arg13[%dma_wait3A_91, %dma_wait3A_92] : memref<10240x128xf32, #tpu.memory_space<vmem_shared>> -> memref<10240x128xf32, #tpu.memory_space<vmem_shared>>
        tpu.wait_indirect_dma semaphore(%run_scoped3A : memref<!tpu.dma_semaphore, #tpu.memory_space<semaphore_mem>>) src(%arg12 : memref<64x128xf32, #tpu.memory_space<vmem>>) dst(%dma_wait3A_93 : memref<10240x128xf32, #tpu.memory_space<vmem_shared>>)
        tpu.yield
      }) : () -> ()
      %scan3A_87 = arith.constant 0 : i32
      scf.yield %scan3A_87 : i32
    }
    %scan3A_58 = arith.constant 80 : i32
    %barrier3A_59 = arith.constant 0 : index
    tpu.barrier barrier_id(%barrier3A_59)
    %mul3A_60 = arith.constant 640 : i32
    %mul3A_61 = arith.muli %arg1, %mul3A_60 : i32
    %mul3A_62 = arith.constant 640 : i32
    %mul3A_63 = arith.muli %arg1, %mul3A_62 : i32
    "tpu.region"() ({
      %run_scoped3A = tpu.sem_alloc : memref<!tpu.dma_semaphore, #tpu.memory_space<semaphore_mem>>
      %dma_start3A_64 = arith.constant 0 : i32
      %dma_start3A_65 = tpu.memref_slice %arg6[%arg0, %mul3A_63, %dma_start3A_64] : memref<2x10240x128xf32, #tpu.memory_space<hbm>> -> memref<1x640x128xf32, #tpu.memory_space<hbm>>
      %dma_start3A_66 = tpu.memref_squeeze %dma_start3A_65 : memref<1x640x128xf32, #tpu.memory_space<hbm>> -> memref<640x128xf32, #tpu.memory_space<hbm>>
      %dma_start3A_67 = arith.constant 0 : i32
      %dma_start3A_68 = tpu.memref_slice %arg13[%mul3A_61, %dma_start3A_67] : memref<10240x128xf32, #tpu.memory_space<vmem_shared>> -> memref<640x128xf32, #tpu.memory_space<vmem_shared>>
      tpu.enqueue_dma source(%dma_start3A_68 : memref<640x128xf32, #tpu.memory_space<vmem_shared>>) target(%dma_start3A_66 : memref<640x128xf32, #tpu.memory_space<hbm>>) target_semaphore(%run_scoped3A : memref<!tpu.dma_semaphore, #tpu.memory_space<semaphore_mem>>)
      %dma_wait3A = arith.constant 0 : i32
      %dma_wait3A_69 = tpu.memref_slice %arg6[%arg0, %mul3A_63, %dma_wait3A] : memref<2x10240x128xf32, #tpu.memory_space<hbm>> -> memref<1x640x128xf32, #tpu.memory_space<hbm>>
      %dma_wait3A_70 = tpu.memref_squeeze %dma_wait3A_69 : memref<1x640x128xf32, #tpu.memory_space<hbm>> -> memref<640x128xf32, #tpu.memory_space<hbm>>
      %dma_wait3A_71 = arith.constant 0 : i32
      %dma_wait3A_72 = tpu.memref_slice %arg13[%mul3A_61, %dma_wait3A_71] : memref<10240x128xf32, #tpu.memory_space<vmem_shared>> -> memref<640x128xf32, #tpu.memory_space<vmem_shared>>
      tpu.wait_dma2 semaphore(%run_scoped3A : memref<!tpu.dma_semaphore, #tpu.memory_space<semaphore_mem>>) src(%dma_wait3A_72 : memref<640x128xf32, #tpu.memory_space<vmem_shared>>) dst(%dma_wait3A_70 : memref<640x128xf32, #tpu.memory_space<hbm>>)
      tpu.yield
    }) : () -> ()
    return
  }
}

#map = affine_map<(d0, d1) -> (0)>
#map1 = affine_map<(d0, d1) -> (0, 0)>
#map2 = affine_map<(d0, d1) -> (0, 0, 0)>
module attributes {stable_mosaic.version = 14 : i64} {
  func.func @_agg(%arg0: i32, %arg1: i32, %arg2: memref<327680xi32, #tpu.memory_space<hbm>>, %arg3: memref<327680xi32, #tpu.memory_space<hbm>>, %arg4: memref<327680xf32, #tpu.memory_space<hbm>>, %arg5: memref<10240x128xf32, #tpu.memory_space<hbm>>, %arg6: memref<2x10240x128xf32, #tpu.memory_space<hbm>>, %arg7: memref<64xi32, #tpu.memory_space<vmem>>, %arg8: memref<64xi32, #tpu.memory_space<vmem>>, %arg9: memref<64xi32, #tpu.memory_space<vmem>>, %arg10: memref<64xi32, #tpu.memory_space<vmem>>, %arg11: memref<64x128xf32, #tpu.memory_space<vmem>>, %arg12: memref<64x128xf32, #tpu.memory_space<vmem>>, %arg13: memref<10240x128xf32, #tpu.memory_space<vmem_shared>>, %arg14: memref<!tpu.dma_semaphore, #tpu.memory_space<semaphore_mem>>, %arg15: memref<!tpu.dma_semaphore, #tpu.memory_space<semaphore_mem>>) attributes {dimension_semantics = [#tpu.dimension_semantics<core_parallel>, #tpu.dimension_semantics<subcore_parallel>], iteration_bounds = array<i64: 2, 16>, scalar_prefetch = 0 : i64, scratch_operands = 9 : i64, tpu.core_type = #tpu.core_type<sc_vector_subcore>, window_params = [{transform_indices = #map}, {transform_indices = #map}, {transform_indices = #map}, {transform_indices = #map1}, {transform_indices = #map2}]} {
    %mul3A = arith.constant 16 : i32
    %mul3A_0 = arith.muli %arg0, %mul3A : i32
    %add3A = arith.addi %mul3A_0, %arg1 : i32
    %broadcast_in_dim3A = arith.constant 0.000000e+00 : f32
    %broadcast_in_dim3A_1 = vector.broadcast %broadcast_in_dim3A : f32 to vector<16xf32>
    %scan3A = arith.constant 0 : i32
    %scan3A_2 = arith.constant 0 : i32
    %scan3A_3 = arith.constant 64 : i32
    %scan3A_4 = arith.addi %scan3A_2, %scan3A_3 : i32
    %scan3A_5 = arith.constant 1 : i32
    %scan3A_6 = scf.for %scan3A_64 = %scan3A_2 to %scan3A_4 step %scan3A_5 iter_args(%scan3A_65 = %scan3A) -> (i32)  : i32 {
      %swap3A = arith.index_cast %scan3A_64 : i32 to index
      %swap3A_66 = arith.constant 0 : index
      %swap3A_67 = tpu.vector_load %arg11[%swap3A, %swap3A_66] {strides = array<i32>} : memref<64x128xf32, #tpu.memory_space<vmem>>, vector<16xf32>,
      tpu.vector_store %arg11[%swap3A, %swap3A_66], %broadcast_in_dim3A_1 {strides = array<i32>} : memref<64x128xf32, #tpu.memory_space<vmem>>, vector<16xf32>,
      %swap3A_68 = arith.index_cast %scan3A_64 : i32 to index
      %swap3A_69 = arith.constant 16 : index
      %swap3A_70 = tpu.vector_load %arg11[%swap3A_68, %swap3A_69] {strides = array<i32>} : memref<64x128xf32, #tpu.memory_space<vmem>>, vector<16xf32>,
      tpu.vector_store %arg11[%swap3A_68, %swap3A_69], %broadcast_in_dim3A_1 {strides = array<i32>} : memref<64x128xf32, #tpu.memory_space<vmem>>, vector<16xf32>,
      %swap3A_71 = arith.index_cast %scan3A_64 : i32 to index
      %swap3A_72 = arith.constant 32 : index
      %swap3A_73 = tpu.vector_load %arg11[%swap3A_71, %swap3A_72] {strides = array<i32>} : memref<64x128xf32, #tpu.memory_space<vmem>>, vector<16xf32>,
      tpu.vector_store %arg11[%swap3A_71, %swap3A_72], %broadcast_in_dim3A_1 {strides = array<i32>} : memref<64x128xf32, #tpu.memory_space<vmem>>, vector<16xf32>,
      %swap3A_74 = arith.index_cast %scan3A_64 : i32 to index
      %swap3A_75 = arith.constant 48 : index
      %swap3A_76 = tpu.vector_load %arg11[%swap3A_74, %swap3A_75] {strides = array<i32>} : memref<64x128xf32, #tpu.memory_space<vmem>>, vector<16xf32>,
      tpu.vector_store %arg11[%swap3A_74, %swap3A_75], %broadcast_in_dim3A_1 {strides = array<i32>} : memref<64x128xf32, #tpu.memory_space<vmem>>, vector<16xf32>,
      %swap3A_77 = arith.index_cast %scan3A_64 : i32 to index
      %swap3A_78 = arith.constant 64 : index
      %swap3A_79 = tpu.vector_load %arg11[%swap3A_77, %swap3A_78] {strides = array<i32>} : memref<64x128xf32, #tpu.memory_space<vmem>>, vector<16xf32>,
      tpu.vector_store %arg11[%swap3A_77, %swap3A_78], %broadcast_in_dim3A_1 {strides = array<i32>} : memref<64x128xf32, #tpu.memory_space<vmem>>, vector<16xf32>,
      %swap3A_80 = arith.index_cast %scan3A_64 : i32 to index
      %swap3A_81 = arith.constant 80 : index
      %swap3A_82 = tpu.vector_load %arg11[%swap3A_80, %swap3A_81] {strides = array<i32>} : memref<64x128xf32, #tpu.memory_space<vmem>>, vector<16xf32>,
      tpu.vector_store %arg11[%swap3A_80, %swap3A_81], %broadcast_in_dim3A_1 {strides = array<i32>} : memref<64x128xf32, #tpu.memory_space<vmem>>, vector<16xf32>,
      %swap3A_83 = arith.index_cast %scan3A_64 : i32 to index
      %swap3A_84 = arith.constant 96 : index
      %swap3A_85 = tpu.vector_load %arg11[%swap3A_83, %swap3A_84] {strides = array<i32>} : memref<64x128xf32, #tpu.memory_space<vmem>>, vector<16xf32>,
      tpu.vector_store %arg11[%swap3A_83, %swap3A_84], %broadcast_in_dim3A_1 {strides = array<i32>} : memref<64x128xf32, #tpu.memory_space<vmem>>, vector<16xf32>,
      %swap3A_86 = arith.index_cast %scan3A_64 : i32 to index
      %swap3A_87 = arith.constant 112 : index
      %swap3A_88 = tpu.vector_load %arg11[%swap3A_86, %swap3A_87] {strides = array<i32>} : memref<64x128xf32, #tpu.memory_space<vmem>>, vector<16xf32>,
      tpu.vector_store %arg11[%swap3A_86, %swap3A_87], %broadcast_in_dim3A_1 {strides = array<i32>} : memref<64x128xf32, #tpu.memory_space<vmem>>, vector<16xf32>,
      %scan3A_89 = arith.constant 0 : i32
      scf.yield %scan3A_89 : i32
    }
    %scan3A_7 = arith.constant 64 : i32
    %mul3A_8 = arith.constant 640 : i32
    %mul3A_9 = arith.muli %arg1, %mul3A_8 : i32
    %add3A_10 = arith.constant 0 : i32
    %add3A_11 = arith.addi %mul3A_9, %add3A_10 : i32
    "tpu.region"() ({
      %run_scoped3A = tpu.sem_alloc : memref<!tpu.dma_semaphore, #tpu.memory_space<semaphore_mem>>
      %dma_start3A_64 = arith.constant 0 : i32
      %dma_start3A_65 = tpu.memref_slice %arg13[%add3A_11, %dma_start3A_64] : memref<10240x128xf32, #tpu.memory_space<vmem_shared>> -> memref<64x128xf32, #tpu.memory_space<vmem_shared>>
      %dma_start3A_66 = arith.constant 0 : i32
      %dma_start3A_67 = tpu.memref_slice %arg13[%add3A_11, %dma_start3A_66] : memref<10240x128xf32, #tpu.memory_space<vmem_shared>> -> memref<64x128xf32, #tpu.memory_space<vmem_shared>>
      tpu.enqueue_dma source(%arg11 : memref<64x128xf32, #tpu.memory_space<vmem>>) target(%dma_start3A_67 : memref<64x128xf32, #tpu.memory_space<vmem_shared>>) target_semaphore(%run_scoped3A : memref<!tpu.dma_semaphore, #tpu.memory_space<semaphore_mem>>)
      %dma_wait3A = arith.constant 0 : i32
      %dma_wait3A_68 = tpu.memref_slice %arg13[%add3A_11, %dma_wait3A] : memref<10240x128xf32, #tpu.memory_space<vmem_shared>> -> memref<64x128xf32, #tpu.memory_space<vmem_shared>>
      %dma_wait3A_69 = arith.constant 0 : i32
      %dma_wait3A_70 = tpu.memref_slice %arg13[%add3A_11, %dma_wait3A_69] : memref<10240x128xf32, #tpu.memory_space<vmem_shared>> -> memref<64x128xf32, #tpu.memory_space<vmem_shared>>
      tpu.wait_dma2 semaphore(%run_scoped3A : memref<!tpu.dma_semaphore, #tpu.memory_space<semaphore_mem>>) src(%arg11 : memref<64x128xf32, #tpu.memory_space<vmem>>) dst(%dma_wait3A_70 : memref<64x128xf32, #tpu.memory_space<vmem_shared>>)
      tpu.yield
    }) : () -> ()
    %mul3A_12 = arith.constant 640 : i32
    %mul3A_13 = arith.muli %arg1, %mul3A_12 : i32
    %add3A_14 = arith.constant 64 : i32
    %add3A_15 = arith.addi %mul3A_13, %add3A_14 : i32
    "tpu.region"() ({
      %run_scoped3A = tpu.sem_alloc : memref<!tpu.dma_semaphore, #tpu.memory_space<semaphore_mem>>
      %dma_start3A_64 = arith.constant 0 : i32
      %dma_start3A_65 = tpu.memref_slice %arg13[%add3A_15, %dma_start3A_64] : memref<10240x128xf32, #tpu.memory_space<vmem_shared>> -> memref<64x128xf32, #tpu.memory_space<vmem_shared>>
      %dma_start3A_66 = arith.constant 0 : i32
      %dma_start3A_67 = tpu.memref_slice %arg13[%add3A_15, %dma_start3A_66] : memref<10240x128xf32, #tpu.memory_space<vmem_shared>> -> memref<64x128xf32, #tpu.memory_space<vmem_shared>>
      tpu.enqueue_dma source(%arg11 : memref<64x128xf32, #tpu.memory_space<vmem>>) target(%dma_start3A_67 : memref<64x128xf32, #tpu.memory_space<vmem_shared>>) target_semaphore(%run_scoped3A : memref<!tpu.dma_semaphore, #tpu.memory_space<semaphore_mem>>)
      %dma_wait3A = arith.constant 0 : i32
      %dma_wait3A_68 = tpu.memref_slice %arg13[%add3A_15, %dma_wait3A] : memref<10240x128xf32, #tpu.memory_space<vmem_shared>> -> memref<64x128xf32, #tpu.memory_space<vmem_shared>>
      %dma_wait3A_69 = arith.constant 0 : i32
      %dma_wait3A_70 = tpu.memref_slice %arg13[%add3A_15, %dma_wait3A_69] : memref<10240x128xf32, #tpu.memory_space<vmem_shared>> -> memref<64x128xf32, #tpu.memory_space<vmem_shared>>
      tpu.wait_dma2 semaphore(%run_scoped3A : memref<!tpu.dma_semaphore, #tpu.memory_space<semaphore_mem>>) src(%arg11 : memref<64x128xf32, #tpu.memory_space<vmem>>) dst(%dma_wait3A_70 : memref<64x128xf32, #tpu.memory_space<vmem_shared>>)
      tpu.yield
    }) : () -> ()
    %mul3A_16 = arith.constant 640 : i32
    %mul3A_17 = arith.muli %arg1, %mul3A_16 : i32
    %add3A_18 = arith.constant 128 : i32
    %add3A_19 = arith.addi %mul3A_17, %add3A_18 : i32
    "tpu.region"() ({
      %run_scoped3A = tpu.sem_alloc : memref<!tpu.dma_semaphore, #tpu.memory_space<semaphore_mem>>
      %dma_start3A_64 = arith.constant 0 : i32
      %dma_start3A_65 = tpu.memref_slice %arg13[%add3A_19, %dma_start3A_64] : memref<10240x128xf32, #tpu.memory_space<vmem_shared>> -> memref<64x128xf32, #tpu.memory_space<vmem_shared>>
      %dma_start3A_66 = arith.constant 0 : i32
      %dma_start3A_67 = tpu.memref_slice %arg13[%add3A_19, %dma_start3A_66] : memref<10240x128xf32, #tpu.memory_space<vmem_shared>> -> memref<64x128xf32, #tpu.memory_space<vmem_shared>>
      tpu.enqueue_dma source(%arg11 : memref<64x128xf32, #tpu.memory_space<vmem>>) target(%dma_start3A_67 : memref<64x128xf32, #tpu.memory_space<vmem_shared>>) target_semaphore(%run_scoped3A : memref<!tpu.dma_semaphore, #tpu.memory_space<semaphore_mem>>)
      %dma_wait3A = arith.constant 0 : i32
      %dma_wait3A_68 = tpu.memref_slice %arg13[%add3A_19, %dma_wait3A] : memref<10240x128xf32, #tpu.memory_space<vmem_shared>> -> memref<64x128xf32, #tpu.memory_space<vmem_shared>>
      %dma_wait3A_69 = arith.constant 0 : i32
      %dma_wait3A_70 = tpu.memref_slice %arg13[%add3A_19, %dma_wait3A_69] : memref<10240x128xf32, #tpu.memory_space<vmem_shared>> -> memref<64x128xf32, #tpu.memory_space<vmem_shared>>
      tpu.wait_dma2 semaphore(%run_scoped3A : memref<!tpu.dma_semaphore, #tpu.memory_space<semaphore_mem>>) src(%arg11 : memref<64x128xf32, #tpu.memory_space<vmem>>) dst(%dma_wait3A_70 : memref<64x128xf32, #tpu.memory_space<vmem_shared>>)
      tpu.yield
    }) : () -> ()
    %mul3A_20 = arith.constant 640 : i32
    %mul3A_21 = arith.muli %arg1, %mul3A_20 : i32
    %add3A_22 = arith.constant 192 : i32
    %add3A_23 = arith.addi %mul3A_21, %add3A_22 : i32
    "tpu.region"() ({
      %run_scoped3A = tpu.sem_alloc : memref<!tpu.dma_semaphore, #tpu.memory_space<semaphore_mem>>
      %dma_start3A_64 = arith.constant 0 : i32
      %dma_start3A_65 = tpu.memref_slice %arg13[%add3A_23, %dma_start3A_64] : memref<10240x128xf32, #tpu.memory_space<vmem_shared>> -> memref<64x128xf32, #tpu.memory_space<vmem_shared>>
      %dma_start3A_66 = arith.constant 0 : i32
      %dma_start3A_67 = tpu.memref_slice %arg13[%add3A_23, %dma_start3A_66] : memref<10240x128xf32, #tpu.memory_space<vmem_shared>> -> memref<64x128xf32, #tpu.memory_space<vmem_shared>>
      tpu.enqueue_dma source(%arg11 : memref<64x128xf32, #tpu.memory_space<vmem>>) target(%dma_start3A_67 : memref<64x128xf32, #tpu.memory_space<vmem_shared>>) target_semaphore(%run_scoped3A : memref<!tpu.dma_semaphore, #tpu.memory_space<semaphore_mem>>)
      %dma_wait3A = arith.constant 0 : i32
      %dma_wait3A_68 = tpu.memref_slice %arg13[%add3A_23, %dma_wait3A] : memref<10240x128xf32, #tpu.memory_space<vmem_shared>> -> memref<64x128xf32, #tpu.memory_space<vmem_shared>>
      %dma_wait3A_69 = arith.constant 0 : i32
      %dma_wait3A_70 = tpu.memref_slice %arg13[%add3A_23, %dma_wait3A_69] : memref<10240x128xf32, #tpu.memory_space<vmem_shared>> -> memref<64x128xf32, #tpu.memory_space<vmem_shared>>
      tpu.wait_dma2 semaphore(%run_scoped3A : memref<!tpu.dma_semaphore, #tpu.memory_space<semaphore_mem>>) src(%arg11 : memref<64x128xf32, #tpu.memory_space<vmem>>) dst(%dma_wait3A_70 : memref<64x128xf32, #tpu.memory_space<vmem_shared>>)
      tpu.yield
    }) : () -> ()
    %mul3A_24 = arith.constant 640 : i32
    %mul3A_25 = arith.muli %arg1, %mul3A_24 : i32
    %add3A_26 = arith.constant 256 : i32
    %add3A_27 = arith.addi %mul3A_25, %add3A_26 : i32
    "tpu.region"() ({
      %run_scoped3A = tpu.sem_alloc : memref<!tpu.dma_semaphore, #tpu.memory_space<semaphore_mem>>
      %dma_start3A_64 = arith.constant 0 : i32
      %dma_start3A_65 = tpu.memref_slice %arg13[%add3A_27, %dma_start3A_64] : memref<10240x128xf32, #tpu.memory_space<vmem_shared>> -> memref<64x128xf32, #tpu.memory_space<vmem_shared>>
      %dma_start3A_66 = arith.constant 0 : i32
      %dma_start3A_67 = tpu.memref_slice %arg13[%add3A_27, %dma_start3A_66] : memref<10240x128xf32, #tpu.memory_space<vmem_shared>> -> memref<64x128xf32, #tpu.memory_space<vmem_shared>>
      tpu.enqueue_dma source(%arg11 : memref<64x128xf32, #tpu.memory_space<vmem>>) target(%dma_start3A_67 : memref<64x128xf32, #tpu.memory_space<vmem_shared>>) target_semaphore(%run_scoped3A : memref<!tpu.dma_semaphore, #tpu.memory_space<semaphore_mem>>)
      %dma_wait3A = arith.constant 0 : i32
      %dma_wait3A_68 = tpu.memref_slice %arg13[%add3A_27, %dma_wait3A] : memref<10240x128xf32, #tpu.memory_space<vmem_shared>> -> memref<64x128xf32, #tpu.memory_space<vmem_shared>>
      %dma_wait3A_69 = arith.constant 0 : i32
      %dma_wait3A_70 = tpu.memref_slice %arg13[%add3A_27, %dma_wait3A_69] : memref<10240x128xf32, #tpu.memory_space<vmem_shared>> -> memref<64x128xf32, #tpu.memory_space<vmem_shared>>
      tpu.wait_dma2 semaphore(%run_scoped3A : memref<!tpu.dma_semaphore, #tpu.memory_space<semaphore_mem>>) src(%arg11 : memref<64x128xf32, #tpu.memory_space<vmem>>) dst(%dma_wait3A_70 : memref<64x128xf32, #tpu.memory_space<vmem_shared>>)
      tpu.yield
    }) : () -> ()
    %mul3A_28 = arith.constant 640 : i32
    %mul3A_29 = arith.muli %arg1, %mul3A_28 : i32
    %add3A_30 = arith.constant 320 : i32
    %add3A_31 = arith.addi %mul3A_29, %add3A_30 : i32
    "tpu.region"() ({
      %run_scoped3A = tpu.sem_alloc : memref<!tpu.dma_semaphore, #tpu.memory_space<semaphore_mem>>
      %dma_start3A_64 = arith.constant 0 : i32
      %dma_start3A_65 = tpu.memref_slice %arg13[%add3A_31, %dma_start3A_64] : memref<10240x128xf32, #tpu.memory_space<vmem_shared>> -> memref<64x128xf32, #tpu.memory_space<vmem_shared>>
      %dma_start3A_66 = arith.constant 0 : i32
      %dma_start3A_67 = tpu.memref_slice %arg13[%add3A_31, %dma_start3A_66] : memref<10240x128xf32, #tpu.memory_space<vmem_shared>> -> memref<64x128xf32, #tpu.memory_space<vmem_shared>>
      tpu.enqueue_dma source(%arg11 : memref<64x128xf32, #tpu.memory_space<vmem>>) target(%dma_start3A_67 : memref<64x128xf32, #tpu.memory_space<vmem_shared>>) target_semaphore(%run_scoped3A : memref<!tpu.dma_semaphore, #tpu.memory_space<semaphore_mem>>)
      %dma_wait3A = arith.constant 0 : i32
      %dma_wait3A_68 = tpu.memref_slice %arg13[%add3A_31, %dma_wait3A] : memref<10240x128xf32, #tpu.memory_space<vmem_shared>> -> memref<64x128xf32, #tpu.memory_space<vmem_shared>>
      %dma_wait3A_69 = arith.constant 0 : i32
      %dma_wait3A_70 = tpu.memref_slice %arg13[%add3A_31, %dma_wait3A_69] : memref<10240x128xf32, #tpu.memory_space<vmem_shared>> -> memref<64x128xf32, #tpu.memory_space<vmem_shared>>
      tpu.wait_dma2 semaphore(%run_scoped3A : memref<!tpu.dma_semaphore, #tpu.memory_space<semaphore_mem>>) src(%arg11 : memref<64x128xf32, #tpu.memory_space<vmem>>) dst(%dma_wait3A_70 : memref<64x128xf32, #tpu.memory_space<vmem_shared>>)
      tpu.yield
    }) : () -> ()
    %mul3A_32 = arith.constant 640 : i32
    %mul3A_33 = arith.muli %arg1, %mul3A_32 : i32
    %add3A_34 = arith.constant 384 : i32
    %add3A_35 = arith.addi %mul3A_33, %add3A_34 : i32
    "tpu.region"() ({
      %run_scoped3A = tpu.sem_alloc : memref<!tpu.dma_semaphore, #tpu.memory_space<semaphore_mem>>
      %dma_start3A_64 = arith.constant 0 : i32
      %dma_start3A_65 = tpu.memref_slice %arg13[%add3A_35, %dma_start3A_64] : memref<10240x128xf32, #tpu.memory_space<vmem_shared>> -> memref<64x128xf32, #tpu.memory_space<vmem_shared>>
      %dma_start3A_66 = arith.constant 0 : i32
      %dma_start3A_67 = tpu.memref_slice %arg13[%add3A_35, %dma_start3A_66] : memref<10240x128xf32, #tpu.memory_space<vmem_shared>> -> memref<64x128xf32, #tpu.memory_space<vmem_shared>>
      tpu.enqueue_dma source(%arg11 : memref<64x128xf32, #tpu.memory_space<vmem>>) target(%dma_start3A_67 : memref<64x128xf32, #tpu.memory_space<vmem_shared>>) target_semaphore(%run_scoped3A : memref<!tpu.dma_semaphore, #tpu.memory_space<semaphore_mem>>)
      %dma_wait3A = arith.constant 0 : i32
      %dma_wait3A_68 = tpu.memref_slice %arg13[%add3A_35, %dma_wait3A] : memref<10240x128xf32, #tpu.memory_space<vmem_shared>> -> memref<64x128xf32, #tpu.memory_space<vmem_shared>>
      %dma_wait3A_69 = arith.constant 0 : i32
      %dma_wait3A_70 = tpu.memref_slice %arg13[%add3A_35, %dma_wait3A_69] : memref<10240x128xf32, #tpu.memory_space<vmem_shared>> -> memref<64x128xf32, #tpu.memory_space<vmem_shared>>
      tpu.wait_dma2 semaphore(%run_scoped3A : memref<!tpu.dma_semaphore, #tpu.memory_space<semaphore_mem>>) src(%arg11 : memref<64x128xf32, #tpu.memory_space<vmem>>) dst(%dma_wait3A_70 : memref<64x128xf32, #tpu.memory_space<vmem_shared>>)
      tpu.yield
    }) : () -> ()
    %mul3A_36 = arith.constant 640 : i32
    %mul3A_37 = arith.muli %arg1, %mul3A_36 : i32
    %add3A_38 = arith.constant 448 : i32
    %add3A_39 = arith.addi %mul3A_37, %add3A_38 : i32
    "tpu.region"() ({
      %run_scoped3A = tpu.sem_alloc : memref<!tpu.dma_semaphore, #tpu.memory_space<semaphore_mem>>
      %dma_start3A_64 = arith.constant 0 : i32
      %dma_start3A_65 = tpu.memref_slice %arg13[%add3A_39, %dma_start3A_64] : memref<10240x128xf32, #tpu.memory_space<vmem_shared>> -> memref<64x128xf32, #tpu.memory_space<vmem_shared>>
      %dma_start3A_66 = arith.constant 0 : i32
      %dma_start3A_67 = tpu.memref_slice %arg13[%add3A_39, %dma_start3A_66] : memref<10240x128xf32, #tpu.memory_space<vmem_shared>> -> memref<64x128xf32, #tpu.memory_space<vmem_shared>>
      tpu.enqueue_dma source(%arg11 : memref<64x128xf32, #tpu.memory_space<vmem>>) target(%dma_start3A_67 : memref<64x128xf32, #tpu.memory_space<vmem_shared>>) target_semaphore(%run_scoped3A : memref<!tpu.dma_semaphore, #tpu.memory_space<semaphore_mem>>)
      %dma_wait3A = arith.constant 0 : i32
      %dma_wait3A_68 = tpu.memref_slice %arg13[%add3A_39, %dma_wait3A] : memref<10240x128xf32, #tpu.memory_space<vmem_shared>> -> memref<64x128xf32, #tpu.memory_space<vmem_shared>>
      %dma_wait3A_69 = arith.constant 0 : i32
      %dma_wait3A_70 = tpu.memref_slice %arg13[%add3A_39, %dma_wait3A_69] : memref<10240x128xf32, #tpu.memory_space<vmem_shared>> -> memref<64x128xf32, #tpu.memory_space<vmem_shared>>
      tpu.wait_dma2 semaphore(%run_scoped3A : memref<!tpu.dma_semaphore, #tpu.memory_space<semaphore_mem>>) src(%arg11 : memref<64x128xf32, #tpu.memory_space<vmem>>) dst(%dma_wait3A_70 : memref<64x128xf32, #tpu.memory_space<vmem_shared>>)
      tpu.yield
    }) : () -> ()
    %mul3A_40 = arith.constant 640 : i32
    %mul3A_41 = arith.muli %arg1, %mul3A_40 : i32
    %add3A_42 = arith.constant 512 : i32
    %add3A_43 = arith.addi %mul3A_41, %add3A_42 : i32
    "tpu.region"() ({
      %run_scoped3A = tpu.sem_alloc : memref<!tpu.dma_semaphore, #tpu.memory_space<semaphore_mem>>
      %dma_start3A_64 = arith.constant 0 : i32
      %dma_start3A_65 = tpu.memref_slice %arg13[%add3A_43, %dma_start3A_64] : memref<10240x128xf32, #tpu.memory_space<vmem_shared>> -> memref<64x128xf32, #tpu.memory_space<vmem_shared>>
      %dma_start3A_66 = arith.constant 0 : i32
      %dma_start3A_67 = tpu.memref_slice %arg13[%add3A_43, %dma_start3A_66] : memref<10240x128xf32, #tpu.memory_space<vmem_shared>> -> memref<64x128xf32, #tpu.memory_space<vmem_shared>>
      tpu.enqueue_dma source(%arg11 : memref<64x128xf32, #tpu.memory_space<vmem>>) target(%dma_start3A_67 : memref<64x128xf32, #tpu.memory_space<vmem_shared>>) target_semaphore(%run_scoped3A : memref<!tpu.dma_semaphore, #tpu.memory_space<semaphore_mem>>)
      %dma_wait3A = arith.constant 0 : i32
      %dma_wait3A_68 = tpu.memref_slice %arg13[%add3A_43, %dma_wait3A] : memref<10240x128xf32, #tpu.memory_space<vmem_shared>> -> memref<64x128xf32, #tpu.memory_space<vmem_shared>>
      %dma_wait3A_69 = arith.constant 0 : i32
      %dma_wait3A_70 = tpu.memref_slice %arg13[%add3A_43, %dma_wait3A_69] : memref<10240x128xf32, #tpu.memory_space<vmem_shared>> -> memref<64x128xf32, #tpu.memory_space<vmem_shared>>
      tpu.wait_dma2 semaphore(%run_scoped3A : memref<!tpu.dma_semaphore, #tpu.memory_space<semaphore_mem>>) src(%arg11 : memref<64x128xf32, #tpu.memory_space<vmem>>) dst(%dma_wait3A_70 : memref<64x128xf32, #tpu.memory_space<vmem_shared>>)
      tpu.yield
    }) : () -> ()
    %mul3A_44 = arith.constant 640 : i32
    %mul3A_45 = arith.muli %arg1, %mul3A_44 : i32
    %add3A_46 = arith.constant 576 : i32
    %add3A_47 = arith.addi %mul3A_45, %add3A_46 : i32
    "tpu.region"() ({
      %run_scoped3A = tpu.sem_alloc : memref<!tpu.dma_semaphore, #tpu.memory_space<semaphore_mem>>
      %dma_start3A_64 = arith.constant 0 : i32
      %dma_start3A_65 = tpu.memref_slice %arg13[%add3A_47, %dma_start3A_64] : memref<10240x128xf32, #tpu.memory_space<vmem_shared>> -> memref<64x128xf32, #tpu.memory_space<vmem_shared>>
      %dma_start3A_66 = arith.constant 0 : i32
      %dma_start3A_67 = tpu.memref_slice %arg13[%add3A_47, %dma_start3A_66] : memref<10240x128xf32, #tpu.memory_space<vmem_shared>> -> memref<64x128xf32, #tpu.memory_space<vmem_shared>>
      tpu.enqueue_dma source(%arg11 : memref<64x128xf32, #tpu.memory_space<vmem>>) target(%dma_start3A_67 : memref<64x128xf32, #tpu.memory_space<vmem_shared>>) target_semaphore(%run_scoped3A : memref<!tpu.dma_semaphore, #tpu.memory_space<semaphore_mem>>)
      %dma_wait3A = arith.constant 0 : i32
      %dma_wait3A_68 = tpu.memref_slice %arg13[%add3A_47, %dma_wait3A] : memref<10240x128xf32, #tpu.memory_space<vmem_shared>> -> memref<64x128xf32, #tpu.memory_space<vmem_shared>>
      %dma_wait3A_69 = arith.constant 0 : i32
      %dma_wait3A_70 = tpu.memref_slice %arg13[%add3A_47, %dma_wait3A_69] : memref<10240x128xf32, #tpu.memory_space<vmem_shared>> -> memref<64x128xf32, #tpu.memory_space<vmem_shared>>
      tpu.wait_dma2 semaphore(%run_scoped3A : memref<!tpu.dma_semaphore, #tpu.memory_space<semaphore_mem>>) src(%arg11 : memref<64x128xf32, #tpu.memory_space<vmem>>) dst(%dma_wait3A_70 : memref<64x128xf32, #tpu.memory_space<vmem_shared>>)
      tpu.yield
    }) : () -> ()
    %barrier3A = arith.constant 0 : index
    tpu.barrier barrier_id(%barrier3A)
    %mul3A_48 = arith.constant 10240 : i32
    %mul3A_49 = arith.muli %add3A, %mul3A_48 : i32
    "tpu.region"() ({
      %run_scoped3A = tpu.sem_alloc : memref<!tpu.dma_semaphore, #tpu.memory_space<semaphore_mem>>
      %dma_start3A_64 = tpu.memref_slice %arg2[%mul3A_49] : memref<327680xi32, #tpu.memory_space<hbm>> -> memref<64xi32, #tpu.memory_space<hbm>>
      %dma_start3A_65 = tpu.memref_slice %arg2[%mul3A_49] : memref<327680xi32, #tpu.memory_space<hbm>> -> memref<64xi32, #tpu.memory_space<hbm>>
      tpu.enqueue_dma source(%dma_start3A_65 : memref<64xi32, #tpu.memory_space<hbm>>) target(%arg7 : memref<64xi32, #tpu.memory_space<vmem>>) target_semaphore(%run_scoped3A : memref<!tpu.dma_semaphore, #tpu.memory_space<semaphore_mem>>)
      %dma_wait3A = tpu.memref_slice %arg2[%mul3A_49] : memref<327680xi32, #tpu.memory_space<hbm>> -> memref<64xi32, #tpu.memory_space<hbm>>
      %dma_wait3A_66 = tpu.memref_slice %arg2[%mul3A_49] : memref<327680xi32, #tpu.memory_space<hbm>> -> memref<64xi32, #tpu.memory_space<hbm>>
      tpu.wait_dma2 semaphore(%run_scoped3A : memref<!tpu.dma_semaphore, #tpu.memory_space<semaphore_mem>>) src(%dma_wait3A_66 : memref<64xi32, #tpu.memory_space<hbm>>) dst(%arg7 : memref<64xi32, #tpu.memory_space<vmem>>)
      tpu.yield
    }) : () -> ()
    "tpu.region"() ({
      %run_scoped3A = tpu.sem_alloc : memref<!tpu.dma_semaphore, #tpu.memory_space<semaphore_mem>>
      %dma_start3A_64 = tpu.memref_slice %arg3[%mul3A_49] : memref<327680xi32, #tpu.memory_space<hbm>> -> memref<64xi32, #tpu.memory_space<hbm>>
      %dma_start3A_65 = tpu.memref_slice %arg3[%mul3A_49] : memref<327680xi32, #tpu.memory_space<hbm>> -> memref<64xi32, #tpu.memory_space<hbm>>
      tpu.enqueue_dma source(%dma_start3A_65 : memref<64xi32, #tpu.memory_space<hbm>>) target(%arg9 : memref<64xi32, #tpu.memory_space<vmem>>) target_semaphore(%run_scoped3A : memref<!tpu.dma_semaphore, #tpu.memory_space<semaphore_mem>>)
      %dma_wait3A = tpu.memref_slice %arg3[%mul3A_49] : memref<327680xi32, #tpu.memory_space<hbm>> -> memref<64xi32, #tpu.memory_space<hbm>>
      %dma_wait3A_66 = tpu.memref_slice %arg3[%mul3A_49] : memref<327680xi32, #tpu.memory_space<hbm>> -> memref<64xi32, #tpu.memory_space<hbm>>
      tpu.wait_dma2 semaphore(%run_scoped3A : memref<!tpu.dma_semaphore, #tpu.memory_space<semaphore_mem>>) src(%dma_wait3A_66 : memref<64xi32, #tpu.memory_space<hbm>>) dst(%arg9 : memref<64xi32, #tpu.memory_space<vmem>>)
      tpu.yield
    }) : () -> ()
    %dma_start3A = arith.constant 0 : i32
    %dma_start3A_50 = arith.constant 0 : i32
    %dma_start3A_51 = tpu.memref_slice %arg5[%dma_start3A, %dma_start3A_50] : memref<10240x128xf32, #tpu.memory_space<hbm>> -> memref<10240x128xf32, #tpu.memory_space<hbm>>
    tpu.enqueue_indirect_dma source(%dma_start3A_51 : memref<10240x128xf32, #tpu.memory_space<hbm>>) target(%arg11 : memref<64x128xf32, #tpu.memory_space<vmem>>) offsets(%arg7 : memref<64xi32, #tpu.memory_space<vmem>>) semaphore(%arg14 : memref<!tpu.dma_semaphore, #tpu.memory_space<semaphore_mem>>)
    %scan3A_52 = arith.constant 0 : i32
    %scan3A_53 = arith.constant 0 : i32
    %scan3A_54 = arith.constant 80 : i32
    %scan3A_55 = arith.addi %scan3A_53, %scan3A_54 : i32
    %scan3A_56 = arith.constant 1 : i32
    %scan3A_57 = scf.for %scan3A_64 = %scan3A_53 to %scan3A_55 step %scan3A_56 iter_args(%scan3A_65 = %scan3A_52) -> (i32)  : i32 {
      %mul3A_66 = arith.constant 2 : i32
      %mul3A_67 = arith.muli %scan3A_64, %mul3A_66 : i32
      %mul3A_68 = arith.constant 64 : i32
      %mul3A_69 = arith.muli %mul3A_67, %mul3A_68 : i32
      %add3A_70 = arith.addi %mul3A_49, %mul3A_69 : i32
      %add3A_71 = arith.constant 64 : i32
      %add3A_72 = arith.addi %add3A_70, %add3A_71 : i32
      "tpu.region"() ({
        %run_scoped3A = tpu.sem_alloc : memref<!tpu.dma_semaphore, #tpu.memory_space<semaphore_mem>>
        %dma_start3A_88 = tpu.memref_slice %arg2[%add3A_72] : memref<327680xi32, #tpu.memory_space<hbm>> -> memref<64xi32, #tpu.memory_space<hbm>>
        %dma_start3A_89 = tpu.memref_slice %arg2[%add3A_72] : memref<327680xi32, #tpu.memory_space<hbm>> -> memref<64xi32, #tpu.memory_space<hbm>>
        tpu.enqueue_dma source(%dma_start3A_89 : memref<64xi32, #tpu.memory_space<hbm>>) target(%arg8 : memref<64xi32, #tpu.memory_space<vmem>>) target_semaphore(%run_scoped3A : memref<!tpu.dma_semaphore, #tpu.memory_space<semaphore_mem>>)
        %dma_wait3A_90 = tpu.memref_slice %arg2[%add3A_72] : memref<327680xi32, #tpu.memory_space<hbm>> -> memref<64xi32, #tpu.memory_space<hbm>>
        %dma_wait3A_91 = tpu.memref_slice %arg2[%add3A_72] : memref<327680xi32, #tpu.memory_space<hbm>> -> memref<64xi32, #tpu.memory_space<hbm>>
        tpu.wait_dma2 semaphore(%run_scoped3A : memref<!tpu.dma_semaphore, #tpu.memory_space<semaphore_mem>>) src(%dma_wait3A_91 : memref<64xi32, #tpu.memory_space<hbm>>) dst(%arg8 : memref<64xi32, #tpu.memory_space<vmem>>)
        tpu.yield
      }) : () -> ()
      %add3A_73 = arith.constant 64 : i32
      %add3A_74 = arith.addi %add3A_70, %add3A_73 : i32
      "tpu.region"() ({
        %run_scoped3A = tpu.sem_alloc : memref<!tpu.dma_semaphore, #tpu.memory_space<semaphore_mem>>
        %dma_start3A_88 = tpu.memref_slice %arg3[%add3A_74] : memref<327680xi32, #tpu.memory_space<hbm>> -> memref<64xi32, #tpu.memory_space<hbm>>
        %dma_start3A_89 = tpu.memref_slice %arg3[%add3A_74] : memref<327680xi32, #tpu.memory_space<hbm>> -> memref<64xi32, #tpu.memory_space<hbm>>
        tpu.enqueue_dma source(%dma_start3A_89 : memref<64xi32, #tpu.memory_space<hbm>>) target(%arg10 : memref<64xi32, #tpu.memory_space<vmem>>) target_semaphore(%run_scoped3A : memref<!tpu.dma_semaphore, #tpu.memory_space<semaphore_mem>>)
        %dma_wait3A_90 = tpu.memref_slice %arg3[%add3A_74] : memref<327680xi32, #tpu.memory_space<hbm>> -> memref<64xi32, #tpu.memory_space<hbm>>
        %dma_wait3A_91 = tpu.memref_slice %arg3[%add3A_74] : memref<327680xi32, #tpu.memory_space<hbm>> -> memref<64xi32, #tpu.memory_space<hbm>>
        tpu.wait_dma2 semaphore(%run_scoped3A : memref<!tpu.dma_semaphore, #tpu.memory_space<semaphore_mem>>) src(%dma_wait3A_91 : memref<64xi32, #tpu.memory_space<hbm>>) dst(%arg10 : memref<64xi32, #tpu.memory_space<vmem>>)
        tpu.yield
      }) : () -> ()
      %dma_wait3A = arith.constant 0 : i32
      %dma_wait3A_75 = arith.constant 0 : i32
      %dma_wait3A_76 = tpu.memref_slice %arg5[%dma_wait3A, %dma_wait3A_75] : memref<10240x128xf32, #tpu.memory_space<hbm>> -> memref<10240x128xf32, #tpu.memory_space<hbm>>
      tpu.wait_indirect_dma semaphore(%arg14 : memref<!tpu.dma_semaphore, #tpu.memory_space<semaphore_mem>>) src(%dma_wait3A_76 : memref<10240x128xf32, #tpu.memory_space<hbm>>) dst(%arg11 : memref<64x128xf32, #tpu.memory_space<vmem>>)
      %dma_start3A_77 = arith.constant 0 : i32
      %dma_start3A_78 = arith.constant 0 : i32
      %dma_start3A_79 = tpu.memref_slice %arg5[%dma_start3A_77, %dma_start3A_78] : memref<10240x128xf32, #tpu.memory_space<hbm>> -> memref<10240x128xf32, #tpu.memory_space<hbm>>
      tpu.enqueue_indirect_dma source(%dma_start3A_79 : memref<10240x128xf32, #tpu.memory_space<hbm>>) target(%arg12 : memref<64x128xf32, #tpu.memory_space<vmem>>) offsets(%arg8 : memref<64xi32, #tpu.memory_space<vmem>>) semaphore(%arg15 : memref<!tpu.dma_semaphore, #tpu.memory_space<semaphore_mem>>)
      "tpu.region"() ({
        %run_scoped3A = tpu.sem_alloc : memref<!tpu.dma_semaphore, #tpu.memory_space<semaphore_mem>>
        %dma_start3A_88 = arith.constant 0 : i32
        %dma_start3A_89 = arith.constant 0 : i32
        %dma_start3A_90 = tpu.memref_slice %arg13[%dma_start3A_88, %dma_start3A_89] : memref<10240x128xf32, #tpu.memory_space<vmem_shared>> -> memref<10240x128xf32, #tpu.memory_space<vmem_shared>>
        tpu.enqueue_indirect_dma source(%arg11 : memref<64x128xf32, #tpu.memory_space<vmem>>) target(%dma_start3A_90 : memref<10240x128xf32, #tpu.memory_space<vmem_shared>>) offsets(%arg9 : memref<64xi32, #tpu.memory_space<vmem>>) semaphore(%run_scoped3A : memref<!tpu.dma_semaphore, #tpu.memory_space<semaphore_mem>>) {add = true}
        %dma_wait3A_91 = arith.constant 0 : i32
        %dma_wait3A_92 = arith.constant 0 : i32
        %dma_wait3A_93 = tpu.memref_slice %arg13[%dma_wait3A_91, %dma_wait3A_92] : memref<10240x128xf32, #tpu.memory_space<vmem_shared>> -> memref<10240x128xf32, #tpu.memory_space<vmem_shared>>
        tpu.wait_indirect_dma semaphore(%run_scoped3A : memref<!tpu.dma_semaphore, #tpu.memory_space<semaphore_mem>>) src(%arg11 : memref<64x128xf32, #tpu.memory_space<vmem>>) dst(%dma_wait3A_93 : memref<10240x128xf32, #tpu.memory_space<vmem_shared>>)
        tpu.yield
      }) : () -> ()
      %add3A_80 = arith.constant 1 : i32
      %add3A_81 = arith.addi %scan3A_64, %add3A_80 : i32
      %lt3A = arith.constant 80 : i32
      %lt3A_82 = arith.cmpi slt, %add3A_81, %lt3A : i32
      %convert_element_type3A = arith.extui %lt3A_82 : i1 to i32
      %cond3A = arith.constant 0 : i32
      %cond3A_83 = arith.cmpi ne, %convert_element_type3A, %cond3A : i32
      scf.if %cond3A_83 {
        %add3A_88 = arith.constant 128 : i32
        %add3A_89 = arith.addi %add3A_70, %add3A_88 : i32
        "tpu.region"() ({
          %run_scoped3A = tpu.sem_alloc : memref<!tpu.dma_semaphore, #tpu.memory_space<semaphore_mem>>
          %dma_start3A_95 = tpu.memref_slice %arg2[%add3A_89] : memref<327680xi32, #tpu.memory_space<hbm>> -> memref<64xi32, #tpu.memory_space<hbm>>
          %dma_start3A_96 = tpu.memref_slice %arg2[%add3A_89] : memref<327680xi32, #tpu.memory_space<hbm>> -> memref<64xi32, #tpu.memory_space<hbm>>
          tpu.enqueue_dma source(%dma_start3A_96 : memref<64xi32, #tpu.memory_space<hbm>>) target(%arg7 : memref<64xi32, #tpu.memory_space<vmem>>) target_semaphore(%run_scoped3A : memref<!tpu.dma_semaphore, #tpu.memory_space<semaphore_mem>>)
          %dma_wait3A_97 = tpu.memref_slice %arg2[%add3A_89] : memref<327680xi32, #tpu.memory_space<hbm>> -> memref<64xi32, #tpu.memory_space<hbm>>
          %dma_wait3A_98 = tpu.memref_slice %arg2[%add3A_89] : memref<327680xi32, #tpu.memory_space<hbm>> -> memref<64xi32, #tpu.memory_space<hbm>>
          tpu.wait_dma2 semaphore(%run_scoped3A : memref<!tpu.dma_semaphore, #tpu.memory_space<semaphore_mem>>) src(%dma_wait3A_98 : memref<64xi32, #tpu.memory_space<hbm>>) dst(%arg7 : memref<64xi32, #tpu.memory_space<vmem>>)
          tpu.yield
        }) : () -> ()
        %add3A_90 = arith.constant 128 : i32
        %add3A_91 = arith.addi %add3A_70, %add3A_90 : i32
        "tpu.region"() ({
          %run_scoped3A = tpu.sem_alloc : memref<!tpu.dma_semaphore, #tpu.memory_space<semaphore_mem>>
          %dma_start3A_95 = tpu.memref_slice %arg3[%add3A_91] : memref<327680xi32, #tpu.memory_space<hbm>> -> memref<64xi32, #tpu.memory_space<hbm>>
          %dma_start3A_96 = tpu.memref_slice %arg3[%add3A_91] : memref<327680xi32, #tpu.memory_space<hbm>> -> memref<64xi32, #tpu.memory_space<hbm>>
          tpu.enqueue_dma source(%dma_start3A_96 : memref<64xi32, #tpu.memory_space<hbm>>) target(%arg9 : memref<64xi32, #tpu.memory_space<vmem>>) target_semaphore(%run_scoped3A : memref<!tpu.dma_semaphore, #tpu.memory_space<semaphore_mem>>)
          %dma_wait3A_97 = tpu.memref_slice %arg3[%add3A_91] : memref<327680xi32, #tpu.memory_space<hbm>> -> memref<64xi32, #tpu.memory_space<hbm>>
          %dma_wait3A_98 = tpu.memref_slice %arg3[%add3A_91] : memref<327680xi32, #tpu.memory_space<hbm>> -> memref<64xi32, #tpu.memory_space<hbm>>
          tpu.wait_dma2 semaphore(%run_scoped3A : memref<!tpu.dma_semaphore, #tpu.memory_space<semaphore_mem>>) src(%dma_wait3A_98 : memref<64xi32, #tpu.memory_space<hbm>>) dst(%arg9 : memref<64xi32, #tpu.memory_space<vmem>>)
          tpu.yield
        }) : () -> ()
        %dma_start3A_92 = arith.constant 0 : i32
        %dma_start3A_93 = arith.constant 0 : i32
        %dma_start3A_94 = tpu.memref_slice %arg5[%dma_start3A_92, %dma_start3A_93] : memref<10240x128xf32, #tpu.memory_space<hbm>> -> memref<10240x128xf32, #tpu.memory_space<hbm>>
        tpu.enqueue_indirect_dma source(%dma_start3A_94 : memref<10240x128xf32, #tpu.memory_space<hbm>>) target(%arg11 : memref<64x128xf32, #tpu.memory_space<vmem>>) offsets(%arg7 : memref<64xi32, #tpu.memory_space<vmem>>) semaphore(%arg14 : memref<!tpu.dma_semaphore, #tpu.memory_space<semaphore_mem>>)
      } else {
      }
      %dma_wait3A_84 = arith.constant 0 : i32
      %dma_wait3A_85 = arith.constant 0 : i32
      %dma_wait3A_86 = tpu.memref_slice %arg5[%dma_wait3A_84, %dma_wait3A_85] : memref<10240x128xf32, #tpu.memory_space<hbm>> -> memref<10240x128xf32, #tpu.memory_space<hbm>>
      tpu.wait_indirect_dma semaphore(%arg15 : memref<!tpu.dma_semaphore, #tpu.memory_space<semaphore_mem>>) src(%dma_wait3A_86 : memref<10240x128xf32, #tpu.memory_space<hbm>>) dst(%arg12 : memref<64x128xf32, #tpu.memory_space<vmem>>)
      "tpu.region"() ({
        %run_scoped3A = tpu.sem_alloc : memref<!tpu.dma_semaphore, #tpu.memory_space<semaphore_mem>>
        %dma_start3A_88 = arith.constant 0 : i32
        %dma_start3A_89 = arith.constant 0 : i32
        %dma_start3A_90 = tpu.memref_slice %arg13[%dma_start3A_88, %dma_start3A_89] : memref<10240x128xf32, #tpu.memory_space<vmem_shared>> -> memref<10240x128xf32, #tpu.memory_space<vmem_shared>>
        tpu.enqueue_indirect_dma source(%arg12 : memref<64x128xf32, #tpu.memory_space<vmem>>) target(%dma_start3A_90 : memref<10240x128xf32, #tpu.memory_space<vmem_shared>>) offsets(%arg10 : memref<64xi32, #tpu.memory_space<vmem>>) semaphore(%run_scoped3A : memref<!tpu.dma_semaphore, #tpu.memory_space<semaphore_mem>>) {add = true}
        %dma_wait3A_91 = arith.constant 0 : i32
        %dma_wait3A_92 = arith.constant 0 : i32
        %dma_wait3A_93 = tpu.memref_slice %arg13[%dma_wait3A_91, %dma_wait3A_92] : memref<10240x128xf32, #tpu.memory_space<vmem_shared>> -> memref<10240x128xf32, #tpu.memory_space<vmem_shared>>
        tpu.wait_indirect_dma semaphore(%run_scoped3A : memref<!tpu.dma_semaphore, #tpu.memory_space<semaphore_mem>>) src(%arg12 : memref<64x128xf32, #tpu.memory_space<vmem>>) dst(%dma_wait3A_93 : memref<10240x128xf32, #tpu.memory_space<vmem_shared>>)
        tpu.yield
      }) : () -> ()
      %scan3A_87 = arith.constant 0 : i32
      scf.yield %scan3A_87 : i32
    }
    %scan3A_58 = arith.constant 80 : i32
    %barrier3A_59 = arith.constant 0 : index
    tpu.barrier barrier_id(%barrier3A_59)
    %mul3A_60 = arith.constant 640 : i32
    %mul3A_61 = arith.muli %arg1, %mul3A_60 : i32
    %mul3A_62 = arith.constant 640 : i32
    %mul3A_63 = arith.muli %arg1, %mul3A_62 : i32
    "tpu.region"() ({
      %run_scoped3A = tpu.sem_alloc : memref<!tpu.dma_semaphore, #tpu.memory_space<semaphore_mem>>
      %dma_start3A_64 = arith.constant 0 : i32
      %dma_start3A_65 = tpu.memref_slice %arg6[%arg0, %mul3A_63, %dma_start3A_64] : memref<2x10240x128xf32, #tpu.memory_space<hbm>> -> memref<1x640x128xf32, #tpu.memory_space<hbm>>
      %dma_start3A_66 = tpu.memref_squeeze %dma_start3A_65 : memref<1x640x128xf32, #tpu.memory_space<hbm>> -> memref<640x128xf32, #tpu.memory_space<hbm>>
      %dma_start3A_67 = arith.constant 0 : i32
      %dma_start3A_68 = tpu.memref_slice %arg13[%mul3A_61, %dma_start3A_67] : memref<10240x128xf32, #tpu.memory_space<vmem_shared>> -> memref<640x128xf32, #tpu.memory_space<vmem_shared>>
      tpu.enqueue_dma source(%dma_start3A_68 : memref<640x128xf32, #tpu.memory_space<vmem_shared>>) target(%dma_start3A_66 : memref<640x128xf32, #tpu.memory_space<hbm>>) target_semaphore(%run_scoped3A : memref<!tpu.dma_semaphore, #tpu.memory_space<semaphore_mem>>)
      %dma_wait3A = arith.constant 0 : i32
      %dma_wait3A_69 = tpu.memref_slice %arg6[%arg0, %mul3A_63, %dma_wait3A] : memref<2x10240x128xf32, #tpu.memory_space<hbm>> -> memref<1x640x128xf32, #tpu.memory_space<hbm>>
      %dma_wait3A_70 = tpu.memref_squeeze %dma_wait3A_69 : memref<1x640x128xf32, #tpu.memory_space<hbm>> -> memref<640x128xf32, #tpu.memory_space<hbm>>
      %dma_wait3A_71 = arith.constant 0 : i32
      %dma_wait3A_72 = tpu.memref_slice %arg13[%mul3A_61, %dma_wait3A_71] : memref<10240x128xf32, #tpu.memory_space<vmem_shared>> -> memref<640x128xf32, #tpu.memory_space<vmem_shared>>
      tpu.wait_dma2 semaphore(%run_scoped3A : memref<!tpu.dma_semaphore, #tpu.memory_space<semaphore_mem>>) src(%dma_wait3A_72 : memref<640x128xf32, #tpu.memory_space<vmem_shared>>) dst(%dma_wait3A_70 : memref<640x128xf32, #tpu.memory_space<hbm>>)
      tpu.yield
    }) : () -> ()
    return
  }
}

#map = affine_map<(d0, d1) -> (0)>
#map1 = affine_map<(d0, d1) -> (0, 0)>
#map2 = affine_map<(d0, d1) -> (0, 0, 0)>
module attributes {stable_mosaic.version = 14 : i64} {
  func.func @_agg(%arg0: i32, %arg1: i32, %arg2: memref<327680xi32, #tpu.memory_space<hbm>>, %arg3: memref<327680xi32, #tpu.memory_space<hbm>>, %arg4: memref<327680xf32, #tpu.memory_space<hbm>>, %arg5: memref<10240x128xf32, #tpu.memory_space<hbm>>, %arg6: memref<2x10240x128xf32, #tpu.memory_space<hbm>>, %arg7: memref<64xi32, #tpu.memory_space<vmem>>, %arg8: memref<64xi32, #tpu.memory_space<vmem>>, %arg9: memref<64xi32, #tpu.memory_space<vmem>>, %arg10: memref<64xi32, #tpu.memory_space<vmem>>, %arg11: memref<64x128xf32, #tpu.memory_space<vmem>>, %arg12: memref<64x128xf32, #tpu.memory_space<vmem>>, %arg13: memref<10240x128xf32, #tpu.memory_space<vmem_shared>>, %arg14: memref<!tpu.dma_semaphore, #tpu.memory_space<semaphore_mem>>, %arg15: memref<!tpu.dma_semaphore, #tpu.memory_space<semaphore_mem>>) attributes {dimension_semantics = [#tpu.dimension_semantics<core_parallel>, #tpu.dimension_semantics<subcore_parallel>], iteration_bounds = array<i64: 2, 16>, scalar_prefetch = 0 : i64, scratch_operands = 9 : i64, tpu.core_type = #tpu.core_type<sc_vector_subcore>, window_params = [{transform_indices = #map}, {transform_indices = #map}, {transform_indices = #map}, {transform_indices = #map1}, {transform_indices = #map2}]} {
    %mul3A = arith.constant 16 : i32
    %mul3A_0 = arith.muli %arg0, %mul3A : i32
    %add3A = arith.addi %mul3A_0, %arg1 : i32
    %broadcast_in_dim3A = arith.constant 0.000000e+00 : f32
    %broadcast_in_dim3A_1 = vector.broadcast %broadcast_in_dim3A : f32 to vector<16xf32>
    %scan3A = arith.constant 0 : i32
    %scan3A_2 = arith.constant 0 : i32
    %scan3A_3 = arith.constant 64 : i32
    %scan3A_4 = arith.addi %scan3A_2, %scan3A_3 : i32
    %scan3A_5 = arith.constant 1 : i32
    %scan3A_6 = scf.for %scan3A_64 = %scan3A_2 to %scan3A_4 step %scan3A_5 iter_args(%scan3A_65 = %scan3A) -> (i32)  : i32 {
      %swap3A = arith.index_cast %scan3A_64 : i32 to index
      %swap3A_66 = arith.constant 0 : index
      %swap3A_67 = tpu.vector_load %arg11[%swap3A, %swap3A_66] {strides = array<i32>} : memref<64x128xf32, #tpu.memory_space<vmem>>, vector<16xf32>,
      tpu.vector_store %arg11[%swap3A, %swap3A_66], %broadcast_in_dim3A_1 {strides = array<i32>} : memref<64x128xf32, #tpu.memory_space<vmem>>, vector<16xf32>,
      %swap3A_68 = arith.index_cast %scan3A_64 : i32 to index
      %swap3A_69 = arith.constant 16 : index
      %swap3A_70 = tpu.vector_load %arg11[%swap3A_68, %swap3A_69] {strides = array<i32>} : memref<64x128xf32, #tpu.memory_space<vmem>>, vector<16xf32>,
      tpu.vector_store %arg11[%swap3A_68, %swap3A_69], %broadcast_in_dim3A_1 {strides = array<i32>} : memref<64x128xf32, #tpu.memory_space<vmem>>, vector<16xf32>,
      %swap3A_71 = arith.index_cast %scan3A_64 : i32 to index
      %swap3A_72 = arith.constant 32 : index
      %swap3A_73 = tpu.vector_load %arg11[%swap3A_71, %swap3A_72] {strides = array<i32>} : memref<64x128xf32, #tpu.memory_space<vmem>>, vector<16xf32>,
      tpu.vector_store %arg11[%swap3A_71, %swap3A_72], %broadcast_in_dim3A_1 {strides = array<i32>} : memref<64x128xf32, #tpu.memory_space<vmem>>, vector<16xf32>,
      %swap3A_74 = arith.index_cast %scan3A_64 : i32 to index
      %swap3A_75 = arith.constant 48 : index
      %swap3A_76 = tpu.vector_load %arg11[%swap3A_74, %swap3A_75] {strides = array<i32>} : memref<64x128xf32, #tpu.memory_space<vmem>>, vector<16xf32>,
      tpu.vector_store %arg11[%swap3A_74, %swap3A_75], %broadcast_in_dim3A_1 {strides = array<i32>} : memref<64x128xf32, #tpu.memory_space<vmem>>, vector<16xf32>,
      %swap3A_77 = arith.index_cast %scan3A_64 : i32 to index
      %swap3A_78 = arith.constant 64 : index
      %swap3A_79 = tpu.vector_load %arg11[%swap3A_77, %swap3A_78] {strides = array<i32>} : memref<64x128xf32, #tpu.memory_space<vmem>>, vector<16xf32>,
      tpu.vector_store %arg11[%swap3A_77, %swap3A_78], %broadcast_in_dim3A_1 {strides = array<i32>} : memref<64x128xf32, #tpu.memory_space<vmem>>, vector<16xf32>,
      %swap3A_80 = arith.index_cast %scan3A_64 : i32 to index
      %swap3A_81 = arith.constant 80 : index
      %swap3A_82 = tpu.vector_load %arg11[%swap3A_80, %swap3A_81] {strides = array<i32>} : memref<64x128xf32, #tpu.memory_space<vmem>>, vector<16xf32>,
      tpu.vector_store %arg11[%swap3A_80, %swap3A_81], %broadcast_in_dim3A_1 {strides = array<i32>} : memref<64x128xf32, #tpu.memory_space<vmem>>, vector<16xf32>,
      %swap3A_83 = arith.index_cast %scan3A_64 : i32 to index
      %swap3A_84 = arith.constant 96 : index
      %swap3A_85 = tpu.vector_load %arg11[%swap3A_83, %swap3A_84] {strides = array<i32>} : memref<64x128xf32, #tpu.memory_space<vmem>>, vector<16xf32>,
      tpu.vector_store %arg11[%swap3A_83, %swap3A_84], %broadcast_in_dim3A_1 {strides = array<i32>} : memref<64x128xf32, #tpu.memory_space<vmem>>, vector<16xf32>,
      %swap3A_86 = arith.index_cast %scan3A_64 : i32 to index
      %swap3A_87 = arith.constant 112 : index
      %swap3A_88 = tpu.vector_load %arg11[%swap3A_86, %swap3A_87] {strides = array<i32>} : memref<64x128xf32, #tpu.memory_space<vmem>>, vector<16xf32>,
      tpu.vector_store %arg11[%swap3A_86, %swap3A_87], %broadcast_in_dim3A_1 {strides = array<i32>} : memref<64x128xf32, #tpu.memory_space<vmem>>, vector<16xf32>,
      %scan3A_89 = arith.constant 0 : i32
      scf.yield %scan3A_89 : i32
    }
    %scan3A_7 = arith.constant 64 : i32
    %mul3A_8 = arith.constant 640 : i32
    %mul3A_9 = arith.muli %arg1, %mul3A_8 : i32
    %add3A_10 = arith.constant 0 : i32
    %add3A_11 = arith.addi %mul3A_9, %add3A_10 : i32
    "tpu.region"() ({
      %run_scoped3A = tpu.sem_alloc : memref<!tpu.dma_semaphore, #tpu.memory_space<semaphore_mem>>
      %dma_start3A_64 = arith.constant 0 : i32
      %dma_start3A_65 = tpu.memref_slice %arg13[%add3A_11, %dma_start3A_64] : memref<10240x128xf32, #tpu.memory_space<vmem_shared>> -> memref<64x128xf32, #tpu.memory_space<vmem_shared>>
      %dma_start3A_66 = arith.constant 0 : i32
      %dma_start3A_67 = tpu.memref_slice %arg13[%add3A_11, %dma_start3A_66] : memref<10240x128xf32, #tpu.memory_space<vmem_shared>> -> memref<64x128xf32, #tpu.memory_space<vmem_shared>>
      tpu.enqueue_dma source(%arg11 : memref<64x128xf32, #tpu.memory_space<vmem>>) target(%dma_start3A_67 : memref<64x128xf32, #tpu.memory_space<vmem_shared>>) target_semaphore(%run_scoped3A : memref<!tpu.dma_semaphore, #tpu.memory_space<semaphore_mem>>)
      %dma_wait3A = arith.constant 0 : i32
      %dma_wait3A_68 = tpu.memref_slice %arg13[%add3A_11, %dma_wait3A] : memref<10240x128xf32, #tpu.memory_space<vmem_shared>> -> memref<64x128xf32, #tpu.memory_space<vmem_shared>>
      %dma_wait3A_69 = arith.constant 0 : i32
      %dma_wait3A_70 = tpu.memref_slice %arg13[%add3A_11, %dma_wait3A_69] : memref<10240x128xf32, #tpu.memory_space<vmem_shared>> -> memref<64x128xf32, #tpu.memory_space<vmem_shared>>
      tpu.wait_dma2 semaphore(%run_scoped3A : memref<!tpu.dma_semaphore, #tpu.memory_space<semaphore_mem>>) src(%arg11 : memref<64x128xf32, #tpu.memory_space<vmem>>) dst(%dma_wait3A_70 : memref<64x128xf32, #tpu.memory_space<vmem_shared>>)
      tpu.yield
    }) : () -> ()
    %mul3A_12 = arith.constant 640 : i32
    %mul3A_13 = arith.muli %arg1, %mul3A_12 : i32
    %add3A_14 = arith.constant 64 : i32
    %add3A_15 = arith.addi %mul3A_13, %add3A_14 : i32
    "tpu.region"() ({
      %run_scoped3A = tpu.sem_alloc : memref<!tpu.dma_semaphore, #tpu.memory_space<semaphore_mem>>
      %dma_start3A_64 = arith.constant 0 : i32
      %dma_start3A_65 = tpu.memref_slice %arg13[%add3A_15, %dma_start3A_64] : memref<10240x128xf32, #tpu.memory_space<vmem_shared>> -> memref<64x128xf32, #tpu.memory_space<vmem_shared>>
      %dma_start3A_66 = arith.constant 0 : i32
      %dma_start3A_67 = tpu.memref_slice %arg13[%add3A_15, %dma_start3A_66] : memref<10240x128xf32, #tpu.memory_space<vmem_shared>> -> memref<64x128xf32, #tpu.memory_space<vmem_shared>>
      tpu.enqueue_dma source(%arg11 : memref<64x128xf32, #tpu.memory_space<vmem>>) target(%dma_start3A_67 : memref<64x128xf32, #tpu.memory_space<vmem_shared>>) target_semaphore(%run_scoped3A : memref<!tpu.dma_semaphore, #tpu.memory_space<semaphore_mem>>)
      %dma_wait3A = arith.constant 0 : i32
      %dma_wait3A_68 = tpu.memref_slice %arg13[%add3A_15, %dma_wait3A] : memref<10240x128xf32, #tpu.memory_space<vmem_shared>> -> memref<64x128xf32, #tpu.memory_space<vmem_shared>>
      %dma_wait3A_69 = arith.constant 0 : i32
      %dma_wait3A_70 = tpu.memref_slice %arg13[%add3A_15, %dma_wait3A_69] : memref<10240x128xf32, #tpu.memory_space<vmem_shared>> -> memref<64x128xf32, #tpu.memory_space<vmem_shared>>
      tpu.wait_dma2 semaphore(%run_scoped3A : memref<!tpu.dma_semaphore, #tpu.memory_space<semaphore_mem>>) src(%arg11 : memref<64x128xf32, #tpu.memory_space<vmem>>) dst(%dma_wait3A_70 : memref<64x128xf32, #tpu.memory_space<vmem_shared>>)
      tpu.yield
    }) : () -> ()
    %mul3A_16 = arith.constant 640 : i32
    %mul3A_17 = arith.muli %arg1, %mul3A_16 : i32
    %add3A_18 = arith.constant 128 : i32
    %add3A_19 = arith.addi %mul3A_17, %add3A_18 : i32
    "tpu.region"() ({
      %run_scoped3A = tpu.sem_alloc : memref<!tpu.dma_semaphore, #tpu.memory_space<semaphore_mem>>
      %dma_start3A_64 = arith.constant 0 : i32
      %dma_start3A_65 = tpu.memref_slice %arg13[%add3A_19, %dma_start3A_64] : memref<10240x128xf32, #tpu.memory_space<vmem_shared>> -> memref<64x128xf32, #tpu.memory_space<vmem_shared>>
      %dma_start3A_66 = arith.constant 0 : i32
      %dma_start3A_67 = tpu.memref_slice %arg13[%add3A_19, %dma_start3A_66] : memref<10240x128xf32, #tpu.memory_space<vmem_shared>> -> memref<64x128xf32, #tpu.memory_space<vmem_shared>>
      tpu.enqueue_dma source(%arg11 : memref<64x128xf32, #tpu.memory_space<vmem>>) target(%dma_start3A_67 : memref<64x128xf32, #tpu.memory_space<vmem_shared>>) target_semaphore(%run_scoped3A : memref<!tpu.dma_semaphore, #tpu.memory_space<semaphore_mem>>)
      %dma_wait3A = arith.constant 0 : i32
      %dma_wait3A_68 = tpu.memref_slice %arg13[%add3A_19, %dma_wait3A] : memref<10240x128xf32, #tpu.memory_space<vmem_shared>> -> memref<64x128xf32, #tpu.memory_space<vmem_shared>>
      %dma_wait3A_69 = arith.constant 0 : i32
      %dma_wait3A_70 = tpu.memref_slice %arg13[%add3A_19, %dma_wait3A_69] : memref<10240x128xf32, #tpu.memory_space<vmem_shared>> -> memref<64x128xf32, #tpu.memory_space<vmem_shared>>
      tpu.wait_dma2 semaphore(%run_scoped3A : memref<!tpu.dma_semaphore, #tpu.memory_space<semaphore_mem>>) src(%arg11 : memref<64x128xf32, #tpu.memory_space<vmem>>) dst(%dma_wait3A_70 : memref<64x128xf32, #tpu.memory_space<vmem_shared>>)
      tpu.yield
    }) : () -> ()
    %mul3A_20 = arith.constant 640 : i32
    %mul3A_21 = arith.muli %arg1, %mul3A_20 : i32
    %add3A_22 = arith.constant 192 : i32
    %add3A_23 = arith.addi %mul3A_21, %add3A_22 : i32
    "tpu.region"() ({
      %run_scoped3A = tpu.sem_alloc : memref<!tpu.dma_semaphore, #tpu.memory_space<semaphore_mem>>
      %dma_start3A_64 = arith.constant 0 : i32
      %dma_start3A_65 = tpu.memref_slice %arg13[%add3A_23, %dma_start3A_64] : memref<10240x128xf32, #tpu.memory_space<vmem_shared>> -> memref<64x128xf32, #tpu.memory_space<vmem_shared>>
      %dma_start3A_66 = arith.constant 0 : i32
      %dma_start3A_67 = tpu.memref_slice %arg13[%add3A_23, %dma_start3A_66] : memref<10240x128xf32, #tpu.memory_space<vmem_shared>> -> memref<64x128xf32, #tpu.memory_space<vmem_shared>>
      tpu.enqueue_dma source(%arg11 : memref<64x128xf32, #tpu.memory_space<vmem>>) target(%dma_start3A_67 : memref<64x128xf32, #tpu.memory_space<vmem_shared>>) target_semaphore(%run_scoped3A : memref<!tpu.dma_semaphore, #tpu.memory_space<semaphore_mem>>)
      %dma_wait3A = arith.constant 0 : i32
      %dma_wait3A_68 = tpu.memref_slice %arg13[%add3A_23, %dma_wait3A] : memref<10240x128xf32, #tpu.memory_space<vmem_shared>> -> memref<64x128xf32, #tpu.memory_space<vmem_shared>>
      %dma_wait3A_69 = arith.constant 0 : i32
      %dma_wait3A_70 = tpu.memref_slice %arg13[%add3A_23, %dma_wait3A_69] : memref<10240x128xf32, #tpu.memory_space<vmem_shared>> -> memref<64x128xf32, #tpu.memory_space<vmem_shared>>
      tpu.wait_dma2 semaphore(%run_scoped3A : memref<!tpu.dma_semaphore, #tpu.memory_space<semaphore_mem>>) src(%arg11 : memref<64x128xf32, #tpu.memory_space<vmem>>) dst(%dma_wait3A_70 : memref<64x128xf32, #tpu.memory_space<vmem_shared>>)
      tpu.yield
    }) : () -> ()
    %mul3A_24 = arith.constant 640 : i32
    %mul3A_25 = arith.muli %arg1, %mul3A_24 : i32
    %add3A_26 = arith.constant 256 : i32
    %add3A_27 = arith.addi %mul3A_25, %add3A_26 : i32
    "tpu.region"() ({
      %run_scoped3A = tpu.sem_alloc : memref<!tpu.dma_semaphore, #tpu.memory_space<semaphore_mem>>
      %dma_start3A_64 = arith.constant 0 : i32
      %dma_start3A_65 = tpu.memref_slice %arg13[%add3A_27, %dma_start3A_64] : memref<10240x128xf32, #tpu.memory_space<vmem_shared>> -> memref<64x128xf32, #tpu.memory_space<vmem_shared>>
      %dma_start3A_66 = arith.constant 0 : i32
      %dma_start3A_67 = tpu.memref_slice %arg13[%add3A_27, %dma_start3A_66] : memref<10240x128xf32, #tpu.memory_space<vmem_shared>> -> memref<64x128xf32, #tpu.memory_space<vmem_shared>>
      tpu.enqueue_dma source(%arg11 : memref<64x128xf32, #tpu.memory_space<vmem>>) target(%dma_start3A_67 : memref<64x128xf32, #tpu.memory_space<vmem_shared>>) target_semaphore(%run_scoped3A : memref<!tpu.dma_semaphore, #tpu.memory_space<semaphore_mem>>)
      %dma_wait3A = arith.constant 0 : i32
      %dma_wait3A_68 = tpu.memref_slice %arg13[%add3A_27, %dma_wait3A] : memref<10240x128xf32, #tpu.memory_space<vmem_shared>> -> memref<64x128xf32, #tpu.memory_space<vmem_shared>>
      %dma_wait3A_69 = arith.constant 0 : i32
      %dma_wait3A_70 = tpu.memref_slice %arg13[%add3A_27, %dma_wait3A_69] : memref<10240x128xf32, #tpu.memory_space<vmem_shared>> -> memref<64x128xf32, #tpu.memory_space<vmem_shared>>
      tpu.wait_dma2 semaphore(%run_scoped3A : memref<!tpu.dma_semaphore, #tpu.memory_space<semaphore_mem>>) src(%arg11 : memref<64x128xf32, #tpu.memory_space<vmem>>) dst(%dma_wait3A_70 : memref<64x128xf32, #tpu.memory_space<vmem_shared>>)
      tpu.yield
    }) : () -> ()
    %mul3A_28 = arith.constant 640 : i32
    %mul3A_29 = arith.muli %arg1, %mul3A_28 : i32
    %add3A_30 = arith.constant 320 : i32
    %add3A_31 = arith.addi %mul3A_29, %add3A_30 : i32
    "tpu.region"() ({
      %run_scoped3A = tpu.sem_alloc : memref<!tpu.dma_semaphore, #tpu.memory_space<semaphore_mem>>
      %dma_start3A_64 = arith.constant 0 : i32
      %dma_start3A_65 = tpu.memref_slice %arg13[%add3A_31, %dma_start3A_64] : memref<10240x128xf32, #tpu.memory_space<vmem_shared>> -> memref<64x128xf32, #tpu.memory_space<vmem_shared>>
      %dma_start3A_66 = arith.constant 0 : i32
      %dma_start3A_67 = tpu.memref_slice %arg13[%add3A_31, %dma_start3A_66] : memref<10240x128xf32, #tpu.memory_space<vmem_shared>> -> memref<64x128xf32, #tpu.memory_space<vmem_shared>>
      tpu.enqueue_dma source(%arg11 : memref<64x128xf32, #tpu.memory_space<vmem>>) target(%dma_start3A_67 : memref<64x128xf32, #tpu.memory_space<vmem_shared>>) target_semaphore(%run_scoped3A : memref<!tpu.dma_semaphore, #tpu.memory_space<semaphore_mem>>)
      %dma_wait3A = arith.constant 0 : i32
      %dma_wait3A_68 = tpu.memref_slice %arg13[%add3A_31, %dma_wait3A] : memref<10240x128xf32, #tpu.memory_space<vmem_shared>> -> memref<64x128xf32, #tpu.memory_space<vmem_shared>>
      %dma_wait3A_69 = arith.constant 0 : i32
      %dma_wait3A_70 = tpu.memref_slice %arg13[%add3A_31, %dma_wait3A_69] : memref<10240x128xf32, #tpu.memory_space<vmem_shared>> -> memref<64x128xf32, #tpu.memory_space<vmem_shared>>
      tpu.wait_dma2 semaphore(%run_scoped3A : memref<!tpu.dma_semaphore, #tpu.memory_space<semaphore_mem>>) src(%arg11 : memref<64x128xf32, #tpu.memory_space<vmem>>) dst(%dma_wait3A_70 : memref<64x128xf32, #tpu.memory_space<vmem_shared>>)
      tpu.yield
    }) : () -> ()
    %mul3A_32 = arith.constant 640 : i32
    %mul3A_33 = arith.muli %arg1, %mul3A_32 : i32
    %add3A_34 = arith.constant 384 : i32
    %add3A_35 = arith.addi %mul3A_33, %add3A_34 : i32
    "tpu.region"() ({
      %run_scoped3A = tpu.sem_alloc : memref<!tpu.dma_semaphore, #tpu.memory_space<semaphore_mem>>
      %dma_start3A_64 = arith.constant 0 : i32
      %dma_start3A_65 = tpu.memref_slice %arg13[%add3A_35, %dma_start3A_64] : memref<10240x128xf32, #tpu.memory_space<vmem_shared>> -> memref<64x128xf32, #tpu.memory_space<vmem_shared>>
      %dma_start3A_66 = arith.constant 0 : i32
      %dma_start3A_67 = tpu.memref_slice %arg13[%add3A_35, %dma_start3A_66] : memref<10240x128xf32, #tpu.memory_space<vmem_shared>> -> memref<64x128xf32, #tpu.memory_space<vmem_shared>>
      tpu.enqueue_dma source(%arg11 : memref<64x128xf32, #tpu.memory_space<vmem>>) target(%dma_start3A_67 : memref<64x128xf32, #tpu.memory_space<vmem_shared>>) target_semaphore(%run_scoped3A : memref<!tpu.dma_semaphore, #tpu.memory_space<semaphore_mem>>)
      %dma_wait3A = arith.constant 0 : i32
      %dma_wait3A_68 = tpu.memref_slice %arg13[%add3A_35, %dma_wait3A] : memref<10240x128xf32, #tpu.memory_space<vmem_shared>> -> memref<64x128xf32, #tpu.memory_space<vmem_shared>>
      %dma_wait3A_69 = arith.constant 0 : i32
      %dma_wait3A_70 = tpu.memref_slice %arg13[%add3A_35, %dma_wait3A_69] : memref<10240x128xf32, #tpu.memory_space<vmem_shared>> -> memref<64x128xf32, #tpu.memory_space<vmem_shared>>
      tpu.wait_dma2 semaphore(%run_scoped3A : memref<!tpu.dma_semaphore, #tpu.memory_space<semaphore_mem>>) src(%arg11 : memref<64x128xf32, #tpu.memory_space<vmem>>) dst(%dma_wait3A_70 : memref<64x128xf32, #tpu.memory_space<vmem_shared>>)
      tpu.yield
    }) : () -> ()
    %mul3A_36 = arith.constant 640 : i32
    %mul3A_37 = arith.muli %arg1, %mul3A_36 : i32
    %add3A_38 = arith.constant 448 : i32
    %add3A_39 = arith.addi %mul3A_37, %add3A_38 : i32
    "tpu.region"() ({
      %run_scoped3A = tpu.sem_alloc : memref<!tpu.dma_semaphore, #tpu.memory_space<semaphore_mem>>
      %dma_start3A_64 = arith.constant 0 : i32
      %dma_start3A_65 = tpu.memref_slice %arg13[%add3A_39, %dma_start3A_64] : memref<10240x128xf32, #tpu.memory_space<vmem_shared>> -> memref<64x128xf32, #tpu.memory_space<vmem_shared>>
      %dma_start3A_66 = arith.constant 0 : i32
      %dma_start3A_67 = tpu.memref_slice %arg13[%add3A_39, %dma_start3A_66] : memref<10240x128xf32, #tpu.memory_space<vmem_shared>> -> memref<64x128xf32, #tpu.memory_space<vmem_shared>>
      tpu.enqueue_dma source(%arg11 : memref<64x128xf32, #tpu.memory_space<vmem>>) target(%dma_start3A_67 : memref<64x128xf32, #tpu.memory_space<vmem_shared>>) target_semaphore(%run_scoped3A : memref<!tpu.dma_semaphore, #tpu.memory_space<semaphore_mem>>)
      %dma_wait3A = arith.constant 0 : i32
      %dma_wait3A_68 = tpu.memref_slice %arg13[%add3A_39, %dma_wait3A] : memref<10240x128xf32, #tpu.memory_space<vmem_shared>> -> memref<64x128xf32, #tpu.memory_space<vmem_shared>>
      %dma_wait3A_69 = arith.constant 0 : i32
      %dma_wait3A_70 = tpu.memref_slice %arg13[%add3A_39, %dma_wait3A_69] : memref<10240x128xf32, #tpu.memory_space<vmem_shared>> -> memref<64x128xf32, #tpu.memory_space<vmem_shared>>
      tpu.wait_dma2 semaphore(%run_scoped3A : memref<!tpu.dma_semaphore, #tpu.memory_space<semaphore_mem>>) src(%arg11 : memref<64x128xf32, #tpu.memory_space<vmem>>) dst(%dma_wait3A_70 : memref<64x128xf32, #tpu.memory_space<vmem_shared>>)
      tpu.yield
    }) : () -> ()
    %mul3A_40 = arith.constant 640 : i32
    %mul3A_41 = arith.muli %arg1, %mul3A_40 : i32
    %add3A_42 = arith.constant 512 : i32
    %add3A_43 = arith.addi %mul3A_41, %add3A_42 : i32
    "tpu.region"() ({
      %run_scoped3A = tpu.sem_alloc : memref<!tpu.dma_semaphore, #tpu.memory_space<semaphore_mem>>
      %dma_start3A_64 = arith.constant 0 : i32
      %dma_start3A_65 = tpu.memref_slice %arg13[%add3A_43, %dma_start3A_64] : memref<10240x128xf32, #tpu.memory_space<vmem_shared>> -> memref<64x128xf32, #tpu.memory_space<vmem_shared>>
      %dma_start3A_66 = arith.constant 0 : i32
      %dma_start3A_67 = tpu.memref_slice %arg13[%add3A_43, %dma_start3A_66] : memref<10240x128xf32, #tpu.memory_space<vmem_shared>> -> memref<64x128xf32, #tpu.memory_space<vmem_shared>>
      tpu.enqueue_dma source(%arg11 : memref<64x128xf32, #tpu.memory_space<vmem>>) target(%dma_start3A_67 : memref<64x128xf32, #tpu.memory_space<vmem_shared>>) target_semaphore(%run_scoped3A : memref<!tpu.dma_semaphore, #tpu.memory_space<semaphore_mem>>)
      %dma_wait3A = arith.constant 0 : i32
      %dma_wait3A_68 = tpu.memref_slice %arg13[%add3A_43, %dma_wait3A] : memref<10240x128xf32, #tpu.memory_space<vmem_shared>> -> memref<64x128xf32, #tpu.memory_space<vmem_shared>>
      %dma_wait3A_69 = arith.constant 0 : i32
      %dma_wait3A_70 = tpu.memref_slice %arg13[%add3A_43, %dma_wait3A_69] : memref<10240x128xf32, #tpu.memory_space<vmem_shared>> -> memref<64x128xf32, #tpu.memory_space<vmem_shared>>
      tpu.wait_dma2 semaphore(%run_scoped3A : memref<!tpu.dma_semaphore, #tpu.memory_space<semaphore_mem>>) src(%arg11 : memref<64x128xf32, #tpu.memory_space<vmem>>) dst(%dma_wait3A_70 : memref<64x128xf32, #tpu.memory_space<vmem_shared>>)
      tpu.yield
    }) : () -> ()
    %mul3A_44 = arith.constant 640 : i32
    %mul3A_45 = arith.muli %arg1, %mul3A_44 : i32
    %add3A_46 = arith.constant 576 : i32
    %add3A_47 = arith.addi %mul3A_45, %add3A_46 : i32
    "tpu.region"() ({
      %run_scoped3A = tpu.sem_alloc : memref<!tpu.dma_semaphore, #tpu.memory_space<semaphore_mem>>
      %dma_start3A_64 = arith.constant 0 : i32
      %dma_start3A_65 = tpu.memref_slice %arg13[%add3A_47, %dma_start3A_64] : memref<10240x128xf32, #tpu.memory_space<vmem_shared>> -> memref<64x128xf32, #tpu.memory_space<vmem_shared>>
      %dma_start3A_66 = arith.constant 0 : i32
      %dma_start3A_67 = tpu.memref_slice %arg13[%add3A_47, %dma_start3A_66] : memref<10240x128xf32, #tpu.memory_space<vmem_shared>> -> memref<64x128xf32, #tpu.memory_space<vmem_shared>>
      tpu.enqueue_dma source(%arg11 : memref<64x128xf32, #tpu.memory_space<vmem>>) target(%dma_start3A_67 : memref<64x128xf32, #tpu.memory_space<vmem_shared>>) target_semaphore(%run_scoped3A : memref<!tpu.dma_semaphore, #tpu.memory_space<semaphore_mem>>)
      %dma_wait3A = arith.constant 0 : i32
      %dma_wait3A_68 = tpu.memref_slice %arg13[%add3A_47, %dma_wait3A] : memref<10240x128xf32, #tpu.memory_space<vmem_shared>> -> memref<64x128xf32, #tpu.memory_space<vmem_shared>>
      %dma_wait3A_69 = arith.constant 0 : i32
      %dma_wait3A_70 = tpu.memref_slice %arg13[%add3A_47, %dma_wait3A_69] : memref<10240x128xf32, #tpu.memory_space<vmem_shared>> -> memref<64x128xf32, #tpu.memory_space<vmem_shared>>
      tpu.wait_dma2 semaphore(%run_scoped3A : memref<!tpu.dma_semaphore, #tpu.memory_space<semaphore_mem>>) src(%arg11 : memref<64x128xf32, #tpu.memory_space<vmem>>) dst(%dma_wait3A_70 : memref<64x128xf32, #tpu.memory_space<vmem_shared>>)
      tpu.yield
    }) : () -> ()
    %barrier3A = arith.constant 0 : index
    tpu.barrier barrier_id(%barrier3A)
    %mul3A_48 = arith.constant 10240 : i32
    %mul3A_49 = arith.muli %add3A, %mul3A_48 : i32
    "tpu.region"() ({
      %run_scoped3A = tpu.sem_alloc : memref<!tpu.dma_semaphore, #tpu.memory_space<semaphore_mem>>
      %dma_start3A_64 = tpu.memref_slice %arg2[%mul3A_49] : memref<327680xi32, #tpu.memory_space<hbm>> -> memref<64xi32, #tpu.memory_space<hbm>>
      %dma_start3A_65 = tpu.memref_slice %arg2[%mul3A_49] : memref<327680xi32, #tpu.memory_space<hbm>> -> memref<64xi32, #tpu.memory_space<hbm>>
      tpu.enqueue_dma source(%dma_start3A_65 : memref<64xi32, #tpu.memory_space<hbm>>) target(%arg7 : memref<64xi32, #tpu.memory_space<vmem>>) target_semaphore(%run_scoped3A : memref<!tpu.dma_semaphore, #tpu.memory_space<semaphore_mem>>)
      %dma_wait3A = tpu.memref_slice %arg2[%mul3A_49] : memref<327680xi32, #tpu.memory_space<hbm>> -> memref<64xi32, #tpu.memory_space<hbm>>
      %dma_wait3A_66 = tpu.memref_slice %arg2[%mul3A_49] : memref<327680xi32, #tpu.memory_space<hbm>> -> memref<64xi32, #tpu.memory_space<hbm>>
      tpu.wait_dma2 semaphore(%run_scoped3A : memref<!tpu.dma_semaphore, #tpu.memory_space<semaphore_mem>>) src(%dma_wait3A_66 : memref<64xi32, #tpu.memory_space<hbm>>) dst(%arg7 : memref<64xi32, #tpu.memory_space<vmem>>)
      tpu.yield
    }) : () -> ()
    "tpu.region"() ({
      %run_scoped3A = tpu.sem_alloc : memref<!tpu.dma_semaphore, #tpu.memory_space<semaphore_mem>>
      %dma_start3A_64 = tpu.memref_slice %arg3[%mul3A_49] : memref<327680xi32, #tpu.memory_space<hbm>> -> memref<64xi32, #tpu.memory_space<hbm>>
      %dma_start3A_65 = tpu.memref_slice %arg3[%mul3A_49] : memref<327680xi32, #tpu.memory_space<hbm>> -> memref<64xi32, #tpu.memory_space<hbm>>
      tpu.enqueue_dma source(%dma_start3A_65 : memref<64xi32, #tpu.memory_space<hbm>>) target(%arg9 : memref<64xi32, #tpu.memory_space<vmem>>) target_semaphore(%run_scoped3A : memref<!tpu.dma_semaphore, #tpu.memory_space<semaphore_mem>>)
      %dma_wait3A = tpu.memref_slice %arg3[%mul3A_49] : memref<327680xi32, #tpu.memory_space<hbm>> -> memref<64xi32, #tpu.memory_space<hbm>>
      %dma_wait3A_66 = tpu.memref_slice %arg3[%mul3A_49] : memref<327680xi32, #tpu.memory_space<hbm>> -> memref<64xi32, #tpu.memory_space<hbm>>
      tpu.wait_dma2 semaphore(%run_scoped3A : memref<!tpu.dma_semaphore, #tpu.memory_space<semaphore_mem>>) src(%dma_wait3A_66 : memref<64xi32, #tpu.memory_space<hbm>>) dst(%arg9 : memref<64xi32, #tpu.memory_space<vmem>>)
      tpu.yield
    }) : () -> ()
    %dma_start3A = arith.constant 0 : i32
    %dma_start3A_50 = arith.constant 0 : i32
    %dma_start3A_51 = tpu.memref_slice %arg5[%dma_start3A, %dma_start3A_50] : memref<10240x128xf32, #tpu.memory_space<hbm>> -> memref<10240x128xf32, #tpu.memory_space<hbm>>
    tpu.enqueue_indirect_dma source(%dma_start3A_51 : memref<10240x128xf32, #tpu.memory_space<hbm>>) target(%arg11 : memref<64x128xf32, #tpu.memory_space<vmem>>) offsets(%arg7 : memref<64xi32, #tpu.memory_space<vmem>>) semaphore(%arg14 : memref<!tpu.dma_semaphore, #tpu.memory_space<semaphore_mem>>)
    %scan3A_52 = arith.constant 0 : i32
    %scan3A_53 = arith.constant 0 : i32
    %scan3A_54 = arith.constant 80 : i32
    %scan3A_55 = arith.addi %scan3A_53, %scan3A_54 : i32
    %scan3A_56 = arith.constant 1 : i32
    %scan3A_57 = scf.for %scan3A_64 = %scan3A_53 to %scan3A_55 step %scan3A_56 iter_args(%scan3A_65 = %scan3A_52) -> (i32)  : i32 {
      %mul3A_66 = arith.constant 2 : i32
      %mul3A_67 = arith.muli %scan3A_64, %mul3A_66 : i32
      %mul3A_68 = arith.constant 64 : i32
      %mul3A_69 = arith.muli %mul3A_67, %mul3A_68 : i32
      %add3A_70 = arith.addi %mul3A_49, %mul3A_69 : i32
      %add3A_71 = arith.constant 64 : i32
      %add3A_72 = arith.addi %add3A_70, %add3A_71 : i32
      "tpu.region"() ({
        %run_scoped3A = tpu.sem_alloc : memref<!tpu.dma_semaphore, #tpu.memory_space<semaphore_mem>>
        %dma_start3A_88 = tpu.memref_slice %arg2[%add3A_72] : memref<327680xi32, #tpu.memory_space<hbm>> -> memref<64xi32, #tpu.memory_space<hbm>>
        %dma_start3A_89 = tpu.memref_slice %arg2[%add3A_72] : memref<327680xi32, #tpu.memory_space<hbm>> -> memref<64xi32, #tpu.memory_space<hbm>>
        tpu.enqueue_dma source(%dma_start3A_89 : memref<64xi32, #tpu.memory_space<hbm>>) target(%arg8 : memref<64xi32, #tpu.memory_space<vmem>>) target_semaphore(%run_scoped3A : memref<!tpu.dma_semaphore, #tpu.memory_space<semaphore_mem>>)
        %dma_wait3A_90 = tpu.memref_slice %arg2[%add3A_72] : memref<327680xi32, #tpu.memory_space<hbm>> -> memref<64xi32, #tpu.memory_space<hbm>>
        %dma_wait3A_91 = tpu.memref_slice %arg2[%add3A_72] : memref<327680xi32, #tpu.memory_space<hbm>> -> memref<64xi32, #tpu.memory_space<hbm>>
        tpu.wait_dma2 semaphore(%run_scoped3A : memref<!tpu.dma_semaphore, #tpu.memory_space<semaphore_mem>>) src(%dma_wait3A_91 : memref<64xi32, #tpu.memory_space<hbm>>) dst(%arg8 : memref<64xi32, #tpu.memory_space<vmem>>)
        tpu.yield
      }) : () -> ()
      %add3A_73 = arith.constant 64 : i32
      %add3A_74 = arith.addi %add3A_70, %add3A_73 : i32
      "tpu.region"() ({
        %run_scoped3A = tpu.sem_alloc : memref<!tpu.dma_semaphore, #tpu.memory_space<semaphore_mem>>
        %dma_start3A_88 = tpu.memref_slice %arg3[%add3A_74] : memref<327680xi32, #tpu.memory_space<hbm>> -> memref<64xi32, #tpu.memory_space<hbm>>
        %dma_start3A_89 = tpu.memref_slice %arg3[%add3A_74] : memref<327680xi32, #tpu.memory_space<hbm>> -> memref<64xi32, #tpu.memory_space<hbm>>
        tpu.enqueue_dma source(%dma_start3A_89 : memref<64xi32, #tpu.memory_space<hbm>>) target(%arg10 : memref<64xi32, #tpu.memory_space<vmem>>) target_semaphore(%run_scoped3A : memref<!tpu.dma_semaphore, #tpu.memory_space<semaphore_mem>>)
        %dma_wait3A_90 = tpu.memref_slice %arg3[%add3A_74] : memref<327680xi32, #tpu.memory_space<hbm>> -> memref<64xi32, #tpu.memory_space<hbm>>
        %dma_wait3A_91 = tpu.memref_slice %arg3[%add3A_74] : memref<327680xi32, #tpu.memory_space<hbm>> -> memref<64xi32, #tpu.memory_space<hbm>>
        tpu.wait_dma2 semaphore(%run_scoped3A : memref<!tpu.dma_semaphore, #tpu.memory_space<semaphore_mem>>) src(%dma_wait3A_91 : memref<64xi32, #tpu.memory_space<hbm>>) dst(%arg10 : memref<64xi32, #tpu.memory_space<vmem>>)
        tpu.yield
      }) : () -> ()
      %dma_wait3A = arith.constant 0 : i32
      %dma_wait3A_75 = arith.constant 0 : i32
      %dma_wait3A_76 = tpu.memref_slice %arg5[%dma_wait3A, %dma_wait3A_75] : memref<10240x128xf32, #tpu.memory_space<hbm>> -> memref<10240x128xf32, #tpu.memory_space<hbm>>
      tpu.wait_indirect_dma semaphore(%arg14 : memref<!tpu.dma_semaphore, #tpu.memory_space<semaphore_mem>>) src(%dma_wait3A_76 : memref<10240x128xf32, #tpu.memory_space<hbm>>) dst(%arg11 : memref<64x128xf32, #tpu.memory_space<vmem>>)
      %dma_start3A_77 = arith.constant 0 : i32
      %dma_start3A_78 = arith.constant 0 : i32
      %dma_start3A_79 = tpu.memref_slice %arg5[%dma_start3A_77, %dma_start3A_78] : memref<10240x128xf32, #tpu.memory_space<hbm>> -> memref<10240x128xf32, #tpu.memory_space<hbm>>
      tpu.enqueue_indirect_dma source(%dma_start3A_79 : memref<10240x128xf32, #tpu.memory_space<hbm>>) target(%arg12 : memref<64x128xf32, #tpu.memory_space<vmem>>) offsets(%arg8 : memref<64xi32, #tpu.memory_space<vmem>>) semaphore(%arg15 : memref<!tpu.dma_semaphore, #tpu.memory_space<semaphore_mem>>)
      "tpu.region"() ({
        %run_scoped3A = tpu.sem_alloc : memref<!tpu.dma_semaphore, #tpu.memory_space<semaphore_mem>>
        %dma_start3A_88 = arith.constant 0 : i32
        %dma_start3A_89 = arith.constant 0 : i32
        %dma_start3A_90 = tpu.memref_slice %arg13[%dma_start3A_88, %dma_start3A_89] : memref<10240x128xf32, #tpu.memory_space<vmem_shared>> -> memref<10240x128xf32, #tpu.memory_space<vmem_shared>>
        tpu.enqueue_indirect_dma source(%arg11 : memref<64x128xf32, #tpu.memory_space<vmem>>) target(%dma_start3A_90 : memref<10240x128xf32, #tpu.memory_space<vmem_shared>>) offsets(%arg9 : memref<64xi32, #tpu.memory_space<vmem>>) semaphore(%run_scoped3A : memref<!tpu.dma_semaphore, #tpu.memory_space<semaphore_mem>>) {add = true}
        %dma_wait3A_91 = arith.constant 0 : i32
        %dma_wait3A_92 = arith.constant 0 : i32
        %dma_wait3A_93 = tpu.memref_slice %arg13[%dma_wait3A_91, %dma_wait3A_92] : memref<10240x128xf32, #tpu.memory_space<vmem_shared>> -> memref<10240x128xf32, #tpu.memory_space<vmem_shared>>
        tpu.wait_indirect_dma semaphore(%run_scoped3A : memref<!tpu.dma_semaphore, #tpu.memory_space<semaphore_mem>>) src(%arg11 : memref<64x128xf32, #tpu.memory_space<vmem>>) dst(%dma_wait3A_93 : memref<10240x128xf32, #tpu.memory_space<vmem_shared>>)
        tpu.yield
      }) : () -> ()
      %add3A_80 = arith.constant 1 : i32
      %add3A_81 = arith.addi %scan3A_64, %add3A_80 : i32
      %lt3A = arith.constant 80 : i32
      %lt3A_82 = arith.cmpi slt, %add3A_81, %lt3A : i32
      %convert_element_type3A = arith.extui %lt3A_82 : i1 to i32
      %cond3A = arith.constant 0 : i32
      %cond3A_83 = arith.cmpi ne, %convert_element_type3A, %cond3A : i32
      scf.if %cond3A_83 {
        %add3A_88 = arith.constant 128 : i32
        %add3A_89 = arith.addi %add3A_70, %add3A_88 : i32
        "tpu.region"() ({
          %run_scoped3A = tpu.sem_alloc : memref<!tpu.dma_semaphore, #tpu.memory_space<semaphore_mem>>
          %dma_start3A_95 = tpu.memref_slice %arg2[%add3A_89] : memref<327680xi32, #tpu.memory_space<hbm>> -> memref<64xi32, #tpu.memory_space<hbm>>
          %dma_start3A_96 = tpu.memref_slice %arg2[%add3A_89] : memref<327680xi32, #tpu.memory_space<hbm>> -> memref<64xi32, #tpu.memory_space<hbm>>
          tpu.enqueue_dma source(%dma_start3A_96 : memref<64xi32, #tpu.memory_space<hbm>>) target(%arg7 : memref<64xi32, #tpu.memory_space<vmem>>) target_semaphore(%run_scoped3A : memref<!tpu.dma_semaphore, #tpu.memory_space<semaphore_mem>>)
          %dma_wait3A_97 = tpu.memref_slice %arg2[%add3A_89] : memref<327680xi32, #tpu.memory_space<hbm>> -> memref<64xi32, #tpu.memory_space<hbm>>
          %dma_wait3A_98 = tpu.memref_slice %arg2[%add3A_89] : memref<327680xi32, #tpu.memory_space<hbm>> -> memref<64xi32, #tpu.memory_space<hbm>>
          tpu.wait_dma2 semaphore(%run_scoped3A : memref<!tpu.dma_semaphore, #tpu.memory_space<semaphore_mem>>) src(%dma_wait3A_98 : memref<64xi32, #tpu.memory_space<hbm>>) dst(%arg7 : memref<64xi32, #tpu.memory_space<vmem>>)
          tpu.yield
        }) : () -> ()
        %add3A_90 = arith.constant 128 : i32
        %add3A_91 = arith.addi %add3A_70, %add3A_90 : i32
        "tpu.region"() ({
          %run_scoped3A = tpu.sem_alloc : memref<!tpu.dma_semaphore, #tpu.memory_space<semaphore_mem>>
          %dma_start3A_95 = tpu.memref_slice %arg3[%add3A_91] : memref<327680xi32, #tpu.memory_space<hbm>> -> memref<64xi32, #tpu.memory_space<hbm>>
          %dma_start3A_96 = tpu.memref_slice %arg3[%add3A_91] : memref<327680xi32, #tpu.memory_space<hbm>> -> memref<64xi32, #tpu.memory_space<hbm>>
          tpu.enqueue_dma source(%dma_start3A_96 : memref<64xi32, #tpu.memory_space<hbm>>) target(%arg9 : memref<64xi32, #tpu.memory_space<vmem>>) target_semaphore(%run_scoped3A : memref<!tpu.dma_semaphore, #tpu.memory_space<semaphore_mem>>)
          %dma_wait3A_97 = tpu.memref_slice %arg3[%add3A_91] : memref<327680xi32, #tpu.memory_space<hbm>> -> memref<64xi32, #tpu.memory_space<hbm>>
          %dma_wait3A_98 = tpu.memref_slice %arg3[%add3A_91] : memref<327680xi32, #tpu.memory_space<hbm>> -> memref<64xi32, #tpu.memory_space<hbm>>
          tpu.wait_dma2 semaphore(%run_scoped3A : memref<!tpu.dma_semaphore, #tpu.memory_space<semaphore_mem>>) src(%dma_wait3A_98 : memref<64xi32, #tpu.memory_space<hbm>>) dst(%arg9 : memref<64xi32, #tpu.memory_space<vmem>>)
          tpu.yield
        }) : () -> ()
        %dma_start3A_92 = arith.constant 0 : i32
        %dma_start3A_93 = arith.constant 0 : i32
        %dma_start3A_94 = tpu.memref_slice %arg5[%dma_start3A_92, %dma_start3A_93] : memref<10240x128xf32, #tpu.memory_space<hbm>> -> memref<10240x128xf32, #tpu.memory_space<hbm>>
        tpu.enqueue_indirect_dma source(%dma_start3A_94 : memref<10240x128xf32, #tpu.memory_space<hbm>>) target(%arg11 : memref<64x128xf32, #tpu.memory_space<vmem>>) offsets(%arg7 : memref<64xi32, #tpu.memory_space<vmem>>) semaphore(%arg14 : memref<!tpu.dma_semaphore, #tpu.memory_space<semaphore_mem>>)
      } else {
      }
      %dma_wait3A_84 = arith.constant 0 : i32
      %dma_wait3A_85 = arith.constant 0 : i32
      %dma_wait3A_86 = tpu.memref_slice %arg5[%dma_wait3A_84, %dma_wait3A_85] : memref<10240x128xf32, #tpu.memory_space<hbm>> -> memref<10240x128xf32, #tpu.memory_space<hbm>>
      tpu.wait_indirect_dma semaphore(%arg15 : memref<!tpu.dma_semaphore, #tpu.memory_space<semaphore_mem>>) src(%dma_wait3A_86 : memref<10240x128xf32, #tpu.memory_space<hbm>>) dst(%arg12 : memref<64x128xf32, #tpu.memory_space<vmem>>)
      "tpu.region"() ({
        %run_scoped3A = tpu.sem_alloc : memref<!tpu.dma_semaphore, #tpu.memory_space<semaphore_mem>>
        %dma_start3A_88 = arith.constant 0 : i32
        %dma_start3A_89 = arith.constant 0 : i32
        %dma_start3A_90 = tpu.memref_slice %arg13[%dma_start3A_88, %dma_start3A_89] : memref<10240x128xf32, #tpu.memory_space<vmem_shared>> -> memref<10240x128xf32, #tpu.memory_space<vmem_shared>>
        tpu.enqueue_indirect_dma source(%arg12 : memref<64x128xf32, #tpu.memory_space<vmem>>) target(%dma_start3A_90 : memref<10240x128xf32, #tpu.memory_space<vmem_shared>>) offsets(%arg10 : memref<64xi32, #tpu.memory_space<vmem>>) semaphore(%run_scoped3A : memref<!tpu.dma_semaphore, #tpu.memory_space<semaphore_mem>>) {add = true}
        %dma_wait3A_91 = arith.constant 0 : i32
        %dma_wait3A_92 = arith.constant 0 : i32
        %dma_wait3A_93 = tpu.memref_slice %arg13[%dma_wait3A_91, %dma_wait3A_92] : memref<10240x128xf32, #tpu.memory_space<vmem_shared>> -> memref<10240x128xf32, #tpu.memory_space<vmem_shared>>
        tpu.wait_indirect_dma semaphore(%run_scoped3A : memref<!tpu.dma_semaphore, #tpu.memory_space<semaphore_mem>>) src(%arg12 : memref<64x128xf32, #tpu.memory_space<vmem>>) dst(%dma_wait3A_93 : memref<10240x128xf32, #tpu.memory_space<vmem_shared>>)
        tpu.yield
      }) : () -> ()
      %scan3A_87 = arith.constant 0 : i32
      scf.yield %scan3A_87 : i32
    }
    %scan3A_58 = arith.constant 80 : i32
    %barrier3A_59 = arith.constant 0 : index
    tpu.barrier barrier_id(%barrier3A_59)
    %mul3A_60 = arith.constant 640 : i32
    %mul3A_61 = arith.muli %arg1, %mul3A_60 : i32
    %mul3A_62 = arith.constant 640 : i32
    %mul3A_63 = arith.muli %arg1, %mul3A_62 : i32
    "tpu.region"() ({
      %run_scoped3A = tpu.sem_alloc : memref<!tpu.dma_semaphore, #tpu.memory_space<semaphore_mem>>
      %dma_start3A_64 = arith.constant 0 : i32
      %dma_start3A_65 = tpu.memref_slice %arg6[%arg0, %mul3A_63, %dma_start3A_64] : memref<2x10240x128xf32, #tpu.memory_space<hbm>> -> memref<1x640x128xf32, #tpu.memory_space<hbm>>
      %dma_start3A_66 = tpu.memref_squeeze %dma_start3A_65 : memref<1x640x128xf32, #tpu.memory_space<hbm>> -> memref<640x128xf32, #tpu.memory_space<hbm>>
      %dma_start3A_67 = arith.constant 0 : i32
      %dma_start3A_68 = tpu.memref_slice %arg13[%mul3A_61, %dma_start3A_67] : memref<10240x128xf32, #tpu.memory_space<vmem_shared>> -> memref<640x128xf32, #tpu.memory_space<vmem_shared>>
      tpu.enqueue_dma source(%dma_start3A_68 : memref<640x128xf32, #tpu.memory_space<vmem_shared>>) target(%dma_start3A_66 : memref<640x128xf32, #tpu.memory_space<hbm>>) target_semaphore(%run_scoped3A : memref<!tpu.dma_semaphore, #tpu.memory_space<semaphore_mem>>)
      %dma_wait3A = arith.constant 0 : i32
      %dma_wait3A_69 = tpu.memref_slice %arg6[%arg0, %mul3A_63, %dma_wait3A] : memref<2x10240x128xf32, #tpu.memory_space<hbm>> -> memref<1x640x128xf32, #tpu.memory_space<hbm>>
      %dma_wait3A_70 = tpu.memref_squeeze %dma_wait3A_69 : memref<1x640x128xf32, #tpu.memory_space<hbm>> -> memref<640x128xf32, #tpu.memory_space<hbm>>
      %dma_wait3A_71 = arith.constant 0 : i32
      %dma_wait3A_72 = tpu.memref_slice %arg13[%mul3A_61, %dma_wait3A_71] : memref<10240x128xf32, #tpu.memory_space<vmem_shared>> -> memref<640x128xf32, #tpu.memory_space<vmem_shared>>
      tpu.wait_dma2 semaphore(%run_scoped3A : memref<!tpu.dma_semaphore, #tpu.memory_space<semaphore_mem>>) src(%dma_wait3A_72 : memref<640x128xf32, #tpu.memory_space<vmem_shared>>) dst(%dma_wait3A_70 : memref<640x128xf32, #tpu.memory_space<hbm>>)
      tpu.yield
    }) : () -> ()
    return
  }
}

#map = affine_map<(d0, d1) -> (0)>
#map1 = affine_map<(d0, d1) -> (0, 0)>
#map2 = affine_map<(d0, d1) -> (0, 0, 0)>
module attributes {stable_mosaic.version = 14 : i64} {
  func.func @_agg(%arg0: i32, %arg1: i32, %arg2: memref<327680xi32, #tpu.memory_space<hbm>>, %arg3: memref<327680xi32, #tpu.memory_space<hbm>>, %arg4: memref<327680xf32, #tpu.memory_space<hbm>>, %arg5: memref<10240x64xf32, #tpu.memory_space<hbm>>, %arg6: memref<2x10240x64xf32, #tpu.memory_space<hbm>>, %arg7: memref<64xi32, #tpu.memory_space<vmem>>, %arg8: memref<64xi32, #tpu.memory_space<vmem>>, %arg9: memref<64xi32, #tpu.memory_space<vmem>>, %arg10: memref<64xi32, #tpu.memory_space<vmem>>, %arg11: memref<64x64xf32, #tpu.memory_space<vmem>>, %arg12: memref<64x64xf32, #tpu.memory_space<vmem>>, %arg13: memref<10240x64xf32, #tpu.memory_space<vmem_shared>>, %arg14: memref<!tpu.dma_semaphore, #tpu.memory_space<semaphore_mem>>, %arg15: memref<!tpu.dma_semaphore, #tpu.memory_space<semaphore_mem>>) attributes {dimension_semantics = [#tpu.dimension_semantics<core_parallel>, #tpu.dimension_semantics<subcore_parallel>], iteration_bounds = array<i64: 2, 16>, scalar_prefetch = 0 : i64, scratch_operands = 9 : i64, tpu.core_type = #tpu.core_type<sc_vector_subcore>, window_params = [{transform_indices = #map}, {transform_indices = #map}, {transform_indices = #map}, {transform_indices = #map1}, {transform_indices = #map2}]} {
    %mul3A = arith.constant 16 : i32
    %mul3A_0 = arith.muli %arg0, %mul3A : i32
    %add3A = arith.addi %mul3A_0, %arg1 : i32
    %broadcast_in_dim3A = arith.constant 0.000000e+00 : f32
    %broadcast_in_dim3A_1 = vector.broadcast %broadcast_in_dim3A : f32 to vector<16xf32>
    %scan3A = arith.constant 0 : i32
    %scan3A_2 = arith.constant 0 : i32
    %scan3A_3 = arith.constant 64 : i32
    %scan3A_4 = arith.addi %scan3A_2, %scan3A_3 : i32
    %scan3A_5 = arith.constant 1 : i32
    %scan3A_6 = scf.for %scan3A_64 = %scan3A_2 to %scan3A_4 step %scan3A_5 iter_args(%scan3A_65 = %scan3A) -> (i32)  : i32 {
      %swap3A = arith.index_cast %scan3A_64 : i32 to index
      %swap3A_66 = arith.constant 0 : index
      %swap3A_67 = tpu.vector_load %arg11[%swap3A, %swap3A_66] {strides = array<i32>} : memref<64x64xf32, #tpu.memory_space<vmem>>, vector<16xf32>,
      tpu.vector_store %arg11[%swap3A, %swap3A_66], %broadcast_in_dim3A_1 {strides = array<i32>} : memref<64x64xf32, #tpu.memory_space<vmem>>, vector<16xf32>,
      %swap3A_68 = arith.index_cast %scan3A_64 : i32 to index
      %swap3A_69 = arith.constant 16 : index
      %swap3A_70 = tpu.vector_load %arg11[%swap3A_68, %swap3A_69] {strides = array<i32>} : memref<64x64xf32, #tpu.memory_space<vmem>>, vector<16xf32>,
      tpu.vector_store %arg11[%swap3A_68, %swap3A_69], %broadcast_in_dim3A_1 {strides = array<i32>} : memref<64x64xf32, #tpu.memory_space<vmem>>, vector<16xf32>,
      %swap3A_71 = arith.index_cast %scan3A_64 : i32 to index
      %swap3A_72 = arith.constant 32 : index
      %swap3A_73 = tpu.vector_load %arg11[%swap3A_71, %swap3A_72] {strides = array<i32>} : memref<64x64xf32, #tpu.memory_space<vmem>>, vector<16xf32>,
      tpu.vector_store %arg11[%swap3A_71, %swap3A_72], %broadcast_in_dim3A_1 {strides = array<i32>} : memref<64x64xf32, #tpu.memory_space<vmem>>, vector<16xf32>,
      %swap3A_74 = arith.index_cast %scan3A_64 : i32 to index
      %swap3A_75 = arith.constant 48 : index
      %swap3A_76 = tpu.vector_load %arg11[%swap3A_74, %swap3A_75] {strides = array<i32>} : memref<64x64xf32, #tpu.memory_space<vmem>>, vector<16xf32>,
      tpu.vector_store %arg11[%swap3A_74, %swap3A_75], %broadcast_in_dim3A_1 {strides = array<i32>} : memref<64x64xf32, #tpu.memory_space<vmem>>, vector<16xf32>,
      %scan3A_77 = arith.constant 0 : i32
      scf.yield %scan3A_77 : i32
    }
    %scan3A_7 = arith.constant 64 : i32
    %mul3A_8 = arith.constant 640 : i32
    %mul3A_9 = arith.muli %arg1, %mul3A_8 : i32
    %add3A_10 = arith.constant 0 : i32
    %add3A_11 = arith.addi %mul3A_9, %add3A_10 : i32
    "tpu.region"() ({
      %run_scoped3A = tpu.sem_alloc : memref<!tpu.dma_semaphore, #tpu.memory_space<semaphore_mem>>
      %dma_start3A_64 = arith.constant 0 : i32
      %dma_start3A_65 = tpu.memref_slice %arg13[%add3A_11, %dma_start3A_64] : memref<10240x64xf32, #tpu.memory_space<vmem_shared>> -> memref<64x64xf32, #tpu.memory_space<vmem_shared>>
      %dma_start3A_66 = arith.constant 0 : i32
      %dma_start3A_67 = tpu.memref_slice %arg13[%add3A_11, %dma_start3A_66] : memref<10240x64xf32, #tpu.memory_space<vmem_shared>> -> memref<64x64xf32, #tpu.memory_space<vmem_shared>>
      tpu.enqueue_dma source(%arg11 : memref<64x64xf32, #tpu.memory_space<vmem>>) target(%dma_start3A_67 : memref<64x64xf32, #tpu.memory_space<vmem_shared>>) target_semaphore(%run_scoped3A : memref<!tpu.dma_semaphore, #tpu.memory_space<semaphore_mem>>)
      %dma_wait3A = arith.constant 0 : i32
      %dma_wait3A_68 = tpu.memref_slice %arg13[%add3A_11, %dma_wait3A] : memref<10240x64xf32, #tpu.memory_space<vmem_shared>> -> memref<64x64xf32, #tpu.memory_space<vmem_shared>>
      %dma_wait3A_69 = arith.constant 0 : i32
      %dma_wait3A_70 = tpu.memref_slice %arg13[%add3A_11, %dma_wait3A_69] : memref<10240x64xf32, #tpu.memory_space<vmem_shared>> -> memref<64x64xf32, #tpu.memory_space<vmem_shared>>
      tpu.wait_dma2 semaphore(%run_scoped3A : memref<!tpu.dma_semaphore, #tpu.memory_space<semaphore_mem>>) src(%arg11 : memref<64x64xf32, #tpu.memory_space<vmem>>) dst(%dma_wait3A_70 : memref<64x64xf32, #tpu.memory_space<vmem_shared>>)
      tpu.yield
    }) : () -> ()
    %mul3A_12 = arith.constant 640 : i32
    %mul3A_13 = arith.muli %arg1, %mul3A_12 : i32
    %add3A_14 = arith.constant 64 : i32
    %add3A_15 = arith.addi %mul3A_13, %add3A_14 : i32
    "tpu.region"() ({
      %run_scoped3A = tpu.sem_alloc : memref<!tpu.dma_semaphore, #tpu.memory_space<semaphore_mem>>
      %dma_start3A_64 = arith.constant 0 : i32
      %dma_start3A_65 = tpu.memref_slice %arg13[%add3A_15, %dma_start3A_64] : memref<10240x64xf32, #tpu.memory_space<vmem_shared>> -> memref<64x64xf32, #tpu.memory_space<vmem_shared>>
      %dma_start3A_66 = arith.constant 0 : i32
      %dma_start3A_67 = tpu.memref_slice %arg13[%add3A_15, %dma_start3A_66] : memref<10240x64xf32, #tpu.memory_space<vmem_shared>> -> memref<64x64xf32, #tpu.memory_space<vmem_shared>>
      tpu.enqueue_dma source(%arg11 : memref<64x64xf32, #tpu.memory_space<vmem>>) target(%dma_start3A_67 : memref<64x64xf32, #tpu.memory_space<vmem_shared>>) target_semaphore(%run_scoped3A : memref<!tpu.dma_semaphore, #tpu.memory_space<semaphore_mem>>)
      %dma_wait3A = arith.constant 0 : i32
      %dma_wait3A_68 = tpu.memref_slice %arg13[%add3A_15, %dma_wait3A] : memref<10240x64xf32, #tpu.memory_space<vmem_shared>> -> memref<64x64xf32, #tpu.memory_space<vmem_shared>>
      %dma_wait3A_69 = arith.constant 0 : i32
      %dma_wait3A_70 = tpu.memref_slice %arg13[%add3A_15, %dma_wait3A_69] : memref<10240x64xf32, #tpu.memory_space<vmem_shared>> -> memref<64x64xf32, #tpu.memory_space<vmem_shared>>
      tpu.wait_dma2 semaphore(%run_scoped3A : memref<!tpu.dma_semaphore, #tpu.memory_space<semaphore_mem>>) src(%arg11 : memref<64x64xf32, #tpu.memory_space<vmem>>) dst(%dma_wait3A_70 : memref<64x64xf32, #tpu.memory_space<vmem_shared>>)
      tpu.yield
    }) : () -> ()
    %mul3A_16 = arith.constant 640 : i32
    %mul3A_17 = arith.muli %arg1, %mul3A_16 : i32
    %add3A_18 = arith.constant 128 : i32
    %add3A_19 = arith.addi %mul3A_17, %add3A_18 : i32
    "tpu.region"() ({
      %run_scoped3A = tpu.sem_alloc : memref<!tpu.dma_semaphore, #tpu.memory_space<semaphore_mem>>
      %dma_start3A_64 = arith.constant 0 : i32
      %dma_start3A_65 = tpu.memref_slice %arg13[%add3A_19, %dma_start3A_64] : memref<10240x64xf32, #tpu.memory_space<vmem_shared>> -> memref<64x64xf32, #tpu.memory_space<vmem_shared>>
      %dma_start3A_66 = arith.constant 0 : i32
      %dma_start3A_67 = tpu.memref_slice %arg13[%add3A_19, %dma_start3A_66] : memref<10240x64xf32, #tpu.memory_space<vmem_shared>> -> memref<64x64xf32, #tpu.memory_space<vmem_shared>>
      tpu.enqueue_dma source(%arg11 : memref<64x64xf32, #tpu.memory_space<vmem>>) target(%dma_start3A_67 : memref<64x64xf32, #tpu.memory_space<vmem_shared>>) target_semaphore(%run_scoped3A : memref<!tpu.dma_semaphore, #tpu.memory_space<semaphore_mem>>)
      %dma_wait3A = arith.constant 0 : i32
      %dma_wait3A_68 = tpu.memref_slice %arg13[%add3A_19, %dma_wait3A] : memref<10240x64xf32, #tpu.memory_space<vmem_shared>> -> memref<64x64xf32, #tpu.memory_space<vmem_shared>>
      %dma_wait3A_69 = arith.constant 0 : i32
      %dma_wait3A_70 = tpu.memref_slice %arg13[%add3A_19, %dma_wait3A_69] : memref<10240x64xf32, #tpu.memory_space<vmem_shared>> -> memref<64x64xf32, #tpu.memory_space<vmem_shared>>
      tpu.wait_dma2 semaphore(%run_scoped3A : memref<!tpu.dma_semaphore, #tpu.memory_space<semaphore_mem>>) src(%arg11 : memref<64x64xf32, #tpu.memory_space<vmem>>) dst(%dma_wait3A_70 : memref<64x64xf32, #tpu.memory_space<vmem_shared>>)
      tpu.yield
    }) : () -> ()
    %mul3A_20 = arith.constant 640 : i32
    %mul3A_21 = arith.muli %arg1, %mul3A_20 : i32
    %add3A_22 = arith.constant 192 : i32
    %add3A_23 = arith.addi %mul3A_21, %add3A_22 : i32
    "tpu.region"() ({
      %run_scoped3A = tpu.sem_alloc : memref<!tpu.dma_semaphore, #tpu.memory_space<semaphore_mem>>
      %dma_start3A_64 = arith.constant 0 : i32
      %dma_start3A_65 = tpu.memref_slice %arg13[%add3A_23, %dma_start3A_64] : memref<10240x64xf32, #tpu.memory_space<vmem_shared>> -> memref<64x64xf32, #tpu.memory_space<vmem_shared>>
      %dma_start3A_66 = arith.constant 0 : i32
      %dma_start3A_67 = tpu.memref_slice %arg13[%add3A_23, %dma_start3A_66] : memref<10240x64xf32, #tpu.memory_space<vmem_shared>> -> memref<64x64xf32, #tpu.memory_space<vmem_shared>>
      tpu.enqueue_dma source(%arg11 : memref<64x64xf32, #tpu.memory_space<vmem>>) target(%dma_start3A_67 : memref<64x64xf32, #tpu.memory_space<vmem_shared>>) target_semaphore(%run_scoped3A : memref<!tpu.dma_semaphore, #tpu.memory_space<semaphore_mem>>)
      %dma_wait3A = arith.constant 0 : i32
      %dma_wait3A_68 = tpu.memref_slice %arg13[%add3A_23, %dma_wait3A] : memref<10240x64xf32, #tpu.memory_space<vmem_shared>> -> memref<64x64xf32, #tpu.memory_space<vmem_shared>>
      %dma_wait3A_69 = arith.constant 0 : i32
      %dma_wait3A_70 = tpu.memref_slice %arg13[%add3A_23, %dma_wait3A_69] : memref<10240x64xf32, #tpu.memory_space<vmem_shared>> -> memref<64x64xf32, #tpu.memory_space<vmem_shared>>
      tpu.wait_dma2 semaphore(%run_scoped3A : memref<!tpu.dma_semaphore, #tpu.memory_space<semaphore_mem>>) src(%arg11 : memref<64x64xf32, #tpu.memory_space<vmem>>) dst(%dma_wait3A_70 : memref<64x64xf32, #tpu.memory_space<vmem_shared>>)
      tpu.yield
    }) : () -> ()
    %mul3A_24 = arith.constant 640 : i32
    %mul3A_25 = arith.muli %arg1, %mul3A_24 : i32
    %add3A_26 = arith.constant 256 : i32
    %add3A_27 = arith.addi %mul3A_25, %add3A_26 : i32
    "tpu.region"() ({
      %run_scoped3A = tpu.sem_alloc : memref<!tpu.dma_semaphore, #tpu.memory_space<semaphore_mem>>
      %dma_start3A_64 = arith.constant 0 : i32
      %dma_start3A_65 = tpu.memref_slice %arg13[%add3A_27, %dma_start3A_64] : memref<10240x64xf32, #tpu.memory_space<vmem_shared>> -> memref<64x64xf32, #tpu.memory_space<vmem_shared>>
      %dma_start3A_66 = arith.constant 0 : i32
      %dma_start3A_67 = tpu.memref_slice %arg13[%add3A_27, %dma_start3A_66] : memref<10240x64xf32, #tpu.memory_space<vmem_shared>> -> memref<64x64xf32, #tpu.memory_space<vmem_shared>>
      tpu.enqueue_dma source(%arg11 : memref<64x64xf32, #tpu.memory_space<vmem>>) target(%dma_start3A_67 : memref<64x64xf32, #tpu.memory_space<vmem_shared>>) target_semaphore(%run_scoped3A : memref<!tpu.dma_semaphore, #tpu.memory_space<semaphore_mem>>)
      %dma_wait3A = arith.constant 0 : i32
      %dma_wait3A_68 = tpu.memref_slice %arg13[%add3A_27, %dma_wait3A] : memref<10240x64xf32, #tpu.memory_space<vmem_shared>> -> memref<64x64xf32, #tpu.memory_space<vmem_shared>>
      %dma_wait3A_69 = arith.constant 0 : i32
      %dma_wait3A_70 = tpu.memref_slice %arg13[%add3A_27, %dma_wait3A_69] : memref<10240x64xf32, #tpu.memory_space<vmem_shared>> -> memref<64x64xf32, #tpu.memory_space<vmem_shared>>
      tpu.wait_dma2 semaphore(%run_scoped3A : memref<!tpu.dma_semaphore, #tpu.memory_space<semaphore_mem>>) src(%arg11 : memref<64x64xf32, #tpu.memory_space<vmem>>) dst(%dma_wait3A_70 : memref<64x64xf32, #tpu.memory_space<vmem_shared>>)
      tpu.yield
    }) : () -> ()
    %mul3A_28 = arith.constant 640 : i32
    %mul3A_29 = arith.muli %arg1, %mul3A_28 : i32
    %add3A_30 = arith.constant 320 : i32
    %add3A_31 = arith.addi %mul3A_29, %add3A_30 : i32
    "tpu.region"() ({
      %run_scoped3A = tpu.sem_alloc : memref<!tpu.dma_semaphore, #tpu.memory_space<semaphore_mem>>
      %dma_start3A_64 = arith.constant 0 : i32
      %dma_start3A_65 = tpu.memref_slice %arg13[%add3A_31, %dma_start3A_64] : memref<10240x64xf32, #tpu.memory_space<vmem_shared>> -> memref<64x64xf32, #tpu.memory_space<vmem_shared>>
      %dma_start3A_66 = arith.constant 0 : i32
      %dma_start3A_67 = tpu.memref_slice %arg13[%add3A_31, %dma_start3A_66] : memref<10240x64xf32, #tpu.memory_space<vmem_shared>> -> memref<64x64xf32, #tpu.memory_space<vmem_shared>>
      tpu.enqueue_dma source(%arg11 : memref<64x64xf32, #tpu.memory_space<vmem>>) target(%dma_start3A_67 : memref<64x64xf32, #tpu.memory_space<vmem_shared>>) target_semaphore(%run_scoped3A : memref<!tpu.dma_semaphore, #tpu.memory_space<semaphore_mem>>)
      %dma_wait3A = arith.constant 0 : i32
      %dma_wait3A_68 = tpu.memref_slice %arg13[%add3A_31, %dma_wait3A] : memref<10240x64xf32, #tpu.memory_space<vmem_shared>> -> memref<64x64xf32, #tpu.memory_space<vmem_shared>>
      %dma_wait3A_69 = arith.constant 0 : i32
      %dma_wait3A_70 = tpu.memref_slice %arg13[%add3A_31, %dma_wait3A_69] : memref<10240x64xf32, #tpu.memory_space<vmem_shared>> -> memref<64x64xf32, #tpu.memory_space<vmem_shared>>
      tpu.wait_dma2 semaphore(%run_scoped3A : memref<!tpu.dma_semaphore, #tpu.memory_space<semaphore_mem>>) src(%arg11 : memref<64x64xf32, #tpu.memory_space<vmem>>) dst(%dma_wait3A_70 : memref<64x64xf32, #tpu.memory_space<vmem_shared>>)
      tpu.yield
    }) : () -> ()
    %mul3A_32 = arith.constant 640 : i32
    %mul3A_33 = arith.muli %arg1, %mul3A_32 : i32
    %add3A_34 = arith.constant 384 : i32
    %add3A_35 = arith.addi %mul3A_33, %add3A_34 : i32
    "tpu.region"() ({
      %run_scoped3A = tpu.sem_alloc : memref<!tpu.dma_semaphore, #tpu.memory_space<semaphore_mem>>
      %dma_start3A_64 = arith.constant 0 : i32
      %dma_start3A_65 = tpu.memref_slice %arg13[%add3A_35, %dma_start3A_64] : memref<10240x64xf32, #tpu.memory_space<vmem_shared>> -> memref<64x64xf32, #tpu.memory_space<vmem_shared>>
      %dma_start3A_66 = arith.constant 0 : i32
      %dma_start3A_67 = tpu.memref_slice %arg13[%add3A_35, %dma_start3A_66] : memref<10240x64xf32, #tpu.memory_space<vmem_shared>> -> memref<64x64xf32, #tpu.memory_space<vmem_shared>>
      tpu.enqueue_dma source(%arg11 : memref<64x64xf32, #tpu.memory_space<vmem>>) target(%dma_start3A_67 : memref<64x64xf32, #tpu.memory_space<vmem_shared>>) target_semaphore(%run_scoped3A : memref<!tpu.dma_semaphore, #tpu.memory_space<semaphore_mem>>)
      %dma_wait3A = arith.constant 0 : i32
      %dma_wait3A_68 = tpu.memref_slice %arg13[%add3A_35, %dma_wait3A] : memref<10240x64xf32, #tpu.memory_space<vmem_shared>> -> memref<64x64xf32, #tpu.memory_space<vmem_shared>>
      %dma_wait3A_69 = arith.constant 0 : i32
      %dma_wait3A_70 = tpu.memref_slice %arg13[%add3A_35, %dma_wait3A_69] : memref<10240x64xf32, #tpu.memory_space<vmem_shared>> -> memref<64x64xf32, #tpu.memory_space<vmem_shared>>
      tpu.wait_dma2 semaphore(%run_scoped3A : memref<!tpu.dma_semaphore, #tpu.memory_space<semaphore_mem>>) src(%arg11 : memref<64x64xf32, #tpu.memory_space<vmem>>) dst(%dma_wait3A_70 : memref<64x64xf32, #tpu.memory_space<vmem_shared>>)
      tpu.yield
    }) : () -> ()
    %mul3A_36 = arith.constant 640 : i32
    %mul3A_37 = arith.muli %arg1, %mul3A_36 : i32
    %add3A_38 = arith.constant 448 : i32
    %add3A_39 = arith.addi %mul3A_37, %add3A_38 : i32
    "tpu.region"() ({
      %run_scoped3A = tpu.sem_alloc : memref<!tpu.dma_semaphore, #tpu.memory_space<semaphore_mem>>
      %dma_start3A_64 = arith.constant 0 : i32
      %dma_start3A_65 = tpu.memref_slice %arg13[%add3A_39, %dma_start3A_64] : memref<10240x64xf32, #tpu.memory_space<vmem_shared>> -> memref<64x64xf32, #tpu.memory_space<vmem_shared>>
      %dma_start3A_66 = arith.constant 0 : i32
      %dma_start3A_67 = tpu.memref_slice %arg13[%add3A_39, %dma_start3A_66] : memref<10240x64xf32, #tpu.memory_space<vmem_shared>> -> memref<64x64xf32, #tpu.memory_space<vmem_shared>>
      tpu.enqueue_dma source(%arg11 : memref<64x64xf32, #tpu.memory_space<vmem>>) target(%dma_start3A_67 : memref<64x64xf32, #tpu.memory_space<vmem_shared>>) target_semaphore(%run_scoped3A : memref<!tpu.dma_semaphore, #tpu.memory_space<semaphore_mem>>)
      %dma_wait3A = arith.constant 0 : i32
      %dma_wait3A_68 = tpu.memref_slice %arg13[%add3A_39, %dma_wait3A] : memref<10240x64xf32, #tpu.memory_space<vmem_shared>> -> memref<64x64xf32, #tpu.memory_space<vmem_shared>>
      %dma_wait3A_69 = arith.constant 0 : i32
      %dma_wait3A_70 = tpu.memref_slice %arg13[%add3A_39, %dma_wait3A_69] : memref<10240x64xf32, #tpu.memory_space<vmem_shared>> -> memref<64x64xf32, #tpu.memory_space<vmem_shared>>
      tpu.wait_dma2 semaphore(%run_scoped3A : memref<!tpu.dma_semaphore, #tpu.memory_space<semaphore_mem>>) src(%arg11 : memref<64x64xf32, #tpu.memory_space<vmem>>) dst(%dma_wait3A_70 : memref<64x64xf32, #tpu.memory_space<vmem_shared>>)
      tpu.yield
    }) : () -> ()
    %mul3A_40 = arith.constant 640 : i32
    %mul3A_41 = arith.muli %arg1, %mul3A_40 : i32
    %add3A_42 = arith.constant 512 : i32
    %add3A_43 = arith.addi %mul3A_41, %add3A_42 : i32
    "tpu.region"() ({
      %run_scoped3A = tpu.sem_alloc : memref<!tpu.dma_semaphore, #tpu.memory_space<semaphore_mem>>
      %dma_start3A_64 = arith.constant 0 : i32
      %dma_start3A_65 = tpu.memref_slice %arg13[%add3A_43, %dma_start3A_64] : memref<10240x64xf32, #tpu.memory_space<vmem_shared>> -> memref<64x64xf32, #tpu.memory_space<vmem_shared>>
      %dma_start3A_66 = arith.constant 0 : i32
      %dma_start3A_67 = tpu.memref_slice %arg13[%add3A_43, %dma_start3A_66] : memref<10240x64xf32, #tpu.memory_space<vmem_shared>> -> memref<64x64xf32, #tpu.memory_space<vmem_shared>>
      tpu.enqueue_dma source(%arg11 : memref<64x64xf32, #tpu.memory_space<vmem>>) target(%dma_start3A_67 : memref<64x64xf32, #tpu.memory_space<vmem_shared>>) target_semaphore(%run_scoped3A : memref<!tpu.dma_semaphore, #tpu.memory_space<semaphore_mem>>)
      %dma_wait3A = arith.constant 0 : i32
      %dma_wait3A_68 = tpu.memref_slice %arg13[%add3A_43, %dma_wait3A] : memref<10240x64xf32, #tpu.memory_space<vmem_shared>> -> memref<64x64xf32, #tpu.memory_space<vmem_shared>>
      %dma_wait3A_69 = arith.constant 0 : i32
      %dma_wait3A_70 = tpu.memref_slice %arg13[%add3A_43, %dma_wait3A_69] : memref<10240x64xf32, #tpu.memory_space<vmem_shared>> -> memref<64x64xf32, #tpu.memory_space<vmem_shared>>
      tpu.wait_dma2 semaphore(%run_scoped3A : memref<!tpu.dma_semaphore, #tpu.memory_space<semaphore_mem>>) src(%arg11 : memref<64x64xf32, #tpu.memory_space<vmem>>) dst(%dma_wait3A_70 : memref<64x64xf32, #tpu.memory_space<vmem_shared>>)
      tpu.yield
    }) : () -> ()
    %mul3A_44 = arith.constant 640 : i32
    %mul3A_45 = arith.muli %arg1, %mul3A_44 : i32
    %add3A_46 = arith.constant 576 : i32
    %add3A_47 = arith.addi %mul3A_45, %add3A_46 : i32
    "tpu.region"() ({
      %run_scoped3A = tpu.sem_alloc : memref<!tpu.dma_semaphore, #tpu.memory_space<semaphore_mem>>
      %dma_start3A_64 = arith.constant 0 : i32
      %dma_start3A_65 = tpu.memref_slice %arg13[%add3A_47, %dma_start3A_64] : memref<10240x64xf32, #tpu.memory_space<vmem_shared>> -> memref<64x64xf32, #tpu.memory_space<vmem_shared>>
      %dma_start3A_66 = arith.constant 0 : i32
      %dma_start3A_67 = tpu.memref_slice %arg13[%add3A_47, %dma_start3A_66] : memref<10240x64xf32, #tpu.memory_space<vmem_shared>> -> memref<64x64xf32, #tpu.memory_space<vmem_shared>>
      tpu.enqueue_dma source(%arg11 : memref<64x64xf32, #tpu.memory_space<vmem>>) target(%dma_start3A_67 : memref<64x64xf32, #tpu.memory_space<vmem_shared>>) target_semaphore(%run_scoped3A : memref<!tpu.dma_semaphore, #tpu.memory_space<semaphore_mem>>)
      %dma_wait3A = arith.constant 0 : i32
      %dma_wait3A_68 = tpu.memref_slice %arg13[%add3A_47, %dma_wait3A] : memref<10240x64xf32, #tpu.memory_space<vmem_shared>> -> memref<64x64xf32, #tpu.memory_space<vmem_shared>>
      %dma_wait3A_69 = arith.constant 0 : i32
      %dma_wait3A_70 = tpu.memref_slice %arg13[%add3A_47, %dma_wait3A_69] : memref<10240x64xf32, #tpu.memory_space<vmem_shared>> -> memref<64x64xf32, #tpu.memory_space<vmem_shared>>
      tpu.wait_dma2 semaphore(%run_scoped3A : memref<!tpu.dma_semaphore, #tpu.memory_space<semaphore_mem>>) src(%arg11 : memref<64x64xf32, #tpu.memory_space<vmem>>) dst(%dma_wait3A_70 : memref<64x64xf32, #tpu.memory_space<vmem_shared>>)
      tpu.yield
    }) : () -> ()
    %barrier3A = arith.constant 0 : index
    tpu.barrier barrier_id(%barrier3A)
    %mul3A_48 = arith.constant 10240 : i32
    %mul3A_49 = arith.muli %add3A, %mul3A_48 : i32
    "tpu.region"() ({
      %run_scoped3A = tpu.sem_alloc : memref<!tpu.dma_semaphore, #tpu.memory_space<semaphore_mem>>
      %dma_start3A_64 = tpu.memref_slice %arg2[%mul3A_49] : memref<327680xi32, #tpu.memory_space<hbm>> -> memref<64xi32, #tpu.memory_space<hbm>>
      %dma_start3A_65 = tpu.memref_slice %arg2[%mul3A_49] : memref<327680xi32, #tpu.memory_space<hbm>> -> memref<64xi32, #tpu.memory_space<hbm>>
      tpu.enqueue_dma source(%dma_start3A_65 : memref<64xi32, #tpu.memory_space<hbm>>) target(%arg7 : memref<64xi32, #tpu.memory_space<vmem>>) target_semaphore(%run_scoped3A : memref<!tpu.dma_semaphore, #tpu.memory_space<semaphore_mem>>)
      %dma_wait3A = tpu.memref_slice %arg2[%mul3A_49] : memref<327680xi32, #tpu.memory_space<hbm>> -> memref<64xi32, #tpu.memory_space<hbm>>
      %dma_wait3A_66 = tpu.memref_slice %arg2[%mul3A_49] : memref<327680xi32, #tpu.memory_space<hbm>> -> memref<64xi32, #tpu.memory_space<hbm>>
      tpu.wait_dma2 semaphore(%run_scoped3A : memref<!tpu.dma_semaphore, #tpu.memory_space<semaphore_mem>>) src(%dma_wait3A_66 : memref<64xi32, #tpu.memory_space<hbm>>) dst(%arg7 : memref<64xi32, #tpu.memory_space<vmem>>)
      tpu.yield
    }) : () -> ()
    "tpu.region"() ({
      %run_scoped3A = tpu.sem_alloc : memref<!tpu.dma_semaphore, #tpu.memory_space<semaphore_mem>>
      %dma_start3A_64 = tpu.memref_slice %arg3[%mul3A_49] : memref<327680xi32, #tpu.memory_space<hbm>> -> memref<64xi32, #tpu.memory_space<hbm>>
      %dma_start3A_65 = tpu.memref_slice %arg3[%mul3A_49] : memref<327680xi32, #tpu.memory_space<hbm>> -> memref<64xi32, #tpu.memory_space<hbm>>
      tpu.enqueue_dma source(%dma_start3A_65 : memref<64xi32, #tpu.memory_space<hbm>>) target(%arg9 : memref<64xi32, #tpu.memory_space<vmem>>) target_semaphore(%run_scoped3A : memref<!tpu.dma_semaphore, #tpu.memory_space<semaphore_mem>>)
      %dma_wait3A = tpu.memref_slice %arg3[%mul3A_49] : memref<327680xi32, #tpu.memory_space<hbm>> -> memref<64xi32, #tpu.memory_space<hbm>>
      %dma_wait3A_66 = tpu.memref_slice %arg3[%mul3A_49] : memref<327680xi32, #tpu.memory_space<hbm>> -> memref<64xi32, #tpu.memory_space<hbm>>
      tpu.wait_dma2 semaphore(%run_scoped3A : memref<!tpu.dma_semaphore, #tpu.memory_space<semaphore_mem>>) src(%dma_wait3A_66 : memref<64xi32, #tpu.memory_space<hbm>>) dst(%arg9 : memref<64xi32, #tpu.memory_space<vmem>>)
      tpu.yield
    }) : () -> ()
    %dma_start3A = arith.constant 0 : i32
    %dma_start3A_50 = arith.constant 0 : i32
    %dma_start3A_51 = tpu.memref_slice %arg5[%dma_start3A, %dma_start3A_50] : memref<10240x64xf32, #tpu.memory_space<hbm>> -> memref<10240x64xf32, #tpu.memory_space<hbm>>
    tpu.enqueue_indirect_dma source(%dma_start3A_51 : memref<10240x64xf32, #tpu.memory_space<hbm>>) target(%arg11 : memref<64x64xf32, #tpu.memory_space<vmem>>) offsets(%arg7 : memref<64xi32, #tpu.memory_space<vmem>>) semaphore(%arg14 : memref<!tpu.dma_semaphore, #tpu.memory_space<semaphore_mem>>)
    %scan3A_52 = arith.constant 0 : i32
    %scan3A_53 = arith.constant 0 : i32
    %scan3A_54 = arith.constant 80 : i32
    %scan3A_55 = arith.addi %scan3A_53, %scan3A_54 : i32
    %scan3A_56 = arith.constant 1 : i32
    %scan3A_57 = scf.for %scan3A_64 = %scan3A_53 to %scan3A_55 step %scan3A_56 iter_args(%scan3A_65 = %scan3A_52) -> (i32)  : i32 {
      %mul3A_66 = arith.constant 2 : i32
      %mul3A_67 = arith.muli %scan3A_64, %mul3A_66 : i32
      %mul3A_68 = arith.constant 64 : i32
      %mul3A_69 = arith.muli %mul3A_67, %mul3A_68 : i32
      %add3A_70 = arith.addi %mul3A_49, %mul3A_69 : i32
      %add3A_71 = arith.constant 64 : i32
      %add3A_72 = arith.addi %add3A_70, %add3A_71 : i32
      "tpu.region"() ({
        %run_scoped3A = tpu.sem_alloc : memref<!tpu.dma_semaphore, #tpu.memory_space<semaphore_mem>>
        %dma_start3A_88 = tpu.memref_slice %arg2[%add3A_72] : memref<327680xi32, #tpu.memory_space<hbm>> -> memref<64xi32, #tpu.memory_space<hbm>>
        %dma_start3A_89 = tpu.memref_slice %arg2[%add3A_72] : memref<327680xi32, #tpu.memory_space<hbm>> -> memref<64xi32, #tpu.memory_space<hbm>>
        tpu.enqueue_dma source(%dma_start3A_89 : memref<64xi32, #tpu.memory_space<hbm>>) target(%arg8 : memref<64xi32, #tpu.memory_space<vmem>>) target_semaphore(%run_scoped3A : memref<!tpu.dma_semaphore, #tpu.memory_space<semaphore_mem>>)
        %dma_wait3A_90 = tpu.memref_slice %arg2[%add3A_72] : memref<327680xi32, #tpu.memory_space<hbm>> -> memref<64xi32, #tpu.memory_space<hbm>>
        %dma_wait3A_91 = tpu.memref_slice %arg2[%add3A_72] : memref<327680xi32, #tpu.memory_space<hbm>> -> memref<64xi32, #tpu.memory_space<hbm>>
        tpu.wait_dma2 semaphore(%run_scoped3A : memref<!tpu.dma_semaphore, #tpu.memory_space<semaphore_mem>>) src(%dma_wait3A_91 : memref<64xi32, #tpu.memory_space<hbm>>) dst(%arg8 : memref<64xi32, #tpu.memory_space<vmem>>)
        tpu.yield
      }) : () -> ()
      %add3A_73 = arith.constant 64 : i32
      %add3A_74 = arith.addi %add3A_70, %add3A_73 : i32
      "tpu.region"() ({
        %run_scoped3A = tpu.sem_alloc : memref<!tpu.dma_semaphore, #tpu.memory_space<semaphore_mem>>
        %dma_start3A_88 = tpu.memref_slice %arg3[%add3A_74] : memref<327680xi32, #tpu.memory_space<hbm>> -> memref<64xi32, #tpu.memory_space<hbm>>
        %dma_start3A_89 = tpu.memref_slice %arg3[%add3A_74] : memref<327680xi32, #tpu.memory_space<hbm>> -> memref<64xi32, #tpu.memory_space<hbm>>
        tpu.enqueue_dma source(%dma_start3A_89 : memref<64xi32, #tpu.memory_space<hbm>>) target(%arg10 : memref<64xi32, #tpu.memory_space<vmem>>) target_semaphore(%run_scoped3A : memref<!tpu.dma_semaphore, #tpu.memory_space<semaphore_mem>>)
        %dma_wait3A_90 = tpu.memref_slice %arg3[%add3A_74] : memref<327680xi32, #tpu.memory_space<hbm>> -> memref<64xi32, #tpu.memory_space<hbm>>
        %dma_wait3A_91 = tpu.memref_slice %arg3[%add3A_74] : memref<327680xi32, #tpu.memory_space<hbm>> -> memref<64xi32, #tpu.memory_space<hbm>>
        tpu.wait_dma2 semaphore(%run_scoped3A : memref<!tpu.dma_semaphore, #tpu.memory_space<semaphore_mem>>) src(%dma_wait3A_91 : memref<64xi32, #tpu.memory_space<hbm>>) dst(%arg10 : memref<64xi32, #tpu.memory_space<vmem>>)
        tpu.yield
      }) : () -> ()
      %dma_wait3A = arith.constant 0 : i32
      %dma_wait3A_75 = arith.constant 0 : i32
      %dma_wait3A_76 = tpu.memref_slice %arg5[%dma_wait3A, %dma_wait3A_75] : memref<10240x64xf32, #tpu.memory_space<hbm>> -> memref<10240x64xf32, #tpu.memory_space<hbm>>
      tpu.wait_indirect_dma semaphore(%arg14 : memref<!tpu.dma_semaphore, #tpu.memory_space<semaphore_mem>>) src(%dma_wait3A_76 : memref<10240x64xf32, #tpu.memory_space<hbm>>) dst(%arg11 : memref<64x64xf32, #tpu.memory_space<vmem>>)
      %dma_start3A_77 = arith.constant 0 : i32
      %dma_start3A_78 = arith.constant 0 : i32
      %dma_start3A_79 = tpu.memref_slice %arg5[%dma_start3A_77, %dma_start3A_78] : memref<10240x64xf32, #tpu.memory_space<hbm>> -> memref<10240x64xf32, #tpu.memory_space<hbm>>
      tpu.enqueue_indirect_dma source(%dma_start3A_79 : memref<10240x64xf32, #tpu.memory_space<hbm>>) target(%arg12 : memref<64x64xf32, #tpu.memory_space<vmem>>) offsets(%arg8 : memref<64xi32, #tpu.memory_space<vmem>>) semaphore(%arg15 : memref<!tpu.dma_semaphore, #tpu.memory_space<semaphore_mem>>)
      "tpu.region"() ({
        %run_scoped3A = tpu.sem_alloc : memref<!tpu.dma_semaphore, #tpu.memory_space<semaphore_mem>>
        %dma_start3A_88 = arith.constant 0 : i32
        %dma_start3A_89 = arith.constant 0 : i32
        %dma_start3A_90 = tpu.memref_slice %arg13[%dma_start3A_88, %dma_start3A_89] : memref<10240x64xf32, #tpu.memory_space<vmem_shared>> -> memref<10240x64xf32, #tpu.memory_space<vmem_shared>>
        tpu.enqueue_indirect_dma source(%arg11 : memref<64x64xf32, #tpu.memory_space<vmem>>) target(%dma_start3A_90 : memref<10240x64xf32, #tpu.memory_space<vmem_shared>>) offsets(%arg9 : memref<64xi32, #tpu.memory_space<vmem>>) semaphore(%run_scoped3A : memref<!tpu.dma_semaphore, #tpu.memory_space<semaphore_mem>>) {add = true}
        %dma_wait3A_91 = arith.constant 0 : i32
        %dma_wait3A_92 = arith.constant 0 : i32
        %dma_wait3A_93 = tpu.memref_slice %arg13[%dma_wait3A_91, %dma_wait3A_92] : memref<10240x64xf32, #tpu.memory_space<vmem_shared>> -> memref<10240x64xf32, #tpu.memory_space<vmem_shared>>
        tpu.wait_indirect_dma semaphore(%run_scoped3A : memref<!tpu.dma_semaphore, #tpu.memory_space<semaphore_mem>>) src(%arg11 : memref<64x64xf32, #tpu.memory_space<vmem>>) dst(%dma_wait3A_93 : memref<10240x64xf32, #tpu.memory_space<vmem_shared>>)
        tpu.yield
      }) : () -> ()
      %add3A_80 = arith.constant 1 : i32
      %add3A_81 = arith.addi %scan3A_64, %add3A_80 : i32
      %lt3A = arith.constant 80 : i32
      %lt3A_82 = arith.cmpi slt, %add3A_81, %lt3A : i32
      %convert_element_type3A = arith.extui %lt3A_82 : i1 to i32
      %cond3A = arith.constant 0 : i32
      %cond3A_83 = arith.cmpi ne, %convert_element_type3A, %cond3A : i32
      scf.if %cond3A_83 {
        %add3A_88 = arith.constant 128 : i32
        %add3A_89 = arith.addi %add3A_70, %add3A_88 : i32
        "tpu.region"() ({
          %run_scoped3A = tpu.sem_alloc : memref<!tpu.dma_semaphore, #tpu.memory_space<semaphore_mem>>
          %dma_start3A_95 = tpu.memref_slice %arg2[%add3A_89] : memref<327680xi32, #tpu.memory_space<hbm>> -> memref<64xi32, #tpu.memory_space<hbm>>
          %dma_start3A_96 = tpu.memref_slice %arg2[%add3A_89] : memref<327680xi32, #tpu.memory_space<hbm>> -> memref<64xi32, #tpu.memory_space<hbm>>
          tpu.enqueue_dma source(%dma_start3A_96 : memref<64xi32, #tpu.memory_space<hbm>>) target(%arg7 : memref<64xi32, #tpu.memory_space<vmem>>) target_semaphore(%run_scoped3A : memref<!tpu.dma_semaphore, #tpu.memory_space<semaphore_mem>>)
          %dma_wait3A_97 = tpu.memref_slice %arg2[%add3A_89] : memref<327680xi32, #tpu.memory_space<hbm>> -> memref<64xi32, #tpu.memory_space<hbm>>
          %dma_wait3A_98 = tpu.memref_slice %arg2[%add3A_89] : memref<327680xi32, #tpu.memory_space<hbm>> -> memref<64xi32, #tpu.memory_space<hbm>>
          tpu.wait_dma2 semaphore(%run_scoped3A : memref<!tpu.dma_semaphore, #tpu.memory_space<semaphore_mem>>) src(%dma_wait3A_98 : memref<64xi32, #tpu.memory_space<hbm>>) dst(%arg7 : memref<64xi32, #tpu.memory_space<vmem>>)
          tpu.yield
        }) : () -> ()
        %add3A_90 = arith.constant 128 : i32
        %add3A_91 = arith.addi %add3A_70, %add3A_90 : i32
        "tpu.region"() ({
          %run_scoped3A = tpu.sem_alloc : memref<!tpu.dma_semaphore, #tpu.memory_space<semaphore_mem>>
          %dma_start3A_95 = tpu.memref_slice %arg3[%add3A_91] : memref<327680xi32, #tpu.memory_space<hbm>> -> memref<64xi32, #tpu.memory_space<hbm>>
          %dma_start3A_96 = tpu.memref_slice %arg3[%add3A_91] : memref<327680xi32, #tpu.memory_space<hbm>> -> memref<64xi32, #tpu.memory_space<hbm>>
          tpu.enqueue_dma source(%dma_start3A_96 : memref<64xi32, #tpu.memory_space<hbm>>) target(%arg9 : memref<64xi32, #tpu.memory_space<vmem>>) target_semaphore(%run_scoped3A : memref<!tpu.dma_semaphore, #tpu.memory_space<semaphore_mem>>)
          %dma_wait3A_97 = tpu.memref_slice %arg3[%add3A_91] : memref<327680xi32, #tpu.memory_space<hbm>> -> memref<64xi32, #tpu.memory_space<hbm>>
          %dma_wait3A_98 = tpu.memref_slice %arg3[%add3A_91] : memref<327680xi32, #tpu.memory_space<hbm>> -> memref<64xi32, #tpu.memory_space<hbm>>
          tpu.wait_dma2 semaphore(%run_scoped3A : memref<!tpu.dma_semaphore, #tpu.memory_space<semaphore_mem>>) src(%dma_wait3A_98 : memref<64xi32, #tpu.memory_space<hbm>>) dst(%arg9 : memref<64xi32, #tpu.memory_space<vmem>>)
          tpu.yield
        }) : () -> ()
        %dma_start3A_92 = arith.constant 0 : i32
        %dma_start3A_93 = arith.constant 0 : i32
        %dma_start3A_94 = tpu.memref_slice %arg5[%dma_start3A_92, %dma_start3A_93] : memref<10240x64xf32, #tpu.memory_space<hbm>> -> memref<10240x64xf32, #tpu.memory_space<hbm>>
        tpu.enqueue_indirect_dma source(%dma_start3A_94 : memref<10240x64xf32, #tpu.memory_space<hbm>>) target(%arg11 : memref<64x64xf32, #tpu.memory_space<vmem>>) offsets(%arg7 : memref<64xi32, #tpu.memory_space<vmem>>) semaphore(%arg14 : memref<!tpu.dma_semaphore, #tpu.memory_space<semaphore_mem>>)
      } else {
      }
      %dma_wait3A_84 = arith.constant 0 : i32
      %dma_wait3A_85 = arith.constant 0 : i32
      %dma_wait3A_86 = tpu.memref_slice %arg5[%dma_wait3A_84, %dma_wait3A_85] : memref<10240x64xf32, #tpu.memory_space<hbm>> -> memref<10240x64xf32, #tpu.memory_space<hbm>>
      tpu.wait_indirect_dma semaphore(%arg15 : memref<!tpu.dma_semaphore, #tpu.memory_space<semaphore_mem>>) src(%dma_wait3A_86 : memref<10240x64xf32, #tpu.memory_space<hbm>>) dst(%arg12 : memref<64x64xf32, #tpu.memory_space<vmem>>)
      "tpu.region"() ({
        %run_scoped3A = tpu.sem_alloc : memref<!tpu.dma_semaphore, #tpu.memory_space<semaphore_mem>>
        %dma_start3A_88 = arith.constant 0 : i32
        %dma_start3A_89 = arith.constant 0 : i32
        %dma_start3A_90 = tpu.memref_slice %arg13[%dma_start3A_88, %dma_start3A_89] : memref<10240x64xf32, #tpu.memory_space<vmem_shared>> -> memref<10240x64xf32, #tpu.memory_space<vmem_shared>>
        tpu.enqueue_indirect_dma source(%arg12 : memref<64x64xf32, #tpu.memory_space<vmem>>) target(%dma_start3A_90 : memref<10240x64xf32, #tpu.memory_space<vmem_shared>>) offsets(%arg10 : memref<64xi32, #tpu.memory_space<vmem>>) semaphore(%run_scoped3A : memref<!tpu.dma_semaphore, #tpu.memory_space<semaphore_mem>>) {add = true}
        %dma_wait3A_91 = arith.constant 0 : i32
        %dma_wait3A_92 = arith.constant 0 : i32
        %dma_wait3A_93 = tpu.memref_slice %arg13[%dma_wait3A_91, %dma_wait3A_92] : memref<10240x64xf32, #tpu.memory_space<vmem_shared>> -> memref<10240x64xf32, #tpu.memory_space<vmem_shared>>
        tpu.wait_indirect_dma semaphore(%run_scoped3A : memref<!tpu.dma_semaphore, #tpu.memory_space<semaphore_mem>>) src(%arg12 : memref<64x64xf32, #tpu.memory_space<vmem>>) dst(%dma_wait3A_93 : memref<10240x64xf32, #tpu.memory_space<vmem_shared>>)
        tpu.yield
      }) : () -> ()
      %scan3A_87 = arith.constant 0 : i32
      scf.yield %scan3A_87 : i32
    }
    %scan3A_58 = arith.constant 80 : i32
    %barrier3A_59 = arith.constant 0 : index
    tpu.barrier barrier_id(%barrier3A_59)
    %mul3A_60 = arith.constant 640 : i32
    %mul3A_61 = arith.muli %arg1, %mul3A_60 : i32
    %mul3A_62 = arith.constant 640 : i32
    %mul3A_63 = arith.muli %arg1, %mul3A_62 : i32
    "tpu.region"() ({
      %run_scoped3A = tpu.sem_alloc : memref<!tpu.dma_semaphore, #tpu.memory_space<semaphore_mem>>
      %dma_start3A_64 = arith.constant 0 : i32
      %dma_start3A_65 = tpu.memref_slice %arg6[%arg0, %mul3A_63, %dma_start3A_64] : memref<2x10240x64xf32, #tpu.memory_space<hbm>> -> memref<1x640x64xf32, #tpu.memory_space<hbm>>
      %dma_start3A_66 = tpu.memref_squeeze %dma_start3A_65 : memref<1x640x64xf32, #tpu.memory_space<hbm>> -> memref<640x64xf32, #tpu.memory_space<hbm>>
      %dma_start3A_67 = arith.constant 0 : i32
      %dma_start3A_68 = tpu.memref_slice %arg13[%mul3A_61, %dma_start3A_67] : memref<10240x64xf32, #tpu.memory_space<vmem_shared>> -> memref<640x64xf32, #tpu.memory_space<vmem_shared>>
      tpu.enqueue_dma source(%dma_start3A_68 : memref<640x64xf32, #tpu.memory_space<vmem_shared>>) target(%dma_start3A_66 : memref<640x64xf32, #tpu.memory_space<hbm>>) target_semaphore(%run_scoped3A : memref<!tpu.dma_semaphore, #tpu.memory_space<semaphore_mem>>)
      %dma_wait3A = arith.constant 0 : i32
      %dma_wait3A_69 = tpu.memref_slice %arg6[%arg0, %mul3A_63, %dma_wait3A] : memref<2x10240x64xf32, #tpu.memory_space<hbm>> -> memref<1x640x64xf32, #tpu.memory_space<hbm>>
      %dma_wait3A_70 = tpu.memref_squeeze %dma_wait3A_69 : memref<1x640x64xf32, #tpu.memory_space<hbm>> -> memref<640x64xf32, #tpu.memory_space<hbm>>
      %dma_wait3A_71 = arith.constant 0 : i32
      %dma_wait3A_72 = tpu.memref_slice %arg13[%mul3A_61, %dma_wait3A_71] : memref<10240x64xf32, #tpu.memory_space<vmem_shared>> -> memref<640x64xf32, #tpu.memory_space<vmem_shared>>
      tpu.wait_dma2 semaphore(%run_scoped3A : memref<!tpu.dma_semaphore, #tpu.memory_space<semaphore_mem>>) src(%dma_wait3A_72 : memref<640x64xf32, #tpu.memory_space<vmem_shared>>) dst(%dma_wait3A_70 : memref<640x64xf32, #tpu.memory_space<hbm>>)
      tpu.yield
    }) : () -> ()
    return
  }
}

#map = affine_map<(d0, d1) -> (0)>
#map1 = affine_map<(d0, d1) -> (0, 0)>
module attributes {stable_mosaic.version = 14 : i64} {
  func.func @_score_pass(%arg0: i32, %arg1: i32, %arg2: memref<327680xi32, #tpu.memory_space<hbm>>, %arg3: memref<327680xi32, #tpu.memory_space<hbm>>, %arg4: memref<10240x16xf32, #tpu.memory_space<hbm>>, %arg5: memref<10240x16xf32, #tpu.memory_space<hbm>>, %arg6: memref<327680x16xf32, #tpu.memory_space<hbm>>, %arg7: memref<128xi32, #tpu.memory_space<vmem>>, %arg8: memref<128xi32, #tpu.memory_space<vmem>>, %arg9: memref<128x16xf32, #tpu.memory_space<vmem>>, %arg10: memref<128x16xf32, #tpu.memory_space<vmem>>, %arg11: memref<!tpu.dma_semaphore, #tpu.memory_space<semaphore_mem>>, %arg12: memref<!tpu.dma_semaphore, #tpu.memory_space<semaphore_mem>>) attributes {dimension_semantics = [#tpu.dimension_semantics<core_parallel>, #tpu.dimension_semantics<subcore_parallel>], iteration_bounds = array<i64: 2, 16>, scalar_prefetch = 0 : i64, scratch_operands = 6 : i64, tpu.core_type = #tpu.core_type<sc_vector_subcore>, window_params = [{transform_indices = #map}, {transform_indices = #map}, {transform_indices = #map1}, {transform_indices = #map1}, {transform_indices = #map1}]} {
    %mul3A = arith.constant 16 : i32
    %mul3A_0 = arith.muli %arg0, %mul3A : i32
    %add3A = arith.addi %mul3A_0, %arg1 : i32
    %mul3A_1 = arith.constant 10240 : i32
    %mul3A_2 = arith.muli %add3A, %mul3A_1 : i32
    %scan3A = arith.constant 0 : i32
    %scan3A_3 = arith.constant 0 : i32
    %scan3A_4 = arith.constant 80 : i32
    %scan3A_5 = arith.addi %scan3A_3, %scan3A_4 : i32
    %scan3A_6 = arith.constant 1 : i32
    %scan3A_7 = scf.for %scan3A_9 = %scan3A_3 to %scan3A_5 step %scan3A_6 iter_args(%scan3A_10 = %scan3A) -> (i32)  : i32 {
      %mul3A_11 = arith.constant 128 : i32
      %mul3A_12 = arith.muli %scan3A_9, %mul3A_11 : i32
      %add3A_13 = arith.addi %mul3A_2, %mul3A_12 : i32
      "tpu.region"() ({
        %run_scoped3A = tpu.sem_alloc : memref<!tpu.dma_semaphore, #tpu.memory_space<semaphore_mem>>
        %dma_start3A_32 = tpu.memref_slice %arg2[%add3A_13] : memref<327680xi32, #tpu.memory_space<hbm>> -> memref<128xi32, #tpu.memory_space<hbm>>
        %dma_start3A_33 = tpu.memref_slice %arg2[%add3A_13] : memref<327680xi32, #tpu.memory_space<hbm>> -> memref<128xi32, #tpu.memory_space<hbm>>
        tpu.enqueue_dma source(%dma_start3A_33 : memref<128xi32, #tpu.memory_space<hbm>>) target(%arg7 : memref<128xi32, #tpu.memory_space<vmem>>) target_semaphore(%run_scoped3A : memref<!tpu.dma_semaphore, #tpu.memory_space<semaphore_mem>>)
        %dma_wait3A_34 = tpu.memref_slice %arg2[%add3A_13] : memref<327680xi32, #tpu.memory_space<hbm>> -> memref<128xi32, #tpu.memory_space<hbm>>
        %dma_wait3A_35 = tpu.memref_slice %arg2[%add3A_13] : memref<327680xi32, #tpu.memory_space<hbm>> -> memref<128xi32, #tpu.memory_space<hbm>>
        tpu.wait_dma2 semaphore(%run_scoped3A : memref<!tpu.dma_semaphore, #tpu.memory_space<semaphore_mem>>) src(%dma_wait3A_35 : memref<128xi32, #tpu.memory_space<hbm>>) dst(%arg7 : memref<128xi32, #tpu.memory_space<vmem>>)
        tpu.yield
      }) : () -> ()
      "tpu.region"() ({
        %run_scoped3A = tpu.sem_alloc : memref<!tpu.dma_semaphore, #tpu.memory_space<semaphore_mem>>
        %dma_start3A_32 = tpu.memref_slice %arg3[%add3A_13] : memref<327680xi32, #tpu.memory_space<hbm>> -> memref<128xi32, #tpu.memory_space<hbm>>
        %dma_start3A_33 = tpu.memref_slice %arg3[%add3A_13] : memref<327680xi32, #tpu.memory_space<hbm>> -> memref<128xi32, #tpu.memory_space<hbm>>
        tpu.enqueue_dma source(%dma_start3A_33 : memref<128xi32, #tpu.memory_space<hbm>>) target(%arg8 : memref<128xi32, #tpu.memory_space<vmem>>) target_semaphore(%run_scoped3A : memref<!tpu.dma_semaphore, #tpu.memory_space<semaphore_mem>>)
        %dma_wait3A_34 = tpu.memref_slice %arg3[%add3A_13] : memref<327680xi32, #tpu.memory_space<hbm>> -> memref<128xi32, #tpu.memory_space<hbm>>
        %dma_wait3A_35 = tpu.memref_slice %arg3[%add3A_13] : memref<327680xi32, #tpu.memory_space<hbm>> -> memref<128xi32, #tpu.memory_space<hbm>>
        tpu.wait_dma2 semaphore(%run_scoped3A : memref<!tpu.dma_semaphore, #tpu.memory_space<semaphore_mem>>) src(%dma_wait3A_35 : memref<128xi32, #tpu.memory_space<hbm>>) dst(%arg8 : memref<128xi32, #tpu.memory_space<vmem>>)
        tpu.yield
      }) : () -> ()
      %dma_start3A = arith.constant 0 : i32
      %dma_start3A_14 = arith.constant 0 : i32
      %dma_start3A_15 = tpu.memref_slice %arg4[%dma_start3A, %dma_start3A_14] : memref<10240x16xf32, #tpu.memory_space<hbm>> -> memref<10240x16xf32, #tpu.memory_space<hbm>>
      tpu.enqueue_indirect_dma source(%dma_start3A_15 : memref<10240x16xf32, #tpu.memory_space<hbm>>) target(%arg9 : memref<128x16xf32, #tpu.memory_space<vmem>>) offsets(%arg7 : memref<128xi32, #tpu.memory_space<vmem>>) semaphore(%arg11 : memref<!tpu.dma_semaphore, #tpu.memory_space<semaphore_mem>>)
      %dma_start3A_16 = arith.constant 0 : i32
      %dma_start3A_17 = arith.constant 0 : i32
      %dma_start3A_18 = tpu.memref_slice %arg5[%dma_start3A_16, %dma_start3A_17] : memref<10240x16xf32, #tpu.memory_space<hbm>> -> memref<10240x16xf32, #tpu.memory_space<hbm>>
      tpu.enqueue_indirect_dma source(%dma_start3A_18 : memref<10240x16xf32, #tpu.memory_space<hbm>>) target(%arg10 : memref<128x16xf32, #tpu.memory_space<vmem>>) offsets(%arg8 : memref<128xi32, #tpu.memory_space<vmem>>) semaphore(%arg12 : memref<!tpu.dma_semaphore, #tpu.memory_space<semaphore_mem>>)
      %dma_wait3A = arith.constant 0 : i32
      %dma_wait3A_19 = arith.constant 0 : i32
      %dma_wait3A_20 = tpu.memref_slice %arg4[%dma_wait3A, %dma_wait3A_19] : memref<10240x16xf32, #tpu.memory_space<hbm>> -> memref<10240x16xf32, #tpu.memory_space<hbm>>
      tpu.wait_indirect_dma semaphore(%arg11 : memref<!tpu.dma_semaphore, #tpu.memory_space<semaphore_mem>>) src(%dma_wait3A_20 : memref<10240x16xf32, #tpu.memory_space<hbm>>) dst(%arg9 : memref<128x16xf32, #tpu.memory_space<vmem>>)
      %dma_wait3A_21 = arith.constant 0 : i32
      %dma_wait3A_22 = arith.constant 0 : i32
      %dma_wait3A_23 = tpu.memref_slice %arg5[%dma_wait3A_21, %dma_wait3A_22] : memref<10240x16xf32, #tpu.memory_space<hbm>> -> memref<10240x16xf32, #tpu.memory_space<hbm>>
      tpu.wait_indirect_dma semaphore(%arg12 : memref<!tpu.dma_semaphore, #tpu.memory_space<semaphore_mem>>) src(%dma_wait3A_23 : memref<10240x16xf32, #tpu.memory_space<hbm>>) dst(%arg10 : memref<128x16xf32, #tpu.memory_space<vmem>>)
      %scan3A_24 = arith.constant 0 : i32
      %scan3A_25 = arith.constant 0 : i32
      %scan3A_26 = arith.constant 128 : i32
      %scan3A_27 = arith.addi %scan3A_25, %scan3A_26 : i32
      %scan3A_28 = arith.constant 1 : i32
      %scan3A_29 = scf.for %scan3A_32 = %scan3A_25 to %scan3A_27 step %scan3A_28 iter_args(%scan3A_33 = %scan3A_24) -> (i32)  : i32 {
        %get3A = arith.index_cast %scan3A_32 : i32 to index
        %get3A_34 = arith.constant 0 : index
        %get3A_35 = tpu.vector_load %arg9[%get3A, %get3A_34] {strides = array<i32>} : memref<128x16xf32, #tpu.memory_space<vmem>>, vector<16xf32>,
        %get3A_36 = arith.index_cast %scan3A_32 : i32 to index
        %get3A_37 = arith.constant 0 : index
        %get3A_38 = tpu.vector_load %arg10[%get3A_36, %get3A_37] {strides = array<i32>} : memref<128x16xf32, #tpu.memory_space<vmem>>, vector<16xf32>,
        %add3A_39 = arith.addf %get3A_35, %get3A_38 : vector<16xf32>
        %swap3A = arith.index_cast %scan3A_32 : i32 to index
        %swap3A_40 = arith.constant 0 : index
        %swap3A_41 = tpu.vector_load %arg9[%swap3A, %swap3A_40] {strides = array<i32>} : memref<128x16xf32, #tpu.memory_space<vmem>>, vector<16xf32>,
        tpu.vector_store %arg9[%swap3A, %swap3A_40], %add3A_39 {strides = array<i32>} : memref<128x16xf32, #tpu.memory_space<vmem>>, vector<16xf32>,
        %scan3A_42 = arith.constant 0 : i32
        scf.yield %scan3A_42 : i32
      }
      %scan3A_30 = arith.constant 128 : i32
      "tpu.region"() ({
        %run_scoped3A = tpu.sem_alloc : memref<!tpu.dma_semaphore, #tpu.memory_space<semaphore_mem>>
        %dma_start3A_32 = arith.constant 0 : i32
        %dma_start3A_33 = tpu.memref_slice %arg6[%add3A_13, %dma_start3A_32] : memref<327680x16xf32, #tpu.memory_space<hbm>> -> memref<128x16xf32, #tpu.memory_space<hbm>>
        %dma_start3A_34 = arith.constant 0 : i32
        %dma_start3A_35 = tpu.memref_slice %arg6[%add3A_13, %dma_start3A_34] : memref<327680x16xf32, #tpu.memory_space<hbm>> -> memref<128x16xf32, #tpu.memory_space<hbm>>
        tpu.enqueue_dma source(%arg9 : memref<128x16xf32, #tpu.memory_space<vmem>>) target(%dma_start3A_35 : memref<128x16xf32, #tpu.memory_space<hbm>>) target_semaphore(%run_scoped3A : memref<!tpu.dma_semaphore, #tpu.memory_space<semaphore_mem>>)
        %dma_wait3A_36 = arith.constant 0 : i32
        %dma_wait3A_37 = tpu.memref_slice %arg6[%add3A_13, %dma_wait3A_36] : memref<327680x16xf32, #tpu.memory_space<hbm>> -> memref<128x16xf32, #tpu.memory_space<hbm>>
        %dma_wait3A_38 = arith.constant 0 : i32
        %dma_wait3A_39 = tpu.memref_slice %arg6[%add3A_13, %dma_wait3A_38] : memref<327680x16xf32, #tpu.memory_space<hbm>> -> memref<128x16xf32, #tpu.memory_space<hbm>>
        tpu.wait_dma2 semaphore(%run_scoped3A : memref<!tpu.dma_semaphore, #tpu.memory_space<semaphore_mem>>) src(%arg9 : memref<128x16xf32, #tpu.memory_space<vmem>>) dst(%dma_wait3A_39 : memref<128x16xf32, #tpu.memory_space<hbm>>)
        tpu.yield
      }) : () -> ()
      %scan3A_31 = arith.constant 0 : i32
      scf.yield %scan3A_31 : i32
    }
    %scan3A_8 = arith.constant 80 : i32
    return
  }
}

module attributes {stable_mosaic.version = 14 : i64} {
  func.func @_tc1_body(%arg0: i32, %arg1: memref<1024x128xf32, #tpu.memory_space<vmem>>, %arg2: memref<128x128xf32, #tpu.memory_space<vmem>>, %arg3: memref<1x128xf32, #tpu.memory_space<vmem>>, %arg4: memref<2x2x1024x16xf32, #tpu.memory_space<vmem>>, %arg5: memref<1024x128xf32, #tpu.memory_space<vmem>>) attributes {dimension_semantics = [#tpu.dimension_semantics<arbitrary>], iteration_bounds = array<i64: 10>, scalar_prefetch = 0 : i64, scratch_operands = 0 : i64, tpu.core_type = #tpu.core_type<tc>, window_params = [{transform_indices = @transform_0, window_bounds = array<i64: 1024, 128>}, {pipeline_mode = #tpu.pipeline_mode<synchronous>, transform_indices = @transform_1, window_bounds = array<i64: 128, 128>}, {pipeline_mode = #tpu.pipeline_mode<synchronous>, transform_indices = @transform_2, window_bounds = array<i64: 1, 128>}, {transform_indices = @transform_3, window_bounds = array<i64: 2, 2, 1024, 16>}, {transform_indices = @transform_4, window_bounds = array<i64: 1024, 128>}]} {
    %get3A = arith.constant 0 : index
    %get3A_0 = arith.constant 0 : index
    %get3A_1 = vector.load %arg1[%get3A, %get3A_0] : memref<1024x128xf32, #tpu.memory_space<vmem>>, vector<1024x128xf32>
    %get3A_2 = arith.constant 0 : index
    %get3A_3 = arith.constant 0 : index
    %get3A_4 = vector.load %arg2[%get3A_2, %get3A_3] : memref<128x128xf32, #tpu.memory_space<vmem>>, vector<128x128xf32>
    %dot_general3A = arith.constant dense<0.000000e+00> : vector<1024x128xf32>
    %dot_general3A_5 = tpu.matmul %get3A_1, %get3A_4, %dot_general3A {dimension_numbers = #tpu.dot_dimension_numbers<[1], [0], [0], [1], [0, 0, 1, 1], [], []>, transpose_lhs_hint = false} : vector<1024x128xf32>, vector<128x128xf32>, vector<1024x128xf32> -> vector<1024x128xf32>
    %get3A_6 = arith.constant 0 : index
    %get3A_7 = arith.constant 0 : index
    %get3A_8 = vector.load %arg3[%get3A_6, %get3A_7] : memref<1x128xf32, #tpu.memory_space<vmem>>, vector<1x128xf32>
    %add3A = vector.broadcast %get3A_8 : vector<1x128xf32> to vector<1024x128xf32>
    %add3A_9 = arith.addf %dot_general3A_5, %add3A : vector<1024x128xf32>
    %get3A_10 = arith.constant 0 : index
    %get3A_11 = arith.constant 0 : index
    %get3A_12 = arith.constant 0 : index
    %get3A_13 = arith.constant 0 : index
    %get3A_14 = vector.load %arg4[%get3A_10, %get3A_11, %get3A_12, %get3A_13] : memref<2x2x1024x16xf32, #tpu.memory_space<vmem>>, vector<1x1x1024x1xf32>
    %get3A_15 = vector.shape_cast %get3A_14 : vector<1x1x1024x1xf32> to vector<1024x1xf32>
    %get3A_16 = arith.constant 1 : index
    %get3A_17 = arith.constant 0 : index
    %get3A_18 = arith.constant 0 : index
    %get3A_19 = arith.constant 0 : index
    %get3A_20 = vector.load %arg4[%get3A_16, %get3A_17, %get3A_18, %get3A_19] : memref<2x2x1024x16xf32, #tpu.memory_space<vmem>>, vector<1x1x1024x1xf32>
    %get3A_21 = vector.shape_cast %get3A_20 : vector<1x1x1024x1xf32> to vector<1024x1xf32>
    %add3A_22 = arith.addf %get3A_15, %get3A_21 : vector<1024x1xf32>
    %max3A = arith.constant 9.99999996E-13 : f32
    %max3A_23 = vector.broadcast %max3A : f32 to vector<1024x1xf32>
    %max3A_24 = arith.maximumf %add3A_22, %max3A_23 : vector<1024x1xf32>
    %rsqrt3A = math.rsqrt %max3A_24 : vector<1024x1xf32>
    %mul3A = vector.broadcast %rsqrt3A : vector<1024x1xf32> to vector<1024x128xf32>
    %mul3A_25 = arith.mulf %add3A_9, %mul3A : vector<1024x128xf32>
    %swap3A = arith.constant 0 : index
    %swap3A_26 = arith.constant 0 : index
    %swap3A_27 = vector.load %arg5[%swap3A, %swap3A_26] : memref<1024x128xf32, #tpu.memory_space<vmem>>, vector<1024x128xf32>
    tpu.vector_store %arg5[%swap3A, %swap3A_26], %mul3A_25 {strides = array<i32>} : memref<1024x128xf32, #tpu.memory_space<vmem>>, vector<1024x128xf32>,
    return
  }
  func.func @transform_0(%arg0: i32) -> (i32, i32) {
    %c0_i32 = arith.constant 0 : i32
    %c0_i32_0 = arith.constant 0 : i32
    return %arg0, %c0_i32 : i32, i32
  }
  func.func @transform_1(%arg0: i32) -> (i32, i32) {
    %c0_i32 = arith.constant 0 : i32
    %c0_i32_0 = arith.constant 0 : i32
    %c0_i32_1 = arith.constant 0 : i32
    return %c0_i32, %c0_i32_0 : i32, i32
  }
  func.func @transform_2(%arg0: i32) -> (i32, i32) {
    %c0_i32 = arith.constant 0 : i32
    %c0_i32_0 = arith.constant 0 : i32
    %c0_i32_1 = arith.constant 0 : i32
    return %c0_i32, %c0_i32_0 : i32, i32
  }
  func.func @transform_3(%arg0: i32) -> (i32, i32, i32, i32) {
    %c0_i32 = arith.constant 0 : i32
    %c0_i32_0 = arith.constant 0 : i32
    %c0_i32_1 = arith.constant 0 : i32
    %c0_i32_2 = arith.constant 0 : i32
    return %c0_i32, %c0_i32_0, %arg0, %c0_i32_1 : i32, i32, i32, i32
  }
  func.func @transform_4(%arg0: i32) -> (i32, i32) {
    %c0_i32 = arith.constant 0 : i32
    %c0_i32_0 = arith.constant 0 : i32
    return %arg0, %c0_i32 : i32, i32
  }
}

module attributes {stable_mosaic.version = 14 : i64} {
  func.func @_tc2_body(%arg0: i32, %arg1: memref<2x1024x128xf32, #tpu.memory_space<vmem>>, %arg2: memref<2x2x1024x16xf32, #tpu.memory_space<vmem>>, %arg3: memref<2x2x1024x16xf32, #tpu.memory_space<vmem>>, %arg4: memref<128x512xf32, #tpu.memory_space<vmem>>, %arg5: memref<1x512xf32, #tpu.memory_space<vmem>>, %arg6: memref<512x256xf32, #tpu.memory_space<vmem>>, %arg7: memref<1024x128xf32, #tpu.memory_space<vmem>>, %arg8: memref<1024x128xf32, #tpu.memory_space<vmem>>) attributes {dimension_semantics = [#tpu.dimension_semantics<arbitrary>], iteration_bounds = array<i64: 10>, scalar_prefetch = 0 : i64, scratch_operands = 0 : i64, tpu.core_type = #tpu.core_type<tc>, window_params = [{transform_indices = @transform_0, window_bounds = array<i64: 2, 1024, 128>}, {transform_indices = @transform_1, window_bounds = array<i64: 2, 2, 1024, 16>}, {transform_indices = @transform_2, window_bounds = array<i64: 2, 2, 1024, 16>}, {pipeline_mode = #tpu.pipeline_mode<synchronous>, transform_indices = @transform_3, window_bounds = array<i64: 128, 512>}, {pipeline_mode = #tpu.pipeline_mode<synchronous>, transform_indices = @transform_4, window_bounds = array<i64: 1, 512>}, {pipeline_mode = #tpu.pipeline_mode<synchronous>, transform_indices = @transform_5, window_bounds = array<i64: 512, 256>}, {transform_indices = @transform_6, window_bounds = array<i64: 1024, 128>}, {transform_indices = @transform_7, window_bounds = array<i64: 1024, 128>}]} {
    %get3A = arith.constant 0 : index
    %get3A_0 = arith.constant 0 : index
    %get3A_1 = arith.constant 0 : index
    %get3A_2 = vector.load %arg1[%get3A, %get3A_0, %get3A_1] : memref<2x1024x128xf32, #tpu.memory_space<vmem>>, vector<1x1024x128xf32>
    %get3A_3 = vector.shape_cast %get3A_2 : vector<1x1024x128xf32> to vector<1024x128xf32>
    %get3A_4 = arith.constant 1 : index
    %get3A_5 = arith.constant 0 : index
    %get3A_6 = arith.constant 0 : index
    %get3A_7 = vector.load %arg1[%get3A_4, %get3A_5, %get3A_6] : memref<2x1024x128xf32, #tpu.memory_space<vmem>>, vector<1x1024x128xf32>
    %get3A_8 = vector.shape_cast %get3A_7 : vector<1x1024x128xf32> to vector<1024x128xf32>
    %add3A = arith.addf %get3A_3, %get3A_8 : vector<1024x128xf32>
    %get3A_9 = arith.constant 0 : index
    %get3A_10 = arith.constant 0 : index
    %get3A_11 = arith.constant 0 : index
    %get3A_12 = arith.constant 0 : index
    %get3A_13 = vector.load %arg2[%get3A_9, %get3A_10, %get3A_11, %get3A_12] : memref<2x2x1024x16xf32, #tpu.memory_space<vmem>>, vector<1x1x1024x1xf32>
    %get3A_14 = vector.shape_cast %get3A_13 : vector<1x1x1024x1xf32> to vector<1024x1xf32>
    %get3A_15 = arith.constant 1 : index
    %get3A_16 = arith.constant 0 : index
    %get3A_17 = arith.constant 0 : index
    %get3A_18 = arith.constant 0 : index
    %get3A_19 = vector.load %arg2[%get3A_15, %get3A_16, %get3A_17, %get3A_18] : memref<2x2x1024x16xf32, #tpu.memory_space<vmem>>, vector<1x1x1024x1xf32>
    %get3A_20 = vector.shape_cast %get3A_19 : vector<1x1x1024x1xf32> to vector<1024x1xf32>
    %add3A_21 = arith.addf %get3A_14, %get3A_20 : vector<1024x1xf32>
    %max3A = arith.constant 9.99999996E-13 : f32
    %max3A_22 = vector.broadcast %max3A : f32 to vector<1024x1xf32>
    %max3A_23 = arith.maximumf %add3A_21, %max3A_22 : vector<1024x1xf32>
    %rsqrt3A = math.rsqrt %max3A_23 : vector<1024x1xf32>
    %mul3A = vector.broadcast %rsqrt3A : vector<1024x1xf32> to vector<1024x128xf32>
    %mul3A_24 = arith.mulf %add3A, %mul3A : vector<1024x128xf32>
    %get3A_25 = arith.constant 0 : index
    %get3A_26 = arith.constant 0 : index
    %get3A_27 = vector.load %arg4[%get3A_25, %get3A_26] : memref<128x512xf32, #tpu.memory_space<vmem>>, vector<128x512xf32>
    %dot_general3A = arith.constant dense<0.000000e+00> : vector<1024x512xf32>
    %dot_general3A_28 = tpu.matmul %mul3A_24, %get3A_27, %dot_general3A {dimension_numbers = #tpu.dot_dimension_numbers<[1], [0], [0], [1], [0, 0, 1, 1], [], []>, transpose_lhs_hint = false} : vector<1024x128xf32>, vector<128x512xf32>, vector<1024x512xf32> -> vector<1024x512xf32>
    %get3A_29 = arith.constant 0 : index
    %get3A_30 = arith.constant 0 : index
    %get3A_31 = vector.load %arg5[%get3A_29, %get3A_30] : memref<1x512xf32, #tpu.memory_space<vmem>>, vector<1x512xf32>
    %add3A_32 = vector.broadcast %get3A_31 : vector<1x512xf32> to vector<1024x512xf32>
    %add3A_33 = arith.addf %dot_general3A_28, %add3A_32 : vector<1024x512xf32>
    %max3A_34 = arith.constant 0.000000e+00 : f32
    %max3A_35 = vector.broadcast %max3A_34 : f32 to vector<1024x512xf32>
    %max3A_36 = arith.maximumf %add3A_33, %max3A_35 : vector<1024x512xf32>
    %get3A_37 = arith.constant 0 : index
    %get3A_38 = arith.constant 1 : index
    %get3A_39 = arith.constant 0 : index
    %get3A_40 = arith.constant 0 : index
    %get3A_41 = vector.load %arg3[%get3A_37, %get3A_38, %get3A_39, %get3A_40] : memref<2x2x1024x16xf32, #tpu.memory_space<vmem>>, vector<1x1x1024x1xf32>
    %get3A_42 = vector.shape_cast %get3A_41 : vector<1x1x1024x1xf32> to vector<1024x1xf32>
    %get3A_43 = arith.constant 1 : index
    %get3A_44 = arith.constant 1 : index
    %get3A_45 = arith.constant 0 : index
    %get3A_46 = arith.constant 0 : index
    %get3A_47 = vector.load %arg3[%get3A_43, %get3A_44, %get3A_45, %get3A_46] : memref<2x2x1024x16xf32, #tpu.memory_space<vmem>>, vector<1x1x1024x1xf32>
    %get3A_48 = vector.shape_cast %get3A_47 : vector<1x1x1024x1xf32> to vector<1024x1xf32>
    %add3A_49 = arith.addf %get3A_42, %get3A_48 : vector<1024x1xf32>
    %max3A_50 = arith.constant 1.000000e+00 : f32
    %max3A_51 = vector.broadcast %max3A_50 : f32 to vector<1024x1xf32>
    %max3A_52 = arith.maximumf %add3A_49, %max3A_51 : vector<1024x1xf32>
    %rsqrt3A_53 = math.rsqrt %max3A_52 : vector<1024x1xf32>
    %mul3A_54 = vector.broadcast %rsqrt3A_53 : vector<1024x1xf32> to vector<1024x512xf32>
    %mul3A_55 = arith.mulf %max3A_36, %mul3A_54 : vector<1024x512xf32>
    %get3A_56 = arith.constant 0 : index
    %get3A_57 = arith.constant 0 : index
    %get3A_58 = vector.load %arg6[%get3A_56, %get3A_57] : memref<512x256xf32, #tpu.memory_space<vmem>>, vector<512x256xf32>
    %dot_general3A_59 = arith.constant dense<0.000000e+00> : vector<1024x256xf32>
    %dot_general3A_60 = tpu.matmul %mul3A_55, %get3A_58, %dot_general3A_59 {dimension_numbers = #tpu.dot_dimension_numbers<[1], [0], [0], [1], [0, 0, 1, 1], [], []>, transpose_lhs_hint = false} : vector<1024x512xf32>, vector<512x256xf32>, vector<1024x256xf32> -> vector<1024x256xf32>
    %slice3A = vector.extract_strided_slice %dot_general3A_60 {offsets = [0, 0], sizes = [1024, 128], strides = [1, 1]} : vector<1024x256xf32> to vector<1024x128xf32>
    %swap3A = arith.constant 0 : index
    %swap3A_61 = arith.constant 0 : index
    %swap3A_62 = vector.load %arg7[%swap3A, %swap3A_61] : memref<1024x128xf32, #tpu.memory_space<vmem>>, vector<1024x128xf32>
    tpu.vector_store %arg7[%swap3A, %swap3A_61], %slice3A {strides = array<i32>} : memref<1024x128xf32, #tpu.memory_space<vmem>>, vector<1024x128xf32>,
    %slice3A_63 = vector.extract_strided_slice %dot_general3A_60 {offsets = [0, 128], sizes = [1024, 128], strides = [1, 1]} : vector<1024x256xf32> to vector<1024x128xf32>
    %swap3A_64 = arith.constant 0 : index
    %swap3A_65 = arith.constant 0 : index
    %swap3A_66 = vector.load %arg8[%swap3A_64, %swap3A_65] : memref<1024x128xf32, #tpu.memory_space<vmem>>, vector<1024x128xf32>
    tpu.vector_store %arg8[%swap3A_64, %swap3A_65], %slice3A_63 {strides = array<i32>} : memref<1024x128xf32, #tpu.memory_space<vmem>>, vector<1024x128xf32>,
    return
  }
  func.func @transform_0(%arg0: i32) -> (i32, i32, i32) {
    %c0_i32 = arith.constant 0 : i32
    %c0_i32_0 = arith.constant 0 : i32
    %c0_i32_1 = arith.constant 0 : i32
    return %c0_i32, %arg0, %c0_i32_0 : i32, i32, i32
  }
  func.func @transform_1(%arg0: i32) -> (i32, i32, i32, i32) {
    %c0_i32 = arith.constant 0 : i32
    %c0_i32_0 = arith.constant 0 : i32
    %c0_i32_1 = arith.constant 0 : i32
    %c0_i32_2 = arith.constant 0 : i32
    return %c0_i32, %c0_i32_0, %arg0, %c0_i32_1 : i32, i32, i32, i32
  }
  func.func @transform_2(%arg0: i32) -> (i32, i32, i32, i32) {
    %c0_i32 = arith.constant 0 : i32
    %c0_i32_0 = arith.constant 0 : i32
    %c0_i32_1 = arith.constant 0 : i32
    %c0_i32_2 = arith.constant 0 : i32
    return %c0_i32, %c0_i32_0, %arg0, %c0_i32_1 : i32, i32, i32, i32
  }
  func.func @transform_3(%arg0: i32) -> (i32, i32) {
    %c0_i32 = arith.constant 0 : i32
    %c0_i32_0 = arith.constant 0 : i32
    %c0_i32_1 = arith.constant 0 : i32
    return %c0_i32, %c0_i32_0 : i32, i32
  }
  func.func @transform_4(%arg0: i32) -> (i32, i32) {
    %c0_i32 = arith.constant 0 : i32
    %c0_i32_0 = arith.constant 0 : i32
    %c0_i32_1 = arith.constant 0 : i32
    return %c0_i32, %c0_i32_0 : i32, i32
  }
  func.func @transform_5(%arg0: i32) -> (i32, i32) {
    %c0_i32 = arith.constant 0 : i32
    %c0_i32_0 = arith.constant 0 : i32
    %c0_i32_1 = arith.constant 0 : i32
    return %c0_i32, %c0_i32_0 : i32, i32
  }
  func.func @transform_6(%arg0: i32) -> (i32, i32) {
    %c0_i32 = arith.constant 0 : i32
    %c0_i32_0 = arith.constant 0 : i32
    return %arg0, %c0_i32 : i32, i32
  }
  func.func @transform_7(%arg0: i32) -> (i32, i32) {
    %c0_i32 = arith.constant 0 : i32
    %c0_i32_0 = arith.constant 0 : i32
    return %arg0, %c0_i32 : i32, i32
  }
}

module attributes {stable_mosaic.version = 14 : i64} {
  func.func @_tc3_body(%arg0: i32, %arg1: memref<2x1024x128xf32, #tpu.memory_space<vmem>>, %arg2: memref<2x1024x128xf32, #tpu.memory_space<vmem>>, %arg3: memref<2x2x1024x16xf32, #tpu.memory_space<vmem>>, %arg4: memref<2x2x1024x16xf32, #tpu.memory_space<vmem>>, %arg5: memref<1x256xf32, #tpu.memory_space<vmem>>, %arg6: memref<256x128xf32, #tpu.memory_space<vmem>>, %arg7: memref<1024x128xf32, #tpu.memory_space<vmem>>) attributes {dimension_semantics = [#tpu.dimension_semantics<arbitrary>], iteration_bounds = array<i64: 10>, scalar_prefetch = 0 : i64, scratch_operands = 0 : i64, tpu.core_type = #tpu.core_type<tc>, window_params = [{transform_indices = @transform_0, window_bounds = array<i64: 2, 1024, 128>}, {transform_indices = @transform_1, window_bounds = array<i64: 2, 1024, 128>}, {transform_indices = @transform_2, window_bounds = array<i64: 2, 2, 1024, 16>}, {transform_indices = @transform_3, window_bounds = array<i64: 2, 2, 1024, 16>}, {pipeline_mode = #tpu.pipeline_mode<synchronous>, transform_indices = @transform_4, window_bounds = array<i64: 1, 256>}, {pipeline_mode = #tpu.pipeline_mode<synchronous>, transform_indices = @transform_5, window_bounds = array<i64: 256, 128>}, {transform_indices = @transform_6, window_bounds = array<i64: 1024, 128>}]} {
    %get3A = arith.constant 0 : index
    %get3A_0 = arith.constant 0 : index
    %get3A_1 = arith.constant 0 : index
    %get3A_2 = vector.load %arg1[%get3A, %get3A_0, %get3A_1] : memref<2x1024x128xf32, #tpu.memory_space<vmem>>, vector<1x1024x128xf32>
    %get3A_3 = vector.shape_cast %get3A_2 : vector<1x1024x128xf32> to vector<1024x128xf32>
    %get3A_4 = arith.constant 1 : index
    %get3A_5 = arith.constant 0 : index
    %get3A_6 = arith.constant 0 : index
    %get3A_7 = vector.load %arg1[%get3A_4, %get3A_5, %get3A_6] : memref<2x1024x128xf32, #tpu.memory_space<vmem>>, vector<1x1024x128xf32>
    %get3A_8 = vector.shape_cast %get3A_7 : vector<1x1024x128xf32> to vector<1024x128xf32>
    %add3A = arith.addf %get3A_3, %get3A_8 : vector<1024x128xf32>
    %get3A_9 = arith.constant 0 : index
    %get3A_10 = arith.constant 0 : index
    %get3A_11 = arith.constant 0 : index
    %get3A_12 = vector.load %arg2[%get3A_9, %get3A_10, %get3A_11] : memref<2x1024x128xf32, #tpu.memory_space<vmem>>, vector<1x1024x128xf32>
    %get3A_13 = vector.shape_cast %get3A_12 : vector<1x1024x128xf32> to vector<1024x128xf32>
    %get3A_14 = arith.constant 1 : index
    %get3A_15 = arith.constant 0 : index
    %get3A_16 = arith.constant 0 : index
    %get3A_17 = vector.load %arg2[%get3A_14, %get3A_15, %get3A_16] : memref<2x1024x128xf32, #tpu.memory_space<vmem>>, vector<1x1024x128xf32>
    %get3A_18 = vector.shape_cast %get3A_17 : vector<1x1024x128xf32> to vector<1024x128xf32>
    %add3A_19 = arith.addf %get3A_13, %get3A_18 : vector<1024x128xf32>
    %concatenate3A = tpu.concatenate %add3A, %add3A_19 in 1 : vector<1024x128xf32>, vector<1024x128xf32> -> vector<1024x256xf32>
    %get3A_20 = arith.constant 0 : index
    %get3A_21 = arith.constant 1 : index
    %get3A_22 = arith.constant 0 : index
    %get3A_23 = arith.constant 0 : index
    %get3A_24 = vector.load %arg3[%get3A_20, %get3A_21, %get3A_22, %get3A_23] : memref<2x2x1024x16xf32, #tpu.memory_space<vmem>>, vector<1x1x1024x1xf32>
    %get3A_25 = vector.shape_cast %get3A_24 : vector<1x1x1024x1xf32> to vector<1024x1xf32>
    %get3A_26 = arith.constant 1 : index
    %get3A_27 = arith.constant 1 : index
    %get3A_28 = arith.constant 0 : index
    %get3A_29 = arith.constant 0 : index
    %get3A_30 = vector.load %arg3[%get3A_26, %get3A_27, %get3A_28, %get3A_29] : memref<2x2x1024x16xf32, #tpu.memory_space<vmem>>, vector<1x1x1024x1xf32>
    %get3A_31 = vector.shape_cast %get3A_30 : vector<1x1x1024x1xf32> to vector<1024x1xf32>
    %add3A_32 = arith.addf %get3A_25, %get3A_31 : vector<1024x1xf32>
    %max3A = arith.constant 1.000000e+00 : f32
    %max3A_33 = vector.broadcast %max3A : f32 to vector<1024x1xf32>
    %max3A_34 = arith.maximumf %add3A_32, %max3A_33 : vector<1024x1xf32>
    %rsqrt3A = math.rsqrt %max3A_34 : vector<1024x1xf32>
    %mul3A = vector.broadcast %rsqrt3A : vector<1024x1xf32> to vector<1024x256xf32>
    %mul3A_35 = arith.mulf %concatenate3A, %mul3A : vector<1024x256xf32>
    %get3A_36 = arith.constant 0 : index
    %get3A_37 = arith.constant 0 : index
    %get3A_38 = vector.load %arg5[%get3A_36, %get3A_37] : memref<1x256xf32, #tpu.memory_space<vmem>>, vector<1x256xf32>
    %add3A_39 = vector.broadcast %get3A_38 : vector<1x256xf32> to vector<1024x256xf32>
    %add3A_40 = arith.addf %mul3A_35, %add3A_39 : vector<1024x256xf32>
    %max3A_41 = arith.constant 0.000000e+00 : f32
    %max3A_42 = vector.broadcast %max3A_41 : f32 to vector<1024x256xf32>
    %max3A_43 = arith.maximumf %add3A_40, %max3A_42 : vector<1024x256xf32>
    %get3A_44 = arith.constant 0 : index
    %get3A_45 = arith.constant 1 : index
    %get3A_46 = arith.constant 0 : index
    %get3A_47 = arith.constant 0 : index
    %get3A_48 = vector.load %arg4[%get3A_44, %get3A_45, %get3A_46, %get3A_47] : memref<2x2x1024x16xf32, #tpu.memory_space<vmem>>, vector<1x1x1024x1xf32>
    %get3A_49 = vector.shape_cast %get3A_48 : vector<1x1x1024x1xf32> to vector<1024x1xf32>
    %get3A_50 = arith.constant 1 : index
    %get3A_51 = arith.constant 1 : index
    %get3A_52 = arith.constant 0 : index
    %get3A_53 = arith.constant 0 : index
    %get3A_54 = vector.load %arg4[%get3A_50, %get3A_51, %get3A_52, %get3A_53] : memref<2x2x1024x16xf32, #tpu.memory_space<vmem>>, vector<1x1x1024x1xf32>
    %get3A_55 = vector.shape_cast %get3A_54 : vector<1x1x1024x1xf32> to vector<1024x1xf32>
    %add3A_56 = arith.addf %get3A_49, %get3A_55 : vector<1024x1xf32>
    %max3A_57 = arith.constant 1.000000e+00 : f32
    %max3A_58 = vector.broadcast %max3A_57 : f32 to vector<1024x1xf32>
    %max3A_59 = arith.maximumf %add3A_56, %max3A_58 : vector<1024x1xf32>
    %rsqrt3A_60 = math.rsqrt %max3A_59 : vector<1024x1xf32>
    %mul3A_61 = vector.broadcast %rsqrt3A_60 : vector<1024x1xf32> to vector<1024x256xf32>
    %mul3A_62 = arith.mulf %max3A_43, %mul3A_61 : vector<1024x256xf32>
    %get3A_63 = arith.constant 0 : index
    %get3A_64 = arith.constant 0 : index
    %get3A_65 = vector.load %arg6[%get3A_63, %get3A_64] : memref<256x128xf32, #tpu.memory_space<vmem>>, vector<256x128xf32>
    %dot_general3A = arith.constant dense<0.000000e+00> : vector<1024x128xf32>
    %dot_general3A_66 = tpu.matmul %mul3A_62, %get3A_65, %dot_general3A {dimension_numbers = #tpu.dot_dimension_numbers<[1], [0], [0], [1], [0, 0, 1, 1], [], []>, transpose_lhs_hint = false} : vector<1024x256xf32>, vector<256x128xf32>, vector<1024x128xf32> -> vector<1024x128xf32>
    %swap3A = arith.constant 0 : index
    %swap3A_67 = arith.constant 0 : index
    %swap3A_68 = vector.load %arg7[%swap3A, %swap3A_67] : memref<1024x128xf32, #tpu.memory_space<vmem>>, vector<1024x128xf32>
    tpu.vector_store %arg7[%swap3A, %swap3A_67], %dot_general3A_66 {strides = array<i32>} : memref<1024x128xf32, #tpu.memory_space<vmem>>, vector<1024x128xf32>,
    return
  }
  func.func @transform_0(%arg0: i32) -> (i32, i32, i32) {
    %c0_i32 = arith.constant 0 : i32
    %c0_i32_0 = arith.constant 0 : i32
    %c0_i32_1 = arith.constant 0 : i32
    return %c0_i32, %arg0, %c0_i32_0 : i32, i32, i32
  }
  func.func @transform_1(%arg0: i32) -> (i32, i32, i32) {
    %c0_i32 = arith.constant 0 : i32
    %c0_i32_0 = arith.constant 0 : i32
    %c0_i32_1 = arith.constant 0 : i32
    return %c0_i32, %arg0, %c0_i32_0 : i32, i32, i32
  }
  func.func @transform_2(%arg0: i32) -> (i32, i32, i32, i32) {
    %c0_i32 = arith.constant 0 : i32
    %c0_i32_0 = arith.constant 0 : i32
    %c0_i32_1 = arith.constant 0 : i32
    %c0_i32_2 = arith.constant 0 : i32
    return %c0_i32, %c0_i32_0, %arg0, %c0_i32_1 : i32, i32, i32, i32
  }
  func.func @transform_3(%arg0: i32) -> (i32, i32, i32, i32) {
    %c0_i32 = arith.constant 0 : i32
    %c0_i32_0 = arith.constant 0 : i32
    %c0_i32_1 = arith.constant 0 : i32
    %c0_i32_2 = arith.constant 0 : i32
    return %c0_i32, %c0_i32_0, %arg0, %c0_i32_1 : i32, i32, i32, i32
  }
  func.func @transform_4(%arg0: i32) -> (i32, i32) {
    %c0_i32 = arith.constant 0 : i32
    %c0_i32_0 = arith.constant 0 : i32
    %c0_i32_1 = arith.constant 0 : i32
    return %c0_i32, %c0_i32_0 : i32, i32
  }
  func.func @transform_5(%arg0: i32) -> (i32, i32) {
    %c0_i32 = arith.constant 0 : i32
    %c0_i32_0 = arith.constant 0 : i32
    %c0_i32_1 = arith.constant 0 : i32
    return %c0_i32, %c0_i32_0 : i32, i32
  }
  func.func @transform_6(%arg0: i32) -> (i32, i32) {
    %c0_i32 = arith.constant 0 : i32
    %c0_i32_0 = arith.constant 0 : i32
    return %arg0, %c0_i32 : i32, i32
  }
}

module attributes {stable_mosaic.version = 14 : i64} {
  func.func @_tc4_body(%arg0: i32, %arg1: memref<2x1024x128xf32, #tpu.memory_space<vmem>>, %arg2: memref<2x2x1024x16xf32, #tpu.memory_space<vmem>>, %arg3: memref<2x2x1024x16xf32, #tpu.memory_space<vmem>>, %arg4: memref<1x128xf32, #tpu.memory_space<vmem>>, %arg5: memref<128x64xf32, #tpu.memory_space<vmem>>, %arg6: memref<1024x64xf32, #tpu.memory_space<vmem>>) attributes {dimension_semantics = [#tpu.dimension_semantics<arbitrary>], iteration_bounds = array<i64: 10>, scalar_prefetch = 0 : i64, scratch_operands = 0 : i64, tpu.core_type = #tpu.core_type<tc>, window_params = [{transform_indices = @transform_0, window_bounds = array<i64: 2, 1024, 128>}, {transform_indices = @transform_1, window_bounds = array<i64: 2, 2, 1024, 16>}, {transform_indices = @transform_2, window_bounds = array<i64: 2, 2, 1024, 16>}, {pipeline_mode = #tpu.pipeline_mode<synchronous>, transform_indices = @transform_3, window_bounds = array<i64: 1, 128>}, {pipeline_mode = #tpu.pipeline_mode<synchronous>, transform_indices = @transform_4, window_bounds = array<i64: 128, 64>}, {transform_indices = @transform_5, window_bounds = array<i64: 1024, 64>}]} {
    %get3A = arith.constant 0 : index
    %get3A_0 = arith.constant 0 : index
    %get3A_1 = arith.constant 0 : index
    %get3A_2 = vector.load %arg1[%get3A, %get3A_0, %get3A_1] : memref<2x1024x128xf32, #tpu.memory_space<vmem>>, vector<1x1024x128xf32>
    %get3A_3 = vector.shape_cast %get3A_2 : vector<1x1024x128xf32> to vector<1024x128xf32>
    %get3A_4 = arith.constant 1 : index
    %get3A_5 = arith.constant 0 : index
    %get3A_6 = arith.constant 0 : index
    %get3A_7 = vector.load %arg1[%get3A_4, %get3A_5, %get3A_6] : memref<2x1024x128xf32, #tpu.memory_space<vmem>>, vector<1x1024x128xf32>
    %get3A_8 = vector.shape_cast %get3A_7 : vector<1x1024x128xf32> to vector<1024x128xf32>
    %add3A = arith.addf %get3A_3, %get3A_8 : vector<1024x128xf32>
    %get3A_9 = arith.constant 0 : index
    %get3A_10 = arith.constant 1 : index
    %get3A_11 = arith.constant 0 : index
    %get3A_12 = arith.constant 0 : index
    %get3A_13 = vector.load %arg2[%get3A_9, %get3A_10, %get3A_11, %get3A_12] : memref<2x2x1024x16xf32, #tpu.memory_space<vmem>>, vector<1x1x1024x1xf32>
    %get3A_14 = vector.shape_cast %get3A_13 : vector<1x1x1024x1xf32> to vector<1024x1xf32>
    %get3A_15 = arith.constant 1 : index
    %get3A_16 = arith.constant 1 : index
    %get3A_17 = arith.constant 0 : index
    %get3A_18 = arith.constant 0 : index
    %get3A_19 = vector.load %arg2[%get3A_15, %get3A_16, %get3A_17, %get3A_18] : memref<2x2x1024x16xf32, #tpu.memory_space<vmem>>, vector<1x1x1024x1xf32>
    %get3A_20 = vector.shape_cast %get3A_19 : vector<1x1x1024x1xf32> to vector<1024x1xf32>
    %add3A_21 = arith.addf %get3A_14, %get3A_20 : vector<1024x1xf32>
    %max3A = arith.constant 1.000000e+00 : f32
    %max3A_22 = vector.broadcast %max3A : f32 to vector<1024x1xf32>
    %max3A_23 = arith.maximumf %add3A_21, %max3A_22 : vector<1024x1xf32>
    %rsqrt3A = math.rsqrt %max3A_23 : vector<1024x1xf32>
    %mul3A = vector.broadcast %rsqrt3A : vector<1024x1xf32> to vector<1024x128xf32>
    %mul3A_24 = arith.mulf %add3A, %mul3A : vector<1024x128xf32>
    %get3A_25 = arith.constant 0 : index
    %get3A_26 = arith.constant 0 : index
    %get3A_27 = vector.load %arg4[%get3A_25, %get3A_26] : memref<1x128xf32, #tpu.memory_space<vmem>>, vector<1x128xf32>
    %add3A_28 = vector.broadcast %get3A_27 : vector<1x128xf32> to vector<1024x128xf32>
    %add3A_29 = arith.addf %mul3A_24, %add3A_28 : vector<1024x128xf32>
    %max3A_30 = arith.constant 0.000000e+00 : f32
    %max3A_31 = vector.broadcast %max3A_30 : f32 to vector<1024x128xf32>
    %max3A_32 = arith.maximumf %add3A_29, %max3A_31 : vector<1024x128xf32>
    %get3A_33 = arith.constant 0 : index
    %get3A_34 = arith.constant 1 : index
    %get3A_35 = arith.constant 0 : index
    %get3A_36 = arith.constant 0 : index
    %get3A_37 = vector.load %arg3[%get3A_33, %get3A_34, %get3A_35, %get3A_36] : memref<2x2x1024x16xf32, #tpu.memory_space<vmem>>, vector<1x1x1024x1xf32>
    %get3A_38 = vector.shape_cast %get3A_37 : vector<1x1x1024x1xf32> to vector<1024x1xf32>
    %get3A_39 = arith.constant 1 : index
    %get3A_40 = arith.constant 1 : index
    %get3A_41 = arith.constant 0 : index
    %get3A_42 = arith.constant 0 : index
    %get3A_43 = vector.load %arg3[%get3A_39, %get3A_40, %get3A_41, %get3A_42] : memref<2x2x1024x16xf32, #tpu.memory_space<vmem>>, vector<1x1x1024x1xf32>
    %get3A_44 = vector.shape_cast %get3A_43 : vector<1x1x1024x1xf32> to vector<1024x1xf32>
    %add3A_45 = arith.addf %get3A_38, %get3A_44 : vector<1024x1xf32>
    %max3A_46 = arith.constant 1.000000e+00 : f32
    %max3A_47 = vector.broadcast %max3A_46 : f32 to vector<1024x1xf32>
    %max3A_48 = arith.maximumf %add3A_45, %max3A_47 : vector<1024x1xf32>
    %rsqrt3A_49 = math.rsqrt %max3A_48 : vector<1024x1xf32>
    %mul3A_50 = vector.broadcast %rsqrt3A_49 : vector<1024x1xf32> to vector<1024x128xf32>
    %mul3A_51 = arith.mulf %max3A_32, %mul3A_50 : vector<1024x128xf32>
    %get3A_52 = arith.constant 0 : index
    %get3A_53 = arith.constant 0 : index
    %get3A_54 = vector.load %arg5[%get3A_52, %get3A_53] : memref<128x64xf32, #tpu.memory_space<vmem>>, vector<128x64xf32>
    %dot_general3A = arith.constant dense<0.000000e+00> : vector<1024x64xf32>
    %dot_general3A_55 = tpu.matmul %mul3A_51, %get3A_54, %dot_general3A {dimension_numbers = #tpu.dot_dimension_numbers<[1], [0], [0], [1], [0, 0, 1, 1], [], []>, transpose_lhs_hint = false} : vector<1024x128xf32>, vector<128x64xf32>, vector<1024x64xf32> -> vector<1024x64xf32>
    %swap3A = arith.constant 0 : index
    %swap3A_56 = arith.constant 0 : index
    %swap3A_57 = vector.load %arg6[%swap3A, %swap3A_56] : memref<1024x64xf32, #tpu.memory_space<vmem>>, vector<1024x64xf32>
    tpu.vector_store %arg6[%swap3A, %swap3A_56], %dot_general3A_55 {strides = array<i32>} : memref<1024x64xf32, #tpu.memory_space<vmem>>, vector<1024x64xf32>,
    return
  }
  func.func @transform_0(%arg0: i32) -> (i32, i32, i32) {
    %c0_i32 = arith.constant 0 : i32
    %c0_i32_0 = arith.constant 0 : i32
    %c0_i32_1 = arith.constant 0 : i32
    return %c0_i32, %arg0, %c0_i32_0 : i32, i32, i32
  }
  func.func @transform_1(%arg0: i32) -> (i32, i32, i32, i32) {
    %c0_i32 = arith.constant 0 : i32
    %c0_i32_0 = arith.constant 0 : i32
    %c0_i32_1 = arith.constant 0 : i32
    %c0_i32_2 = arith.constant 0 : i32
    return %c0_i32, %c0_i32_0, %arg0, %c0_i32_1 : i32, i32, i32, i32
  }
  func.func @transform_2(%arg0: i32) -> (i32, i32, i32, i32) {
    %c0_i32 = arith.constant 0 : i32
    %c0_i32_0 = arith.constant 0 : i32
    %c0_i32_1 = arith.constant 0 : i32
    %c0_i32_2 = arith.constant 0 : i32
    return %c0_i32, %c0_i32_0, %arg0, %c0_i32_1 : i32, i32, i32, i32
  }
  func.func @transform_3(%arg0: i32) -> (i32, i32) {
    %c0_i32 = arith.constant 0 : i32
    %c0_i32_0 = arith.constant 0 : i32
    %c0_i32_1 = arith.constant 0 : i32
    return %c0_i32, %c0_i32_0 : i32, i32
  }
  func.func @transform_4(%arg0: i32) -> (i32, i32) {
    %c0_i32 = arith.constant 0 : i32
    %c0_i32_0 = arith.constant 0 : i32
    %c0_i32_1 = arith.constant 0 : i32
    return %c0_i32, %c0_i32_0 : i32, i32
  }
  func.func @transform_5(%arg0: i32) -> (i32, i32) {
    %c0_i32 = arith.constant 0 : i32
    %c0_i32_0 = arith.constant 0 : i32
    return %arg0, %c0_i32 : i32, i32
  }
}

module attributes {stable_mosaic.version = 14 : i64} {
  func.func @_tc5_body(%arg0: i32, %arg1: memref<2x1024x64xf32, #tpu.memory_space<vmem>>, %arg2: memref<2x2x1024x16xf32, #tpu.memory_space<vmem>>, %arg3: memref<1x64xf32, #tpu.memory_space<vmem>>, %arg4: memref<64x16xf32, #tpu.memory_space<vmem>>, %arg5: memref<64x16xf32, #tpu.memory_space<vmem>>, %arg6: memref<1x16xf32, #tpu.memory_space<vmem>>, %arg7: memref<1024x16xf32, #tpu.memory_space<vmem>>, %arg8: memref<1024x16xf32, #tpu.memory_space<vmem>>) attributes {dimension_semantics = [#tpu.dimension_semantics<arbitrary>], iteration_bounds = array<i64: 10>, scalar_prefetch = 0 : i64, scratch_operands = 0 : i64, tpu.core_type = #tpu.core_type<tc>, window_params = [{transform_indices = @transform_0, window_bounds = array<i64: 2, 1024, 64>}, {transform_indices = @transform_1, window_bounds = array<i64: 2, 2, 1024, 16>}, {pipeline_mode = #tpu.pipeline_mode<synchronous>, transform_indices = @transform_2, window_bounds = array<i64: 1, 64>}, {pipeline_mode = #tpu.pipeline_mode<synchronous>, transform_indices = @transform_3, window_bounds = array<i64: 64, 16>}, {pipeline_mode = #tpu.pipeline_mode<synchronous>, transform_indices = @transform_4, window_bounds = array<i64: 64, 16>}, {pipeline_mode = #tpu.pipeline_mode<synchronous>, transform_indices = @transform_5, window_bounds = array<i64: 1, 16>}, {transform_indices = @transform_6, window_bounds = array<i64: 1024, 16>}, {transform_indices = @transform_7, window_bounds = array<i64: 1024, 16>}]} {
    %get3A = arith.constant 0 : index
    %get3A_0 = arith.constant 0 : index
    %get3A_1 = arith.constant 0 : index
    %get3A_2 = vector.load %arg1[%get3A, %get3A_0, %get3A_1] : memref<2x1024x64xf32, #tpu.memory_space<vmem>>, vector<1x1024x64xf32>
    %get3A_3 = vector.shape_cast %get3A_2 : vector<1x1024x64xf32> to vector<1024x64xf32>
    %get3A_4 = arith.constant 1 : index
    %get3A_5 = arith.constant 0 : index
    %get3A_6 = arith.constant 0 : index
    %get3A_7 = vector.load %arg1[%get3A_4, %get3A_5, %get3A_6] : memref<2x1024x64xf32, #tpu.memory_space<vmem>>, vector<1x1024x64xf32>
    %get3A_8 = vector.shape_cast %get3A_7 : vector<1x1024x64xf32> to vector<1024x64xf32>
    %add3A = arith.addf %get3A_3, %get3A_8 : vector<1024x64xf32>
    %get3A_9 = arith.constant 0 : index
    %get3A_10 = arith.constant 1 : index
    %get3A_11 = arith.constant 0 : index
    %get3A_12 = arith.constant 0 : index
    %get3A_13 = vector.load %arg2[%get3A_9, %get3A_10, %get3A_11, %get3A_12] : memref<2x2x1024x16xf32, #tpu.memory_space<vmem>>, vector<1x1x1024x1xf32>
    %get3A_14 = vector.shape_cast %get3A_13 : vector<1x1x1024x1xf32> to vector<1024x1xf32>
    %get3A_15 = arith.constant 1 : index
    %get3A_16 = arith.constant 1 : index
    %get3A_17 = arith.constant 0 : index
    %get3A_18 = arith.constant 0 : index
    %get3A_19 = vector.load %arg2[%get3A_15, %get3A_16, %get3A_17, %get3A_18] : memref<2x2x1024x16xf32, #tpu.memory_space<vmem>>, vector<1x1x1024x1xf32>
    %get3A_20 = vector.shape_cast %get3A_19 : vector<1x1x1024x1xf32> to vector<1024x1xf32>
    %add3A_21 = arith.addf %get3A_14, %get3A_20 : vector<1024x1xf32>
    %max3A = arith.constant 1.000000e+00 : f32
    %max3A_22 = vector.broadcast %max3A : f32 to vector<1024x1xf32>
    %max3A_23 = arith.maximumf %add3A_21, %max3A_22 : vector<1024x1xf32>
    %rsqrt3A = math.rsqrt %max3A_23 : vector<1024x1xf32>
    %mul3A = vector.broadcast %rsqrt3A : vector<1024x1xf32> to vector<1024x64xf32>
    %mul3A_24 = arith.mulf %add3A, %mul3A : vector<1024x64xf32>
    %get3A_25 = arith.constant 0 : index
    %get3A_26 = arith.constant 0 : index
    %get3A_27 = vector.load %arg3[%get3A_25, %get3A_26] : memref<1x64xf32, #tpu.memory_space<vmem>>, vector<1x64xf32>
    %add3A_28 = vector.broadcast %get3A_27 : vector<1x64xf32> to vector<1024x64xf32>
    %add3A_29 = arith.addf %mul3A_24, %add3A_28 : vector<1024x64xf32>
    %max3A_30 = arith.constant 0.000000e+00 : f32
    %max3A_31 = vector.broadcast %max3A_30 : f32 to vector<1024x64xf32>
    %max3A_32 = arith.maximumf %add3A_29, %max3A_31 : vector<1024x64xf32>
    %get3A_33 = arith.constant 0 : index
    %get3A_34 = arith.constant 0 : index
    %get3A_35 = vector.load %arg4[%get3A_33, %get3A_34] : memref<64x16xf32, #tpu.memory_space<vmem>>, vector<64x16xf32>
    %dot_general3A = arith.constant dense<0.000000e+00> : vector<1024x16xf32>
    %dot_general3A_36 = tpu.matmul %max3A_32, %get3A_35, %dot_general3A {dimension_numbers = #tpu.dot_dimension_numbers<[1], [0], [0], [1], [0, 0, 1, 1], [], []>, transpose_lhs_hint = false} : vector<1024x64xf32>, vector<64x16xf32>, vector<1024x16xf32> -> vector<1024x16xf32>
    %get3A_37 = arith.constant 0 : index
    %get3A_38 = arith.constant 0 : index
    %get3A_39 = vector.load %arg6[%get3A_37, %get3A_38] : memref<1x16xf32, #tpu.memory_space<vmem>>, vector<1x16xf32>
    %add3A_40 = vector.broadcast %get3A_39 : vector<1x16xf32> to vector<1024x16xf32>
    %add3A_41 = arith.addf %dot_general3A_36, %add3A_40 : vector<1024x16xf32>
    %swap3A = arith.constant 0 : index
    %swap3A_42 = arith.constant 0 : index
    %swap3A_43 = vector.load %arg7[%swap3A, %swap3A_42] : memref<1024x16xf32, #tpu.memory_space<vmem>>, vector<1024x16xf32>
    tpu.vector_store %arg7[%swap3A, %swap3A_42], %add3A_41 {strides = array<i32>} : memref<1024x16xf32, #tpu.memory_space<vmem>>, vector<1024x16xf32>,
    %get3A_44 = arith.constant 0 : index
    %get3A_45 = arith.constant 0 : index
    %get3A_46 = vector.load %arg5[%get3A_44, %get3A_45] : memref<64x16xf32, #tpu.memory_space<vmem>>, vector<64x16xf32>
    %dot_general3A_47 = arith.constant dense<0.000000e+00> : vector<1024x16xf32>
    %dot_general3A_48 = tpu.matmul %max3A_32, %get3A_46, %dot_general3A_47 {dimension_numbers = #tpu.dot_dimension_numbers<[1], [0], [0], [1], [0, 0, 1, 1], [], []>, transpose_lhs_hint = false} : vector<1024x64xf32>, vector<64x16xf32>, vector<1024x16xf32> -> vector<1024x16xf32>
    %swap3A_49 = arith.constant 0 : index
    %swap3A_50 = arith.constant 0 : index
    %swap3A_51 = vector.load %arg8[%swap3A_49, %swap3A_50] : memref<1024x16xf32, #tpu.memory_space<vmem>>, vector<1024x16xf32>
    tpu.vector_store %arg8[%swap3A_49, %swap3A_50], %dot_general3A_48 {strides = array<i32>} : memref<1024x16xf32, #tpu.memory_space<vmem>>, vector<1024x16xf32>,
    return
  }
  func.func @transform_0(%arg0: i32) -> (i32, i32, i32) {
    %c0_i32 = arith.constant 0 : i32
    %c0_i32_0 = arith.constant 0 : i32
    %c0_i32_1 = arith.constant 0 : i32
    return %c0_i32, %arg0, %c0_i32_0 : i32, i32, i32
  }
  func.func @transform_1(%arg0: i32) -> (i32, i32, i32, i32) {
    %c0_i32 = arith.constant 0 : i32
    %c0_i32_0 = arith.constant 0 : i32
    %c0_i32_1 = arith.constant 0 : i32
    %c0_i32_2 = arith.constant 0 : i32
    return %c0_i32, %c0_i32_0, %arg0, %c0_i32_1 : i32, i32, i32, i32
  }
  func.func @transform_2(%arg0: i32) -> (i32, i32) {
    %c0_i32 = arith.constant 0 : i32
    %c0_i32_0 = arith.constant 0 : i32
    %c0_i32_1 = arith.constant 0 : i32
    return %c0_i32, %c0_i32_0 : i32, i32
  }
  func.func @transform_3(%arg0: i32) -> (i32, i32) {
    %c0_i32 = arith.constant 0 : i32
    %c0_i32_0 = arith.constant 0 : i32
    %c0_i32_1 = arith.constant 0 : i32
    return %c0_i32, %c0_i32_0 : i32, i32
  }
  func.func @transform_4(%arg0: i32) -> (i32, i32) {
    %c0_i32 = arith.constant 0 : i32
    %c0_i32_0 = arith.constant 0 : i32
    %c0_i32_1 = arith.constant 0 : i32
    return %c0_i32, %c0_i32_0 : i32, i32
  }
  func.func @transform_5(%arg0: i32) -> (i32, i32) {
    %c0_i32 = arith.constant 0 : i32
    %c0_i32_0 = arith.constant 0 : i32
    %c0_i32_1 = arith.constant 0 : i32
    return %c0_i32, %c0_i32_0 : i32, i32
  }
  func.func @transform_6(%arg0: i32) -> (i32, i32) {
    %c0_i32 = arith.constant 0 : i32
    %c0_i32_0 = arith.constant 0 : i32
    return %arg0, %c0_i32 : i32, i32
  }
  func.func @transform_7(%arg0: i32) -> (i32, i32) {
    %c0_i32 = arith.constant 0 : i32
    %c0_i32_0 = arith.constant 0 : i32
    return %arg0, %c0_i32 : i32, i32
  }
}

</mosaic_0001>

<sc_bundles>
// kernel: kernel.14.cloned.1.call-start
scs
__scs_entry_jumppad:
0x0: {  	(pc) =	sbr.rel $0x88, $3  }
0x1: {  	(tag) =	ssettag $0x0;
	lr =	simm.s32 $0x1  }
0x2: {  	[smem:$0x3F92] =	sst lr;
	_ =	strace $0xD0000000  }
0x3: {  	_ = 	snop  }
0x4: {  	_ = 	snop  }
0x5: {  	_ = 	snop  }
0x6: {  	_ = 	snop  }
0x7: {  	_ = 	snop  }
__scs_overlays_trampoline_lowered:
0x8: {  	[smem:$0x3FA1] =	sst s0  }
0x9: {  	[smem:$0x3FA2] =	sst s1  }
0xa: {  	[smem:$0x3FA3] =	sst s2  }
0xb: {  	[smem:$0x3FA4] =	sst s3  }
0xc: {  	[smem:$0x3FA5] =	sst s4  }
0xd: {  	[smem:$0x3FA6] =	sst s5  }
0xe: {  	[smem:$0x3FA7] =	sst s6  }
0xf: {  	[smem:$0x3FA8] =	sst s7  }
0x10: {  	[smem:$0x3FA9] =	sst s8  }
0x11: {  	[smem:$0x3FAA] =	sst s9;
	s0 =	simm.s32 @!p0 $0x0  }
0x12: {  	s1 =	sld [smem:$0x3F90];
	s0 =	simm.s32 @p0 $0x1  }
0x13: {  	[smem:$0x3FAB] =	sst s0;
	s0 =	simm.s32 @!p1 $0x0  }
0x14: {  	s2 =	sld [smem:$0x3F8F];
	s0 =	simm.s32 @p1 $0x1  }
0x15: {  	[smem:$0x3FAC] =	sst s0;
	s0 =	simm.s32 @!p2 $0x0  }
0x16: {  	s3 =	sld [smem:$0x3FDB];
	s0 =	simm.s32 @p2 $0x1  }
0x17: {  	s4 =	simm.s32 $0x1BF5;
	[smem:$0x3FAE] =	sst s0  }
0x18: {  	s0 =	sld [smem:$0x3F91];
	_ =	swait.ge [sflag:s4], $0x0  }
0x19: {  	s7 =	sld [smem:$0x3F92]  }
0x1a: {  	s8 =	sadd.s32 $0xFFFFE003, lr  }
0x1b: {  	s9 =	sadd.s32 $0xFFFFFEF7, lr;
	s5 =	simm.s32 $0xFFFFFFFF;
	p2 =	slt.u32 s8, $0xFFFFF086  }
0x1c: {  	p1 =	slt.u32 s9, $0xF7A;
	s5 =	simm.s32 @!p2 $0x0  }
0x1d: {  	s5 =	simm.s32 @p1 $0x1;
	p0 =	seq.s32 s7, s2  }
0x1e: {  	s7 =	smul.u32 @!p0 $0xF7A, s2;
	p2 =	seq.s32 @!p0 s5, $0x0  }
0x1f: {  	s9 =	smul.u32 $0xF7A, s1;
	s8 =	simm.s32 @!p0 $0x1BF5;
	p2 =	por !p2, p0  }
0x20: {  	[sflag:s8] =	ssyncset.s32 @!p0 $0xFFFFF086;
	s6 =	sadd.s32 @!p0 s3, s7;
	s7 =	simm.s32 @!p0 $0x108  }
0x21: {  	s3 =	sadd.s32 s3, s9;
	s6 =	sadd.s32 @!p0 $0x88, s6;
	s7 =	simm.s32 @p2 $0x1082  }
0x22: {  	[simem:s7], [sflag:s8] =	dma.local @!p0 [hbm:s6], $0xF7A  }
0x23: {  	s9 =	sor.u32 $0xD0000000, s2;
	s6 =	simm.s32 $0x108;
	_ =	swait.ge @!p0 [sflag:s8], $0x0  }
0x24: {  	s3 =	sadd.s32 $0x88, s3;
	s6 =	simm.s32 @!p1 $0x1082;
	[sflag:s4] =	ssyncset.s32 $0xFFFFF086  }
0x25: {  	[simem:s6], [sflag:s4] =	dma.local [hbm:s3], $0xF7A  }
0x26: {  	[smem:$0x3F92] =	sst s1;
	(tag) =	ssettag s2;
	_ =	strace s9  }
0x27: {  	s1 =	sld [smem:$0x3FA2]  }
0x28: {  	s2 =	sld [smem:$0x3FA3]  }
0x29: {  	s4 =	sld [smem:$0x3FA5]  }
0x2a: {  	p0 =	seq.s32 s5, $0x0;
	s5 =	sld [smem:$0x3FA6]  }
0x2b: {  	s6 =	sld [smem:$0x3FA7]  }
0x2c: {  	s7 =	sld [smem:$0x3FA8]  }
0x2d: {  	s3 =	simm.s32 $0x108;
	s8 =	sld [smem:$0x3FA9]  }
0x2e: {  	s3 =	simm.s32 @!p0 $0x1082;
	s9 =	sld [smem:$0x3FAA]  }
0x2f: {  	lr =	sadd.s32 s0, s3;
	s0 =	sld [smem:$0x3FA1]  }
0x30: {  	s3 =	sld [smem:$0x3FA4]  }
0x31: {  	[smem:$0x3FAD] =	sst s10  }
0x32: {  	s10 =	sld [smem:$0x3FAB];
	_ =	sdelay $0x3  }
0x33: {  	p0 =	seq.s32 s10, $0x1;
	s10 =	sld [smem:$0x3FAD];
	_ =	sdelay $0x3  }
0x34: {  	[smem:$0x3FAD] =	sst s10  }
0x35: {  	s10 =	sld [smem:$0x3FAC];
	_ =	sdelay $0x3  }
0x36: {  	p1 =	seq.s32 s10, $0x1;
	s10 =	sld [smem:$0x3FAD];
	_ =	sdelay $0x3  }
0x37: {  	[smem:$0x3FAD] =	sst s10  }
0x38: {  	s10 =	sld [smem:$0x3FAE]  }
0x39: {  	_ = 	snop;
	(pc) =	sbr.ind lr, $3  }
0x3a: {  	_ = 	snop  }
0x3b: {  	_ = 	snop  }
0x3c: {  	p2 =	seq.s32 s10, $0x1;
	s10 =	sld [smem:$0x3FAD]  }
0x3d: {  	_ =	shalt  }
0x3e: {  	_ =	shalt  }
0x3f: {  	_ =	shalt  }
0x40: {  	_ =	shalt  }
0x41: {  	_ =	shalt  }
0x42: {  	_ =	shalt  }
0x43: {  	_ =	shalt  }
0x44: {  	_ =	shalt  }
0x45: {  	_ =	shalt  }
0x46: {  	_ =	shalt  }
0x47: {  	_ =	shalt  }
0x48: {  	_ =	shalt  }
0x49: {  	_ =	shalt  }
0x4a: {  	_ =	shalt  }
0x4b: {  	_ =	shalt  }
0x4c: {  	_ =	shalt  }
0x4d: {  	_ =	shalt  }
0x4e: {  	_ =	shalt  }
0x4f: {  	_ =	shalt  }
0x50: {  	_ =	shalt  }
0x51: {  	_ =	shalt  }
0x52: {  	_ =	shalt  }
0x53: {  	_ =	shalt  }
0x54: {  	_ =	shalt  }
0x55: {  	_ =	shalt  }
0x56: {  	_ =	shalt  }
0x57: {  	_ =	shalt  }
0x58: {  	_ =	shalt  }
0x59: {  	_ =	shalt  }
0x5a: {  	_ =	shalt  }
0x5b: {  	_ =	shalt  }
0x5c: {  	_ =	shalt  }
0x5d: {  	_ =	shalt  }
0x5e: {  	_ =	shalt  }
0x5f: {  	_ =	shalt  }
0x60: {  	_ =	shalt  }
0x61: {  	_ =	shalt  }
0x62: {  	_ =	shalt  }
0x63: {  	_ =	shalt  }
0x64: {  	_ =	shalt  }
0x65: {  	_ =	shalt  }
0x66: {  	_ =	shalt  }
0x67: {  	_ =	shalt  }
0x68: {  	_ =	shalt  }
0x69: {  	_ =	shalt  }
0x6a: {  	_ =	shalt  }
0x6b: {  	_ =	shalt  }
0x6c: {  	_ =	shalt  }
0x6d: {  	_ =	shalt  }
0x6e: {  	_ =	shalt  }
0x6f: {  	_ =	shalt  }
0x70: {  	_ =	shalt  }
0x71: {  	_ =	shalt  }
0x72: {  	_ =	shalt  }
0x73: {  	_ =	shalt  }
0x74: {  	_ =	shalt  }
0x75: {  	_ =	shalt  }
0x76: {  	_ =	shalt  }
0x77: {  	_ =	shalt  }
0x78: {  	_ =	shalt  }
0x79: {  	_ =	shalt  }
0x7a: {  	_ =	shalt  }
0x7b: {  	_ =	shalt  }
0x7c: {  	_ =	shalt  }
0x7d: {  	_ =	shalt  }
0x7e: {  	_ =	shalt  }
0x7f: {  	_ =	shalt  }
0x80: {  	_ =	shalt  }
0x81: {  	_ =	shalt  }
0x82: {  	_ =	shalt  }
0x83: {  	_ =	shalt  }
0x84: {  	_ =	shalt  }
0x85: {  	_ =	shalt  }
0x86: {  	_ =	shalt  }
0x87: {  	_ =	shalt  }
.Lfunc_end0:
.L_simem_size_0:
called_computation_lowered:
.L_overlay_start_0:
0x88: {  	s2 =	sld [smem:$0x3FD9]  }
0x89: {  	s3 =	sld [smem:$0x3FFE];
	_ =	sdelay $0x1  }
0x8a: {  	s1 =	srdreg.scid  }
0x8b: {  	s0 =	sand.u32 $0x1, s1  }
0x8c: {  	s17 =	sshll.u32 s0, $0xA;
	s2 =	sadd.s32 s3, s2  }
0x8d: {  	s2 =	sadd.s32 s2, s17  }
0x8e: {  	[smem:$0x3FB9] =	sst s2  }
0x8f: {  	_ = 	snop  }
0x90: {  	s2 =	sld [smem:$0x3FD0];
	(tm) =	ssettm $0x1  }
0x91: {  	s18 =	sld [smem:$0x3FFB];
	_ =	sdelay $0x3  }
0x92: {  	_ =	strace s18  }
0x93: {  	s3 =	sld [smem:$0x3FFC];
	_ =	sdelay $0x3  }
0x94: {  	_ =	strace s3  }
0x95: {  	s3 =	sld [smem:$0x3FFD];
	_ =	sdelay $0x3  }
0x96: {  	_ =	strace s3  }
0x97: {  	_ =	strace $0x8FFFFFFF  }
0x98: {  	s19 =	sld [smem:$0x3FDB];
	_ =	sdelay $0x1  }
0x99: {  	s4 =	simm.s32 $_scs_section_size  }
0x9a: {  	s5 =	simm.s32 $_size__tile_overlayer_lowered;
	s6 =	simm.s32 $_tile_overlayer_lowered  }
0x9b: {  	s22 =	simm.s32 $0x1BFF;
	s21 =	sshll.u32 s6, $0x1;
	s3 =	sadd.s32 s4, s19  }
0x9c: {  	s7 =	simm.s32 $0x0;
	s20 =	sshll.u32 s5, $0x1;
	s5 =	sadd.s32 s21, s3  }
0x9d: {  	[timem:s7], [sflag:s22] =	dma.local [hbm:s5], s20  }
0x9e: {  	_ =	swait.ge [sflag:s22], s20  }
0x9f: {  	s4 =	ssub.s32 $0x0, s20;
	[sflag:s22] =	ssyncset.done $0x0  }
0xa0: {  	[sflag:s22] =	ssyncadd.s32 s4;
	_ =	sdelay $0x1  }
0xa1: {  	s23 =	simm.s32 $0x1B8B  }
0xa2: {  	_ =	swait.ge [sflag:s23], $0x1  }
0xa3: {  	[sflag:s23] =	ssyncset.done $0x0  }
0xa4: {  	s25 =	simm.s32 $0x1B8E;
	s24 =	sld [smem:$0x3FFE];
	[sflag:s23] =	ssyncadd.s32 $0xFFFFFFFF  }
0xa5: {  	s26 =	simm.s32 $execute0_lowered;
	[smem:$0x3FD2] =	sst s25  }
0xa6: {  	s5 =	sshll.u32 s26, $0x1;
	_ =	strace $0x80000046;
	[dreg:$0x1] =	wrdreg $0xFFFFFFFF  }
0xa7: {  	s28 =	simm.s32 $_size_execute0_lowered;
	s3 =	sadd.s32 s3, s5;
	[dreg:$0x0] =	wrdreg $0x0  }
0xa8: {  	s5 =	sshll.u32 s28, $0x1;
	[dreg:$0x2] =	wrdreg s3  }
0xa9: {  	[dreg:$0x3] =	wrdreg s5  }
0xaa: {  	[dreg:$0x4] =	wrdreg $0xC0  }
0xab: {  	_ =	task [dreg:s7], $0x5FFFF  }
0xac: {  	[dreg:$0x1] =	wrdreg $0xFFFFFFFF  }
0xad: {  	[dreg:$0x0] =	wrdreg $0x60  }
0xae: {  	[dreg:$0x2] =	wrdreg s24  }
0xaf: {  	[dreg:$0x3] =	wrdreg s2  }
0xb0: {  	[dreg:$0x4] =	wrdreg $0x11000  }
0xb1: {  	[dreg:$0x5] =	wrdreg $0x39000  }
0xb2: {  	[dreg:$0x6] =	wrdreg $0x61000  }
0xb3: {  	[dreg:$0x7] =	wrdreg $0x89000  }
0xb4: {  	[dreg:$0x8] =	wrdreg $0x9  }
0xb5: {  	_ =	task.clear_ibuf [dreg:s7], $0x9FFFF;
	_ =	strace $0x90000046  }
0xb6: {  	s29 =	simm.s32 $0x9;
	_ =	strace $0x80000048  }
0xb7: {  	_ =	swait.ge [sflag:s29], $0x1  }
0xb8: {  	[sflag:s29] =	ssyncadd.s32 $0xFFFFFFFF  }
0xb9: {  	_ =	strace $0x90000048  }
0xba: {  	_ =	sfence  }
0xbb: {  	s30 =	sld [smem:$0x0];
	_ =	sdelay $0x2  }
0xbc: {  	s31 =	sshll.u32 s1, $0xD;
	s1 =	sshrl.u32 s1, $0x2  }
0xbd: {  	s3 =	sand.u32 $0x4000, s31;
	s1 =	sadd.s32 s1, s30  }
0xbe: {  	s0 =	sor.u32 s3, s0;
	s1 =	sshll.u32 s1, $0x11  }
0xbf: {  	s0 =	sor.u32 s1, s0  }
0xc0: {  	s0 =	sadd.s32 $0x8F2B, s0  }
0xc1: {  	[sflag:s0] =	ssyncadd.remote.s32 $0x1  }
0xc2: {  	_ =	sfence.sel $0xFFFF  }
0xc3: {  	[dreg:$0x0] =	wrdreg $0xFFFFFFFF;
	(pc) =	sbr.abs _section_cstart, $3  }
0xc4: {  	[dreg:$0x1] =	wrdreg $0xFFFFFFFF  }
0xc5: {  	_ =	task.clear_ibuf [dreg:s7], $0x2FFFF;
	_ =	strace $0x9FFFFFFF  }
0xc6: {  	(tm) =	ssettm $0x7FFFFFFF  }
0xc7: {  	_ =	shalt  }
tec
execute0_lowered:
.L_overlay_start_1:
0x0: {  	(tag) =	ssettag $0x1  }
0x1: {  	s0 =	rddreg [dreg:$0x0]  }
0x2: {  	s3 =	rddreg [dreg:$0x1]  }
0x3: {  	s1 =	rddreg [dreg:$0x2]  }
0x4: {  	s2 =	rddreg [dreg:$0x3]  }
0x5: {  	s5 =	srdreg.scid;
	s17 =	stileid.u32  }
0x6: {  	s4 =	rddreg [dreg:$0x4];
	s7 =	sand.u32 $0x1, s5;
	s10 =	smul.u32 $0x2800, s17  }
0x7: {  	s6 =	simm.s32 $0x0;
	s5 =	rddreg [dreg:$0x5];
	s8 =	smul.u32 $0x28000, s7  }
0x8: {  	[smem:$0x7FF] =	sst s6;
	s11 =	smul.u32 $0x50000, s7;
	s7 =	ssub.s32 $0x2, s7  }
0x9: {  	s17 =	smul.u32 $0x5000, s17;
	_ =	strace $0x80000047;
	s20 =	sshrl.u32 s7, $0x1  }
0xa: {  	s15 =	sadd.s32 $0x800, s10;
	s9 =	sadd.s32 s10, s4;
	s23 =	sadd.s32 $0x1000, s10  }
0xb: {  	s8 =	sadd.s32 s10, s8;
	s13 =	sadd.s32 s11, s0;
	s16 =	sadd.s32 s15, s1  }
0xc: {  	s14 =	ssub.s32 s7, s20;
	s21 =	sadd.s32 s15, s2;
	[dreg:$0x7] =	wrdreg s16  }
0xd: {  	s7 =	sadd.s32 s10, s1;
	s22 =	sadd.s32 s15, s4;
	[dreg:$0x8] =	wrdreg s21  }
0xe: {  	s11 =	sadd.s32 s10, s11;
	s15 =	sadd.s32 s15, s5;
	[dreg:$0x9] =	wrdreg s22  }
0xf: {  	s24 =	sadd.s32 s23, s1;
	s19 =	sadd.s32 s23, s2;
	[dreg:$0xa] =	wrdreg s15  }
0x10: {  	s8 =	sshrl.u32 s8, $0x3;
	[dreg:$0xb] =	wrdreg s24;
	s11 =	sshrl.u32 s11, $0x3  }
0x11: {  	[dreg:$0x10] =	wrdreg s19;
	s20 =	sadd.s32 s17, s13;
	s21 =	sadd.s32 s23, s4  }
0x12: {  	s22 =	sadd.s32 s23, s5;
	s23 =	sadd.s32 $0x1800, s10;
	s13 =	simm.s32 $0x1  }
0x13: {  	s15 =	simm.s32 $0x100;
	s16 =	simm.s32 $0x0;
	s12 =	sadd.s32 s8, s0  }
0x14: {  	s0 =	sadd.s32 $0x5C3200, s0;
	s8 =	sadd.s32 s10, s2;
	[dreg:$0x11] =	wrdreg s21  }
0x15: {  	s25 =	sadd.s32 s3, s11;
	s26 =	sadd.s32 $0x5000, s11;
	[dreg:$0x12] =	wrdreg s22  }
0x16: {  	s22 =	sadd.s32 s10, s5;
	s10 =	sadd.s32 $0x2000, s10;
	s24 =	sadd.s32 s23, s2  }
0x17: {  	[dreg:$0xc] =	wrdreg s25;
	s3 =	sadd.s32 s3, s26;
	s18 =	sadd.s32 s0, s11  }
0x18: {  	s0 =	sadd.s32 s0, s26;
	s26 =	sadd.s32 s23, s1;
	s25 =	sadd.s32 s23, s4  }
0x19: {  	s28 =	sadd.s32 s10, s1;
	s29 =	sadd.s32 s10, s2;
	[dreg:$0xd] =	wrdreg s3  }
0x1a: {  	s30 =	sadd.s32 s10, s4;
	s31 =	sadd.s32 s10, s5;
	[dreg:$0xe] =	wrdreg s18  }
0x1b: {  	s10 =	sadd.s32 $0x5200, s12;
	s11 =	sadd.s32 $0xF200, s12;
	[dreg:$0xf] =	wrdreg s0  }
0x1c: {  	s12 =	simm.s32 $0x900;
	[dreg:$0x13] =	wrdreg s26;
	s26 =	sadd.s32 s23, s5  }
0x1d: {  	v0 =	vimm.f32 $0.0e+00;
	v1 =	vimm.f32 $1.000000000e+00;
	s3 =	smax.u32 s14, $0x1;
	s0 =	sadd.s32 $0x523200, s20;
	s14 =	simm.s32 $0x80  }
.LBB2_1:
0x1e: {  	s17 =	simm.s32 $0x40;
	s18 =	simm.s32 $0x0  }
.LBB2_2:
0x1f: {  	p0 =	sne.s32 s17, $0x1FC0;
	[tilespmem:s18+$0x900] =	vst v0;
	s18 =	smov.u32 s17;
	s17 =	sadd.s32 $0x40, s17  }
.Ltmp0:
0x20: {  	(pc) =	sbr.rel @p0 .LBB2_2-.Ltmp0, $2  }
0x21: {  	_ =	sdelay $0x2  }
0x22: {  	s18 =	sshra.s32 s18, $0x2  }
0x23: {  	[tilespmem:s18+$0x900] =	vst v0  }
0x24: {  	[spmem:s7] =	stream.linear.scatter [tilespmem:s12], [sflag:$0x1], $0x800, $0x38;
	[tilespmem:$0xB100] =	vst v63  }
0x25: {  	_ =	swait.ge [sflag:s13], $0x800  }
0x26: {  	[sflag:s13] =	ssyncset.done $0x0  }
0x27: {  	[sflag:s13] =	ssyncadd.s32 $0xFFFFF800  }
0x28: {  	[spmem:s8] =	stream.linear.scatter [tilespmem:s12], [sflag:$0x1], $0x800, $0x38;
	[tilespmem:$0xB100] =	vst v63  }
0x29: {  	_ =	swait.ge [sflag:s13], $0x800  }
0x2a: {  	[sflag:s13] =	ssyncset.done $0x0  }
0x2b: {  	[sflag:s13] =	ssyncadd.s32 $0xFFFFF800  }
0x2c: {  	[spmem:s9] =	stream.linear.scatter [tilespmem:s12], [sflag:$0x1], $0x800, $0x38;
	[tilespmem:$0xB100] =	vst v63  }
0x2d: {  	_ =	swait.ge [sflag:s13], $0x800  }
0x2e: {  	[sflag:s13] =	ssyncset.done $0x0  }
0x2f: {  	[sflag:s13] =	ssyncadd.s32 $0xFFFFF800  }
0x30: {  	[spmem:s22] =	stream.linear.scatter [tilespmem:s12], [sflag:$0x1], $0x800, $0x38;
	[tilespmem:$0xB100] =	vst v63  }
0x31: {  	_ =	swait.ge [sflag:s13], $0x800  }
0x32: {  	[sflag:s13] =	ssyncset.done $0x0  }
0x33: {  	s17 =	rddreg [dreg:$0x7];
	[sflag:s13] =	ssyncadd.s32 $0xFFFFF800  }
0x34: {  	[spmem:s17] =	stream.linear.scatter [tilespmem:s12], [sflag:$0x1], $0x800, $0x38;
	[tilespmem:$0xB100] =	vst v63  }
0x35: {  	_ =	swait.ge [sflag:s13], $0x800  }
0x36: {  	[sflag:s13] =	ssyncset.done $0x0  }
0x37: {  	s20 =	rddreg [dreg:$0x8];
	[sflag:s13] =	ssyncadd.s32 $0xFFFFF800  }
0x38: {  	[spmem:s20] =	stream.linear.scatter [tilespmem:s12], [sflag:$0x1], $0x800, $0x38;
	[tilespmem:$0xB100] =	vst v63  }
0x39: {  	_ =	swait.ge [sflag:s13], $0x800  }
0x3a: {  	[sflag:s13] =	ssyncset.done $0x0  }
0x3b: {  	s21 =	rddreg [dreg:$0x9];
	[sflag:s13] =	ssyncadd.s32 $0xFFFFF800  }
0x3c: {  	[spmem:s21] =	stream.linear.scatter [tilespmem:s12], [sflag:$0x1], $0x800, $0x38;
	[tilespmem:$0xB100] =	vst v63  }
0x3d: {  	_ =	swait.ge [sflag:s13], $0x800  }
0x3e: {  	[sflag:s13] =	ssyncset.done $0x0  }
0x3f: {  	s23 =	rddreg [dreg:$0xa];
	[sflag:s13] =	ssyncadd.s32 $0xFFFFF800  }
0x40: {  	[spmem:s23] =	stream.linear.scatter [tilespmem:s12], [sflag:$0x1], $0x800, $0x38;
	[tilespmem:$0xB100] =	vst v63  }
0x41: {  	_ =	swait.ge [sflag:s13], $0x800  }
0x42: {  	[sflag:s13] =	ssyncset.done $0x0  }
0x43: {  	s18 =	rddreg [dreg:$0xb];
	[sflag:s13] =	ssyncadd.s32 $0xFFFFF800  }
0x44: {  	[spmem:s18] =	stream.linear.scatter [tilespmem:s12], [sflag:$0x1], $0x800, $0x38;
	[tilespmem:$0xB100] =	vst v63  }
0x45: {  	_ =	swait.ge [sflag:s13], $0x800  }
0x46: {  	[sflag:s13] =	ssyncset.done $0x0  }
0x47: {  	s19 =	rddreg [dreg:$0x10];
	[sflag:s13] =	ssyncadd.s32 $0xFFFFF800  }
0x48: {  	[spmem:s19] =	stream.linear.scatter [tilespmem:s12], [sflag:$0x1], $0x800, $0x38;
	[tilespmem:$0xB100] =	vst v63  }
0x49: {  	_ =	swait.ge [sflag:s13], $0x800  }
0x4a: {  	[sflag:s13] =	ssyncset.done $0x0  }
0x4b: {  	s20 =	rddreg [dreg:$0x11];
	[sflag:s13] =	ssyncadd.s32 $0xFFFFF800  }
0x4c: {  	[spmem:s20] =	stream.linear.scatter [tilespmem:s12], [sflag:$0x1], $0x800, $0x38;
	[tilespmem:$0xB100] =	vst v63  }
0x4d: {  	_ =	swait.ge [sflag:s13], $0x800  }
0x4e: {  	[sflag:s13] =	ssyncset.done $0x0  }
0x4f: {  	s21 =	rddreg [dreg:$0x12];
	[sflag:s13] =	ssyncadd.s32 $0xFFFFF800  }
0x50: {  	[spmem:s21] =	stream.linear.scatter [tilespmem:s12], [sflag:$0x1], $0x800, $0x38;
	[tilespmem:$0xB100] =	vst v63  }
0x51: {  	_ =	swait.ge [sflag:s13], $0x800  }
0x52: {  	[sflag:s13] =	ssyncset.done $0x0  }
0x53: {  	s23 =	rddreg [dreg:$0x13];
	[sflag:s13] =	ssyncadd.s32 $0xFFFFF800  }
0x54: {  	[spmem:s23] =	stream.linear.scatter [tilespmem:s12], [sflag:$0x1], $0x800, $0x38;
	[tilespmem:$0xB100] =	vst v63  }
0x55: {  	_ =	swait.ge [sflag:s13], $0x800  }
0x56: {  	[sflag:s13] =	ssyncset.done $0x0  }
0x57: {  	[sflag:s13] =	ssyncadd.s32 $0xFFFFF800  }
0x58: {  	[spmem:s24] =	stream.linear.scatter [tilespmem:s12], [sflag:$0x1], $0x800, $0x38;
	[tilespmem:$0xB100] =	vst v63  }
0x59: {  	_ =	swait.ge [sflag:s13], $0x800  }
0x5a: {  	[sflag:s13] =	ssyncset.done $0x0  }
0x5b: {  	[sflag:s13] =	ssyncadd.s32 $0xFFFFF800  }
0x5c: {  	[spmem:s25] =	stream.linear.scatter [tilespmem:s12], [sflag:$0x1], $0x800, $0x38;
	[tilespmem:$0xB100] =	vst v63  }
0x5d: {  	_ =	swait.ge [sflag:s13], $0x800  }
0x5e: {  	[sflag:s13] =	ssyncset.done $0x0  }
0x5f: {  	[sflag:s13] =	ssyncadd.s32 $0xFFFFF800  }
0x60: {  	[spmem:s26] =	stream.linear.scatter [tilespmem:s12], [sflag:$0x1], $0x800, $0x38;
	[tilespmem:$0xB100] =	vst v63  }
0x61: {  	_ =	swait.ge [sflag:s13], $0x800  }
0x62: {  	[sflag:s13] =	ssyncset.done $0x0  }
0x63: {  	[sflag:s13] =	ssyncadd.s32 $0xFFFFF800  }
0x64: {  	[spmem:s28] =	stream.linear.scatter [tilespmem:s12], [sflag:$0x1], $0x800, $0x38;
	[tilespmem:$0xB100] =	vst v63  }
0x65: {  	_ =	swait.ge [sflag:s13], $0x800  }
0x66: {  	[sflag:s13] =	ssyncset.done $0x0  }
0x67: {  	[sflag:s13] =	ssyncadd.s32 $0xFFFFF800  }
0x68: {  	[spmem:s29] =	stream.linear.scatter [tilespmem:s12], [sflag:$0x1], $0x800, $0x38;
	[tilespmem:$0xB100] =	vst v63  }
0x69: {  	_ =	swait.ge [sflag:s13], $0x800  }
0x6a: {  	[sflag:s13] =	ssyncset.done $0x0  }
0x6b: {  	[sflag:s13] =	ssyncadd.s32 $0xFFFFF800  }
0x6c: {  	[spmem:s30] =	stream.linear.scatter [tilespmem:s12], [sflag:$0x1], $0x800, $0x38;
	[tilespmem:$0xB100] =	vst v63  }
0x6d: {  	_ =	swait.ge [sflag:s13], $0x800  }
0x6e: {  	[sflag:s13] =	ssyncset.done $0x0  }
0x6f: {  	[sflag:s13] =	ssyncadd.s32 $0xFFFFF800  }
0x70: {  	[spmem:s31] =	stream.linear.scatter [tilespmem:s12], [sflag:$0x1], $0x800, $0x38;
	[tilespmem:$0xB100] =	vst v63  }
0x71: {  	_ =	swait.ge [sflag:s13], $0x800  }
0x72: {  	[sflag:s13] =	ssyncset.done $0x0  }
0x73: {  	s17 =	simm.s32 $0x40;
	s18 =	simm.s32 $0x0;
	[sflag:s13] =	ssyncadd.s32 $0xFFFFF800  }
.LBB2_4:
0x74: {  	p0 =	sne.s32 s17, $0x1FC0;
	[tilespmem:s18+$0x900] =	vst v1;
	s18 =	smov.u32 s17;
	s17 =	sadd.s32 $0x40, s17  }
.Ltmp1:
0x75: {  	(pc) =	sbr.rel @p0 .LBB2_4-.Ltmp1, $2  }
0x76: {  	_ =	sdelay $0x2  }
0x77: {  	s18 =	sshra.s32 s18, $0x2  }
0x78: {  	[tilespmem:s18+$0x900] =	vst v1  }
0x79: {  	s17 =	sadd.s32 $0x0, s11;
	[bflag:$0x0] =	sbarrier.arrive $0xFFFF  }
0x7a: {  	[tilespmem:s6], [sflag:$0x1] =	stream.linear.gather [hbm4b:s17+s6], $0x80, $0x38;
	[tilespmem:$0xB100] =	vst v63  }
0x7b: {  	_ =	swait.ge [sflag:s13], $0x80  }
0x7c: {  	[sflag:s13] =	ssyncset.done $0x0  }
0x7d: {  	s23 =	sadd.s32 $0x0, s10;
	[sflag:s13] =	ssyncadd.s32 $0xFFFFFF80  }
0x7e: {  	[tilespmem:s14], [sflag:$0x1] =	stream.linear.gather [hbm4b:s23+s6], $0x80, $0x38;
	[tilespmem:$0xB100] =	vst v63  }
0x7f: {  	_ =	swait.ge [sflag:s13], $0x80  }
0x80: {  	[sflag:s13] =	ssyncset.done $0x0  }
0x81: {  	[sflag:s13] =	ssyncadd.s32 $0xFFFFFF80  }
0x82: {  	[tilespmem:s15], [sflag:$0x1] =	stream.linear.gather [hbm4b:s0+s6], $0x800, $0x38;
	[tilespmem:$0xB100] =	vst v63  }
0x83: {  	_ =	swait.ge [sflag:s13], $0x800  }
0x84: {  	[sflag:s13] =	ssyncset.done $0x0  }
0x85: {  	[sflag:s13] =	ssyncadd.s32 $0xFFFFF800  }
0x86: {  	[spmem:s1] =	stream.indirect.scatter.add.f32 [tilespmem:s15], [sflag:$0x1], $0x10, s6, s14, $0xb8;
	[tilespmem:$0xB100] =	vst v63  }
0x87: {  	_ =	swait.ge [sflag:s13], $0x800  }
0x88: {  	[sflag:s13] =	ssyncset.done $0x0  }
0x89: {  	[sflag:s13] =	ssyncadd.s32 $0xFFFFF800  }
0x8a: {  	[spmem:s2] =	stream.indirect.scatter.add.f32 [tilespmem:s15], [sflag:$0x1], $0x10, s14, s14, $0xb8;
	[tilespmem:$0xB100] =	vst v63  }
0x8b: {  	_ =	swait.ge [sflag:s13], $0x800  }
0x8c: {  	[sflag:s13] =	ssyncset.done $0x0  }
0x8d: {  	[sflag:s13] =	ssyncadd.s32 $0xFFFFF800  }
0x8e: {  	[spmem:s4] =	stream.indirect.scatter.add.f32 [tilespmem:s12], [sflag:$0x1], $0x10, s6, s14, $0xb8;
	[tilespmem:$0xB100] =	vst v63  }
0x8f: {  	_ =	swait.ge [sflag:s13], $0x800  }
0x90: {  	[sflag:s13] =	ssyncset.done $0x0  }
0x91: {  	[sflag:s13] =	ssyncadd.s32 $0xFFFFF800  }
0x92: {  	[spmem:s5] =	stream.indirect.scatter.add.f32 [tilespmem:s12], [sflag:$0x1], $0x10, s14, s14, $0xb8;
	[tilespmem:$0xB100] =	vst v63  }
0x93: {  	s18 =	simm.s32 $0x10;
	_ =	swait.ge [sflag:s13], $0x800  }
0x94: {  	s19 =	simm.s32 $0x20;
	s17 =	sadd.s32 $0x100, s0;
	[sflag:s13] =	ssyncset.done $0x0  }
.LBB2_6:
0x95: {  	s20 =	sadd.s32 s18, s11  }
0x96: {  	[sflag:s13] =	ssyncadd.s32 $0xFFFFF800;
	s21 =	smov.u32 s19;
	s23 =	sadd.s32 $0x10, s19  }
0x97: {  	[tilespmem:s6], [sflag:$0x1] =	stream.linear.gather [hbm4b:s20+s6], $0x80, $0x38;
	[tilespmem:$0xB100] =	vst v63  }
0x98: {  	p0 =	sne.s32 s19, $0x4F0;
	_ =	swait.ge [sflag:s13], $0x80  }
0x99: {  	[sflag:s13] =	ssyncset.done $0x0  }
0x9a: {  	s19 =	sadd.s32 s18, s10;
	s18 =	smov.u32 s21;
	[sflag:s13] =	ssyncadd.s32 $0xFFFFFF80  }
0x9b: {  	[tilespmem:s14], [sflag:$0x1] =	stream.linear.gather [hbm4b:s19+s6], $0x80, $0x38;
	[tilespmem:$0xB100] =	vst v63  }
0x9c: {  	_ =	swait.ge [sflag:s13], $0x80  }
0x9d: {  	[sflag:s13] =	ssyncset.done $0x0  }
0x9e: {  	[sflag:s13] =	ssyncadd.s32 $0xFFFFFF80  }
0x9f: {  	[tilespmem:s15], [sflag:$0x1] =	stream.linear.gather [hbm4b:s17+s6], $0x800, $0x38;
	[tilespmem:$0xB100] =	vst v63  }
0xa0: {  	_ =	swait.ge [sflag:s13], $0x800  }
0xa1: {  	[sflag:s13] =	ssyncset.done $0x0  }
0xa2: {  	[sflag:s13] =	ssyncadd.s32 $0xFFFFF800  }
0xa3: {  	[spmem:s1] =	stream.indirect.scatter.add.f32 [tilespmem:s15], [sflag:$0x1], $0x10, s6, s14, $0xb8;
	[tilespmem:$0xB100] =	vst v63  }
0xa4: {  	_ =	swait.ge [sflag:s13], $0x800  }
0xa5: {  	[sflag:s13] =	ssyncset.done $0x0  }
0xa6: {  	[sflag:s13] =	ssyncadd.s32 $0xFFFFF800  }
0xa7: {  	[spmem:s2] =	stream.indirect.scatter.add.f32 [tilespmem:s15], [sflag:$0x1], $0x10, s14, s14, $0xb8;
	[tilespmem:$0xB100] =	vst v63  }
0xa8: {  	_ =	swait.ge [sflag:s13], $0x800  }
0xa9: {  	[sflag:s13] =	ssyncset.done $0x0  }
0xaa: {  	[sflag:s13] =	ssyncadd.s32 $0xFFFFF800  }
0xab: {  	[spmem:s4] =	stream.indirect.scatter.add.f32 [tilespmem:s12], [sflag:$0x1], $0x10, s6, s14, $0xb8;
	[tilespmem:$0xB100] =	vst v63  }
0xac: {  	_ =	swait.ge [sflag:s13], $0x800  }
.Ltmp2:
0xad: {  	[sflag:s13] =	ssyncset.done $0x0;
	(pc) =	sbr.rel @p0 .LBB2_6-.Ltmp2, $4  }
0xae: {  	[sflag:s13] =	ssyncadd.s32 $0xFFFFF800  }
0xaf: {  	[spmem:s5] =	stream.indirect.scatter.add.f32 [tilespmem:s12], [sflag:$0x1], $0x10, s14, s14, $0xb8;
	[tilespmem:$0xB100] =	vst v63  }
0xb0: {  	_ =	swait.ge [sflag:s13], $0x800  }
0xb1: {  	s19 =	smov.u32 s23;
	s17 =	sadd.s32 $0x100, s17;
	[sflag:s13] =	ssyncset.done $0x0  }
0xb2: {  	s19 =	sadd.s32 s18, s11;
	[sflag:s13] =	ssyncadd.s32 $0xFFFFF800  }
0xb3: {  	[tilespmem:s6], [sflag:$0x1] =	stream.linear.gather [hbm4b:s19+s6], $0x80, $0x38;
	[tilespmem:$0xB100] =	vst v63  }
0xb4: {  	_ =	swait.ge [sflag:s13], $0x80  }
0xb5: {  	[sflag:s13] =	ssyncset.done $0x0  }
0xb6: {  	s23 =	sadd.s32 s18, s10;
	[sflag:s13] =	ssyncadd.s32 $0xFFFFFF80  }
0xb7: {  	[tilespmem:s14], [sflag:$0x1] =	stream.linear.gather [hbm4b:s23+s6], $0x80, $0x38;
	[tilespmem:$0xB100] =	vst v63  }
0xb8: {  	_ =	swait.ge [sflag:s13], $0x80  }
0xb9: {  	[sflag:s13] =	ssyncset.done $0x0  }
0xba: {  	[sflag:s13] =	ssyncadd.s32 $0xFFFFFF80  }
0xbb: {  	[tilespmem:s15], [sflag:$0x1] =	stream.linear.gather [hbm4b:s17+s6], $0x800, $0x38;
	[tilespmem:$0xB100] =	vst v63  }
0xbc: {  	_ =	swait.ge [sflag:s13], $0x800  }
0xbd: {  	[sflag:s13] =	ssyncset.done $0x0  }
0xbe: {  	[sflag:s13] =	ssyncadd.s32 $0xFFFFF800  }
0xbf: {  	[spmem:s1] =	stream.indirect.scatter.add.f32 [tilespmem:s15], [sflag:$0x1], $0x10, s6, s14, $0xb8;
	[tilespmem:$0xB100] =	vst v63  }
0xc0: {  	_ =	swait.ge [sflag:s13], $0x800  }
0xc1: {  	[sflag:s13] =	ssyncset.done $0x0  }
0xc2: {  	[sflag:s13] =	ssyncadd.s32 $0xFFFFF800  }
0xc3: {  	[spmem:s2] =	stream.indirect.scatter.add.f32 [tilespmem:s15], [sflag:$0x1], $0x10, s14, s14, $0xb8;
	[tilespmem:$0xB100] =	vst v63  }
0xc4: {  	_ =	swait.ge [sflag:s13], $0x800  }
0xc5: {  	[sflag:s13] =	ssyncset.done $0x0  }
0xc6: {  	[sflag:s13] =	ssyncadd.s32 $0xFFFFF800  }
0xc7: {  	[spmem:s4] =	stream.indirect.scatter.add.f32 [tilespmem:s12], [sflag:$0x1], $0x10, s6, s14, $0xb8;
	[tilespmem:$0xB100] =	vst v63  }
0xc8: {  	_ =	swait.ge [sflag:s13], $0x800  }
0xc9: {  	[sflag:s13] =	ssyncset.done $0x0  }
0xca: {  	[sflag:s13] =	ssyncadd.s32 $0xFFFFF800  }
0xcb: {  	[spmem:s5] =	stream.indirect.scatter.add.f32 [tilespmem:s12], [sflag:$0x1], $0x10, s14, s14, $0xb8;
	[tilespmem:$0xB100] =	vst v63  }
0xcc: {  	_ =	swait.ge [sflag:s13], $0x800  }
0xcd: {  	[sflag:s13] =	ssyncset.done $0x0  }
0xce: {  	s18 =	stileid.u32;
	[sflag:s13] =	ssyncadd.s32 $0xFFFFF800  }
0xcf: {  	s17 =	sshll.u32 s18, $0x6;
	[bflag:$0x0] =	sbarrier.arrive $0xFFFF  }
0xd0: {  	s19 =	sshrl.u32 s7, $0x3;
	s17 =	sor.u32 $0x1C01, s17;
	s20 =	rddreg [dreg:$0xc]  }
0xd1: {  	[hbm:s20], [sflag:s17] =	dma.local [spmem:s19], $0x500  }
0xd2: {  	_ =	swait.ge [sflag:s13], $0x500  }
0xd3: {  	[sflag:s13] =	ssyncset.done $0x0  }
0xd4: {  	s21 =	sshrl.u32 s9, $0x3;
	s23 =	rddreg [dreg:$0xd];
	[sflag:s13] =	ssyncadd.s32 $0xFFFFFB00  }
0xd5: {  	[hbm:s23], [sflag:s17] =	dma.local [spmem:s21], $0x500  }
0xd6: {  	_ =	swait.ge [sflag:s13], $0x500  }
0xd7: {  	[sflag:s13] =	ssyncset.done $0x0  }
0xd8: {  	s19 =	sshrl.u32 s8, $0x3;
	s20 =	rddreg [dreg:$0xe];
	[sflag:s13] =	ssyncadd.s32 $0xFFFFFB00  }
0xd9: {  	[hbm:s20], [sflag:s17] =	dma.local [spmem:s19], $0x500  }
0xda: {  	s16 =	sadd.s32 $0x1, s16;
	_ =	swait.ge [sflag:s13], $0x500  }
0xdb: {  	p0 =	sne.s32 s16, s3;
	s21 =	sshrl.u32 s22, $0x3;
	[sflag:s13] =	ssyncset.done $0x0  }
.Ltmp3:
0xdc: {  	s23 =	rddreg [dreg:$0xf];
	[sflag:s13] =	ssyncadd.s32 $0xFFFFFB00;
	(pc) =	sbr.rel @p0 .LBB2_1-.Ltmp3, $4  }
0xdd: {  	[hbm:s23], [sflag:s17] =	dma.local [spmem:s21], $0x500  }
0xde: {  	_ =	swait.ge [sflag:s13], $0x500  }
0xdf: {  	[sflag:s13] =	ssyncset.done $0x0  }
0xe0: {  	[sflag:s13] =	ssyncadd.s32 $0xFFFFFB00  }
0xe1: {  	_ =	sfence.sel $0x180000  }
0xe2: {  	[bflag:$0x0] =	sbarrier.arrive $0xFFFF  }
0xe3: {  	_ =	strace $0x90000047  }
0xe4: {  	s0 =	stileid.u32;
	[bflag:$0x2] =	sbarrier.arrive $0xFFFF  }
0xe5: {  	p0 =	sne.s32 s0, $0x0;
	s0 =	rddreg [dreg:$0x6]  }
0xe6: {  	s0 =	sadd.s32 @!p0 $0x100000, s0  }
0xe7: {  	[sflag:s0] =	ssyncadd.tile.s32 @!p0 $0x1;
	_ =	shalt  }
.Lfunc_end2:
_tile_overlayer_lowered:
.L_overlay_start_2:
0xe8: {  	(tag) =	ssettag $0x2  }
0xe9: {  	s0 =	rddreg [dreg:$0x0];
	s2 =	stileid.u32  }
0xea: {  	s1 =	rddreg [dreg:$0x1];
	p0 =	sne.s32 s2, $0x0  }
0xeb: {  	s3 =	rddreg [dreg:$0x2];
	[bflag:$0x3] =	sbarrier.arrive $0xFFFF;
	s2 =	simm.s32 @!p0 $0x1C01  }
0xec: {  	[timem:s3], [sflag:s2] =	dma.local @!p0 [hbm:s0], s1  }
0xed: {  	s0 =	simm.s32 @!p0 $0x1  }
0xee: {  	_ =	swait.ge @!p0 [sflag:s0], s1  }
0xef: {  	s1 =	ssub.s32 @!p0 $0x0, s1;
	[sflag:s0] =	ssyncset.done @!p0 $0x0  }
0xf0: {  	[sflag:s0] =	ssyncadd.s32 @!p0 s1  }
0xf1: {  	[bflag:$0x3] =	sbarrier.arrive $0xFFFF  }
0xf2: {  	_ =	shalt  }

// kernel: kernel.17.cloned.1.call-start
scs
__scs_entry_jumppad:
0x0: {  	(pc) =	sbr.rel $0x88, $3  }
0x1: {  	(tag) =	ssettag $0x0;
	lr =	simm.s32 $0x1  }
0x2: {  	[smem:$0x3F92] =	sst lr;
	_ =	strace $0xD0000000  }
0x3: {  	_ = 	snop  }
0x4: {  	_ = 	snop  }
0x5: {  	_ = 	snop  }
0x6: {  	_ = 	snop  }
0x7: {  	_ = 	snop  }
__scs_overlays_trampoline_lowered:
0x8: {  	[smem:$0x3FA1] =	sst s0  }
0x9: {  	[smem:$0x3FA2] =	sst s1  }
0xa: {  	[smem:$0x3FA3] =	sst s2  }
0xb: {  	[smem:$0x3FA4] =	sst s3  }
0xc: {  	[smem:$0x3FA5] =	sst s4  }
0xd: {  	[smem:$0x3FA6] =	sst s5  }
0xe: {  	[smem:$0x3FA7] =	sst s6  }
0xf: {  	[smem:$0x3FA8] =	sst s7  }
0x10: {  	[smem:$0x3FA9] =	sst s8  }
0x11: {  	[smem:$0x3FAA] =	sst s9;
	s0 =	simm.s32 @!p0 $0x0  }
0x12: {  	s1 =	sld [smem:$0x3F90];
	s0 =	simm.s32 @p0 $0x1  }
0x13: {  	[smem:$0x3FAB] =	sst s0;
	s0 =	simm.s32 @!p1 $0x0  }
0x14: {  	s2 =	sld [smem:$0x3F8F];
	s0 =	simm.s32 @p1 $0x1  }
0x15: {  	[smem:$0x3FAC] =	sst s0;
	s0 =	simm.s32 @!p2 $0x0  }
0x16: {  	s3 =	sld [smem:$0x3FDB];
	s0 =	simm.s32 @p2 $0x1  }
0x17: {  	s4 =	simm.s32 $0x1BF5;
	[smem:$0x3FAE] =	sst s0  }
0x18: {  	s0 =	sld [smem:$0x3F91];
	_ =	swait.ge [sflag:s4], $0x0  }
0x19: {  	s7 =	sld [smem:$0x3F92]  }
0x1a: {  	s8 =	sadd.s32 $0xFFFFE003, lr  }
0x1b: {  	s9 =	sadd.s32 $0xFFFFFEF7, lr;
	s5 =	simm.s32 $0xFFFFFFFF;
	p2 =	slt.u32 s8, $0xFFFFF086  }
0x1c: {  	p1 =	slt.u32 s9, $0xF7A;
	s5 =	simm.s32 @!p2 $0x0  }
0x1d: {  	s5 =	simm.s32 @p1 $0x1;
	p0 =	seq.s32 s7, s2  }
0x1e: {  	s7 =	smul.u32 @!p0 $0xF7A, s2;
	p2 =	seq.s32 @!p0 s5, $0x0  }
0x1f: {  	s9 =	smul.u32 $0xF7A, s1;
	s8 =	simm.s32 @!p0 $0x1BF5;
	p2 =	por !p2, p0  }
0x20: {  	[sflag:s8] =	ssyncset.s32 @!p0 $0xFFFFF086;
	s6 =	sadd.s32 @!p0 s3, s7;
	s7 =	simm.s32 @!p0 $0x108  }
0x21: {  	s3 =	sadd.s32 s3, s9;
	s6 =	sadd.s32 @!p0 $0x88, s6;
	s7 =	simm.s32 @p2 $0x1082  }
0x22: {  	[simem:s7], [sflag:s8] =	dma.local @!p0 [hbm:s6], $0xF7A  }
0x23: {  	s9 =	sor.u32 $0xD0000000, s2;
	s6 =	simm.s32 $0x108;
	_ =	swait.ge @!p0 [sflag:s8], $0x0  }
0x24: {  	s3 =	sadd.s32 $0x88, s3;
	s6 =	simm.s32 @!p1 $0x1082;
	[sflag:s4] =	ssyncset.s32 $0xFFFFF086  }
0x25: {  	[simem:s6], [sflag:s4] =	dma.local [hbm:s3], $0xF7A  }
0x26: {  	[smem:$0x3F92] =	sst s1;
	(tag) =	ssettag s2;
	_ =	strace s9  }
0x27: {  	s1 =	sld [smem:$0x3FA2]  }
0x28: {  	s2 =	sld [smem:$0x3FA3]  }
0x29: {  	s4 =	sld [smem:$0x3FA5]  }
0x2a: {  	p0 =	seq.s32 s5, $0x0;
	s5 =	sld [smem:$0x3FA6]  }
0x2b: {  	s6 =	sld [smem:$0x3FA7]  }
0x2c: {  	s7 =	sld [smem:$0x3FA8]  }
0x2d: {  	s3 =	simm.s32 $0x108;
	s8 =	sld [smem:$0x3FA9]  }
0x2e: {  	s3 =	simm.s32 @!p0 $0x1082;
	s9 =	sld [smem:$0x3FAA]  }
0x2f: {  	lr =	sadd.s32 s0, s3;
	s0 =	sld [smem:$0x3FA1]  }
0x30: {  	s3 =	sld [smem:$0x3FA4]  }
0x31: {  	[smem:$0x3FAD] =	sst s10  }
0x32: {  	s10 =	sld [smem:$0x3FAB];
	_ =	sdelay $0x3  }
0x33: {  	p0 =	seq.s32 s10, $0x1;
	s10 =	sld [smem:$0x3FAD];
	_ =	sdelay $0x3  }
0x34: {  	[smem:$0x3FAD] =	sst s10  }
0x35: {  	s10 =	sld [smem:$0x3FAC];
	_ =	sdelay $0x3  }
0x36: {  	p1 =	seq.s32 s10, $0x1;
	s10 =	sld [smem:$0x3FAD];
	_ =	sdelay $0x3  }
0x37: {  	[smem:$0x3FAD] =	sst s10  }
0x38: {  	s10 =	sld [smem:$0x3FAE]  }
0x39: {  	_ = 	snop;
	(pc) =	sbr.ind lr, $3  }
0x3a: {  	_ = 	snop  }
0x3b: {  	_ = 	snop  }
0x3c: {  	p2 =	seq.s32 s10, $0x1;
	s10 =	sld [smem:$0x3FAD]  }
0x3d: {  	_ =	shalt  }
0x3e: {  	_ =	shalt  }
0x3f: {  	_ =	shalt  }
0x40: {  	_ =	shalt  }
0x41: {  	_ =	shalt  }
0x42: {  	_ =	shalt  }
0x43: {  	_ =	shalt  }
0x44: {  	_ =	shalt  }
0x45: {  	_ =	shalt  }
0x46: {  	_ =	shalt  }
0x47: {  	_ =	shalt  }
0x48: {  	_ =	shalt  }
0x49: {  	_ =	shalt  }
0x4a: {  	_ =	shalt  }
0x4b: {  	_ =	shalt  }
0x4c: {  	_ =	shalt  }
0x4d: {  	_ =	shalt  }
0x4e: {  	_ =	shalt  }
0x4f: {  	_ =	shalt  }
0x50: {  	_ =	shalt  }
0x51: {  	_ =	shalt  }
0x52: {  	_ =	shalt  }
0x53: {  	_ =	shalt  }
0x54: {  	_ =	shalt  }
0x55: {  	_ =	shalt  }
0x56: {  	_ =	shalt  }
0x57: {  	_ =	shalt  }
0x58: {  	_ =	shalt  }
0x59: {  	_ =	shalt  }
0x5a: {  	_ =	shalt  }
0x5b: {  	_ =	shalt  }
0x5c: {  	_ =	shalt  }
0x5d: {  	_ =	shalt  }
0x5e: {  	_ =	shalt  }
0x5f: {  	_ =	shalt  }
0x60: {  	_ =	shalt  }
0x61: {  	_ =	shalt  }
0x62: {  	_ =	shalt  }
0x63: {  	_ =	shalt  }
0x64: {  	_ =	shalt  }
0x65: {  	_ =	shalt  }
0x66: {  	_ =	shalt  }
0x67: {  	_ =	shalt  }
0x68: {  	_ =	shalt  }
0x69: {  	_ =	shalt  }
0x6a: {  	_ =	shalt  }
0x6b: {  	_ =	shalt  }
0x6c: {  	_ =	shalt  }
0x6d: {  	_ =	shalt  }
0x6e: {  	_ =	shalt  }
0x6f: {  	_ =	shalt  }
0x70: {  	_ =	shalt  }
0x71: {  	_ =	shalt  }
0x72: {  	_ =	shalt  }
0x73: {  	_ =	shalt  }
0x74: {  	_ =	shalt  }
0x75: {  	_ =	shalt  }
0x76: {  	_ =	shalt  }
0x77: {  	_ =	shalt  }
0x78: {  	_ =	shalt  }
0x79: {  	_ =	shalt  }
0x7a: {  	_ =	shalt  }
0x7b: {  	_ =	shalt  }
0x7c: {  	_ =	shalt  }
0x7d: {  	_ =	shalt  }
0x7e: {  	_ =	shalt  }
0x7f: {  	_ =	shalt  }
0x80: {  	_ =	shalt  }
0x81: {  	_ =	shalt  }
0x82: {  	_ =	shalt  }
0x83: {  	_ =	shalt  }
0x84: {  	_ =	shalt  }
0x85: {  	_ =	shalt  }
0x86: {  	_ =	shalt  }
0x87: {  	_ =	shalt  }
.Lfunc_end0:
.L_simem_size_0:
called_computation.1_lowered:
.L_overlay_start_0:
0x88: {  	s2 =	sld [smem:$0x3FD9]  }
0x89: {  	s3 =	sld [smem:$0x3FFE];
	_ =	sdelay $0x1  }
0x8a: {  	s1 =	srdreg.scid  }
0x8b: {  	s0 =	sand.u32 $0x1, s1  }
0x8c: {  	s17 =	sshll.u32 s0, $0xA;
	s2 =	sadd.s32 s3, s2  }
0x8d: {  	s2 =	sadd.s32 s2, s17  }
0x8e: {  	[smem:$0x3FB9] =	sst s2  }
0x8f: {  	_ = 	snop  }
0x90: {  	s2 =	sld [smem:$0x3FD0];
	(tm) =	ssettm $0x1  }
0x91: {  	s18 =	sld [smem:$0x3FFB];
	_ =	sdelay $0x3  }
0x92: {  	_ =	strace s18  }
0x93: {  	s3 =	sld [smem:$0x3FFC];
	_ =	sdelay $0x3  }
0x94: {  	_ =	strace s3  }
0x95: {  	s3 =	sld [smem:$0x3FFD];
	_ =	sdelay $0x3  }
0x96: {  	_ =	strace s3  }
0x97: {  	_ =	strace $0x8FFFFFFF  }
0x98: {  	s19 =	sld [smem:$0x3FDB];
	_ =	sdelay $0x1  }
0x99: {  	s4 =	simm.s32 $_scs_section_size  }
0x9a: {  	s5 =	simm.s32 $_size__tile_overlayer_lowered;
	s6 =	simm.s32 $_tile_overlayer_lowered  }
0x9b: {  	s22 =	simm.s32 $0x1BFF;
	s21 =	sshll.u32 s6, $0x1;
	s3 =	sadd.s32 s4, s19  }
0x9c: {  	s7 =	simm.s32 $0x0;
	s20 =	sshll.u32 s5, $0x1;
	s5 =	sadd.s32 s21, s3  }
0x9d: {  	[timem:s7], [sflag:s22] =	dma.local [hbm:s5], s20  }
0x9e: {  	_ =	swait.ge [sflag:s22], s20  }
0x9f: {  	s4 =	ssub.s32 $0x0, s20;
	[sflag:s22] =	ssyncset.done $0x0  }
0xa0: {  	[sflag:s22] =	ssyncadd.s32 s4;
	_ =	sdelay $0x1  }
0xa1: {  	s23 =	simm.s32 $0x1B8B  }
0xa2: {  	_ =	swait.ge [sflag:s23], $0x1  }
0xa3: {  	[sflag:s23] =	ssyncset.done $0x0  }
0xa4: {  	s25 =	simm.s32 $0x1B8E;
	s24 =	sld [smem:$0x3FFE];
	[sflag:s23] =	ssyncadd.s32 $0xFFFFFFFF  }
0xa5: {  	s26 =	simm.s32 $execute0_lowered;
	[smem:$0x3FD2] =	sst s25  }
0xa6: {  	s5 =	sshll.u32 s26, $0x1;
	_ =	strace $0x80000049;
	[dreg:$0x1] =	wrdreg $0xFFFFFFFF  }
0xa7: {  	s28 =	simm.s32 $_size_execute0_lowered;
	s3 =	sadd.s32 s3, s5;
	[dreg:$0x0] =	wrdreg $0x0  }
0xa8: {  	s5 =	sshll.u32 s28, $0x1;
	[dreg:$0x2] =	wrdreg s3  }
0xa9: {  	[dreg:$0x3] =	wrdreg s5  }
0xaa: {  	[dreg:$0x4] =	wrdreg $0xC0  }
0xab: {  	_ =	task [dreg:s7], $0x5FFFF  }
0xac: {  	[dreg:$0x1] =	wrdreg $0xFFFFFFFF  }
0xad: {  	[dreg:$0x0] =	wrdreg $0x60  }
0xae: {  	[dreg:$0x2] =	wrdreg s24  }
0xaf: {  	[dreg:$0x3] =	wrdreg s2  }
0xb0: {  	[dreg:$0x4] =	wrdreg $0x82000  }
0xb1: {  	[dreg:$0x5] =	wrdreg $0x9  }
0xb2: {  	_ =	task.clear_ibuf [dreg:s7], $0x6FFFF;
	_ =	strace $0x90000049  }
0xb3: {  	s29 =	simm.s32 $0x9;
	_ =	strace $0x8000004B  }
0xb4: {  	_ =	swait.ge [sflag:s29], $0x1  }
0xb5: {  	[sflag:s29] =	ssyncadd.s32 $0xFFFFFFFF  }
0xb6: {  	_ =	strace $0x9000004B  }
0xb7: {  	_ =	sfence  }
0xb8: {  	s30 =	sld [smem:$0x0];
	_ =	sdelay $0x2  }
0xb9: {  	s31 =	sshll.u32 s1, $0xD;
	s1 =	sshrl.u32 s1, $0x2  }
0xba: {  	s3 =	sand.u32 $0x4000, s31;
	s1 =	sadd.s32 s1, s30  }
0xbb: {  	s0 =	sor.u32 s3, s0;
	s1 =	sshll.u32 s1, $0x11  }
0xbc: {  	s0 =	sor.u32 s1, s0  }
0xbd: {  	s0 =	sadd.s32 $0x8F2B, s0  }
0xbe: {  	[sflag:s0] =	ssyncadd.remote.s32 $0x1  }
0xbf: {  	_ =	sfence.sel $0xFFFF  }
0xc0: {  	[dreg:$0x0] =	wrdreg $0xFFFFFFFF;
	(pc) =	sbr.abs _section_cstart, $3  }
0xc1: {  	[dreg:$0x1] =	wrdreg $0xFFFFFFFF  }
0xc2: {  	_ =	task.clear_ibuf [dreg:s7], $0x2FFFF;
	_ =	strace $0x9FFFFFFF  }
0xc3: {  	(tm) =	ssettm $0x7FFFFFFF  }
tec
execute0_lowered:
.L_overlay_start_1:
0x0: {  	(tag) =	ssettag $0x1  }
0x1: {  	s0 =	rddreg [dreg:$0x0]  }
0x2: {  	s3 =	rddreg [dreg:$0x1]  }
0x3: {  	s1 =	rddreg [dreg:$0x2]  }
0x4: {  	s2 =	simm.s32 $0x0;
	s6 =	srdreg.scid;
	s12 =	stileid.u32  }
0x5: {  	s28 =	simm.s32 $0x40;
	s29 =	simm.s32 $0x4080;
	s8 =	smul.u32 $0x50000, s12  }
0x6: {  	s30 =	simm.s32 $0x4180;
	s31 =	simm.s32 $0x1;
	[smem:$0x7FF] =	sst s2  }
0x7: {  	s4 =	sadd.s32 $0xF200, s0;
	s5 =	sadd.s32 $0x5200, s0;
	s8 =	sshrl.u32 s8, $0x2  }
0x8: {  	s9 =	sand.u32 $0x1, s6;
	s6 =	sadd.s32 $0x23200, s0;
	s8 =	sadd.s32 s8, s1  }
0x9: {  	s7 =	sadd.s32 $0x5D7200, s0;
	s20 =	smul.u32 $0x14000, s12;
	s16 =	sadd.s32 $0x2000, s8  }
0xa: {  	_ =	strace $0x8000004A;
	s17 =	sadd.s32 $0x4000, s8;
	[dreg:$0x4] =	wrdreg s16  }
0xb: {  	s14 =	ssub.s32 $0x2, s9;
	s18 =	sadd.s32 $0x6000, s8;
	[dreg:$0x5] =	wrdreg s17  }
0xc: {  	s11 =	sshll.u32 s9, $0x4;
	s19 =	sadd.s32 $0x8000, s8;
	[dreg:$0x6] =	wrdreg s18  }
0xd: {  	s9 =	smul.u32 $0x140000, s9;
	s21 =	sadd.s32 $0xA000, s8;
	[dreg:$0x7] =	wrdreg s19  }
0xe: {  	s10 =	sshrl.u32 s14, $0x1;
	s22 =	sadd.s32 $0xC000, s8;
	[dreg:$0x8] =	wrdreg s21  }
0xf: {  	s15 =	sor.u32 s12, s11;
	s23 =	sadd.s32 $0xE000, s8;
	[dreg:$0x9] =	wrdreg s22  }
0x10: {  	s15 =	smul.u32 $0x2800, s15;
	s24 =	sadd.s32 $0x10000, s8;
	[dreg:$0xa] =	wrdreg s23  }
0x11: {  	s9 =	sadd.s32 s20, s9;
	s25 =	sadd.s32 $0x12000, s8;
	[dreg:$0xb] =	wrdreg s24  }
0x12: {  	s0 =	ssub.s32 s14, s10;
	s9 =	sshrl.u32 s9, $0x3;
	[dreg:$0xc] =	wrdreg s25  }
0x13: {  	s26 =	sshrl.u32 s15, $0x3;
	s21 =	sadd.s32 s3, s9;
	s22 =	smax.u32 s0, $0x1  }
0x14: {  	s23 =	simm.s32 $0x4200;
	s24 =	simm.s32 $0x3;
	s25 =	simm.s32 $0x4000  }
0x15: {  	s0 =	simm.s32 $0x6200;
	s3 =	simm.s32 $0x2000;
	s9 =	simm.s32 $0x2  }
0x16: {  	v0 =	vimm.f32 $0.0e+00;
	s19 =	sadd.s32 s4, s26;
	s20 =	sadd.s32 s5, s26;
	s26 =	simm.s32 $0x4100  }
.LBB2_1:
0x17: {  	s10 =	simm.s32 $0x0;
	s11 =	simm.s32 $0x200  }
.LBB2_2:
0x18: {  	p0 =	sne.s32 s11, $0x7E00;
	[tilespmem:s10+$0x4270] =	vst v0  }
0x19: {  	[tilespmem:s10+$0x4200] =	vst v0  }
0x1a: {  	[tilespmem:s10+$0x4210] =	vst v0  }
.Ltmp0:
0x1b: {  	[tilespmem:s10+$0x4220] =	vst v0;
	(pc) =	sbr.rel @p0 .LBB2_2-.Ltmp0, $4  }
0x1c: {  	[tilespmem:s10+$0x4230] =	vst v0  }
0x1d: {  	[tilespmem:s10+$0x4240] =	vst v0  }
0x1e: {  	[tilespmem:s10+$0x4250] =	vst v0  }
0x1f: {  	[tilespmem:s10+$0x4260] =	vst v0;
	s10 =	sshra.s32 s11, $0x2;
	s11 =	sadd.s32 $0x200, s11  }
0x20: {  	[tilespmem:s10+$0x4270] =	vst v0  }
0x21: {  	[tilespmem:s10+$0x4200] =	vst v0  }
0x22: {  	[tilespmem:s10+$0x4210] =	vst v0  }
0x23: {  	[tilespmem:s10+$0x4220] =	vst v0  }
0x24: {  	[tilespmem:s10+$0x4230] =	vst v0  }
0x25: {  	[tilespmem:s10+$0x4240] =	vst v0  }
0x26: {  	[tilespmem:s10+$0x4250] =	vst v0  }
0x27: {  	[tilespmem:s10+$0x4260] =	vst v0  }
0x28: {  	[spmem:s8] =	stream.linear.scatter [tilespmem:s23], [sflag:$0x3], $0x2000, $0x38;
	[tilespmem:$0x1C200] =	vst v63  }
0x29: {  	_ =	swait.ge [sflag:s24], $0x2000  }
0x2a: {  	[sflag:s24] =	ssyncset.done $0x0  }
0x2b: {  	s17 =	rddreg [dreg:$0x4];
	[sflag:s24] =	ssyncadd.s32 $0xFFFFE000  }
0x2c: {  	[spmem:s17] =	stream.linear.scatter [tilespmem:s23], [sflag:$0x3], $0x2000, $0x38;
	[tilespmem:$0x1C200] =	vst v63  }
0x2d: {  	_ =	swait.ge [sflag:s24], $0x2000  }
0x2e: {  	[sflag:s24] =	ssyncset.done $0x0  }
0x2f: {  	s18 =	rddreg [dreg:$0x5];
	[sflag:s24] =	ssyncadd.s32 $0xFFFFE000  }
0x30: {  	[spmem:s18] =	stream.linear.scatter [tilespmem:s23], [sflag:$0x3], $0x2000, $0x38;
	[tilespmem:$0x1C200] =	vst v63  }
0x31: {  	_ =	swait.ge [sflag:s24], $0x2000  }
0x32: {  	[sflag:s24] =	ssyncset.done $0x0  }
0x33: {  	s11 =	rddreg [dreg:$0x6];
	[sflag:s24] =	ssyncadd.s32 $0xFFFFE000  }
0x34: {  	[spmem:s11] =	stream.linear.scatter [tilespmem:s23], [sflag:$0x3], $0x2000, $0x38;
	[tilespmem:$0x1C200] =	vst v63  }
0x35: {  	_ =	swait.ge [sflag:s24], $0x2000  }
0x36: {  	[sflag:s24] =	ssyncset.done $0x0  }
0x37: {  	s12 =	rddreg [dreg:$0x7];
	[sflag:s24] =	ssyncadd.s32 $0xFFFFE000  }
0x38: {  	[spmem:s12] =	stream.linear.scatter [tilespmem:s23], [sflag:$0x3], $0x2000, $0x38;
	[tilespmem:$0x1C200] =	vst v63  }
0x39: {  	_ =	swait.ge [sflag:s24], $0x2000  }
0x3a: {  	[sflag:s24] =	ssyncset.done $0x0  }
0x3b: {  	s13 =	rddreg [dreg:$0x8];
	[sflag:s24] =	ssyncadd.s32 $0xFFFFE000  }
0x3c: {  	[spmem:s13] =	stream.linear.scatter [tilespmem:s23], [sflag:$0x3], $0x2000, $0x38;
	[tilespmem:$0x1C200] =	vst v63  }
0x3d: {  	_ =	swait.ge [sflag:s24], $0x2000  }
0x3e: {  	[sflag:s24] =	ssyncset.done $0x0  }
0x3f: {  	s14 =	rddreg [dreg:$0x9];
	[sflag:s24] =	ssyncadd.s32 $0xFFFFE000  }
0x40: {  	[spmem:s14] =	stream.linear.scatter [tilespmem:s23], [sflag:$0x3], $0x2000, $0x38;
	[tilespmem:$0x1C200] =	vst v63  }
0x41: {  	_ =	swait.ge [sflag:s24], $0x2000  }
0x42: {  	[sflag:s24] =	ssyncset.done $0x0  }
0x43: {  	s16 =	rddreg [dreg:$0xa];
	[sflag:s24] =	ssyncadd.s32 $0xFFFFE000  }
0x44: {  	[spmem:s16] =	stream.linear.scatter [tilespmem:s23], [sflag:$0x3], $0x2000, $0x38;
	[tilespmem:$0x1C200] =	vst v63  }
0x45: {  	_ =	swait.ge [sflag:s24], $0x2000  }
0x46: {  	[sflag:s24] =	ssyncset.done $0x0  }
0x47: {  	s17 =	rddreg [dreg:$0xb];
	[sflag:s24] =	ssyncadd.s32 $0xFFFFE000  }
0x48: {  	[spmem:s17] =	stream.linear.scatter [tilespmem:s23], [sflag:$0x3], $0x2000, $0x38;
	[tilespmem:$0x1C200] =	vst v63  }
0x49: {  	_ =	swait.ge [sflag:s24], $0x2000  }
0x4a: {  	[sflag:s24] =	ssyncset.done $0x0  }
0x4b: {  	s18 =	rddreg [dreg:$0xc];
	[sflag:s24] =	ssyncadd.s32 $0xFFFFE000  }
0x4c: {  	[spmem:s18] =	stream.linear.scatter [tilespmem:s23], [sflag:$0x3], $0x2000, $0x38;
	[tilespmem:$0x1C200] =	vst v63  }
0x4d: {  	_ =	swait.ge [sflag:s24], $0x2000  }
0x4e: {  	[sflag:s24] =	ssyncset.done $0x0  }
0x4f: {  	[sflag:s24] =	ssyncadd.s32 $0xFFFFE000  }
0x50: {  	s10 =	simm.s32 $0x0;
	[bflag:$0x0] =	sbarrier.arrive $0xFFFF  }
0x51: {  	[tilespmem:s25], [sflag:$0x3] =	stream.linear.gather [hbm4b:s19+s10], $0x40, $0x38;
	[tilespmem:$0x1C200] =	vst v63  }
0x52: {  	_ =	swait.ge [sflag:s24], $0x40  }
0x53: {  	[sflag:s24] =	ssyncset.done $0x0  }
0x54: {  	[sflag:s24] =	ssyncadd.s32 $0xFFFFFFC0  }
0x55: {  	[tilespmem:s26], [sflag:$0x3] =	stream.linear.gather [hbm4b:s20+s10], $0x40, $0x38;
	[tilespmem:$0x1C200] =	vst v63  }
0x56: {  	_ =	swait.ge [sflag:s24], $0x40  }
0x57: {  	[sflag:s24] =	ssyncset.done $0x0  }
0x58: {  	s11 =	simm.s32 $0x0;
	[sflag:s24] =	ssyncadd.s32 $0xFFFFFFC0  }
0x59: {  	[tilespmem:s23], [sflag:$0x1] =	stream.indirect.gather [hbm4b:s7+s28], $0x80, s25, s28, $0xb8;
	[tilespmem:$0x1C200] =	vst v63  }
.LBB2_4:
0x5a: {  	s12 =	sshll.u32 s11, $0x7  }
0x5b: {  	s13 =	sadd.s32 s15, s12  }
0x5c: {  	s12 =	sor.u32 $0x40, s13  }
0x5d: {  	s14 =	sshrl.u32 s12, $0x3  }
0x5e: {  	s16 =	sadd.s32 s4, s14  }
0x5f: {  	[tilespmem:s29], [sflag:$0x3] =	stream.linear.gather [hbm4b:s16+s10], $0x40, $0x38;
	[tilespmem:$0x1C200] =	vst v63  }
0x60: {  	_ =	swait.ge [sflag:s24], $0x40  }
0x61: {  	[sflag:s24] =	ssyncset.done $0x0  }
0x62: {  	s14 =	sadd.s32 s5, s14;
	[sflag:s24] =	ssyncadd.s32 $0xFFFFFFC0  }
0x63: {  	[tilespmem:s30], [sflag:$0x3] =	stream.linear.gather [hbm4b:s14+s10], $0x40, $0x38;
	[tilespmem:$0x1C200] =	vst v63  }
0x64: {  	_ =	swait.ge [sflag:s24], $0x40  }
0x65: {  	s18 =	sshll.u32 s13, $0x4;
	[sflag:s24] =	ssyncset.done $0x0  }
0x66: {  	s14 =	sadd.s32 s6, s18;
	[sflag:s24] =	ssyncadd.s32 $0xFFFFFFC0  }
0x67: {  	[tilespmem:s10], [sflag:$0x3] =	stream.linear.gather [hbm4b:s14+s10], $0x2000, $0x38;
	[tilespmem:$0x1C200] =	vst v63  }
0x68: {  	_ =	swait.ge [sflag:s24], $0x2000  }
0x69: {  	[sflag:s24] =	ssyncset.done $0x0  }
0x6a: {  	[sflag:s24] =	ssyncadd.s32 $0xFFFFE000  }
0x6b: {  	_ =	swait.ge [sflag:s31], $0x2000  }
0x6c: {  	[sflag:s31] =	ssyncset.done $0x0  }
0x6d: {  	s14 =	simm.s32 $0x0;
	[sflag:s31] =	ssyncadd.s32 $0xFFFFE000  }
0x6e: {  	[tilespmem:s0], [sflag:$0x2] =	stream.indirect.gather [hbm4b:s7+s28], $0x80, s29, s28, $0xb8;
	[tilespmem:$0x1C200] =	vst v63  }
0x6f: {  	v1 =	vld [tilespmem:s14+$0x0]  }
0x70: {  	v5 =	vld [tilespmem:s14+$0x4200]  }
0x71: {  	v7 =	vld [tilespmem:s14+$0x4210]  }
0x72: {  	v6 =	vld [tilespmem:s14+$0x4220]  }
0x73: {  	v4 =	vld [tilespmem:s14+$0x4230]  }
0x74: {  	v2 =	vld [tilespmem:s14+$0x4240]  }
0x75: {  	v3 =	vld [tilespmem:s14+$0x4250];
	v8 =	vmul.f32 v5, v1  }
0x76: {  	s16 =	simm.s32 $0x200;
	v7 =	vmul.f32 v7, v1;
	v5 =	vld [tilespmem:s14+$0x4260]  }
.LBB2_5:
0x77: {  	s17 =	sshra.s32 s16, $0x2;
	p0 =	sne.s32 s16, $0x7E00;
	[tilespmem:s14+$0x4200] =	vst v8;
	v6 =	vmul.f32 v6, v1;
	v8 =	vld [tilespmem:s14+$0x4270]  }
0x78: {  	v9 =	vld [tilespmem:s17+$0x0];
	[tilespmem:s14+$0x4210] =	vst v7;
	v4 =	vmul.f32 v4, v1  }
0x79: {  	v7 =	vld [tilespmem:s17+$0x4200];
	[tilespmem:s14+$0x4220] =	vst v6;
	v2 =	vmul.f32 v2, v1  }
0x7a: {  	v10 =	vld [tilespmem:s17+$0x4210];
	[tilespmem:s14+$0x4230] =	vst v4;
	v3 =	vmul.f32 v3, v1  }
.Ltmp1:
0x7b: {  	v6 =	vld [tilespmem:s17+$0x4220];
	[tilespmem:s14+$0x4240] =	vst v2;
	v5 =	vmul.f32 v5, v1;
	(pc) =	sbr.rel @p0 .LBB2_5-.Ltmp1, $4  }
0x7c: {  	v4 =	vld [tilespmem:s17+$0x4230];
	[tilespmem:s14+$0x4250] =	vst v3;
	v11 =	vmul.f32 v8, v1  }
0x7d: {  	v2 =	vld [tilespmem:s17+$0x4240];
	[tilespmem:s14+$0x4260] =	vst v5;
	v1 =	vmov v9  }
0x7e: {  	v8 =	vmul.f32 v7, v1;
	v3 =	vld [tilespmem:s17+$0x4250];
	[tilespmem:s14+$0x4270] =	vst v11;
	s14 =	smov.u32 s17  }
0x7f: {  	s16 =	sadd.s32 $0x200, s16;
	v7 =	vmul.f32 v10, v1;
	v5 =	vld [tilespmem:s14+$0x4260]  }
0x80: {  	[tilespmem:s14+$0x4200] =	vst v8;
	v6 =	vmul.f32 v6, v1;
	v8 =	vld [tilespmem:s14+$0x4270]  }
0x81: {  	[tilespmem:s14+$0x4210] =	vst v7;
	v4 =	vmul.f32 v4, v1  }
0x82: {  	[tilespmem:s14+$0x4220] =	vst v6;
	v2 =	vmul.f32 v2, v1  }
0x83: {  	[tilespmem:s14+$0x4230] =	vst v4;
	v3 =	vmul.f32 v3, v1  }
0x84: {  	[tilespmem:s14+$0x4240] =	vst v2;
	v2 =	vmul.f32 v5, v1  }
0x85: {  	[tilespmem:s14+$0x4250] =	vst v3;
	v1 =	vmul.f32 v8, v1  }
0x86: {  	[tilespmem:s14+$0x4260] =	vst v2  }
0x87: {  	p0 =	seq.s32 s11, $0x4F;
	[tilespmem:s14+$0x4270] =	vst v1  }
0x88: {  	[spmem:s1] =	stream.indirect.scatter.add.f32 [tilespmem:s23], [sflag:$0x3], $0x80, s26, s28, $0xb8;
	[tilespmem:$0x1C200] =	vst v63  }
0x89: {  	s13 =	sshrl.u32 @!p0 s13, $0x3;
	_ =	swait.ge [sflag:s24], $0x2000  }
0x8a: {  	s16 =	simm.s32 @!p0 $0x0;
	s13 =	sadd.s32 @!p0 $0x10, s13;
	[sflag:s24] =	ssyncset.done $0x0  }
0x8b: {  	s17 =	simm.s32 @!p0 $0x4000;
	s14 =	sadd.s32 @!p0 s4, s13;
	[sflag:s24] =	ssyncadd.s32 $0xFFFFE000  }
0x8c: {  	[tilespmem:s17], [sflag:$0x3] =	stream.linear.gather @!p0 [hbm4b:s14+s16], $0x40, $0x38;
	[tilespmem:$0x1C200] =	vst v63  }
0x8d: {  	s14 =	simm.s32 @!p0 $0x3  }
0x8e: {  	_ =	swait.ge @!p0 [sflag:s14], $0x40  }
0x8f: {  	[sflag:s14] =	ssyncset.done @!p0 $0x0  }
0x90: {  	s18 =	simm.s32 @!p0 $0x4100;
	s13 =	sadd.s32 @!p0 s5, s13;
	[sflag:s14] =	ssyncadd.s32 @!p0 $0xFFFFFFC0  }
0x91: {  	[tilespmem:s18], [sflag:$0x3] =	stream.linear.gather @!p0 [hbm4b:s13+s16], $0x40, $0x38;
	[tilespmem:$0x1C200] =	vst v63  }
0x92: {  	_ =	swait.ge @!p0 [sflag:s14], $0x40  }
0x93: {  	s12 =	sshll.u32 s12, $0x4;
	[sflag:s14] =	ssyncset.done @!p0 $0x0  }
0x94: {  	s13 =	simm.s32 @!p0 $0x40;
	[sflag:s14] =	ssyncadd.s32 @!p0 $0xFFFFFFC0;
	s14 =	simm.s32 @!p0 $0x4200  }
0x95: {  	[tilespmem:s14], [sflag:$0x1] =	stream.indirect.gather @!p0 [hbm4b:s7+s13], $0x80, s17, s13, $0xb8;
	[tilespmem:$0x1C200] =	vst v63  }
0x96: {  	s12 =	sadd.s32 s6, s12;
	s18 =	simm.s32 $0x0  }
0x97: {  	[tilespmem:s3], [sflag:$0x3] =	stream.linear.gather [hbm4b:s12+s18], $0x2000, $0x38;
	[tilespmem:$0x1C200] =	vst v63  }
0x98: {  	_ =	swait.ge [sflag:s24], $0x2000  }
0x99: {  	[sflag:s24] =	ssyncset.done $0x0  }
0x9a: {  	[sflag:s24] =	ssyncadd.s32 $0xFFFFE000  }
0x9b: {  	_ =	swait.ge [sflag:s9], $0x2000  }
0x9c: {  	[sflag:s9] =	ssyncset.done $0x0  }
0x9d: {  	s12 =	simm.s32 $0x0;
	[sflag:s9] =	ssyncadd.s32 $0xFFFFE000  }
0x9e: {  	v1 =	vld [tilespmem:s12+$0x2000]  }
0x9f: {  	v5 =	vld [tilespmem:s12+$0x6200]  }
0xa0: {  	v7 =	vld [tilespmem:s12+$0x6210]  }
0xa1: {  	v6 =	vld [tilespmem:s12+$0x6220]  }
0xa2: {  	v4 =	vld [tilespmem:s12+$0x6230]  }
0xa3: {  	v2 =	vld [tilespmem:s12+$0x6240]  }
0xa4: {  	v3 =	vld [tilespmem:s12+$0x6250];
	v8 =	vmul.f32 v5, v1  }
0xa5: {  	s11 =	sadd.s32 $0x1, s11;
	s13 =	simm.s32 $0x200;
	v7 =	vmul.f32 v7, v1;
	v5 =	vld [tilespmem:s12+$0x6260]  }
.LBB2_7:
0xa6: {  	s14 =	sshra.s32 s13, $0x2;
	p0 =	sne.s32 s13, $0x7E00;
	[tilespmem:s12+$0x6200] =	vst v8;
	v6 =	vmul.f32 v6, v1;
	v8 =	vld [tilespmem:s12+$0x6270]  }
0xa7: {  	v9 =	vld [tilespmem:s14+$0x2000];
	[tilespmem:s12+$0x6210] =	vst v7;
	v4 =	vmul.f32 v4, v1  }
0xa8: {  	v7 =	vld [tilespmem:s14+$0x6200];
	[tilespmem:s12+$0x6220] =	vst v6;
	v2 =	vmul.f32 v2, v1  }
0xa9: {  	v10 =	vld [tilespmem:s14+$0x6210];
	[tilespmem:s12+$0x6230] =	vst v4;
	v3 =	vmul.f32 v3, v1  }
.Ltmp2:
0xaa: {  	v6 =	vld [tilespmem:s14+$0x6220];
	[tilespmem:s12+$0x6240] =	vst v2;
	v5 =	vmul.f32 v5, v1;
	(pc) =	sbr.rel @p0 .LBB2_7-.Ltmp2, $4  }
0xab: {  	v4 =	vld [tilespmem:s14+$0x6230];
	[tilespmem:s12+$0x6250] =	vst v3;
	v11 =	vmul.f32 v8, v1  }
0xac: {  	v2 =	vld [tilespmem:s14+$0x6240];
	[tilespmem:s12+$0x6260] =	vst v5;
	v1 =	vmov v9  }
0xad: {  	v8 =	vmul.f32 v7, v1;
	v3 =	vld [tilespmem:s14+$0x6250];
	[tilespmem:s12+$0x6270] =	vst v11;
	s12 =	smov.u32 s14  }
0xae: {  	s13 =	sadd.s32 $0x200, s13;
	v7 =	vmul.f32 v10, v1;
	v5 =	vld [tilespmem:s12+$0x6260]  }
0xaf: {  	[tilespmem:s12+$0x6200] =	vst v8;
	v6 =	vmul.f32 v6, v1;
	v63 =	vld [tilespmem:s12+$0x6270]  }
0xb0: {  	[tilespmem:s12+$0x6210] =	vst v7;
	v4 =	vmul.f32 v4, v1  }
0xb1: {  	[tilespmem:s12+$0x6220] =	vst v6;
	v2 =	vmul.f32 v2, v1  }
0xb2: {  	[tilespmem:s12+$0x6230] =	vst v4;
	v3 =	vmul.f32 v3, v1  }
0xb3: {  	[tilespmem:s12+$0x6240] =	vst v2;
	v2 =	vmul.f32 v5, v1  }
0xb4: {  	[tilespmem:s12+$0x6250] =	vst v3;
	v1 =	vmul.f32 v63, v1  }
0xb5: {  	p0 =	sne.s32 s11, $0x50;
	[tilespmem:s12+$0x6260] =	vst v2  }
.Ltmp3:
0xb6: {  	[tilespmem:s12+$0x6270] =	vst v1;
	(pc) =	sbr.rel @p0 .LBB2_4-.Ltmp3, $4  }
0xb7: {  	[spmem:s1] =	stream.indirect.scatter.add.f32 [tilespmem:s0], [sflag:$0x3], $0x80, s30, s28, $0xb8;
	[tilespmem:$0x1C200] =	vst v63  }
0xb8: {  	_ =	swait.ge [sflag:s24], $0x2000  }
0xb9: {  	[sflag:s24] =	ssyncset.done $0x0  }
0xba: {  	[sflag:s24] =	ssyncadd.s32 $0xFFFFE000  }
0xbb: {  	s10 =	stileid.u32;
	s2 =	sadd.s32 $0x1, s2  }
0xbc: {  	[bflag:$0x0] =	sbarrier.arrive $0xFFFF;
	s10 =	sshll.u32 s10, $0x6;
	p0 =	sne.s32 s2, s22  }
.Ltmp4:
0xbd: {  	s11 =	sshrl.u32 s8, $0x3;
	s10 =	sor.u32 $0x1C03, s10;
	(pc) =	sbr.rel @p0 .LBB2_1-.Ltmp4, $4  }
0xbe: {  	[hbm:s21], [sflag:s10] =	dma.local [spmem:s11], $0x2800  }
0xbf: {  	_ =	swait.ge [sflag:s24], $0x2800  }
0xc0: {  	[sflag:s24] =	ssyncset.done $0x0  }
0xc1: {  	[sflag:s24] =	ssyncadd.s32 $0xFFFFD800  }
0xc2: {  	_ =	sfence.sel $0x180000  }
0xc3: {  	[bflag:$0x0] =	sbarrier.arrive $0xFFFF  }
0xc4: {  	_ =	strace $0x9000004A  }
0xc5: {  	s0 =	stileid.u32;
	[bflag:$0x2] =	sbarrier.arrive $0xFFFF  }
0xc6: {  	p0 =	sne.s32 s0, $0x0;
	s0 =	rddreg [dreg:$0x3]  }
0xc7: {  	s0 =	sadd.s32 @!p0 $0x100000, s0  }
0xc8: {  	[sflag:s0] =	ssyncadd.tile.s32 @!p0 $0x1;
	_ =	shalt  }
.Lfunc_end2:
_tile_overlayer_lowered:
.L_overlay_start_2:
0xc9: {  	(tag) =	ssettag $0x2  }
0xca: {  	s0 =	rddreg [dreg:$0x0];
	s2 =	stileid.u32  }
0xcb: {  	s1 =	rddreg [dreg:$0x1];
	p0 =	sne.s32 s2, $0x0  }
0xcc: {  	s3 =	rddreg [dreg:$0x2];
	[bflag:$0x3] =	sbarrier.arrive $0xFFFF;
	s2 =	simm.s32 @!p0 $0x1C03  }
0xcd: {  	[timem:s3], [sflag:s2] =	dma.local @!p0 [hbm:s0], s1  }
0xce: {  	s0 =	simm.s32 @!p0 $0x3  }
0xcf: {  	_ =	swait.ge @!p0 [sflag:s0], s1  }
0xd0: {  	s1 =	ssub.s32 @!p0 $0x0, s1;
	[sflag:s0] =	ssyncset.done @!p0 $0x0  }
0xd1: {  	[sflag:s0] =	ssyncadd.s32 @!p0 s1  }
0xd2: {  	[bflag:$0x3] =	sbarrier.arrive $0xFFFF  }
0xd3: {  	_ =	shalt  }

// kernel: kernel.20.cloned.1.call-start
scs
__scs_entry_jumppad:
0x0: {  	(pc) =	sbr.rel $0x88, $3  }
0x1: {  	(tag) =	ssettag $0x0;
	lr =	simm.s32 $0x1  }
0x2: {  	[smem:$0x3F92] =	sst lr;
	_ =	strace $0xD0000000  }
0x3: {  	_ = 	snop  }
0x4: {  	_ = 	snop  }
0x5: {  	_ = 	snop  }
0x6: {  	_ = 	snop  }
0x7: {  	_ = 	snop  }
__scs_overlays_trampoline_lowered:
0x8: {  	[smem:$0x3FA1] =	sst s0  }
0x9: {  	[smem:$0x3FA2] =	sst s1  }
0xa: {  	[smem:$0x3FA3] =	sst s2  }
0xb: {  	[smem:$0x3FA4] =	sst s3  }
0xc: {  	[smem:$0x3FA5] =	sst s4  }
0xd: {  	[smem:$0x3FA6] =	sst s5  }
0xe: {  	[smem:$0x3FA7] =	sst s6  }
0xf: {  	[smem:$0x3FA8] =	sst s7  }
0x10: {  	[smem:$0x3FA9] =	sst s8  }
0x11: {  	[smem:$0x3FAA] =	sst s9;
	s0 =	simm.s32 @!p0 $0x0  }
0x12: {  	s1 =	sld [smem:$0x3F90];
	s0 =	simm.s32 @p0 $0x1  }
0x13: {  	[smem:$0x3FAB] =	sst s0;
	s0 =	simm.s32 @!p1 $0x0  }
0x14: {  	s2 =	sld [smem:$0x3F8F];
	s0 =	simm.s32 @p1 $0x1  }
0x15: {  	[smem:$0x3FAC] =	sst s0;
	s0 =	simm.s32 @!p2 $0x0  }
0x16: {  	s3 =	sld [smem:$0x3FDB];
	s0 =	simm.s32 @p2 $0x1  }
0x17: {  	s4 =	simm.s32 $0x1BF5;
	[smem:$0x3FAE] =	sst s0  }
0x18: {  	s0 =	sld [smem:$0x3F91];
	_ =	swait.ge [sflag:s4], $0x0  }
0x19: {  	s7 =	sld [smem:$0x3F92]  }
0x1a: {  	s8 =	sadd.s32 $0xFFFFE003, lr  }
0x1b: {  	s9 =	sadd.s32 $0xFFFFFEF7, lr;
	s5 =	simm.s32 $0xFFFFFFFF;
	p2 =	slt.u32 s8, $0xFFFFF086  }
0x1c: {  	p1 =	slt.u32 s9, $0xF7A;
	s5 =	simm.s32 @!p2 $0x0  }
0x1d: {  	s5 =	simm.s32 @p1 $0x1;
	p0 =	seq.s32 s7, s2  }
0x1e: {  	s7 =	smul.u32 @!p0 $0xF7A, s2;
	p2 =	seq.s32 @!p0 s5, $0x0  }
0x1f: {  	s9 =	smul.u32 $0xF7A, s1;
	s8 =	simm.s32 @!p0 $0x1BF5;
	p2 =	por !p2, p0  }
0x20: {  	[sflag:s8] =	ssyncset.s32 @!p0 $0xFFFFF086;
	s6 =	sadd.s32 @!p0 s3, s7;
	s7 =	simm.s32 @!p0 $0x108  }
0x21: {  	s3 =	sadd.s32 s3, s9;
	s6 =	sadd.s32 @!p0 $0x88, s6;
	s7 =	simm.s32 @p2 $0x1082  }
0x22: {  	[simem:s7], [sflag:s8] =	dma.local @!p0 [hbm:s6], $0xF7A  }
0x23: {  	s9 =	sor.u32 $0xD0000000, s2;
	s6 =	simm.s32 $0x108;
	_ =	swait.ge @!p0 [sflag:s8], $0x0  }
0x24: {  	s3 =	sadd.s32 $0x88, s3;
	s6 =	simm.s32 @!p1 $0x1082;
	[sflag:s4] =	ssyncset.s32 $0xFFFFF086  }
0x25: {  	[simem:s6], [sflag:s4] =	dma.local [hbm:s3], $0xF7A  }
0x26: {  	[smem:$0x3F92] =	sst s1;
	(tag) =	ssettag s2;
	_ =	strace s9  }
0x27: {  	s1 =	sld [smem:$0x3FA2]  }
0x28: {  	s2 =	sld [smem:$0x3FA3]  }
0x29: {  	s4 =	sld [smem:$0x3FA5]  }
0x2a: {  	p0 =	seq.s32 s5, $0x0;
	s5 =	sld [smem:$0x3FA6]  }
0x2b: {  	s6 =	sld [smem:$0x3FA7]  }
0x2c: {  	s7 =	sld [smem:$0x3FA8]  }
0x2d: {  	s3 =	simm.s32 $0x108;
	s8 =	sld [smem:$0x3FA9]  }
0x2e: {  	s3 =	simm.s32 @!p0 $0x1082;
	s9 =	sld [smem:$0x3FAA]  }
0x2f: {  	lr =	sadd.s32 s0, s3;
	s0 =	sld [smem:$0x3FA1]  }
0x30: {  	s3 =	sld [smem:$0x3FA4]  }
0x31: {  	[smem:$0x3FAD] =	sst s10  }
0x32: {  	s10 =	sld [smem:$0x3FAB];
	_ =	sdelay $0x3  }
0x33: {  	p0 =	seq.s32 s10, $0x1;
	s10 =	sld [smem:$0x3FAD];
	_ =	sdelay $0x3  }
0x34: {  	[smem:$0x3FAD] =	sst s10  }
0x35: {  	s10 =	sld [smem:$0x3FAC];
	_ =	sdelay $0x3  }
0x36: {  	p1 =	seq.s32 s10, $0x1;
	s10 =	sld [smem:$0x3FAD];
	_ =	sdelay $0x3  }
0x37: {  	[smem:$0x3FAD] =	sst s10  }
0x38: {  	s10 =	sld [smem:$0x3FAE]  }
0x39: {  	_ = 	snop;
	(pc) =	sbr.ind lr, $3  }
0x3a: {  	_ = 	snop  }
0x3b: {  	_ = 	snop  }
0x3c: {  	p2 =	seq.s32 s10, $0x1;
	s10 =	sld [smem:$0x3FAD]  }
0x3d: {  	_ =	shalt  }
0x3e: {  	_ =	shalt  }
0x3f: {  	_ =	shalt  }
0x40: {  	_ =	shalt  }
0x41: {  	_ =	shalt  }
0x42: {  	_ =	shalt  }
0x43: {  	_ =	shalt  }
0x44: {  	_ =	shalt  }
0x45: {  	_ =	shalt  }
0x46: {  	_ =	shalt  }
0x47: {  	_ =	shalt  }
0x48: {  	_ =	shalt  }
0x49: {  	_ =	shalt  }
0x4a: {  	_ =	shalt  }
0x4b: {  	_ =	shalt  }
0x4c: {  	_ =	shalt  }
0x4d: {  	_ =	shalt  }
0x4e: {  	_ =	shalt  }
0x4f: {  	_ =	shalt  }
0x50: {  	_ =	shalt  }
0x51: {  	_ =	shalt  }
0x52: {  	_ =	shalt  }
0x53: {  	_ =	shalt  }
0x54: {  	_ =	shalt  }
0x55: {  	_ =	shalt  }
0x56: {  	_ =	shalt  }
0x57: {  	_ =	shalt  }
0x58: {  	_ =	shalt  }
0x59: {  	_ =	shalt  }
0x5a: {  	_ =	shalt  }
0x5b: {  	_ =	shalt  }
0x5c: {  	_ =	shalt  }
0x5d: {  	_ =	shalt  }
0x5e: {  	_ =	shalt  }
0x5f: {  	_ =	shalt  }
0x60: {  	_ =	shalt  }
0x61: {  	_ =	shalt  }
0x62: {  	_ =	shalt  }
0x63: {  	_ =	shalt  }
0x64: {  	_ =	shalt  }
0x65: {  	_ =	shalt  }
0x66: {  	_ =	shalt  }
0x67: {  	_ =	shalt  }
0x68: {  	_ =	shalt  }
0x69: {  	_ =	shalt  }
0x6a: {  	_ =	shalt  }
0x6b: {  	_ =	shalt  }
0x6c: {  	_ =	shalt  }
0x6d: {  	_ =	shalt  }
0x6e: {  	_ =	shalt  }
0x6f: {  	_ =	shalt  }
0x70: {  	_ =	shalt  }
0x71: {  	_ =	shalt  }
0x72: {  	_ =	shalt  }
0x73: {  	_ =	shalt  }
0x74: {  	_ =	shalt  }
0x75: {  	_ =	shalt  }
0x76: {  	_ =	shalt  }
0x77: {  	_ =	shalt  }
0x78: {  	_ =	shalt  }
0x79: {  	_ =	shalt  }
0x7a: {  	_ =	shalt  }
0x7b: {  	_ =	shalt  }
0x7c: {  	_ =	shalt  }
0x7d: {  	_ =	shalt  }
0x7e: {  	_ =	shalt  }
0x7f: {  	_ =	shalt  }
0x80: {  	_ =	shalt  }
0x81: {  	_ =	shalt  }
0x82: {  	_ =	shalt  }
0x83: {  	_ =	shalt  }
0x84: {  	_ =	shalt  }
0x85: {  	_ =	shalt  }
0x86: {  	_ =	shalt  }
0x87: {  	_ =	shalt  }
.Lfunc_end0:
.L_simem_size_0:
called_computation.2_lowered:
.L_overlay_start_0:
0x88: {  	s2 =	sld [smem:$0x3FD9]  }
0x89: {  	s3 =	sld [smem:$0x3FFE];
	_ =	sdelay $0x1  }
0x8a: {  	s1 =	srdreg.scid  }
0x8b: {  	s0 =	sand.u32 $0x1, s1  }
0x8c: {  	s16 =	sshll.u32 s0, $0xA;
	s2 =	sadd.s32 s3, s2  }
0x8d: {  	s2 =	sadd.s32 s2, s16  }
0x8e: {  	[smem:$0x3FB9] =	sst s2  }
0x8f: {  	_ = 	snop  }
0x90: {  	(tm) =	ssettm $0x1  }
0x91: {  	s17 =	sld [smem:$0x3FFB];
	_ =	sdelay $0x3  }
0x92: {  	_ =	strace s17  }
0x93: {  	s2 =	sld [smem:$0x3FFC];
	_ =	sdelay $0x3  }
0x94: {  	_ =	strace s2  }
0x95: {  	s2 =	sld [smem:$0x3FFD];
	_ =	sdelay $0x3  }
0x96: {  	_ =	strace s2  }
0x97: {  	_ =	strace $0x8FFFFFFF  }
0x98: {  	s18 =	sld [smem:$0x3FDB];
	_ =	sdelay $0x1  }
0x99: {  	s19 =	simm.s32 $_scs_section_size  }
0x9a: {  	s4 =	simm.s32 $_size__tile_overlayer_lowered;
	s5 =	simm.s32 $_tile_overlayer_lowered  }
0x9b: {  	s22 =	simm.s32 $0x1BFF;
	s21 =	sshll.u32 s5, $0x1;
	s2 =	sadd.s32 s19, s18  }
0x9c: {  	s6 =	simm.s32 $0x0;
	s20 =	sshll.u32 s4, $0x1;
	s4 =	sadd.s32 s21, s2  }
0x9d: {  	[timem:s6], [sflag:s22] =	dma.local [hbm:s4], s20  }
0x9e: {  	_ =	swait.ge [sflag:s22], s20  }
0x9f: {  	s3 =	ssub.s32 $0x0, s20;
	[sflag:s22] =	ssyncset.done $0x0  }
0xa0: {  	[sflag:s22] =	ssyncadd.s32 s3;
	_ =	sdelay $0x1  }
0xa1: {  	s23 =	simm.s32 $0x1B8B  }
0xa2: {  	_ =	swait.ge [sflag:s23], $0x1  }
0xa3: {  	[sflag:s23] =	ssyncset.done $0x0  }
0xa4: {  	s25 =	simm.s32 $0x1B8E;
	s24 =	sld [smem:$0x3FFE];
	[sflag:s23] =	ssyncadd.s32 $0xFFFFFFFF  }
0xa5: {  	s26 =	simm.s32 $execute0_lowered;
	[smem:$0x3FD2] =	sst s25  }
0xa6: {  	s4 =	sshll.u32 s26, $0x1;
	_ =	strace $0x8000004C;
	[dreg:$0x1] =	wrdreg $0xFFFFFFFF  }
0xa7: {  	s28 =	simm.s32 $_size_execute0_lowered;
	s2 =	sadd.s32 s2, s4;
	[dreg:$0x0] =	wrdreg $0x0  }
0xa8: {  	s4 =	sshll.u32 s28, $0x1;
	[dreg:$0x2] =	wrdreg s2  }
0xa9: {  	[dreg:$0x3] =	wrdreg s4  }
0xaa: {  	[dreg:$0x4] =	wrdreg $0xC0  }
0xab: {  	_ =	task [dreg:s6], $0x5FFFF  }
0xac: {  	[dreg:$0x1] =	wrdreg $0xFFFFFFFF  }
0xad: {  	[dreg:$0x0] =	wrdreg $0x60  }
0xae: {  	[dreg:$0x2] =	wrdreg s24  }
0xaf: {  	[dreg:$0x3] =	wrdreg $0x42000  }
0xb0: {  	[dreg:$0x4] =	wrdreg $0x9  }
0xb1: {  	_ =	task.clear_ibuf [dreg:s6], $0x5FFFF;
	_ =	strace $0x9000004C  }
0xb2: {  	s29 =	simm.s32 $0x9;
	_ =	strace $0x8000004E  }
0xb3: {  	_ =	swait.ge [sflag:s29], $0x1  }
0xb4: {  	[sflag:s29] =	ssyncadd.s32 $0xFFFFFFFF  }
0xb5: {  	_ =	strace $0x9000004E  }
0xb6: {  	_ =	sfence  }
0xb7: {  	s30 =	sld [smem:$0x0];
	_ =	sdelay $0x2  }
0xb8: {  	s31 =	sshll.u32 s1, $0xD;
	s1 =	sshrl.u32 s1, $0x2  }
0xb9: {  	s3 =	sand.u32 $0x4000, s31;
	s1 =	sadd.s32 s1, s30  }
0xba: {  	s0 =	sor.u32 s3, s0;
	s1 =	sshll.u32 s1, $0x11  }
0xbb: {  	s0 =	sor.u32 s1, s0  }
0xbc: {  	s0 =	sadd.s32 $0x8F2B, s0  }
0xbd: {  	[sflag:s0] =	ssyncadd.remote.s32 $0x1  }
0xbe: {  	_ =	sfence.sel $0xFFFF  }
0xbf: {  	[dreg:$0x0] =	wrdreg $0xFFFFFFFF;
	(pc) =	sbr.abs _section_cstart, $3  }
0xc0: {  	[dreg:$0x1] =	wrdreg $0xFFFFFFFF  }
0xc1: {  	_ =	task.clear_ibuf [dreg:s6], $0x2FFFF;
	_ =	strace $0x9FFFFFFF  }
0xc2: {  	(tm) =	ssettm $0x7FFFFFFF  }
0xc3: {  	_ =	shalt  }
tec
execute0_lowered:
.L_overlay_start_1:
0x0: {  	(tag) =	ssettag $0x1  }
0x1: {  	s0 =	rddreg [dreg:$0x0]  }
0x2: {  	s1 =	rddreg [dreg:$0x1]  }
0x3: {  	s2 =	srdreg.scid;
	s3 =	simm.s32 $0x0;
	s11 =	stileid.u32  }
0x4: {  	s28 =	simm.s32 $0x100;
	s29 =	simm.s32 $0x40;
	s5 =	smul.u32 $0x14000, s11  }
0x5: {  	s30 =	simm.s32 $0x80;
	s31 =	simm.s32 $0x180;
	s7 =	smul.u32 $0x50000, s11  }
0x6: {  	s2 =	sand.u32 $0x1, s2;
	[smem:$0x7FF] =	sst s3;
	s22 =	smul.u32 $0x2800, s11  }
0x7: {  	s6 =	sadd.s32 $0xF200, s0;
	s8 =	sadd.s32 $0x5200, s0;
	s4 =	smul.u32 $0x140000, s2  }
0x8: {  	_ =	strace $0x8000004D;
	s9 =	ssub.s32 $0x2, s2;
	s10 =	sshll.u32 s2, $0x4  }
0x9: {  	s2 =	smul.u32 $0x28000, s2;
	s12 =	sshrl.u32 s7, $0x2;
	s13 =	sshrl.u32 s9, $0x1  }
0xa: {  	s14 =	sor.u32 s11, s10;
	s5 =	sadd.s32 s5, s4;
	s4 =	sadd.s32 $0x5C3200, s0  }
0xb: {  	s7 =	ssub.s32 s9, s13;
	s9 =	smul.u32 $0x2800, s14;
	s5 =	sshrl.u32 s5, $0x3  }
0xc: {  	s2 =	sadd.s32 s22, s2;
	s0 =	sadd.s32 s5, s0;
	s5 =	sadd.s32 s12, s1  }
0xd: {  	s24 =	sshrl.u32 s2, $0x3;
	s2 =	sor.u32 $0x80, s2;
	s15 =	sadd.s32 $0x2000, s5  }
0xe: {  	s9 =	sshrl.u32 s9, $0x3;
	s16 =	sadd.s32 $0x4000, s5;
	[dreg:$0x3] =	wrdreg s15  }
0xf: {  	s25 =	sadd.s32 s24, s6;
	s17 =	sadd.s32 $0x6000, s5;
	[dreg:$0x4] =	wrdreg s16  }
0x10: {  	s26 =	sshrl.u32 s2, $0x3;
	s18 =	sadd.s32 $0x8000, s5;
	[dreg:$0x5] =	wrdreg s17  }
0x11: {  	s2 =	simm.s32 $0x2200;
	s19 =	sadd.s32 $0xA000, s5;
	[dreg:$0x6] =	wrdreg s18  }
0x12: {  	s20 =	sadd.s32 $0xC000, s5;
	s21 =	sadd.s32 $0xE000, s5;
	[dreg:$0x7] =	wrdreg s19  }
0x13: {  	s13 =	sadd.s32 $0x10000, s5;
	s14 =	sadd.s32 $0x12000, s5;
	[dreg:$0x8] =	wrdreg s20  }
0x14: {  	s23 =	sadd.s32 $0x4F8, s9;
	[dreg:$0x9] =	wrdreg s21;
	s15 =	sadd.s32 s6, s9  }
0x15: {  	s16 =	sadd.s32 s8, s9;
	s17 =	sadd.s32 $0x4B200, s0;
	s18 =	smax.u32 s7, $0x1  }
0x16: {  	s19 =	sadd.s32 s6, s23;
	s20 =	sadd.s32 s8, s23;
	s0 =	sadd.s32 s24, s8  }
0x17: {  	s21 =	sadd.s32 $0x8, s25;
	s23 =	sadd.s32 s26, s8;
	s24 =	sadd.s32 s26, s6  }
0x18: {  	s25 =	simm.s32 $0x200;
	s26 =	simm.s32 $0x3;
	s6 =	simm.s32 $0x2  }
0x19: {  	v0 =	vimm.f32 $0.0e+00;
	s7 =	simm.s32 $0x0;
	s22 =	sadd.s32 $0x8, s0;
	s0 =	simm.s32 $0x1  }
.LBB2_1:
0x1a: {  	s8 =	simm.s32 $0x0;
	s9 =	simm.s32 $0x200  }
.LBB2_2:
0x1b: {  	p0 =	sne.s32 s9, $0x7E00;
	[tilespmem:s8+$0x270] =	vst v0  }
0x1c: {  	[tilespmem:s8+$0x200] =	vst v0  }
0x1d: {  	[tilespmem:s8+$0x210] =	vst v0  }
.Ltmp0:
0x1e: {  	[tilespmem:s8+$0x220] =	vst v0;
	(pc) =	sbr.rel @p0 .LBB2_2-.Ltmp0, $4  }
0x1f: {  	[tilespmem:s8+$0x230] =	vst v0  }
0x20: {  	[tilespmem:s8+$0x240] =	vst v0  }
0x21: {  	[tilespmem:s8+$0x250] =	vst v0  }
0x22: {  	[tilespmem:s8+$0x260] =	vst v0;
	s8 =	sshra.s32 s9, $0x2;
	s9 =	sadd.s32 $0x200, s9  }
0x23: {  	[tilespmem:s8+$0x270] =	vst v0  }
0x24: {  	[tilespmem:s8+$0x200] =	vst v0  }
0x25: {  	[tilespmem:s8+$0x210] =	vst v0  }
0x26: {  	[tilespmem:s8+$0x220] =	vst v0  }
0x27: {  	[tilespmem:s8+$0x230] =	vst v0  }
0x28: {  	[tilespmem:s8+$0x240] =	vst v0  }
0x29: {  	[tilespmem:s8+$0x250] =	vst v0  }
0x2a: {  	[tilespmem:s8+$0x260] =	vst v0  }
0x2b: {  	[spmem:s5] =	stream.linear.scatter [tilespmem:s25], [sflag:$0x3], $0x2000, $0x38;
	[tilespmem:$0x18200] =	vst v63  }
0x2c: {  	_ =	swait.ge [sflag:s26], $0x2000  }
0x2d: {  	[sflag:s26] =	ssyncset.done $0x0  }
0x2e: {  	s9 =	rddreg [dreg:$0x3];
	[sflag:s26] =	ssyncadd.s32 $0xFFFFE000  }
0x2f: {  	[spmem:s9] =	stream.linear.scatter [tilespmem:s25], [sflag:$0x3], $0x2000, $0x38;
	[tilespmem:$0x18200] =	vst v63  }
0x30: {  	_ =	swait.ge [sflag:s26], $0x2000  }
0x31: {  	[sflag:s26] =	ssyncset.done $0x0  }
0x32: {  	s10 =	rddreg [dreg:$0x4];
	[sflag:s26] =	ssyncadd.s32 $0xFFFFE000  }
0x33: {  	[spmem:s10] =	stream.linear.scatter [tilespmem:s25], [sflag:$0x3], $0x2000, $0x38;
	[tilespmem:$0x18200] =	vst v63  }
0x34: {  	_ =	swait.ge [sflag:s26], $0x2000  }
0x35: {  	[sflag:s26] =	ssyncset.done $0x0  }
0x36: {  	s11 =	rddreg [dreg:$0x5];
	[sflag:s26] =	ssyncadd.s32 $0xFFFFE000  }
0x37: {  	[spmem:s11] =	stream.linear.scatter [tilespmem:s25], [sflag:$0x3], $0x2000, $0x38;
	[tilespmem:$0x18200] =	vst v63  }
0x38: {  	_ =	swait.ge [sflag:s26], $0x2000  }
0x39: {  	[sflag:s26] =	ssyncset.done $0x0  }
0x3a: {  	s12 =	rddreg [dreg:$0x6];
	[sflag:s26] =	ssyncadd.s32 $0xFFFFE000  }
0x3b: {  	[spmem:s12] =	stream.linear.scatter [tilespmem:s25], [sflag:$0x3], $0x2000, $0x38;
	[tilespmem:$0x18200] =	vst v63  }
0x3c: {  	_ =	swait.ge [sflag:s26], $0x2000  }
0x3d: {  	[sflag:s26] =	ssyncset.done $0x0  }
0x3e: {  	s9 =	rddreg [dreg:$0x7];
	[sflag:s26] =	ssyncadd.s32 $0xFFFFE000  }
0x3f: {  	[spmem:s9] =	stream.linear.scatter [tilespmem:s25], [sflag:$0x3], $0x2000, $0x38;
	[tilespmem:$0x18200] =	vst v63  }
0x40: {  	_ =	swait.ge [sflag:s26], $0x2000  }
0x41: {  	[sflag:s26] =	ssyncset.done $0x0  }
0x42: {  	s10 =	rddreg [dreg:$0x8];
	[sflag:s26] =	ssyncadd.s32 $0xFFFFE000  }
0x43: {  	[spmem:s10] =	stream.linear.scatter [tilespmem:s25], [sflag:$0x3], $0x2000, $0x38;
	[tilespmem:$0x18200] =	vst v63  }
0x44: {  	_ =	swait.ge [sflag:s26], $0x2000  }
0x45: {  	[sflag:s26] =	ssyncset.done $0x0  }
0x46: {  	s11 =	rddreg [dreg:$0x9];
	[sflag:s26] =	ssyncadd.s32 $0xFFFFE000  }
0x47: {  	[spmem:s11] =	stream.linear.scatter [tilespmem:s25], [sflag:$0x3], $0x2000, $0x38;
	[tilespmem:$0x18200] =	vst v63  }
0x48: {  	_ =	swait.ge [sflag:s26], $0x2000  }
0x49: {  	[sflag:s26] =	ssyncset.done $0x0  }
0x4a: {  	[sflag:s26] =	ssyncadd.s32 $0xFFFFE000  }
0x4b: {  	[spmem:s13] =	stream.linear.scatter [tilespmem:s25], [sflag:$0x3], $0x2000, $0x38;
	[tilespmem:$0x18200] =	vst v63  }
0x4c: {  	_ =	swait.ge [sflag:s26], $0x2000  }
0x4d: {  	[sflag:s26] =	ssyncset.done $0x0  }
0x4e: {  	[sflag:s26] =	ssyncadd.s32 $0xFFFFE000  }
0x4f: {  	[spmem:s14] =	stream.linear.scatter [tilespmem:s25], [sflag:$0x3], $0x2000, $0x38;
	[tilespmem:$0x18200] =	vst v63  }
0x50: {  	_ =	swait.ge [sflag:s26], $0x2000  }
0x51: {  	[sflag:s26] =	ssyncset.done $0x0  }
0x52: {  	[sflag:s26] =	ssyncadd.s32 $0xFFFFE000  }
0x53: {  	s12 =	simm.s32 $0x0;
	[bflag:$0x0] =	sbarrier.arrive $0xFFFF  }
0x54: {  	[tilespmem:s12], [sflag:$0x3] =	stream.linear.gather [hbm4b:s15+s12], $0x40, $0x38;
	[tilespmem:$0x18200] =	vst v63  }
0x55: {  	_ =	swait.ge [sflag:s26], $0x40  }
0x56: {  	[sflag:s26] =	ssyncset.done $0x0  }
0x57: {  	[sflag:s26] =	ssyncadd.s32 $0xFFFFFFC0  }
0x58: {  	[tilespmem:s28], [sflag:$0x3] =	stream.linear.gather [hbm4b:s16+s12], $0x40, $0x38;
	[tilespmem:$0x18200] =	vst v63  }
0x59: {  	_ =	swait.ge [sflag:s26], $0x40  }
0x5a: {  	[sflag:s26] =	ssyncset.done $0x0  }
0x5b: {  	[sflag:s26] =	ssyncadd.s32 $0xFFFFFFC0  }
0x5c: {  	[tilespmem:s25], [sflag:$0x1] =	stream.indirect.gather [hbm4b:s4+s29], $0x80, s12, s29, $0xb8;
	[tilespmem:$0x18200] =	vst v63  }
0x5d: {  	s9 =	sadd.s32 $0x0, s21  }
0x5e: {  	[tilespmem:s30], [sflag:$0x3] =	stream.linear.gather [hbm4b:s9+s3], $0x40, $0x38;
	[tilespmem:$0x18200] =	vst v63  }
0x5f: {  	_ =	swait.ge [sflag:s26], $0x40  }
0x60: {  	[sflag:s26] =	ssyncset.done $0x0  }
0x61: {  	s10 =	sadd.s32 $0x0, s22;
	[sflag:s26] =	ssyncadd.s32 $0xFFFFFFC0  }
0x62: {  	[tilespmem:s31], [sflag:$0x3] =	stream.linear.gather [hbm4b:s10+s3], $0x40, $0x38;
	[tilespmem:$0x18200] =	vst v63  }
0x63: {  	_ =	swait.ge [sflag:s26], $0x40  }
0x64: {  	[sflag:s26] =	ssyncset.done $0x0  }
0x65: {  	[sflag:s26] =	ssyncadd.s32 $0xFFFFFFC0  }
0x66: {  	_ =	swait.ge [sflag:s0], $0x2000  }
0x67: {  	[sflag:s0] =	ssyncset.done $0x0  }
0x68: {  	[sflag:s0] =	ssyncadd.s32 $0xFFFFE000  }
0x69: {  	[tilespmem:s2], [sflag:$0x2] =	stream.indirect.gather [hbm4b:s4+s29], $0x80, s30, s29, $0xb8;
	[tilespmem:$0x18200] =	vst v63  }
0x6a: {  	_ = 	snop  }
0x6b: {  	[spmem:s1] =	stream.indirect.scatter.add.f32 [tilespmem:s25], [sflag:$0x3], $0x80, s28, s29, $0xb8;
	[tilespmem:$0x18200] =	vst v63  }
0x6c: {  	_ =	swait.ge [sflag:s26], $0x2000  }
0x6d: {  	[sflag:s26] =	ssyncset.done $0x0  }
0x6e: {  	s11 =	sadd.s32 $0x0, s24;
	[sflag:s26] =	ssyncadd.s32 $0xFFFFE000  }
0x6f: {  	[tilespmem:s3], [sflag:$0x3] =	stream.linear.gather [hbm4b:s11+s3], $0x40, $0x38;
	[tilespmem:$0x18200] =	vst v63  }
0x70: {  	_ =	swait.ge [sflag:s26], $0x40  }
0x71: {  	[sflag:s26] =	ssyncset.done $0x0  }
0x72: {  	s12 =	sadd.s32 $0x0, s23;
	[sflag:s26] =	ssyncadd.s32 $0xFFFFFFC0  }
0x73: {  	[tilespmem:s28], [sflag:$0x3] =	stream.linear.gather [hbm4b:s12+s3], $0x40, $0x38;
	[tilespmem:$0x18200] =	vst v63  }
0x74: {  	_ =	swait.ge [sflag:s26], $0x40  }
0x75: {  	[sflag:s26] =	ssyncset.done $0x0  }
0x76: {  	[sflag:s26] =	ssyncadd.s32 $0xFFFFFFC0  }
0x77: {  	[tilespmem:s25], [sflag:$0x1] =	stream.indirect.gather [hbm4b:s4+s29], $0x80, s3, s29, $0xb8;
	[tilespmem:$0x18200] =	vst v63  }
0x78: {  	_ =	swait.ge [sflag:s6], $0x2000  }
0x79: {  	[sflag:s6] =	ssyncset.done $0x0  }
0x7a: {  	[sflag:s6] =	ssyncadd.s32 $0xFFFFE000  }
0x7b: {  	[spmem:s1] =	stream.indirect.scatter.add.f32 [tilespmem:s2], [sflag:$0x3], $0x80, s31, s29, $0xb8;
	[tilespmem:$0x18200] =	vst v63  }
0x7c: {  	_ =	swait.ge [sflag:s26], $0x2000  }
0x7d: {  	s8 =	simm.s32 $0x10;
	s9 =	simm.s32 $0x20;
	[sflag:s26] =	ssyncset.done $0x0  }
.LBB2_4:
0x7e: {  	s11 =	sadd.s32 s8, s21  }
0x7f: {  	[sflag:s26] =	ssyncadd.s32 $0xFFFFE000;
	s12 =	smov.u32 s9;
	s10 =	sadd.s32 $0x10, s9  }
0x80: {  	[tilespmem:s30], [sflag:$0x3] =	stream.linear.gather [hbm4b:s11+s3], $0x40, $0x38;
	[tilespmem:$0x18200] =	vst v63  }
0x81: {  	p0 =	sne.s32 s9, $0x4E0;
	_ =	swait.ge [sflag:s26], $0x40  }
0x82: {  	[sflag:s26] =	ssyncset.done $0x0  }
0x83: {  	s9 =	sadd.s32 s8, s22;
	[sflag:s26] =	ssyncadd.s32 $0xFFFFFFC0  }
0x84: {  	[tilespmem:s31], [sflag:$0x3] =	stream.linear.gather [hbm4b:s9+s3], $0x40, $0x38;
	[tilespmem:$0x18200] =	vst v63  }
0x85: {  	_ =	swait.ge [sflag:s26], $0x40  }
0x86: {  	[sflag:s26] =	ssyncset.done $0x0  }
0x87: {  	[sflag:s26] =	ssyncadd.s32 $0xFFFFFFC0  }
0x88: {  	_ =	swait.ge [sflag:s0], $0x2000  }
0x89: {  	[sflag:s0] =	ssyncset.done $0x0  }
0x8a: {  	[sflag:s0] =	ssyncadd.s32 $0xFFFFE000  }
0x8b: {  	[tilespmem:s2], [sflag:$0x2] =	stream.indirect.gather [hbm4b:s4+s29], $0x80, s30, s29, $0xb8;
	[tilespmem:$0x18200] =	vst v63  }
0x8c: {  	_ = 	snop  }
0x8d: {  	[spmem:s1] =	stream.indirect.scatter.add.f32 [tilespmem:s25], [sflag:$0x3], $0x80, s28, s29, $0xb8;
	[tilespmem:$0x18200] =	vst v63  }
0x8e: {  	_ =	swait.ge [sflag:s26], $0x2000  }
0x8f: {  	[sflag:s26] =	ssyncset.done $0x0  }
0x90: {  	s9 =	sadd.s32 s8, s24;
	[sflag:s26] =	ssyncadd.s32 $0xFFFFE000  }
0x91: {  	[tilespmem:s3], [sflag:$0x3] =	stream.linear.gather [hbm4b:s9+s3], $0x40, $0x38;
	[tilespmem:$0x18200] =	vst v63  }
0x92: {  	_ =	swait.ge [sflag:s26], $0x40  }
0x93: {  	[sflag:s26] =	ssyncset.done $0x0  }
0x94: {  	s9 =	sadd.s32 s8, s23;
	s8 =	smov.u32 s12;
	[sflag:s26] =	ssyncadd.s32 $0xFFFFFFC0  }
0x95: {  	[tilespmem:s28], [sflag:$0x3] =	stream.linear.gather [hbm4b:s9+s3], $0x40, $0x38;
	[tilespmem:$0x18200] =	vst v63  }
0x96: {  	_ =	swait.ge [sflag:s26], $0x40  }
0x97: {  	[sflag:s26] =	ssyncset.done $0x0  }
0x98: {  	[sflag:s26] =	ssyncadd.s32 $0xFFFFFFC0  }
0x99: {  	[tilespmem:s25], [sflag:$0x1] =	stream.indirect.gather [hbm4b:s4+s29], $0x80, s3, s29, $0xb8;
	[tilespmem:$0x18200] =	vst v63  }
0x9a: {  	_ =	swait.ge [sflag:s6], $0x2000  }
.Ltmp1:
0x9b: {  	[sflag:s6] =	ssyncset.done $0x0;
	(pc) =	sbr.rel @p0 .LBB2_4-.Ltmp1, $4  }
0x9c: {  	[sflag:s6] =	ssyncadd.s32 $0xFFFFE000  }
0x9d: {  	[spmem:s1] =	stream.indirect.scatter.add.f32 [tilespmem:s2], [sflag:$0x3], $0x80, s31, s29, $0xb8;
	[tilespmem:$0x18200] =	vst v63  }
0x9e: {  	_ =	swait.ge [sflag:s26], $0x2000  }
0x9f: {  	s9 =	smov.u32 s10;
	[sflag:s26] =	ssyncset.done $0x0  }
0xa0: {  	s9 =	sadd.s32 s8, s21;
	[sflag:s26] =	ssyncadd.s32 $0xFFFFE000  }
0xa1: {  	[tilespmem:s30], [sflag:$0x3] =	stream.linear.gather [hbm4b:s9+s3], $0x40, $0x38;
	[tilespmem:$0x18200] =	vst v63  }
0xa2: {  	_ =	swait.ge [sflag:s26], $0x40  }
0xa3: {  	[sflag:s26] =	ssyncset.done $0x0  }
0xa4: {  	s11 =	sadd.s32 s8, s22;
	[sflag:s26] =	ssyncadd.s32 $0xFFFFFFC0  }
0xa5: {  	[tilespmem:s31], [sflag:$0x3] =	stream.linear.gather [hbm4b:s11+s3], $0x40, $0x38;
	[tilespmem:$0x18200] =	vst v63  }
0xa6: {  	_ =	swait.ge [sflag:s26], $0x40  }
0xa7: {  	[sflag:s26] =	ssyncset.done $0x0  }
0xa8: {  	[sflag:s26] =	ssyncadd.s32 $0xFFFFFFC0  }
0xa9: {  	_ =	swait.ge [sflag:s0], $0x2000  }
0xaa: {  	[sflag:s0] =	ssyncset.done $0x0  }
0xab: {  	[sflag:s0] =	ssyncadd.s32 $0xFFFFE000  }
0xac: {  	[tilespmem:s2], [sflag:$0x2] =	stream.indirect.gather [hbm4b:s4+s29], $0x80, s30, s29, $0xb8;
	[tilespmem:$0x18200] =	vst v63  }
0xad: {  	_ = 	snop  }
0xae: {  	[spmem:s1] =	stream.indirect.scatter.add.f32 [tilespmem:s25], [sflag:$0x3], $0x80, s28, s29, $0xb8;
	[tilespmem:$0x18200] =	vst v63  }
0xaf: {  	_ =	swait.ge [sflag:s26], $0x2000  }
0xb0: {  	[sflag:s26] =	ssyncset.done $0x0  }
0xb1: {  	s12 =	sadd.s32 s8, s24;
	[sflag:s26] =	ssyncadd.s32 $0xFFFFE000  }
0xb2: {  	[tilespmem:s3], [sflag:$0x3] =	stream.linear.gather [hbm4b:s12+s3], $0x40, $0x38;
	[tilespmem:$0x18200] =	vst v63  }
0xb3: {  	_ =	swait.ge [sflag:s26], $0x40  }
0xb4: {  	[sflag:s26] =	ssyncset.done $0x0  }
0xb5: {  	s10 =	sadd.s32 s8, s23;
	[sflag:s26] =	ssyncadd.s32 $0xFFFFFFC0  }
0xb6: {  	[tilespmem:s28], [sflag:$0x3] =	stream.linear.gather [hbm4b:s10+s3], $0x40, $0x38;
	[tilespmem:$0x18200] =	vst v63  }
0xb7: {  	_ =	swait.ge [sflag:s26], $0x40  }
0xb8: {  	[sflag:s26] =	ssyncset.done $0x0  }
0xb9: {  	[sflag:s26] =	ssyncadd.s32 $0xFFFFFFC0  }
0xba: {  	[tilespmem:s25], [sflag:$0x1] =	stream.indirect.gather [hbm4b:s4+s29], $0x80, s3, s29, $0xb8;
	[tilespmem:$0x18200] =	vst v63  }
0xbb: {  	_ =	swait.ge [sflag:s6], $0x2000  }
0xbc: {  	[sflag:s6] =	ssyncset.done $0x0  }
0xbd: {  	[sflag:s6] =	ssyncadd.s32 $0xFFFFE000  }
0xbe: {  	[spmem:s1] =	stream.indirect.scatter.add.f32 [tilespmem:s2], [sflag:$0x3], $0x80, s31, s29, $0xb8;
	[tilespmem:$0x18200] =	vst v63  }
0xbf: {  	_ =	swait.ge [sflag:s26], $0x2000  }
0xc0: {  	[sflag:s26] =	ssyncset.done $0x0  }
0xc1: {  	[sflag:s26] =	ssyncadd.s32 $0xFFFFE000  }
0xc2: {  	[tilespmem:s30], [sflag:$0x3] =	stream.linear.gather [hbm4b:s19+s3], $0x40, $0x38;
	[tilespmem:$0x18200] =	vst v63  }
0xc3: {  	_ =	swait.ge [sflag:s26], $0x40  }
0xc4: {  	[sflag:s26] =	ssyncset.done $0x0  }
0xc5: {  	[sflag:s26] =	ssyncadd.s32 $0xFFFFFFC0  }
0xc6: {  	[tilespmem:s31], [sflag:$0x3] =	stream.linear.gather [hbm4b:s20+s3], $0x40, $0x38;
	[tilespmem:$0x18200] =	vst v63  }
0xc7: {  	_ =	swait.ge [sflag:s26], $0x40  }
0xc8: {  	[sflag:s26] =	ssyncset.done $0x0  }
0xc9: {  	[sflag:s26] =	ssyncadd.s32 $0xFFFFFFC0  }
0xca: {  	_ =	swait.ge [sflag:s0], $0x2000  }
0xcb: {  	[sflag:s0] =	ssyncset.done $0x0  }
0xcc: {  	[sflag:s0] =	ssyncadd.s32 $0xFFFFE000  }
0xcd: {  	[tilespmem:s2], [sflag:$0x2] =	stream.indirect.gather [hbm4b:s4+s29], $0x80, s30, s29, $0xb8;
	[tilespmem:$0x18200] =	vst v63  }
0xce: {  	_ = 	snop  }
0xcf: {  	[spmem:s1] =	stream.indirect.scatter.add.f32 [tilespmem:s25], [sflag:$0x3], $0x80, s28, s29, $0xb8;
	[tilespmem:$0x18200] =	vst v63  }
0xd0: {  	_ =	swait.ge [sflag:s26], $0x2000  }
0xd1: {  	[sflag:s26] =	ssyncset.done $0x0  }
0xd2: {  	[sflag:s26] =	ssyncadd.s32 $0xFFFFE000  }
0xd3: {  	_ =	swait.ge [sflag:s6], $0x2000  }
0xd4: {  	[sflag:s6] =	ssyncset.done $0x0  }
0xd5: {  	[sflag:s6] =	ssyncadd.s32 $0xFFFFE000  }
0xd6: {  	[spmem:s1] =	stream.indirect.scatter.add.f32 [tilespmem:s2], [sflag:$0x3], $0x80, s31, s29, $0xb8;
	[tilespmem:$0x18200] =	vst v63  }
0xd7: {  	s11 =	stileid.u32;
	_ =	swait.ge [sflag:s26], $0x2000  }
0xd8: {  	s7 =	sadd.s32 $0x1, s7;
	s8 =	sshll.u32 s11, $0x6;
	[sflag:s26] =	ssyncset.done $0x0  }
0xd9: {  	p0 =	sne.s32 s7, s18;
	s8 =	sor.u32 $0x1C03, s8;
	[sflag:s26] =	ssyncadd.s32 $0xFFFFE000  }
.Ltmp2:
0xda: {  	s12 =	sshrl.u32 s5, $0x3;
	[bflag:$0x0] =	sbarrier.arrive $0xFFFF;
	(pc) =	sbr.rel @p0 .LBB2_1-.Ltmp2, $4  }
0xdb: {  	[hbm:s17], [sflag:s8] =	dma.local [spmem:s12], $0x2800  }
0xdc: {  	_ =	swait.ge [sflag:s26], $0x2800  }
0xdd: {  	[sflag:s26] =	ssyncset.done $0x0  }
0xde: {  	[sflag:s26] =	ssyncadd.s32 $0xFFFFD800  }
0xdf: {  	_ =	sfence.sel $0x180000  }
0xe0: {  	[bflag:$0x0] =	sbarrier.arrive $0xFFFF  }
0xe1: {  	_ =	strace $0x9000004D  }
0xe2: {  	s0 =	stileid.u32;
	[bflag:$0x2] =	sbarrier.arrive $0xFFFF  }
0xe3: {  	p0 =	sne.s32 s0, $0x0;
	s0 =	rddreg [dreg:$0x2]  }
0xe4: {  	s0 =	sadd.s32 @!p0 $0x100000, s0  }
0xe5: {  	[sflag:s0] =	ssyncadd.tile.s32 @!p0 $0x1;
	_ =	shalt  }
.Lfunc_end2:
_tile_overlayer_lowered:
.L_overlay_start_2:
0xe6: {  	(tag) =	ssettag $0x2  }
0xe7: {  	s0 =	rddreg [dreg:$0x0];
	s2 =	stileid.u32  }
0xe8: {  	s1 =	rddreg [dreg:$0x1];
	p0 =	sne.s32 s2, $0x0  }
0xe9: {  	s3 =	rddreg [dreg:$0x2];
	[bflag:$0x3] =	sbarrier.arrive $0xFFFF;
	s2 =	simm.s32 @!p0 $0x1C03  }
0xea: {  	[timem:s3], [sflag:s2] =	dma.local @!p0 [hbm:s0], s1  }
0xeb: {  	s0 =	simm.s32 @!p0 $0x3  }
0xec: {  	_ =	swait.ge @!p0 [sflag:s0], s1  }
0xed: {  	s1 =	ssub.s32 @!p0 $0x0, s1;
	[sflag:s0] =	ssyncset.done @!p0 $0x0  }
0xee: {  	[sflag:s0] =	ssyncadd.s32 @!p0 s1  }
0xef: {  	[bflag:$0x3] =	sbarrier.arrive $0xFFFF  }
0xf0: {  	_ =	shalt  }

// kernel: kernel.23.cloned.1.call-start
scs
__scs_entry_jumppad:
0x0: {  	(pc) =	sbr.rel $0x88, $3  }
0x1: {  	(tag) =	ssettag $0x0;
	lr =	simm.s32 $0x1  }
0x2: {  	[smem:$0x3F92] =	sst lr;
	_ =	strace $0xD0000000  }
0x3: {  	_ = 	snop  }
0x4: {  	_ = 	snop  }
0x5: {  	_ = 	snop  }
0x6: {  	_ = 	snop  }
0x7: {  	_ = 	snop  }
__scs_overlays_trampoline_lowered:
0x8: {  	[smem:$0x3FA1] =	sst s0  }
0x9: {  	[smem:$0x3FA2] =	sst s1  }
0xa: {  	[smem:$0x3FA3] =	sst s2  }
0xb: {  	[smem:$0x3FA4] =	sst s3  }
0xc: {  	[smem:$0x3FA5] =	sst s4  }
0xd: {  	[smem:$0x3FA6] =	sst s5  }
0xe: {  	[smem:$0x3FA7] =	sst s6  }
0xf: {  	[smem:$0x3FA8] =	sst s7  }
0x10: {  	[smem:$0x3FA9] =	sst s8  }
0x11: {  	[smem:$0x3FAA] =	sst s9;
	s0 =	simm.s32 @!p0 $0x0  }
0x12: {  	s1 =	sld [smem:$0x3F90];
	s0 =	simm.s32 @p0 $0x1  }
0x13: {  	[smem:$0x3FAB] =	sst s0;
	s0 =	simm.s32 @!p1 $0x0  }
0x14: {  	s2 =	sld [smem:$0x3F8F];
	s0 =	simm.s32 @p1 $0x1  }
0x15: {  	[smem:$0x3FAC] =	sst s0;
	s0 =	simm.s32 @!p2 $0x0  }
0x16: {  	s3 =	sld [smem:$0x3FDB];
	s0 =	simm.s32 @p2 $0x1  }
0x17: {  	s4 =	simm.s32 $0x1BF5;
	[smem:$0x3FAE] =	sst s0  }
0x18: {  	s0 =	sld [smem:$0x3F91];
	_ =	swait.ge [sflag:s4], $0x0  }
0x19: {  	s7 =	sld [smem:$0x3F92]  }
0x1a: {  	s8 =	sadd.s32 $0xFFFFE003, lr  }
0x1b: {  	s9 =	sadd.s32 $0xFFFFFEF7, lr;
	s5 =	simm.s32 $0xFFFFFFFF;
	p2 =	slt.u32 s8, $0xFFFFF086  }
0x1c: {  	p1 =	slt.u32 s9, $0xF7A;
	s5 =	simm.s32 @!p2 $0x0  }
0x1d: {  	s5 =	simm.s32 @p1 $0x1;
	p0 =	seq.s32 s7, s2  }
0x1e: {  	s7 =	smul.u32 @!p0 $0xF7A, s2;
	p2 =	seq.s32 @!p0 s5, $0x0  }
0x1f: {  	s9 =	smul.u32 $0xF7A, s1;
	s8 =	simm.s32 @!p0 $0x1BF5;
	p2 =	por !p2, p0  }
0x20: {  	[sflag:s8] =	ssyncset.s32 @!p0 $0xFFFFF086;
	s6 =	sadd.s32 @!p0 s3, s7;
	s7 =	simm.s32 @!p0 $0x108  }
0x21: {  	s3 =	sadd.s32 s3, s9;
	s6 =	sadd.s32 @!p0 $0x88, s6;
	s7 =	simm.s32 @p2 $0x1082  }
0x22: {  	[simem:s7], [sflag:s8] =	dma.local @!p0 [hbm:s6], $0xF7A  }
0x23: {  	s9 =	sor.u32 $0xD0000000, s2;
	s6 =	simm.s32 $0x108;
	_ =	swait.ge @!p0 [sflag:s8], $0x0  }
0x24: {  	s3 =	sadd.s32 $0x88, s3;
	s6 =	simm.s32 @!p1 $0x1082;
	[sflag:s4] =	ssyncset.s32 $0xFFFFF086  }
0x25: {  	[simem:s6], [sflag:s4] =	dma.local [hbm:s3], $0xF7A  }
0x26: {  	[smem:$0x3F92] =	sst s1;
	(tag) =	ssettag s2;
	_ =	strace s9  }
0x27: {  	s1 =	sld [smem:$0x3FA2]  }
0x28: {  	s2 =	sld [smem:$0x3FA3]  }
0x29: {  	s4 =	sld [smem:$0x3FA5]  }
0x2a: {  	p0 =	seq.s32 s5, $0x0;
	s5 =	sld [smem:$0x3FA6]  }
0x2b: {  	s6 =	sld [smem:$0x3FA7]  }
0x2c: {  	s7 =	sld [smem:$0x3FA8]  }
0x2d: {  	s3 =	simm.s32 $0x108;
	s8 =	sld [smem:$0x3FA9]  }
0x2e: {  	s3 =	simm.s32 @!p0 $0x1082;
	s9 =	sld [smem:$0x3FAA]  }
0x2f: {  	lr =	sadd.s32 s0, s3;
	s0 =	sld [smem:$0x3FA1]  }
0x30: {  	s3 =	sld [smem:$0x3FA4]  }
0x31: {  	[smem:$0x3FAD] =	sst s10  }
0x32: {  	s10 =	sld [smem:$0x3FAB];
	_ =	sdelay $0x3  }
0x33: {  	p0 =	seq.s32 s10, $0x1;
	s10 =	sld [smem:$0x3FAD];
	_ =	sdelay $0x3  }
0x34: {  	[smem:$0x3FAD] =	sst s10  }
0x35: {  	s10 =	sld [smem:$0x3FAC];
	_ =	sdelay $0x3  }
0x36: {  	p1 =	seq.s32 s10, $0x1;
	s10 =	sld [smem:$0x3FAD];
	_ =	sdelay $0x3  }
0x37: {  	[smem:$0x3FAD] =	sst s10  }
0x38: {  	s10 =	sld [smem:$0x3FAE]  }
0x39: {  	_ = 	snop;
	(pc) =	sbr.ind lr, $3  }
0x3a: {  	_ = 	snop  }
0x3b: {  	_ = 	snop  }
0x3c: {  	p2 =	seq.s32 s10, $0x1;
	s10 =	sld [smem:$0x3FAD]  }
0x3d: {  	_ =	shalt  }
0x3e: {  	_ =	shalt  }
0x3f: {  	_ =	shalt  }
0x40: {  	_ =	shalt  }
0x41: {  	_ =	shalt  }
0x42: {  	_ =	shalt  }
0x43: {  	_ =	shalt  }
0x44: {  	_ =	shalt  }
0x45: {  	_ =	shalt  }
0x46: {  	_ =	shalt  }
0x47: {  	_ =	shalt  }
0x48: {  	_ =	shalt  }
0x49: {  	_ =	shalt  }
0x4a: {  	_ =	shalt  }
0x4b: {  	_ =	shalt  }
0x4c: {  	_ =	shalt  }
0x4d: {  	_ =	shalt  }
0x4e: {  	_ =	shalt  }
0x4f: {  	_ =	shalt  }
0x50: {  	_ =	shalt  }
0x51: {  	_ =	shalt  }
0x52: {  	_ =	shalt  }
0x53: {  	_ =	shalt  }
0x54: {  	_ =	shalt  }
0x55: {  	_ =	shalt  }
0x56: {  	_ =	shalt  }
0x57: {  	_ =	shalt  }
0x58: {  	_ =	shalt  }
0x59: {  	_ =	shalt  }
0x5a: {  	_ =	shalt  }
0x5b: {  	_ =	shalt  }
0x5c: {  	_ =	shalt  }
0x5d: {  	_ =	shalt  }
0x5e: {  	_ =	shalt  }
0x5f: {  	_ =	shalt  }
0x60: {  	_ =	shalt  }
0x61: {  	_ =	shalt  }
0x62: {  	_ =	shalt  }
0x63: {  	_ =	shalt  }
0x64: {  	_ =	shalt  }
0x65: {  	_ =	shalt  }
0x66: {  	_ =	shalt  }
0x67: {  	_ =	shalt  }
0x68: {  	_ =	shalt  }
0x69: {  	_ =	shalt  }
0x6a: {  	_ =	shalt  }
0x6b: {  	_ =	shalt  }
0x6c: {  	_ =	shalt  }
0x6d: {  	_ =	shalt  }
0x6e: {  	_ =	shalt  }
0x6f: {  	_ =	shalt  }
0x70: {  	_ =	shalt  }
0x71: {  	_ =	shalt  }
0x72: {  	_ =	shalt  }
0x73: {  	_ =	shalt  }
0x74: {  	_ =	shalt  }
0x75: {  	_ =	shalt  }
0x76: {  	_ =	shalt  }
0x77: {  	_ =	shalt  }
0x78: {  	_ =	shalt  }
0x79: {  	_ =	shalt  }
0x7a: {  	_ =	shalt  }
0x7b: {  	_ =	shalt  }
0x7c: {  	_ =	shalt  }
0x7d: {  	_ =	shalt  }
0x7e: {  	_ =	shalt  }
0x7f: {  	_ =	shalt  }
0x80: {  	_ =	shalt  }
0x81: {  	_ =	shalt  }
0x82: {  	_ =	shalt  }
0x83: {  	_ =	shalt  }
0x84: {  	_ =	shalt  }
0x85: {  	_ =	shalt  }
0x86: {  	_ =	shalt  }
0x87: {  	_ =	shalt  }
.Lfunc_end0:
.L_simem_size_0:
called_computation.3_lowered:
.L_overlay_start_0:
0x88: {  	s2 =	sld [smem:$0x3FD9]  }
0x89: {  	s3 =	sld [smem:$0x3FFE];
	_ =	sdelay $0x1  }
0x8a: {  	s1 =	srdreg.scid  }
0x8b: {  	s0 =	sand.u32 $0x1, s1  }
0x8c: {  	s17 =	sshll.u32 s0, $0xA;
	s2 =	sadd.s32 s3, s2  }
0x8d: {  	s2 =	sadd.s32 s2, s17  }
0x8e: {  	[smem:$0x3FB9] =	sst s2  }
0x8f: {  	_ = 	snop  }
0x90: {  	s18 =	sld [smem:$0x3FD0];
	(tm) =	ssettm $0x1  }
0x91: {  	s19 =	sld [smem:$0x3FFB];
	_ =	sdelay $0x3  }
0x92: {  	_ =	strace s19  }
0x93: {  	s2 =	sld [smem:$0x3FFC];
	_ =	sdelay $0x3  }
0x94: {  	_ =	strace s2  }
0x95: {  	s2 =	sld [smem:$0x3FFD];
	_ =	sdelay $0x3  }
0x96: {  	_ =	strace s2  }
0x97: {  	_ =	strace $0x8FFFFFFF  }
0x98: {  	s20 =	sld [smem:$0x3FDB];
	_ =	sdelay $0x1  }
0x99: {  	s4 =	simm.s32 $_scs_section_size  }
0x9a: {  	s5 =	simm.s32 $_size__tile_overlayer_lowered;
	s6 =	simm.s32 $_tile_overlayer_lowered  }
0x9b: {  	s7 =	simm.s32 $0x1BFF;
	s21 =	sshll.u32 s6, $0x1;
	s4 =	sadd.s32 s4, s20  }
0x9c: {  	s22 =	simm.s32 $0x0;
	s5 =	sshll.u32 s5, $0x1;
	s6 =	sadd.s32 s21, s4  }
0x9d: {  	[timem:s22], [sflag:s7] =	dma.local [hbm:s6], s5  }
0x9e: {  	_ =	swait.ge [sflag:s7], s5  }
0x9f: {  	s5 =	ssub.s32 $0x0, s5;
	[sflag:s7] =	ssyncset.done $0x0  }
0xa0: {  	[sflag:s7] =	ssyncadd.s32 s5;
	_ =	sdelay $0x1  }
0xa1: {  	s23 =	simm.s32 $0x1B8B  }
0xa2: {  	_ =	swait.ge [sflag:s23], $0x1  }
0xa3: {  	[sflag:s23] =	ssyncset.done $0x0  }
0xa4: {  	[sflag:s23] =	ssyncadd.s32 $0xFFFFFFFF  }
0xa5: {  	s5 =	sld [smem:$0x0]  }
0xa6: {  	s6 =	sand.u32 $0xFFFFFFFE, s1  }
0xa7: {  	p0 =	sne.s32 s1, s6  }
0xa8: {  	s6 =	sshll.u32 @p0 s6, $0xE  }
0xa9: {  	s6 =	sadd.s32 @p0 $0x11B8D, s6;
	s7 =	sshll.u32 @p0 s5, $0x11  }
0xaa: {  	s6 =	sor.u32 @p0 s7, s6  }
0xab: {  	[sflag:s6] =	ssyncadd.remote.s32 @p0 $0x1;
	_ =	sdelay $0x1  }
0xac: {  	s6 =	simm.s32 @p0 $0x1B8D  }
0xad: {  	_ =	swait.eq @p0 [sflag:s6], $0x1  }
0xae: {  	[sflag:s6] =	ssyncadd.s32 @p0 $0xFFFFFFFF  }
0xaf: {  	s7 =	sshll.u32 @!p0 s1, $0xE  }
0xb0: {  	s7 =	sor.u32 @!p0 $0x4000, s7;
	s6 =	simm.s32 @!p0 $0x1B8D  }
0xb1: {  	s5 =	sshll.u32 @!p0 s5, $0x11;
	s7 =	sadd.s32 @!p0 $0x11B8D, s7;
	_ =	swait.eq @!p0 [sflag:s6], $0x1  }
0xb2: {  	s5 =	sor.u32 @!p0 s5, s7;
	[sflag:s6] =	ssyncadd.s32 @!p0 $0xFFFFFFFF  }
0xb3: {  	s25 =	simm.s32 $0x1B8E;
	s24 =	sld [smem:$0x3FFE];
	[sflag:s5] =	ssyncadd.remote.s32 @!p0 $0x1  }
0xb4: {  	s26 =	simm.s32 $execute0_lowered;
	[smem:$0x3FD2] =	sst s25  }
0xb5: {  	s6 =	sshll.u32 s26, $0x1;
	_ =	strace $0x8000004F;
	[dreg:$0x1] =	wrdreg $0xFFFFFFFF  }
0xb6: {  	s28 =	simm.s32 $_size_execute0_lowered;
	s4 =	sadd.s32 s4, s6;
	[dreg:$0x0] =	wrdreg $0x0  }
0xb7: {  	s6 =	sshll.u32 s28, $0x1;
	[dreg:$0x2] =	wrdreg s4  }
0xb8: {  	[dreg:$0x3] =	wrdreg s6  }
0xb9: {  	[dreg:$0x4] =	wrdreg $0xC0  }
0xba: {  	_ =	task [dreg:s22], $0x5FFFF  }
0xbb: {  	[dreg:$0x1] =	wrdreg $0xFFFFFFFF  }
0xbc: {  	[dreg:$0x0] =	wrdreg $0x60  }
0xbd: {  	[dreg:$0x2] =	wrdreg s24  }
0xbe: {  	[dreg:$0x3] =	wrdreg s18  }
0xbf: {  	[dreg:$0x4] =	wrdreg $0x42000  }
0xc0: {  	[dreg:$0x5] =	wrdreg $0xA  }
0xc1: {  	_ =	task.clear_ibuf [dreg:s22], $0x6FFFF;
	_ =	strace $0x9000004F  }
0xc2: {  	s29 =	simm.s32 $0xA;
	_ =	strace $0x80000051  }
0xc3: {  	_ =	swait.ge [sflag:s29], $0x1  }
0xc4: {  	[sflag:s29] =	ssyncadd.s32 $0xFFFFFFFF  }
0xc5: {  	_ =	strace $0x90000051  }
0xc6: {  	_ =	sfence  }
0xc7: {  	s30 =	sld [smem:$0x0];
	_ =	sdelay $0x2  }
0xc8: {  	s31 =	sshll.u32 s1, $0xD;
	s1 =	sshrl.u32 s1, $0x2  }
0xc9: {  	s4 =	sand.u32 $0x4000, s31;
	s1 =	sadd.s32 s1, s30  }
0xca: {  	s0 =	sor.u32 s4, s0;
	s1 =	sshll.u32 s1, $0x11  }
0xcb: {  	s0 =	sor.u32 s1, s0  }
0xcc: {  	s0 =	sadd.s32 $0x8F2B, s0  }
0xcd: {  	[sflag:s0] =	ssyncadd.remote.s32 $0x1  }
0xce: {  	_ =	sfence.sel $0xFFFF  }
0xcf: {  	[dreg:$0x0] =	wrdreg $0xFFFFFFFF;
	(pc) =	sbr.abs _section_cstart, $3  }
0xd0: {  	[dreg:$0x1] =	wrdreg $0xFFFFFFFF  }
0xd1: {  	_ =	task.clear_ibuf [dreg:s22], $0x2FFFF;
	_ =	strace $0x9FFFFFFF  }
0xd2: {  	(tm) =	ssettm $0x7FFFFFFF  }
0xd3: {  	_ =	shalt  }
tec
execute0_lowered:
.L_overlay_start_1:
0x0: {  	(tag) =	ssettag $0x1  }
0x1: {  	s0 =	rddreg [dreg:$0x0]  }
0x2: {  	s2 =	rddreg [dreg:$0x1]  }
0x3: {  	s1 =	rddreg [dreg:$0x2];
	s3 =	simm.s32 $0x0;
	s4 =	srdreg.scid  }
0x4: {  	s11 =	stileid.u32;
	s28 =	simm.s32 $0x100;
	s29 =	simm.s32 $0x40  }
0x5: {  	s30 =	simm.s32 $0x80;
	s31 =	simm.s32 $0x180;
	s5 =	smul.u32 $0x50000, s11  }
0x6: {  	[smem:$0x7FF] =	sst s3;
	s6 =	sand.u32 $0x1, s4;
	s7 =	sadd.s32 $0xF200, s0  }
0x7: {  	s8 =	sadd.s32 $0x5200, s0;
	s4 =	sadd.s32 $0x23200, s0;
	s5 =	sshrl.u32 s5, $0x2  }
0x8: {  	_ =	strace $0x80000050;
	s9 =	ssub.s32 $0x2, s6;
	s5 =	sadd.s32 s5, s1  }
0x9: {  	s15 =	sshll.u32 s6, $0x4;
	s19 =	smul.u32 $0x140000, s6;
	s10 =	sadd.s32 $0x2000, s5  }
0xa: {  	s6 =	smul.u32 $0x28000, s6;
	s16 =	sadd.s32 $0x4000, s5;
	[dreg:$0x4] =	wrdreg s10  }
0xb: {  	s14 =	sshrl.u32 s9, $0x1;
	s17 =	sadd.s32 $0x6000, s5;
	[dreg:$0x5] =	wrdreg s16  }
0xc: {  	s0 =	ssub.s32 s9, s14;
	s18 =	sadd.s32 $0x8000, s5;
	[dreg:$0x6] =	wrdreg s17  }
0xd: {  	s9 =	sor.u32 s11, s15;
	s12 =	sadd.s32 $0xA000, s5;
	[dreg:$0x7] =	wrdreg s18  }
0xe: {  	s15 =	smul.u32 $0x14000, s11;
	s20 =	sadd.s32 $0xC000, s5;
	[dreg:$0x8] =	wrdreg s12  }
0xf: {  	s21 =	sadd.s32 $0xE000, s5;
	s9 =	smul.u32 $0x2800, s9;
	[dreg:$0x9] =	wrdreg s20  }
0x10: {  	s13 =	sadd.s32 $0x10000, s5;
	s14 =	sadd.s32 $0x12000, s5;
	[dreg:$0xa] =	wrdreg s21  }
0x11: {  	s10 =	sadd.s32 s15, s19;
	s19 =	smul.u32 $0x2800, s11;
	s9 =	sshrl.u32 s9, $0x3  }
0x12: {  	s18 =	smax.u32 s0, $0x1;
	s10 =	sshrl.u32 s10, $0x3;
	s15 =	sadd.s32 s7, s9  }
0x13: {  	s16 =	sadd.s32 s8, s9;
	s17 =	sadd.s32 s2, s10;
	s22 =	sadd.s32 $0x4F8, s9  }
0x14: {  	s23 =	sadd.s32 s19, s6;
	s6 =	simm.s32 $0x2;
	s19 =	sadd.s32 s7, s22  }
0x15: {  	s20 =	sadd.s32 s8, s22;
	s24 =	sshrl.u32 s23, $0x3;
	s2 =	sor.u32 $0x80, s23  }
0x16: {  	s25 =	sadd.s32 s24, s7;
	s0 =	sadd.s32 s24, s8;
	s26 =	sshrl.u32 s2, $0x3  }
0x17: {  	s2 =	simm.s32 $0x2200;
	s21 =	sadd.s32 $0x8, s25;
	s22 =	sadd.s32 $0x8, s0  }
0x18: {  	s23 =	sadd.s32 s26, s8;
	s24 =	sadd.s32 s26, s7;
	s25 =	simm.s32 $0x200  }
0x19: {  	v0 =	vimm.f32 $0.0e+00;
	s26 =	simm.s32 $0x3;
	s0 =	simm.s32 $0x1;
	s7 =	simm.s32 $0x0  }
.LBB2_1:
0x1a: {  	s8 =	simm.s32 $0x0;
	s9 =	simm.s32 $0x200  }
.LBB2_2:
0x1b: {  	p0 =	sne.s32 s9, $0x7E00;
	[tilespmem:s8+$0x270] =	vst v0  }
0x1c: {  	[tilespmem:s8+$0x200] =	vst v0  }
0x1d: {  	[tilespmem:s8+$0x210] =	vst v0  }
.Ltmp0:
0x1e: {  	[tilespmem:s8+$0x220] =	vst v0;
	(pc) =	sbr.rel @p0 .LBB2_2-.Ltmp0, $4  }
0x1f: {  	[tilespmem:s8+$0x230] =	vst v0  }
0x20: {  	[tilespmem:s8+$0x240] =	vst v0  }
0x21: {  	[tilespmem:s8+$0x250] =	vst v0  }
0x22: {  	[tilespmem:s8+$0x260] =	vst v0;
	s8 =	sshra.s32 s9, $0x2;
	s9 =	sadd.s32 $0x200, s9  }
0x23: {  	[tilespmem:s8+$0x270] =	vst v0  }
0x24: {  	[tilespmem:s8+$0x200] =	vst v0  }
0x25: {  	[tilespmem:s8+$0x210] =	vst v0  }
0x26: {  	[tilespmem:s8+$0x220] =	vst v0  }
0x27: {  	[tilespmem:s8+$0x230] =	vst v0  }
0x28: {  	[tilespmem:s8+$0x240] =	vst v0  }
0x29: {  	[tilespmem:s8+$0x250] =	vst v0  }
0x2a: {  	[tilespmem:s8+$0x260] =	vst v0  }
0x2b: {  	[spmem:s5] =	stream.linear.scatter [tilespmem:s25], [sflag:$0x3], $0x2000, $0x38;
	[tilespmem:$0x18200] =	vst v63  }
0x2c: {  	_ =	swait.ge [sflag:s26], $0x2000  }
0x2d: {  	[sflag:s26] =	ssyncset.done $0x0  }
0x2e: {  	s9 =	rddreg [dreg:$0x4];
	[sflag:s26] =	ssyncadd.s32 $0xFFFFE000  }
0x2f: {  	[spmem:s9] =	stream.linear.scatter [tilespmem:s25], [sflag:$0x3], $0x2000, $0x38;
	[tilespmem:$0x18200] =	vst v63  }
0x30: {  	_ =	swait.ge [sflag:s26], $0x2000  }
0x31: {  	[sflag:s26] =	ssyncset.done $0x0  }
0x32: {  	s10 =	rddreg [dreg:$0x5];
	[sflag:s26] =	ssyncadd.s32 $0xFFFFE000  }
0x33: {  	[spmem:s10] =	stream.linear.scatter [tilespmem:s25], [sflag:$0x3], $0x2000, $0x38;
	[tilespmem:$0x18200] =	vst v63  }
0x34: {  	_ =	swait.ge [sflag:s26], $0x2000  }
0x35: {  	[sflag:s26] =	ssyncset.done $0x0  }
0x36: {  	s11 =	rddreg [dreg:$0x6];
	[sflag:s26] =	ssyncadd.s32 $0xFFFFE000  }
0x37: {  	[spmem:s11] =	stream.linear.scatter [tilespmem:s25], [sflag:$0x3], $0x2000, $0x38;
	[tilespmem:$0x18200] =	vst v63  }
0x38: {  	_ =	swait.ge [sflag:s26], $0x2000  }
0x39: {  	[sflag:s26] =	ssyncset.done $0x0  }
0x3a: {  	s12 =	rddreg [dreg:$0x7];
	[sflag:s26] =	ssyncadd.s32 $0xFFFFE000  }
0x3b: {  	[spmem:s12] =	stream.linear.scatter [tilespmem:s25], [sflag:$0x3], $0x2000, $0x38;
	[tilespmem:$0x18200] =	vst v63  }
0x3c: {  	_ =	swait.ge [sflag:s26], $0x2000  }
0x3d: {  	[sflag:s26] =	ssyncset.done $0x0  }
0x3e: {  	s9 =	rddreg [dreg:$0x8];
	[sflag:s26] =	ssyncadd.s32 $0xFFFFE000  }
0x3f: {  	[spmem:s9] =	stream.linear.scatter [tilespmem:s25], [sflag:$0x3], $0x2000, $0x38;
	[tilespmem:$0x18200] =	vst v63  }
0x40: {  	_ =	swait.ge [sflag:s26], $0x2000  }
0x41: {  	[sflag:s26] =	ssyncset.done $0x0  }
0x42: {  	s10 =	rddreg [dreg:$0x9];
	[sflag:s26] =	ssyncadd.s32 $0xFFFFE000  }
0x43: {  	[spmem:s10] =	stream.linear.scatter [tilespmem:s25], [sflag:$0x3], $0x2000, $0x38;
	[tilespmem:$0x18200] =	vst v63  }
0x44: {  	_ =	swait.ge [sflag:s26], $0x2000  }
0x45: {  	[sflag:s26] =	ssyncset.done $0x0  }
0x46: {  	s11 =	rddreg [dreg:$0xa];
	[sflag:s26] =	ssyncadd.s32 $0xFFFFE000  }
0x47: {  	[spmem:s11] =	stream.linear.scatter [tilespmem:s25], [sflag:$0x3], $0x2000, $0x38;
	[tilespmem:$0x18200] =	vst v63  }
0x48: {  	_ =	swait.ge [sflag:s26], $0x2000  }
0x49: {  	[sflag:s26] =	ssyncset.done $0x0  }
0x4a: {  	[sflag:s26] =	ssyncadd.s32 $0xFFFFE000  }
0x4b: {  	[spmem:s13] =	stream.linear.scatter [tilespmem:s25], [sflag:$0x3], $0x2000, $0x38;
	[tilespmem:$0x18200] =	vst v63  }
0x4c: {  	_ =	swait.ge [sflag:s26], $0x2000  }
0x4d: {  	[sflag:s26] =	ssyncset.done $0x0  }
0x4e: {  	[sflag:s26] =	ssyncadd.s32 $0xFFFFE000  }
0x4f: {  	[spmem:s14] =	stream.linear.scatter [tilespmem:s25], [sflag:$0x3], $0x2000, $0x38;
	[tilespmem:$0x18200] =	vst v63  }
0x50: {  	_ =	swait.ge [sflag:s26], $0x2000  }
0x51: {  	[sflag:s26] =	ssyncset.done $0x0  }
0x52: {  	[sflag:s26] =	ssyncadd.s32 $0xFFFFE000  }
0x53: {  	s12 =	simm.s32 $0x0;
	[bflag:$0x0] =	sbarrier.arrive $0xFFFF  }
0x54: {  	[tilespmem:s12], [sflag:$0x3] =	stream.linear.gather [hbm4b:s15+s12], $0x40, $0x38;
	[tilespmem:$0x18200] =	vst v63  }
0x55: {  	_ =	swait.ge [sflag:s26], $0x40  }
0x56: {  	[sflag:s26] =	ssyncset.done $0x0  }
0x57: {  	[sflag:s26] =	ssyncadd.s32 $0xFFFFFFC0  }
0x58: {  	[tilespmem:s28], [sflag:$0x3] =	stream.linear.gather [hbm4b:s16+s12], $0x40, $0x38;
	[tilespmem:$0x18200] =	vst v63  }
0x59: {  	_ =	swait.ge [sflag:s26], $0x40  }
0x5a: {  	[sflag:s26] =	ssyncset.done $0x0  }
0x5b: {  	[sflag:s26] =	ssyncadd.s32 $0xFFFFFFC0  }
0x5c: {  	[tilespmem:s25], [sflag:$0x1] =	stream.indirect.gather [hbm4b:s4+s29], $0x80, s12, s29, $0xb8;
	[tilespmem:$0x18200] =	vst v63  }
0x5d: {  	s9 =	sadd.s32 $0x0, s21  }
0x5e: {  	[tilespmem:s30], [sflag:$0x3] =	stream.linear.gather [hbm4b:s9+s3], $0x40, $0x38;
	[tilespmem:$0x18200] =	vst v63  }
0x5f: {  	_ =	swait.ge [sflag:s26], $0x40  }
0x60: {  	[sflag:s26] =	ssyncset.done $0x0  }
0x61: {  	s10 =	sadd.s32 $0x0, s22;
	[sflag:s26] =	ssyncadd.s32 $0xFFFFFFC0  }
0x62: {  	[tilespmem:s31], [sflag:$0x3] =	stream.linear.gather [hbm4b:s10+s3], $0x40, $0x38;
	[tilespmem:$0x18200] =	vst v63  }
0x63: {  	_ =	swait.ge [sflag:s26], $0x40  }
0x64: {  	[sflag:s26] =	ssyncset.done $0x0  }
0x65: {  	[sflag:s26] =	ssyncadd.s32 $0xFFFFFFC0  }
0x66: {  	_ =	swait.ge [sflag:s0], $0x2000  }
0x67: {  	[sflag:s0] =	ssyncset.done $0x0  }
0x68: {  	[sflag:s0] =	ssyncadd.s32 $0xFFFFE000  }
0x69: {  	[tilespmem:s2], [sflag:$0x2] =	stream.indirect.gather [hbm4b:s4+s29], $0x80, s30, s29, $0xb8;
	[tilespmem:$0x18200] =	vst v63  }
0x6a: {  	_ = 	snop  }
0x6b: {  	[spmem:s1] =	stream.indirect.scatter.add.f32 [tilespmem:s25], [sflag:$0x3], $0x80, s28, s29, $0xb8;
	[tilespmem:$0x18200] =	vst v63  }
0x6c: {  	_ =	swait.ge [sflag:s26], $0x2000  }
0x6d: {  	[sflag:s26] =	ssyncset.done $0x0  }
0x6e: {  	s11 =	sadd.s32 $0x0, s24;
	[sflag:s26] =	ssyncadd.s32 $0xFFFFE000  }
0x6f: {  	[tilespmem:s3], [sflag:$0x3] =	stream.linear.gather [hbm4b:s11+s3], $0x40, $0x38;
	[tilespmem:$0x18200] =	vst v63  }
0x70: {  	_ =	swait.ge [sflag:s26], $0x40  }
0x71: {  	[sflag:s26] =	ssyncset.done $0x0  }
0x72: {  	s12 =	sadd.s32 $0x0, s23;
	[sflag:s26] =	ssyncadd.s32 $0xFFFFFFC0  }
0x73: {  	[tilespmem:s28], [sflag:$0x3] =	stream.linear.gather [hbm4b:s12+s3], $0x40, $0x38;
	[tilespmem:$0x18200] =	vst v63  }
0x74: {  	_ =	swait.ge [sflag:s26], $0x40  }
0x75: {  	[sflag:s26] =	ssyncset.done $0x0  }
0x76: {  	[sflag:s26] =	ssyncadd.s32 $0xFFFFFFC0  }
0x77: {  	[tilespmem:s25], [sflag:$0x1] =	stream.indirect.gather [hbm4b:s4+s29], $0x80, s3, s29, $0xb8;
	[tilespmem:$0x18200] =	vst v63  }
0x78: {  	_ =	swait.ge [sflag:s6], $0x2000  }
0x79: {  	[sflag:s6] =	ssyncset.done $0x0  }
0x7a: {  	[sflag:s6] =	ssyncadd.s32 $0xFFFFE000  }
0x7b: {  	[spmem:s1] =	stream.indirect.scatter.add.f32 [tilespmem:s2], [sflag:$0x3], $0x80, s31, s29, $0xb8;
	[tilespmem:$0x18200] =	vst v63  }
0x7c: {  	_ =	swait.ge [sflag:s26], $0x2000  }
0x7d: {  	s8 =	simm.s32 $0x10;
	s9 =	simm.s32 $0x20;
	[sflag:s26] =	ssyncset.done $0x0  }
.LBB2_4:
0x7e: {  	s11 =	sadd.s32 s8, s21  }
0x7f: {  	[sflag:s26] =	ssyncadd.s32 $0xFFFFE000;
	s12 =	smov.u32 s9;
	s10 =	sadd.s32 $0x10, s9  }
0x80: {  	[tilespmem:s30], [sflag:$0x3] =	stream.linear.gather [hbm4b:s11+s3], $0x40, $0x38;
	[tilespmem:$0x18200] =	vst v63  }
0x81: {  	p0 =	sne.s32 s9, $0x4E0;
	_ =	swait.ge [sflag:s26], $0x40  }
0x82: {  	[sflag:s26] =	ssyncset.done $0x0  }
0x83: {  	s9 =	sadd.s32 s8, s22;
	[sflag:s26] =	ssyncadd.s32 $0xFFFFFFC0  }
0x84: {  	[tilespmem:s31], [sflag:$0x3] =	stream.linear.gather [hbm4b:s9+s3], $0x40, $0x38;
	[tilespmem:$0x18200] =	vst v63  }
0x85: {  	_ =	swait.ge [sflag:s26], $0x40  }
0x86: {  	[sflag:s26] =	ssyncset.done $0x0  }
0x87: {  	[sflag:s26] =	ssyncadd.s32 $0xFFFFFFC0  }
0x88: {  	_ =	swait.ge [sflag:s0], $0x2000  }
0x89: {  	[sflag:s0] =	ssyncset.done $0x0  }
0x8a: {  	[sflag:s0] =	ssyncadd.s32 $0xFFFFE000  }
0x8b: {  	[tilespmem:s2], [sflag:$0x2] =	stream.indirect.gather [hbm4b:s4+s29], $0x80, s30, s29, $0xb8;
	[tilespmem:$0x18200] =	vst v63  }
0x8c: {  	_ = 	snop  }
0x8d: {  	[spmem:s1] =	stream.indirect.scatter.add.f32 [tilespmem:s25], [sflag:$0x3], $0x80, s28, s29, $0xb8;
	[tilespmem:$0x18200] =	vst v63  }
0x8e: {  	_ =	swait.ge [sflag:s26], $0x2000  }
0x8f: {  	[sflag:s26] =	ssyncset.done $0x0  }
0x90: {  	s9 =	sadd.s32 s8, s24;
	[sflag:s26] =	ssyncadd.s32 $0xFFFFE000  }
0x91: {  	[tilespmem:s3], [sflag:$0x3] =	stream.linear.gather [hbm4b:s9+s3], $0x40, $0x38;
	[tilespmem:$0x18200] =	vst v63  }
0x92: {  	_ =	swait.ge [sflag:s26], $0x40  }
0x93: {  	[sflag:s26] =	ssyncset.done $0x0  }
0x94: {  	s9 =	sadd.s32 s8, s23;
	s8 =	smov.u32 s12;
	[sflag:s26] =	ssyncadd.s32 $0xFFFFFFC0  }
0x95: {  	[tilespmem:s28], [sflag:$0x3] =	stream.linear.gather [hbm4b:s9+s3], $0x40, $0x38;
	[tilespmem:$0x18200] =	vst v63  }
0x96: {  	_ =	swait.ge [sflag:s26], $0x40  }
0x97: {  	[sflag:s26] =	ssyncset.done $0x0  }
0x98: {  	[sflag:s26] =	ssyncadd.s32 $0xFFFFFFC0  }
0x99: {  	[tilespmem:s25], [sflag:$0x1] =	stream.indirect.gather [hbm4b:s4+s29], $0x80, s3, s29, $0xb8;
	[tilespmem:$0x18200] =	vst v63  }
0x9a: {  	_ =	swait.ge [sflag:s6], $0x2000  }
.Ltmp1:
0x9b: {  	[sflag:s6] =	ssyncset.done $0x0;
	(pc) =	sbr.rel @p0 .LBB2_4-.Ltmp1, $4  }
0x9c: {  	[sflag:s6] =	ssyncadd.s32 $0xFFFFE000  }
0x9d: {  	[spmem:s1] =	stream.indirect.scatter.add.f32 [tilespmem:s2], [sflag:$0x3], $0x80, s31, s29, $0xb8;
	[tilespmem:$0x18200] =	vst v63  }
0x9e: {  	_ =	swait.ge [sflag:s26], $0x2000  }
0x9f: {  	s9 =	smov.u32 s10;
	[sflag:s26] =	ssyncset.done $0x0  }
0xa0: {  	s9 =	sadd.s32 s8, s21;
	[sflag:s26] =	ssyncadd.s32 $0xFFFFE000  }
0xa1: {  	[tilespmem:s30], [sflag:$0x3] =	stream.linear.gather [hbm4b:s9+s3], $0x40, $0x38;
	[tilespmem:$0x18200] =	vst v63  }
0xa2: {  	_ =	swait.ge [sflag:s26], $0x40  }
0xa3: {  	[sflag:s26] =	ssyncset.done $0x0  }
0xa4: {  	s11 =	sadd.s32 s8, s22;
	[sflag:s26] =	ssyncadd.s32 $0xFFFFFFC0  }
0xa5: {  	[tilespmem:s31], [sflag:$0x3] =	stream.linear.gather [hbm4b:s11+s3], $0x40, $0x38;
	[tilespmem:$0x18200] =	vst v63  }
0xa6: {  	_ =	swait.ge [sflag:s26], $0x40  }
0xa7: {  	[sflag:s26] =	ssyncset.done $0x0  }
0xa8: {  	[sflag:s26] =	ssyncadd.s32 $0xFFFFFFC0  }
0xa9: {  	_ =	swait.ge [sflag:s0], $0x2000  }
0xaa: {  	[sflag:s0] =	ssyncset.done $0x0  }
0xab: {  	[sflag:s0] =	ssyncadd.s32 $0xFFFFE000  }
0xac: {  	[tilespmem:s2], [sflag:$0x2] =	stream.indirect.gather [hbm4b:s4+s29], $0x80, s30, s29, $0xb8;
	[tilespmem:$0x18200] =	vst v63  }
0xad: {  	_ = 	snop  }
0xae: {  	[spmem:s1] =	stream.indirect.scatter.add.f32 [tilespmem:s25], [sflag:$0x3], $0x80, s28, s29, $0xb8;
	[tilespmem:$0x18200] =	vst v63  }
0xaf: {  	_ =	swait.ge [sflag:s26], $0x2000  }
0xb0: {  	[sflag:s26] =	ssyncset.done $0x0  }
0xb1: {  	s12 =	sadd.s32 s8, s24;
	[sflag:s26] =	ssyncadd.s32 $0xFFFFE000  }
0xb2: {  	[tilespmem:s3], [sflag:$0x3] =	stream.linear.gather [hbm4b:s12+s3], $0x40, $0x38;
	[tilespmem:$0x18200] =	vst v63  }
0xb3: {  	_ =	swait.ge [sflag:s26], $0x40  }
0xb4: {  	[sflag:s26] =	ssyncset.done $0x0  }
0xb5: {  	s10 =	sadd.s32 s8, s23;
	[sflag:s26] =	ssyncadd.s32 $0xFFFFFFC0  }
0xb6: {  	[tilespmem:s28], [sflag:$0x3] =	stream.linear.gather [hbm4b:s10+s3], $0x40, $0x38;
	[tilespmem:$0x18200] =	vst v63  }
0xb7: {  	_ =	swait.ge [sflag:s26], $0x40  }
0xb8: {  	[sflag:s26] =	ssyncset.done $0x0  }
0xb9: {  	[sflag:s26] =	ssyncadd.s32 $0xFFFFFFC0  }
0xba: {  	[tilespmem:s25], [sflag:$0x1] =	stream.indirect.gather [hbm4b:s4+s29], $0x80, s3, s29, $0xb8;
	[tilespmem:$0x18200] =	vst v63  }
0xbb: {  	_ =	swait.ge [sflag:s6], $0x2000  }
0xbc: {  	[sflag:s6] =	ssyncset.done $0x0  }
0xbd: {  	[sflag:s6] =	ssyncadd.s32 $0xFFFFE000  }
0xbe: {  	[spmem:s1] =	stream.indirect.scatter.add.f32 [tilespmem:s2], [sflag:$0x3], $0x80, s31, s29, $0xb8;
	[tilespmem:$0x18200] =	vst v63  }
0xbf: {  	_ =	swait.ge [sflag:s26], $0x2000  }
0xc0: {  	[sflag:s26] =	ssyncset.done $0x0  }
0xc1: {  	[sflag:s26] =	ssyncadd.s32 $0xFFFFE000  }
0xc2: {  	[tilespmem:s30], [sflag:$0x3] =	stream.linear.gather [hbm4b:s19+s3], $0x40, $0x38;
	[tilespmem:$0x18200] =	vst v63  }
0xc3: {  	_ =	swait.ge [sflag:s26], $0x40  }
0xc4: {  	[sflag:s26] =	ssyncset.done $0x0  }
0xc5: {  	[sflag:s26] =	ssyncadd.s32 $0xFFFFFFC0  }
0xc6: {  	[tilespmem:s31], [sflag:$0x3] =	stream.linear.gather [hbm4b:s20+s3], $0x40, $0x38;
	[tilespmem:$0x18200] =	vst v63  }
0xc7: {  	_ =	swait.ge [sflag:s26], $0x40  }
0xc8: {  	[sflag:s26] =	ssyncset.done $0x0  }
0xc9: {  	[sflag:s26] =	ssyncadd.s32 $0xFFFFFFC0  }
0xca: {  	_ =	swait.ge [sflag:s0], $0x2000  }
0xcb: {  	[sflag:s0] =	ssyncset.done $0x0  }
0xcc: {  	[sflag:s0] =	ssyncadd.s32 $0xFFFFE000  }
0xcd: {  	[tilespmem:s2], [sflag:$0x2] =	stream.indirect.gather [hbm4b:s4+s29], $0x80, s30, s29, $0xb8;
	[tilespmem:$0x18200] =	vst v63  }
0xce: {  	_ = 	snop  }
0xcf: {  	[spmem:s1] =	stream.indirect.scatter.add.f32 [tilespmem:s25], [sflag:$0x3], $0x80, s28, s29, $0xb8;
	[tilespmem:$0x18200] =	vst v63  }
0xd0: {  	_ =	swait.ge [sflag:s26], $0x2000  }
0xd1: {  	[sflag:s26] =	ssyncset.done $0x0  }
0xd2: {  	[sflag:s26] =	ssyncadd.s32 $0xFFFFE000  }
0xd3: {  	_ =	swait.ge [sflag:s6], $0x2000  }
0xd4: {  	[sflag:s6] =	ssyncset.done $0x0  }
0xd5: {  	[sflag:s6] =	ssyncadd.s32 $0xFFFFE000  }
0xd6: {  	[spmem:s1] =	stream.indirect.scatter.add.f32 [tilespmem:s2], [sflag:$0x3], $0x80, s31, s29, $0xb8;
	[tilespmem:$0x18200] =	vst v63  }
0xd7: {  	s11 =	stileid.u32;
	_ =	swait.ge [sflag:s26], $0x2000  }
0xd8: {  	s7 =	sadd.s32 $0x1, s7;
	s8 =	sshll.u32 s11, $0x6;
	[sflag:s26] =	ssyncset.done $0x0  }
0xd9: {  	p0 =	sne.s32 s7, s18;
	s8 =	sor.u32 $0x1C03, s8;
	[sflag:s26] =	ssyncadd.s32 $0xFFFFE000  }
.Ltmp2:
0xda: {  	s12 =	sshrl.u32 s5, $0x3;
	[bflag:$0x0] =	sbarrier.arrive $0xFFFF;
	(pc) =	sbr.rel @p0 .LBB2_1-.Ltmp2, $4  }
0xdb: {  	[hbm:s17], [sflag:s8] =	dma.local [spmem:s12], $0x2800  }
0xdc: {  	_ =	swait.ge [sflag:s26], $0x2800  }
0xdd: {  	[sflag:s26] =	ssyncset.done $0x0  }
0xde: {  	[sflag:s26] =	ssyncadd.s32 $0xFFFFD800  }
0xdf: {  	_ =	sfence.sel $0x180000  }
0xe0: {  	[bflag:$0x0] =	sbarrier.arrive $0xFFFF  }
0xe1: {  	_ =	strace $0x90000050  }
0xe2: {  	s0 =	stileid.u32;
	[bflag:$0x2] =	sbarrier.arrive $0xFFFF  }
0xe3: {  	p0 =	sne.s32 s0, $0x0;
	s0 =	rddreg [dreg:$0x3]  }
0xe4: {  	s0 =	sadd.s32 @!p0 $0x100000, s0  }
0xe5: {  	[sflag:s0] =	ssyncadd.tile.s32 @!p0 $0x1;
	_ =	shalt  }
.Lfunc_end2:
_tile_overlayer_lowered:
.L_overlay_start_2:
0xe6: {  	(tag) =	ssettag $0x2  }
0xe7: {  	s0 =	rddreg [dreg:$0x0];
	s2 =	stileid.u32  }
0xe8: {  	s1 =	rddreg [dreg:$0x1];
	p0 =	sne.s32 s2, $0x0  }
0xe9: {  	s3 =	rddreg [dreg:$0x2];
	[bflag:$0x3] =	sbarrier.arrive $0xFFFF;
	s2 =	simm.s32 @!p0 $0x1C03  }
0xea: {  	[timem:s3], [sflag:s2] =	dma.local @!p0 [hbm:s0], s1  }
0xeb: {  	s0 =	simm.s32 @!p0 $0x3  }
0xec: {  	_ =	swait.ge @!p0 [sflag:s0], s1  }
0xed: {  	s1 =	ssub.s32 @!p0 $0x0, s1;
	[sflag:s0] =	ssyncset.done @!p0 $0x0  }
0xee: {  	[sflag:s0] =	ssyncadd.s32 @!p0 s1  }
0xef: {  	[bflag:$0x3] =	sbarrier.arrive $0xFFFF  }
0xf0: {  	_ =	shalt  }

// kernel: kernel.26.cloned.1.call-start
scs
__scs_entry_jumppad:
0x0: {  	(pc) =	sbr.rel $0x88, $3  }
0x1: {  	(tag) =	ssettag $0x0;
	lr =	simm.s32 $0x1  }
0x2: {  	[smem:$0x3F92] =	sst lr;
	_ =	strace $0xD0000000  }
0x3: {  	_ = 	snop  }
0x4: {  	_ = 	snop  }
0x5: {  	_ = 	snop  }
0x6: {  	_ = 	snop  }
0x7: {  	_ = 	snop  }
__scs_overlays_trampoline_lowered:
0x8: {  	[smem:$0x3FA1] =	sst s0  }
0x9: {  	[smem:$0x3FA2] =	sst s1  }
0xa: {  	[smem:$0x3FA3] =	sst s2  }
0xb: {  	[smem:$0x3FA4] =	sst s3  }
0xc: {  	[smem:$0x3FA5] =	sst s4  }
0xd: {  	[smem:$0x3FA6] =	sst s5  }
0xe: {  	[smem:$0x3FA7] =	sst s6  }
0xf: {  	[smem:$0x3FA8] =	sst s7  }
0x10: {  	[smem:$0x3FA9] =	sst s8  }
0x11: {  	[smem:$0x3FAA] =	sst s9;
	s0 =	simm.s32 @!p0 $0x0  }
0x12: {  	s1 =	sld [smem:$0x3F90];
	s0 =	simm.s32 @p0 $0x1  }
0x13: {  	[smem:$0x3FAB] =	sst s0;
	s0 =	simm.s32 @!p1 $0x0  }
0x14: {  	s2 =	sld [smem:$0x3F8F];
	s0 =	simm.s32 @p1 $0x1  }
0x15: {  	[smem:$0x3FAC] =	sst s0;
	s0 =	simm.s32 @!p2 $0x0  }
0x16: {  	s3 =	sld [smem:$0x3FDB];
	s0 =	simm.s32 @p2 $0x1  }
0x17: {  	s4 =	simm.s32 $0x1BF5;
	[smem:$0x3FAE] =	sst s0  }
0x18: {  	s0 =	sld [smem:$0x3F91];
	_ =	swait.ge [sflag:s4], $0x0  }
0x19: {  	s7 =	sld [smem:$0x3F92]  }
0x1a: {  	s8 =	sadd.s32 $0xFFFFE003, lr  }
0x1b: {  	s9 =	sadd.s32 $0xFFFFFEF7, lr;
	s5 =	simm.s32 $0xFFFFFFFF;
	p2 =	slt.u32 s8, $0xFFFFF086  }
0x1c: {  	p1 =	slt.u32 s9, $0xF7A;
	s5 =	simm.s32 @!p2 $0x0  }
0x1d: {  	s5 =	simm.s32 @p1 $0x1;
	p0 =	seq.s32 s7, s2  }
0x1e: {  	s7 =	smul.u32 @!p0 $0xF7A, s2;
	p2 =	seq.s32 @!p0 s5, $0x0  }
0x1f: {  	s9 =	smul.u32 $0xF7A, s1;
	s8 =	simm.s32 @!p0 $0x1BF5;
	p2 =	por !p2, p0  }
0x20: {  	[sflag:s8] =	ssyncset.s32 @!p0 $0xFFFFF086;
	s6 =	sadd.s32 @!p0 s3, s7;
	s7 =	simm.s32 @!p0 $0x108  }
0x21: {  	s3 =	sadd.s32 s3, s9;
	s6 =	sadd.s32 @!p0 $0x88, s6;
	s7 =	simm.s32 @p2 $0x1082  }
0x22: {  	[simem:s7], [sflag:s8] =	dma.local @!p0 [hbm:s6], $0xF7A  }
0x23: {  	s9 =	sor.u32 $0xD0000000, s2;
	s6 =	simm.s32 $0x108;
	_ =	swait.ge @!p0 [sflag:s8], $0x0  }
0x24: {  	s3 =	sadd.s32 $0x88, s3;
	s6 =	simm.s32 @!p1 $0x1082;
	[sflag:s4] =	ssyncset.s32 $0xFFFFF086  }
0x25: {  	[simem:s6], [sflag:s4] =	dma.local [hbm:s3], $0xF7A  }
0x26: {  	[smem:$0x3F92] =	sst s1;
	(tag) =	ssettag s2;
	_ =	strace s9  }
0x27: {  	s1 =	sld [smem:$0x3FA2]  }
0x28: {  	s2 =	sld [smem:$0x3FA3]  }
0x29: {  	s4 =	sld [smem:$0x3FA5]  }
0x2a: {  	p0 =	seq.s32 s5, $0x0;
	s5 =	sld [smem:$0x3FA6]  }
0x2b: {  	s6 =	sld [smem:$0x3FA7]  }
0x2c: {  	s7 =	sld [smem:$0x3FA8]  }
0x2d: {  	s3 =	simm.s32 $0x108;
	s8 =	sld [smem:$0x3FA9]  }
0x2e: {  	s3 =	simm.s32 @!p0 $0x1082;
	s9 =	sld [smem:$0x3FAA]  }
0x2f: {  	lr =	sadd.s32 s0, s3;
	s0 =	sld [smem:$0x3FA1]  }
0x30: {  	s3 =	sld [smem:$0x3FA4]  }
0x31: {  	[smem:$0x3FAD] =	sst s10  }
0x32: {  	s10 =	sld [smem:$0x3FAB];
	_ =	sdelay $0x3  }
0x33: {  	p0 =	seq.s32 s10, $0x1;
	s10 =	sld [smem:$0x3FAD];
	_ =	sdelay $0x3  }
0x34: {  	[smem:$0x3FAD] =	sst s10  }
0x35: {  	s10 =	sld [smem:$0x3FAC];
	_ =	sdelay $0x3  }
0x36: {  	p1 =	seq.s32 s10, $0x1;
	s10 =	sld [smem:$0x3FAD];
	_ =	sdelay $0x3  }
0x37: {  	[smem:$0x3FAD] =	sst s10  }
0x38: {  	s10 =	sld [smem:$0x3FAE]  }
0x39: {  	_ = 	snop;
	(pc) =	sbr.ind lr, $3  }
0x3a: {  	_ = 	snop  }
0x3b: {  	_ = 	snop  }
0x3c: {  	p2 =	seq.s32 s10, $0x1;
	s10 =	sld [smem:$0x3FAD]  }
0x3d: {  	_ =	shalt  }
0x3e: {  	_ =	shalt  }
0x3f: {  	_ =	shalt  }
0x40: {  	_ =	shalt  }
0x41: {  	_ =	shalt  }
0x42: {  	_ =	shalt  }
0x43: {  	_ =	shalt  }
0x44: {  	_ =	shalt  }
0x45: {  	_ =	shalt  }
0x46: {  	_ =	shalt  }
0x47: {  	_ =	shalt  }
0x48: {  	_ =	shalt  }
0x49: {  	_ =	shalt  }
0x4a: {  	_ =	shalt  }
0x4b: {  	_ =	shalt  }
0x4c: {  	_ =	shalt  }
0x4d: {  	_ =	shalt  }
0x4e: {  	_ =	shalt  }
0x4f: {  	_ =	shalt  }
0x50: {  	_ =	shalt  }
0x51: {  	_ =	shalt  }
0x52: {  	_ =	shalt  }
0x53: {  	_ =	shalt  }
0x54: {  	_ =	shalt  }
0x55: {  	_ =	shalt  }
0x56: {  	_ =	shalt  }
0x57: {  	_ =	shalt  }
0x58: {  	_ =	shalt  }
0x59: {  	_ =	shalt  }
0x5a: {  	_ =	shalt  }
0x5b: {  	_ =	shalt  }
0x5c: {  	_ =	shalt  }
0x5d: {  	_ =	shalt  }
0x5e: {  	_ =	shalt  }
0x5f: {  	_ =	shalt  }
0x60: {  	_ =	shalt  }
0x61: {  	_ =	shalt  }
0x62: {  	_ =	shalt  }
0x63: {  	_ =	shalt  }
0x64: {  	_ =	shalt  }
0x65: {  	_ =	shalt  }
0x66: {  	_ =	shalt  }
0x67: {  	_ =	shalt  }
0x68: {  	_ =	shalt  }
0x69: {  	_ =	shalt  }
0x6a: {  	_ =	shalt  }
0x6b: {  	_ =	shalt  }
0x6c: {  	_ =	shalt  }
0x6d: {  	_ =	shalt  }
0x6e: {  	_ =	shalt  }
0x6f: {  	_ =	shalt  }
0x70: {  	_ =	shalt  }
0x71: {  	_ =	shalt  }
0x72: {  	_ =	shalt  }
0x73: {  	_ =	shalt  }
0x74: {  	_ =	shalt  }
0x75: {  	_ =	shalt  }
0x76: {  	_ =	shalt  }
0x77: {  	_ =	shalt  }
0x78: {  	_ =	shalt  }
0x79: {  	_ =	shalt  }
0x7a: {  	_ =	shalt  }
0x7b: {  	_ =	shalt  }
0x7c: {  	_ =	shalt  }
0x7d: {  	_ =	shalt  }
0x7e: {  	_ =	shalt  }
0x7f: {  	_ =	shalt  }
0x80: {  	_ =	shalt  }
0x81: {  	_ =	shalt  }
0x82: {  	_ =	shalt  }
0x83: {  	_ =	shalt  }
0x84: {  	_ =	shalt  }
0x85: {  	_ =	shalt  }
0x86: {  	_ =	shalt  }
0x87: {  	_ =	shalt  }
.Lfunc_end0:
.L_simem_size_0:
called_computation.4_lowered:
.L_overlay_start_0:
0x88: {  	s2 =	sld [smem:$0x3FD9]  }
0x89: {  	s3 =	sld [smem:$0x3FFE];
	_ =	sdelay $0x1  }
0x8a: {  	s1 =	srdreg.scid  }
0x8b: {  	s0 =	sand.u32 $0x1, s1  }
0x8c: {  	s17 =	sshll.u32 s0, $0xA;
	s2 =	sadd.s32 s3, s2  }
0x8d: {  	s2 =	sadd.s32 s2, s17  }
0x8e: {  	[smem:$0x3FB9] =	sst s2  }
0x8f: {  	_ = 	snop  }
0x90: {  	s2 =	sld [smem:$0x3FD0];
	(tm) =	ssettm $0x1  }
0x91: {  	s18 =	sld [smem:$0x3FFB];
	_ =	sdelay $0x3  }
0x92: {  	_ =	strace s18  }
0x93: {  	s3 =	sld [smem:$0x3FFC];
	_ =	sdelay $0x3  }
0x94: {  	_ =	strace s3  }
0x95: {  	s3 =	sld [smem:$0x3FFD];
	_ =	sdelay $0x3  }
0x96: {  	_ =	strace s3  }
0x97: {  	_ =	strace $0x8FFFFFFF  }
0x98: {  	s19 =	sld [smem:$0x3FDB];
	_ =	sdelay $0x1  }
0x99: {  	s4 =	simm.s32 $_scs_section_size  }
0x9a: {  	s5 =	simm.s32 $_size__tile_overlayer_lowered;
	s6 =	simm.s32 $_tile_overlayer_lowered  }
0x9b: {  	s22 =	simm.s32 $0x1BFF;
	s21 =	sshll.u32 s6, $0x1;
	s3 =	sadd.s32 s4, s19  }
0x9c: {  	s7 =	simm.s32 $0x0;
	s20 =	sshll.u32 s5, $0x1;
	s5 =	sadd.s32 s21, s3  }
0x9d: {  	[timem:s7], [sflag:s22] =	dma.local [hbm:s5], s20  }
0x9e: {  	_ =	swait.ge [sflag:s22], s20  }
0x9f: {  	s4 =	ssub.s32 $0x0, s20;
	[sflag:s22] =	ssyncset.done $0x0  }
0xa0: {  	[sflag:s22] =	ssyncadd.s32 s4;
	_ =	sdelay $0x1  }
0xa1: {  	s23 =	simm.s32 $0x1B8B  }
0xa2: {  	_ =	swait.ge [sflag:s23], $0x1  }
0xa3: {  	[sflag:s23] =	ssyncset.done $0x0  }
0xa4: {  	s25 =	simm.s32 $0x1B8E;
	s24 =	sld [smem:$0x3FFE];
	[sflag:s23] =	ssyncadd.s32 $0xFFFFFFFF  }
0xa5: {  	s26 =	simm.s32 $execute0_lowered;
	[smem:$0x3FD2] =	sst s25  }
0xa6: {  	s5 =	sshll.u32 s26, $0x1;
	_ =	strace $0x80000052;
	[dreg:$0x1] =	wrdreg $0xFFFFFFFF  }
0xa7: {  	s28 =	simm.s32 $_size_execute0_lowered;
	s3 =	sadd.s32 s3, s5;
	[dreg:$0x0] =	wrdreg $0x0  }
0xa8: {  	s5 =	sshll.u32 s28, $0x1;
	[dreg:$0x2] =	wrdreg s3  }
0xa9: {  	[dreg:$0x3] =	wrdreg s5  }
0xaa: {  	[dreg:$0x4] =	wrdreg $0xC0  }
0xab: {  	_ =	task [dreg:s7], $0x5FFFF  }
0xac: {  	[dreg:$0x1] =	wrdreg $0xFFFFFFFF  }
0xad: {  	[dreg:$0x0] =	wrdreg $0x60  }
0xae: {  	[dreg:$0x2] =	wrdreg s24  }
0xaf: {  	[dreg:$0x3] =	wrdreg s2  }
0xb0: {  	[dreg:$0x4] =	wrdreg $0x42000  }
0xb1: {  	[dreg:$0x5] =	wrdreg $0x9  }
0xb2: {  	_ =	task.clear_ibuf [dreg:s7], $0x6FFFF;
	_ =	strace $0x90000052  }
0xb3: {  	s29 =	simm.s32 $0x9;
	_ =	strace $0x80000054  }
0xb4: {  	_ =	swait.ge [sflag:s29], $0x1  }
0xb5: {  	[sflag:s29] =	ssyncadd.s32 $0xFFFFFFFF  }
0xb6: {  	_ =	strace $0x90000054  }
0xb7: {  	_ =	sfence  }
0xb8: {  	s30 =	sld [smem:$0x0];
	_ =	sdelay $0x2  }
0xb9: {  	s31 =	sshll.u32 s1, $0xD;
	s1 =	sshrl.u32 s1, $0x2  }
0xba: {  	s3 =	sand.u32 $0x4000, s31;
	s1 =	sadd.s32 s1, s30  }
0xbb: {  	s0 =	sor.u32 s3, s0;
	s1 =	sshll.u32 s1, $0x11  }
0xbc: {  	s0 =	sor.u32 s1, s0  }
0xbd: {  	s0 =	sadd.s32 $0x8F2B, s0  }
0xbe: {  	[sflag:s0] =	ssyncadd.remote.s32 $0x1  }
0xbf: {  	_ =	sfence.sel $0xFFFF  }
0xc0: {  	[dreg:$0x0] =	wrdreg $0xFFFFFFFF;
	(pc) =	sbr.abs _section_cstart, $3  }
0xc1: {  	[dreg:$0x1] =	wrdreg $0xFFFFFFFF  }
0xc2: {  	_ =	task.clear_ibuf [dreg:s7], $0x2FFFF;
	_ =	strace $0x9FFFFFFF  }
0xc3: {  	(tm) =	ssettm $0x7FFFFFFF  }
tec
execute0_lowered:
.L_overlay_start_1:
0x0: {  	(tag) =	ssettag $0x1  }
0x1: {  	s0 =	rddreg [dreg:$0x0]  }
0x2: {  	s2 =	rddreg [dreg:$0x1]  }
0x3: {  	s1 =	rddreg [dreg:$0x2];
	s3 =	simm.s32 $0x0;
	s4 =	srdreg.scid  }
0x4: {  	s11 =	stileid.u32;
	s28 =	simm.s32 $0x100;
	s29 =	simm.s32 $0x40  }
0x5: {  	s30 =	simm.s32 $0x80;
	s31 =	simm.s32 $0x180;
	s5 =	smul.u32 $0x50000, s11  }
0x6: {  	[smem:$0x7FF] =	sst s3;
	s6 =	sand.u32 $0x1, s4;
	s7 =	sadd.s32 $0xF200, s0  }
0x7: {  	s8 =	sadd.s32 $0x5200, s0;
	s4 =	sadd.s32 $0x5C3200, s0;
	s5 =	sshrl.u32 s5, $0x2  }
0x8: {  	_ =	strace $0x80000053;
	s9 =	ssub.s32 $0x2, s6;
	s5 =	sadd.s32 s5, s1  }
0x9: {  	s15 =	sshll.u32 s6, $0x4;
	s19 =	smul.u32 $0x140000, s6;
	s10 =	sadd.s32 $0x2000, s5  }
0xa: {  	s6 =	smul.u32 $0x28000, s6;
	s16 =	sadd.s32 $0x4000, s5;
	[dreg:$0x4] =	wrdreg s10  }
0xb: {  	s14 =	sshrl.u32 s9, $0x1;
	s17 =	sadd.s32 $0x6000, s5;
	[dreg:$0x5] =	wrdreg s16  }
0xc: {  	s0 =	ssub.s32 s9, s14;
	s18 =	sadd.s32 $0x8000, s5;
	[dreg:$0x6] =	wrdreg s17  }
0xd: {  	s9 =	sor.u32 s11, s15;
	s12 =	sadd.s32 $0xA000, s5;
	[dreg:$0x7] =	wrdreg s18  }
0xe: {  	s15 =	smul.u32 $0x14000, s11;
	s20 =	sadd.s32 $0xC000, s5;
	[dreg:$0x8] =	wrdreg s12  }
0xf: {  	s21 =	sadd.s32 $0xE000, s5;
	s9 =	smul.u32 $0x2800, s9;
	[dreg:$0x9] =	wrdreg s20  }
0x10: {  	s13 =	sadd.s32 $0x10000, s5;
	s14 =	sadd.s32 $0x12000, s5;
	[dreg:$0xa] =	wrdreg s21  }
0x11: {  	s10 =	sadd.s32 s15, s19;
	s19 =	smul.u32 $0x2800, s11;
	s9 =	sshrl.u32 s9, $0x3  }
0x12: {  	s18 =	smax.u32 s0, $0x1;
	s10 =	sshrl.u32 s10, $0x3;
	s15 =	sadd.s32 s7, s9  }
0x13: {  	s16 =	sadd.s32 s8, s9;
	s17 =	sadd.s32 s2, s10;
	s22 =	sadd.s32 $0x4F8, s9  }
0x14: {  	s23 =	sadd.s32 s19, s6;
	s6 =	simm.s32 $0x2;
	s19 =	sadd.s32 s7, s22  }
0x15: {  	s20 =	sadd.s32 s8, s22;
	s24 =	sshrl.u32 s23, $0x3;
	s2 =	sor.u32 $0x80, s23  }
0x16: {  	s25 =	sadd.s32 s24, s7;
	s0 =	sadd.s32 s24, s8;
	s26 =	sshrl.u32 s2, $0x3  }
0x17: {  	s2 =	simm.s32 $0x2200;
	s21 =	sadd.s32 $0x8, s25;
	s22 =	sadd.s32 $0x8, s0  }
0x18: {  	s23 =	sadd.s32 s26, s8;
	s24 =	sadd.s32 s26, s7;
	s25 =	simm.s32 $0x200  }
0x19: {  	v0 =	vimm.f32 $0.0e+00;
	s26 =	simm.s32 $0x3;
	s0 =	simm.s32 $0x1;
	s7 =	simm.s32 $0x0  }
.LBB2_1:
0x1a: {  	s8 =	simm.s32 $0x0;
	s9 =	simm.s32 $0x200  }
.LBB2_2:
0x1b: {  	p0 =	sne.s32 s9, $0x7E00;
	[tilespmem:s8+$0x270] =	vst v0  }
0x1c: {  	[tilespmem:s8+$0x200] =	vst v0  }
0x1d: {  	[tilespmem:s8+$0x210] =	vst v0  }
.Ltmp0:
0x1e: {  	[tilespmem:s8+$0x220] =	vst v0;
	(pc) =	sbr.rel @p0 .LBB2_2-.Ltmp0, $4  }
0x1f: {  	[tilespmem:s8+$0x230] =	vst v0  }
0x20: {  	[tilespmem:s8+$0x240] =	vst v0  }
0x21: {  	[tilespmem:s8+$0x250] =	vst v0  }
0x22: {  	[tilespmem:s8+$0x260] =	vst v0;
	s8 =	sshra.s32 s9, $0x2;
	s9 =	sadd.s32 $0x200, s9  }
0x23: {  	[tilespmem:s8+$0x270] =	vst v0  }
0x24: {  	[tilespmem:s8+$0x200] =	vst v0  }
0x25: {  	[tilespmem:s8+$0x210] =	vst v0  }
0x26: {  	[tilespmem:s8+$0x220] =	vst v0  }
0x27: {  	[tilespmem:s8+$0x230] =	vst v0  }
0x28: {  	[tilespmem:s8+$0x240] =	vst v0  }
0x29: {  	[tilespmem:s8+$0x250] =	vst v0  }
0x2a: {  	[tilespmem:s8+$0x260] =	vst v0  }
0x2b: {  	[spmem:s5] =	stream.linear.scatter [tilespmem:s25], [sflag:$0x3], $0x2000, $0x38;
	[tilespmem:$0x18200] =	vst v63  }
0x2c: {  	_ =	swait.ge [sflag:s26], $0x2000  }
0x2d: {  	[sflag:s26] =	ssyncset.done $0x0  }
0x2e: {  	s9 =	rddreg [dreg:$0x4];
	[sflag:s26] =	ssyncadd.s32 $0xFFFFE000  }
0x2f: {  	[spmem:s9] =	stream.linear.scatter [tilespmem:s25], [sflag:$0x3], $0x2000, $0x38;
	[tilespmem:$0x18200] =	vst v63  }
0x30: {  	_ =	swait.ge [sflag:s26], $0x2000  }
0x31: {  	[sflag:s26] =	ssyncset.done $0x0  }
0x32: {  	s10 =	rddreg [dreg:$0x5];
	[sflag:s26] =	ssyncadd.s32 $0xFFFFE000  }
0x33: {  	[spmem:s10] =	stream.linear.scatter [tilespmem:s25], [sflag:$0x3], $0x2000, $0x38;
	[tilespmem:$0x18200] =	vst v63  }
0x34: {  	_ =	swait.ge [sflag:s26], $0x2000  }
0x35: {  	[sflag:s26] =	ssyncset.done $0x0  }
0x36: {  	s11 =	rddreg [dreg:$0x6];
	[sflag:s26] =	ssyncadd.s32 $0xFFFFE000  }
0x37: {  	[spmem:s11] =	stream.linear.scatter [tilespmem:s25], [sflag:$0x3], $0x2000, $0x38;
	[tilespmem:$0x18200] =	vst v63  }
0x38: {  	_ =	swait.ge [sflag:s26], $0x2000  }
0x39: {  	[sflag:s26] =	ssyncset.done $0x0  }
0x3a: {  	s12 =	rddreg [dreg:$0x7];
	[sflag:s26] =	ssyncadd.s32 $0xFFFFE000  }
0x3b: {  	[spmem:s12] =	stream.linear.scatter [tilespmem:s25], [sflag:$0x3], $0x2000, $0x38;
	[tilespmem:$0x18200] =	vst v63  }
0x3c: {  	_ =	swait.ge [sflag:s26], $0x2000  }
0x3d: {  	[sflag:s26] =	ssyncset.done $0x0  }
0x3e: {  	s9 =	rddreg [dreg:$0x8];
	[sflag:s26] =	ssyncadd.s32 $0xFFFFE000  }
0x3f: {  	[spmem:s9] =	stream.linear.scatter [tilespmem:s25], [sflag:$0x3], $0x2000, $0x38;
	[tilespmem:$0x18200] =	vst v63  }
0x40: {  	_ =	swait.ge [sflag:s26], $0x2000  }
0x41: {  	[sflag:s26] =	ssyncset.done $0x0  }
0x42: {  	s10 =	rddreg [dreg:$0x9];
	[sflag:s26] =	ssyncadd.s32 $0xFFFFE000  }
0x43: {  	[spmem:s10] =	stream.linear.scatter [tilespmem:s25], [sflag:$0x3], $0x2000, $0x38;
	[tilespmem:$0x18200] =	vst v63  }
0x44: {  	_ =	swait.ge [sflag:s26], $0x2000  }
0x45: {  	[sflag:s26] =	ssyncset.done $0x0  }
0x46: {  	s11 =	rddreg [dreg:$0xa];
	[sflag:s26] =	ssyncadd.s32 $0xFFFFE000  }
0x47: {  	[spmem:s11] =	stream.linear.scatter [tilespmem:s25], [sflag:$0x3], $0x2000, $0x38;
	[tilespmem:$0x18200] =	vst v63  }
0x48: {  	_ =	swait.ge [sflag:s26], $0x2000  }
0x49: {  	[sflag:s26] =	ssyncset.done $0x0  }
0x4a: {  	[sflag:s26] =	ssyncadd.s32 $0xFFFFE000  }
0x4b: {  	[spmem:s13] =	stream.linear.scatter [tilespmem:s25], [sflag:$0x3], $0x2000, $0x38;
	[tilespmem:$0x18200] =	vst v63  }
0x4c: {  	_ =	swait.ge [sflag:s26], $0x2000  }
0x4d: {  	[sflag:s26] =	ssyncset.done $0x0  }
0x4e: {  	[sflag:s26] =	ssyncadd.s32 $0xFFFFE000  }
0x4f: {  	[spmem:s14] =	stream.linear.scatter [tilespmem:s25], [sflag:$0x3], $0x2000, $0x38;
	[tilespmem:$0x18200] =	vst v63  }
0x50: {  	_ =	swait.ge [sflag:s26], $0x2000  }
0x51: {  	[sflag:s26] =	ssyncset.done $0x0  }
0x52: {  	[sflag:s26] =	ssyncadd.s32 $0xFFFFE000  }
0x53: {  	s12 =	simm.s32 $0x0;
	[bflag:$0x0] =	sbarrier.arrive $0xFFFF  }
0x54: {  	[tilespmem:s12], [sflag:$0x3] =	stream.linear.gather [hbm4b:s15+s12], $0x40, $0x38;
	[tilespmem:$0x18200] =	vst v63  }
0x55: {  	_ =	swait.ge [sflag:s26], $0x40  }
0x56: {  	[sflag:s26] =	ssyncset.done $0x0  }
0x57: {  	[sflag:s26] =	ssyncadd.s32 $0xFFFFFFC0  }
0x58: {  	[tilespmem:s28], [sflag:$0x3] =	stream.linear.gather [hbm4b:s16+s12], $0x40, $0x38;
	[tilespmem:$0x18200] =	vst v63  }
0x59: {  	_ =	swait.ge [sflag:s26], $0x40  }
0x5a: {  	[sflag:s26] =	ssyncset.done $0x0  }
0x5b: {  	[sflag:s26] =	ssyncadd.s32 $0xFFFFFFC0  }
0x5c: {  	[tilespmem:s25], [sflag:$0x1] =	stream.indirect.gather [hbm4b:s4+s29], $0x80, s12, s29, $0xb8;
	[tilespmem:$0x18200] =	vst v63  }
0x5d: {  	s9 =	sadd.s32 $0x0, s21  }
0x5e: {  	[tilespmem:s30], [sflag:$0x3] =	stream.linear.gather [hbm4b:s9+s3], $0x40, $0x38;
	[tilespmem:$0x18200] =	vst v63  }
0x5f: {  	_ =	swait.ge [sflag:s26], $0x40  }
0x60: {  	[sflag:s26] =	ssyncset.done $0x0  }
0x61: {  	s10 =	sadd.s32 $0x0, s22;
	[sflag:s26] =	ssyncadd.s32 $0xFFFFFFC0  }
0x62: {  	[tilespmem:s31], [sflag:$0x3] =	stream.linear.gather [hbm4b:s10+s3], $0x40, $0x38;
	[tilespmem:$0x18200] =	vst v63  }
0x63: {  	_ =	swait.ge [sflag:s26], $0x40  }
0x64: {  	[sflag:s26] =	ssyncset.done $0x0  }
0x65: {  	[sflag:s26] =	ssyncadd.s32 $0xFFFFFFC0  }
0x66: {  	_ =	swait.ge [sflag:s0], $0x2000  }
0x67: {  	[sflag:s0] =	ssyncset.done $0x0  }
0x68: {  	[sflag:s0] =	ssyncadd.s32 $0xFFFFE000  }
0x69: {  	[tilespmem:s2], [sflag:$0x2] =	stream.indirect.gather [hbm4b:s4+s29], $0x80, s30, s29, $0xb8;
	[tilespmem:$0x18200] =	vst v63  }
0x6a: {  	_ = 	snop  }
0x6b: {  	[spmem:s1] =	stream.indirect.scatter.add.f32 [tilespmem:s25], [sflag:$0x3], $0x80, s28, s29, $0xb8;
	[tilespmem:$0x18200] =	vst v63  }
0x6c: {  	_ =	swait.ge [sflag:s26], $0x2000  }
0x6d: {  	[sflag:s26] =	ssyncset.done $0x0  }
0x6e: {  	s11 =	sadd.s32 $0x0, s24;
	[sflag:s26] =	ssyncadd.s32 $0xFFFFE000  }
0x6f: {  	[tilespmem:s3], [sflag:$0x3] =	stream.linear.gather [hbm4b:s11+s3], $0x40, $0x38;
	[tilespmem:$0x18200] =	vst v63  }
0x70: {  	_ =	swait.ge [sflag:s26], $0x40  }
0x71: {  	[sflag:s26] =	ssyncset.done $0x0  }
0x72: {  	s12 =	sadd.s32 $0x0, s23;
	[sflag:s26] =	ssyncadd.s32 $0xFFFFFFC0  }
0x73: {  	[tilespmem:s28], [sflag:$0x3] =	stream.linear.gather [hbm4b:s12+s3], $0x40, $0x38;
	[tilespmem:$0x18200] =	vst v63  }
0x74: {  	_ =	swait.ge [sflag:s26], $0x40  }
0x75: {  	[sflag:s26] =	ssyncset.done $0x0  }
0x76: {  	[sflag:s26] =	ssyncadd.s32 $0xFFFFFFC0  }
0x77: {  	[tilespmem:s25], [sflag:$0x1] =	stream.indirect.gather [hbm4b:s4+s29], $0x80, s3, s29, $0xb8;
	[tilespmem:$0x18200] =	vst v63  }
0x78: {  	_ =	swait.ge [sflag:s6], $0x2000  }
0x79: {  	[sflag:s6] =	ssyncset.done $0x0  }
0x7a: {  	[sflag:s6] =	ssyncadd.s32 $0xFFFFE000  }
0x7b: {  	[spmem:s1] =	stream.indirect.scatter.add.f32 [tilespmem:s2], [sflag:$0x3], $0x80, s31, s29, $0xb8;
	[tilespmem:$0x18200] =	vst v63  }
0x7c: {  	_ =	swait.ge [sflag:s26], $0x2000  }
0x7d: {  	s8 =	simm.s32 $0x10;
	s9 =	simm.s32 $0x20;
	[sflag:s26] =	ssyncset.done $0x0  }
.LBB2_4:
0x7e: {  	s11 =	sadd.s32 s8, s21  }
0x7f: {  	[sflag:s26] =	ssyncadd.s32 $0xFFFFE000;
	s12 =	smov.u32 s9;
	s10 =	sadd.s32 $0x10, s9  }
0x80: {  	[tilespmem:s30], [sflag:$0x3] =	stream.linear.gather [hbm4b:s11+s3], $0x40, $0x38;
	[tilespmem:$0x18200] =	vst v63  }
0x81: {  	p0 =	sne.s32 s9, $0x4E0;
	_ =	swait.ge [sflag:s26], $0x40  }
0x82: {  	[sflag:s26] =	ssyncset.done $0x0  }
0x83: {  	s9 =	sadd.s32 s8, s22;
	[sflag:s26] =	ssyncadd.s32 $0xFFFFFFC0  }
0x84: {  	[tilespmem:s31], [sflag:$0x3] =	stream.linear.gather [hbm4b:s9+s3], $0x40, $0x38;
	[tilespmem:$0x18200] =	vst v63  }
0x85: {  	_ =	swait.ge [sflag:s26], $0x40  }
0x86: {  	[sflag:s26] =	ssyncset.done $0x0  }
0x87: {  	[sflag:s26] =	ssyncadd.s32 $0xFFFFFFC0  }
0x88: {  	_ =	swait.ge [sflag:s0], $0x2000  }
0x89: {  	[sflag:s0] =	ssyncset.done $0x0  }
0x8a: {  	[sflag:s0] =	ssyncadd.s32 $0xFFFFE000  }
0x8b: {  	[tilespmem:s2], [sflag:$0x2] =	stream.indirect.gather [hbm4b:s4+s29], $0x80, s30, s29, $0xb8;
	[tilespmem:$0x18200] =	vst v63  }
0x8c: {  	_ = 	snop  }
0x8d: {  	[spmem:s1] =	stream.indirect.scatter.add.f32 [tilespmem:s25], [sflag:$0x3], $0x80, s28, s29, $0xb8;
	[tilespmem:$0x18200] =	vst v63  }
0x8e: {  	_ =	swait.ge [sflag:s26], $0x2000  }
0x8f: {  	[sflag:s26] =	ssyncset.done $0x0  }
0x90: {  	s9 =	sadd.s32 s8, s24;
	[sflag:s26] =	ssyncadd.s32 $0xFFFFE000  }
0x91: {  	[tilespmem:s3], [sflag:$0x3] =	stream.linear.gather [hbm4b:s9+s3], $0x40, $0x38;
	[tilespmem:$0x18200] =	vst v63  }
0x92: {  	_ =	swait.ge [sflag:s26], $0x40  }
0x93: {  	[sflag:s26] =	ssyncset.done $0x0  }
0x94: {  	s9 =	sadd.s32 s8, s23;
	s8 =	smov.u32 s12;
	[sflag:s26] =	ssyncadd.s32 $0xFFFFFFC0  }
0x95: {  	[tilespmem:s28], [sflag:$0x3] =	stream.linear.gather [hbm4b:s9+s3], $0x40, $0x38;
	[tilespmem:$0x18200] =	vst v63  }
0x96: {  	_ =	swait.ge [sflag:s26], $0x40  }
0x97: {  	[sflag:s26] =	ssyncset.done $0x0  }
0x98: {  	[sflag:s26] =	ssyncadd.s32 $0xFFFFFFC0  }
0x99: {  	[tilespmem:s25], [sflag:$0x1] =	stream.indirect.gather [hbm4b:s4+s29], $0x80, s3, s29, $0xb8;
	[tilespmem:$0x18200] =	vst v63  }
0x9a: {  	_ =	swait.ge [sflag:s6], $0x2000  }
.Ltmp1:
0x9b: {  	[sflag:s6] =	ssyncset.done $0x0;
	(pc) =	sbr.rel @p0 .LBB2_4-.Ltmp1, $4  }
0x9c: {  	[sflag:s6] =	ssyncadd.s32 $0xFFFFE000  }
0x9d: {  	[spmem:s1] =	stream.indirect.scatter.add.f32 [tilespmem:s2], [sflag:$0x3], $0x80, s31, s29, $0xb8;
	[tilespmem:$0x18200] =	vst v63  }
0x9e: {  	_ =	swait.ge [sflag:s26], $0x2000  }
0x9f: {  	s9 =	smov.u32 s10;
	[sflag:s26] =	ssyncset.done $0x0  }
0xa0: {  	s9 =	sadd.s32 s8, s21;
	[sflag:s26] =	ssyncadd.s32 $0xFFFFE000  }
0xa1: {  	[tilespmem:s30], [sflag:$0x3] =	stream.linear.gather [hbm4b:s9+s3], $0x40, $0x38;
	[tilespmem:$0x18200] =	vst v63  }
0xa2: {  	_ =	swait.ge [sflag:s26], $0x40  }
0xa3: {  	[sflag:s26] =	ssyncset.done $0x0  }
0xa4: {  	s11 =	sadd.s32 s8, s22;
	[sflag:s26] =	ssyncadd.s32 $0xFFFFFFC0  }
0xa5: {  	[tilespmem:s31], [sflag:$0x3] =	stream.linear.gather [hbm4b:s11+s3], $0x40, $0x38;
	[tilespmem:$0x18200] =	vst v63  }
0xa6: {  	_ =	swait.ge [sflag:s26], $0x40  }
0xa7: {  	[sflag:s26] =	ssyncset.done $0x0  }
0xa8: {  	[sflag:s26] =	ssyncadd.s32 $0xFFFFFFC0  }
0xa9: {  	_ =	swait.ge [sflag:s0], $0x2000  }
0xaa: {  	[sflag:s0] =	ssyncset.done $0x0  }
0xab: {  	[sflag:s0] =	ssyncadd.s32 $0xFFFFE000  }
0xac: {  	[tilespmem:s2], [sflag:$0x2] =	stream.indirect.gather [hbm4b:s4+s29], $0x80, s30, s29, $0xb8;
	[tilespmem:$0x18200] =	vst v63  }
0xad: {  	_ = 	snop  }
0xae: {  	[spmem:s1] =	stream.indirect.scatter.add.f32 [tilespmem:s25], [sflag:$0x3], $0x80, s28, s29, $0xb8;
	[tilespmem:$0x18200] =	vst v63  }
0xaf: {  	_ =	swait.ge [sflag:s26], $0x2000  }
0xb0: {  	[sflag:s26] =	ssyncset.done $0x0  }
0xb1: {  	s12 =	sadd.s32 s8, s24;
	[sflag:s26] =	ssyncadd.s32 $0xFFFFE000  }
0xb2: {  	[tilespmem:s3], [sflag:$0x3] =	stream.linear.gather [hbm4b:s12+s3], $0x40, $0x38;
	[tilespmem:$0x18200] =	vst v63  }
0xb3: {  	_ =	swait.ge [sflag:s26], $0x40  }
0xb4: {  	[sflag:s26] =	ssyncset.done $0x0  }
0xb5: {  	s10 =	sadd.s32 s8, s23;
	[sflag:s26] =	ssyncadd.s32 $0xFFFFFFC0  }
0xb6: {  	[tilespmem:s28], [sflag:$0x3] =	stream.linear.gather [hbm4b:s10+s3], $0x40, $0x38;
	[tilespmem:$0x18200] =	vst v63  }
0xb7: {  	_ =	swait.ge [sflag:s26], $0x40  }
0xb8: {  	[sflag:s26] =	ssyncset.done $0x0  }
0xb9: {  	[sflag:s26] =	ssyncadd.s32 $0xFFFFFFC0  }
0xba: {  	[tilespmem:s25], [sflag:$0x1] =	stream.indirect.gather [hbm4b:s4+s29], $0x80, s3, s29, $0xb8;
	[tilespmem:$0x18200] =	vst v63  }
0xbb: {  	_ =	swait.ge [sflag:s6], $0x2000  }
0xbc: {  	[sflag:s6] =	ssyncset.done $0x0  }
0xbd: {  	[sflag:s6] =	ssyncadd.s32 $0xFFFFE000  }
0xbe: {  	[spmem:s1] =	stream.indirect.scatter.add.f32 [tilespmem:s2], [sflag:$0x3], $0x80, s31, s29, $0xb8;
	[tilespmem:$0x18200] =	vst v63  }
0xbf: {  	_ =	swait.ge [sflag:s26], $0x2000  }
0xc0: {  	[sflag:s26] =	ssyncset.done $0x0  }
0xc1: {  	[sflag:s26] =	ssyncadd.s32 $0xFFFFE000  }
0xc2: {  	[tilespmem:s30], [sflag:$0x3] =	stream.linear.gather [hbm4b:s19+s3], $0x40, $0x38;
	[tilespmem:$0x18200] =	vst v63  }
0xc3: {  	_ =	swait.ge [sflag:s26], $0x40  }
0xc4: {  	[sflag:s26] =	ssyncset.done $0x0  }
0xc5: {  	[sflag:s26] =	ssyncadd.s32 $0xFFFFFFC0  }
0xc6: {  	[tilespmem:s31], [sflag:$0x3] =	stream.linear.gather [hbm4b:s20+s3], $0x40, $0x38;
	[tilespmem:$0x18200] =	vst v63  }
0xc7: {  	_ =	swait.ge [sflag:s26], $0x40  }
0xc8: {  	[sflag:s26] =	ssyncset.done $0x0  }
0xc9: {  	[sflag:s26] =	ssyncadd.s32 $0xFFFFFFC0  }
0xca: {  	_ =	swait.ge [sflag:s0], $0x2000  }
0xcb: {  	[sflag:s0] =	ssyncset.done $0x0  }
0xcc: {  	[sflag:s0] =	ssyncadd.s32 $0xFFFFE000  }
0xcd: {  	[tilespmem:s2], [sflag:$0x2] =	stream.indirect.gather [hbm4b:s4+s29], $0x80, s30, s29, $0xb8;
	[tilespmem:$0x18200] =	vst v63  }
0xce: {  	_ = 	snop  }
0xcf: {  	[spmem:s1] =	stream.indirect.scatter.add.f32 [tilespmem:s25], [sflag:$0x3], $0x80, s28, s29, $0xb8;
	[tilespmem:$0x18200] =	vst v63  }
0xd0: {  	_ =	swait.ge [sflag:s26], $0x2000  }
0xd1: {  	[sflag:s26] =	ssyncset.done $0x0  }
0xd2: {  	[sflag:s26] =	ssyncadd.s32 $0xFFFFE000  }
0xd3: {  	_ =	swait.ge [sflag:s6], $0x2000  }
0xd4: {  	[sflag:s6] =	ssyncset.done $0x0  }
0xd5: {  	[sflag:s6] =	ssyncadd.s32 $0xFFFFE000  }
0xd6: {  	[spmem:s1] =	stream.indirect.scatter.add.f32 [tilespmem:s2], [sflag:$0x3], $0x80, s31, s29, $0xb8;
	[tilespmem:$0x18200] =	vst v63  }
0xd7: {  	s11 =	stileid.u32;
	_ =	swait.ge [sflag:s26], $0x2000  }
0xd8: {  	s7 =	sadd.s32 $0x1, s7;
	s8 =	sshll.u32 s11, $0x6;
	[sflag:s26] =	ssyncset.done $0x0  }
0xd9: {  	p0 =	sne.s32 s7, s18;
	s8 =	sor.u32 $0x1C03, s8;
	[sflag:s26] =	ssyncadd.s32 $0xFFFFE000  }
.Ltmp2:
0xda: {  	s12 =	sshrl.u32 s5, $0x3;
	[bflag:$0x0] =	sbarrier.arrive $0xFFFF;
	(pc) =	sbr.rel @p0 .LBB2_1-.Ltmp2, $4  }
0xdb: {  	[hbm:s17], [sflag:s8] =	dma.local [spmem:s12], $0x2800  }
0xdc: {  	_ =	swait.ge [sflag:s26], $0x2800  }
0xdd: {  	[sflag:s26] =	ssyncset.done $0x0  }
0xde: {  	[sflag:s26] =	ssyncadd.s32 $0xFFFFD800  }
0xdf: {  	_ =	sfence.sel $0x180000  }
0xe0: {  	[bflag:$0x0] =	sbarrier.arrive $0xFFFF  }
0xe1: {  	_ =	strace $0x90000053  }
0xe2: {  	s0 =	stileid.u32;
	[bflag:$0x2] =	sbarrier.arrive $0xFFFF  }
0xe3: {  	p0 =	sne.s32 s0, $0x0;
	s0 =	rddreg [dreg:$0x3]  }
0xe4: {  	s0 =	sadd.s32 @!p0 $0x100000, s0  }
0xe5: {  	[sflag:s0] =	ssyncadd.tile.s32 @!p0 $0x1;
	_ =	shalt  }
.Lfunc_end2:
_tile_overlayer_lowered:
.L_overlay_start_2:
0xe6: {  	(tag) =	ssettag $0x2  }
0xe7: {  	s0 =	rddreg [dreg:$0x0];
	s2 =	stileid.u32  }
0xe8: {  	s1 =	rddreg [dreg:$0x1];
	p0 =	sne.s32 s2, $0x0  }
0xe9: {  	s3 =	rddreg [dreg:$0x2];
	[bflag:$0x3] =	sbarrier.arrive $0xFFFF;
	s2 =	simm.s32 @!p0 $0x1C03  }
0xea: {  	[timem:s3], [sflag:s2] =	dma.local @!p0 [hbm:s0], s1  }
0xeb: {  	s0 =	simm.s32 @!p0 $0x3  }
0xec: {  	_ =	swait.ge @!p0 [sflag:s0], s1  }
0xed: {  	s1 =	ssub.s32 @!p0 $0x0, s1;
	[sflag:s0] =	ssyncset.done @!p0 $0x0  }
0xee: {  	[sflag:s0] =	ssyncadd.s32 @!p0 s1  }
0xef: {  	[bflag:$0x3] =	sbarrier.arrive $0xFFFF  }
0xf0: {  	_ =	shalt  }

// kernel: kernel.29.cloned.1.call-start
scs
__scs_entry_jumppad:
0x0: {  	(pc) =	sbr.rel $0x88, $3  }
0x1: {  	(tag) =	ssettag $0x0;
	lr =	simm.s32 $0x1  }
0x2: {  	[smem:$0x3F92] =	sst lr;
	_ =	strace $0xD0000000  }
0x3: {  	_ = 	snop  }
0x4: {  	_ = 	snop  }
0x5: {  	_ = 	snop  }
0x6: {  	_ = 	snop  }
0x7: {  	_ = 	snop  }
__scs_overlays_trampoline_lowered:
0x8: {  	[smem:$0x3FA1] =	sst s0  }
0x9: {  	[smem:$0x3FA2] =	sst s1  }
0xa: {  	[smem:$0x3FA3] =	sst s2  }
0xb: {  	[smem:$0x3FA4] =	sst s3  }
0xc: {  	[smem:$0x3FA5] =	sst s4  }
0xd: {  	[smem:$0x3FA6] =	sst s5  }
0xe: {  	[smem:$0x3FA7] =	sst s6  }
0xf: {  	[smem:$0x3FA8] =	sst s7  }
0x10: {  	[smem:$0x3FA9] =	sst s8  }
0x11: {  	[smem:$0x3FAA] =	sst s9;
	s0 =	simm.s32 @!p0 $0x0  }
0x12: {  	s1 =	sld [smem:$0x3F90];
	s0 =	simm.s32 @p0 $0x1  }
0x13: {  	[smem:$0x3FAB] =	sst s0;
	s0 =	simm.s32 @!p1 $0x0  }
0x14: {  	s2 =	sld [smem:$0x3F8F];
	s0 =	simm.s32 @p1 $0x1  }
0x15: {  	[smem:$0x3FAC] =	sst s0;
	s0 =	simm.s32 @!p2 $0x0  }
0x16: {  	s3 =	sld [smem:$0x3FDB];
	s0 =	simm.s32 @p2 $0x1  }
0x17: {  	s4 =	simm.s32 $0x1BF5;
	[smem:$0x3FAE] =	sst s0  }
0x18: {  	s0 =	sld [smem:$0x3F91];
	_ =	swait.ge [sflag:s4], $0x0  }
0x19: {  	s7 =	sld [smem:$0x3F92]  }
0x1a: {  	s8 =	sadd.s32 $0xFFFFE003, lr  }
0x1b: {  	s9 =	sadd.s32 $0xFFFFFEF7, lr;
	s5 =	simm.s32 $0xFFFFFFFF;
	p2 =	slt.u32 s8, $0xFFFFF086  }
0x1c: {  	p1 =	slt.u32 s9, $0xF7A;
	s5 =	simm.s32 @!p2 $0x0  }
0x1d: {  	s5 =	simm.s32 @p1 $0x1;
	p0 =	seq.s32 s7, s2  }
0x1e: {  	s7 =	smul.u32 @!p0 $0xF7A, s2;
	p2 =	seq.s32 @!p0 s5, $0x0  }
0x1f: {  	s9 =	smul.u32 $0xF7A, s1;
	s8 =	simm.s32 @!p0 $0x1BF5;
	p2 =	por !p2, p0  }
0x20: {  	[sflag:s8] =	ssyncset.s32 @!p0 $0xFFFFF086;
	s6 =	sadd.s32 @!p0 s3, s7;
	s7 =	simm.s32 @!p0 $0x108  }
0x21: {  	s3 =	sadd.s32 s3, s9;
	s6 =	sadd.s32 @!p0 $0x88, s6;
	s7 =	simm.s32 @p2 $0x1082  }
0x22: {  	[simem:s7], [sflag:s8] =	dma.local @!p0 [hbm:s6], $0xF7A  }
0x23: {  	s9 =	sor.u32 $0xD0000000, s2;
	s6 =	simm.s32 $0x108;
	_ =	swait.ge @!p0 [sflag:s8], $0x0  }
0x24: {  	s3 =	sadd.s32 $0x88, s3;
	s6 =	simm.s32 @!p1 $0x1082;
	[sflag:s4] =	ssyncset.s32 $0xFFFFF086  }
0x25: {  	[simem:s6], [sflag:s4] =	dma.local [hbm:s3], $0xF7A  }
0x26: {  	[smem:$0x3F92] =	sst s1;
	(tag) =	ssettag s2;
	_ =	strace s9  }
0x27: {  	s1 =	sld [smem:$0x3FA2]  }
0x28: {  	s2 =	sld [smem:$0x3FA3]  }
0x29: {  	s4 =	sld [smem:$0x3FA5]  }
0x2a: {  	p0 =	seq.s32 s5, $0x0;
	s5 =	sld [smem:$0x3FA6]  }
0x2b: {  	s6 =	sld [smem:$0x3FA7]  }
0x2c: {  	s7 =	sld [smem:$0x3FA8]  }
0x2d: {  	s3 =	simm.s32 $0x108;
	s8 =	sld [smem:$0x3FA9]  }
0x2e: {  	s3 =	simm.s32 @!p0 $0x1082;
	s9 =	sld [smem:$0x3FAA]  }
0x2f: {  	lr =	sadd.s32 s0, s3;
	s0 =	sld [smem:$0x3FA1]  }
0x30: {  	s3 =	sld [smem:$0x3FA4]  }
0x31: {  	[smem:$0x3FAD] =	sst s10  }
0x32: {  	s10 =	sld [smem:$0x3FAB];
	_ =	sdelay $0x3  }
0x33: {  	p0 =	seq.s32 s10, $0x1;
	s10 =	sld [smem:$0x3FAD];
	_ =	sdelay $0x3  }
0x34: {  	[smem:$0x3FAD] =	sst s10  }
0x35: {  	s10 =	sld [smem:$0x3FAC];
	_ =	sdelay $0x3  }
0x36: {  	p1 =	seq.s32 s10, $0x1;
	s10 =	sld [smem:$0x3FAD];
	_ =	sdelay $0x3  }
0x37: {  	[smem:$0x3FAD] =	sst s10  }
0x38: {  	s10 =	sld [smem:$0x3FAE]  }
0x39: {  	_ = 	snop;
	(pc) =	sbr.ind lr, $3  }
0x3a: {  	_ = 	snop  }
0x3b: {  	_ = 	snop  }
0x3c: {  	p2 =	seq.s32 s10, $0x1;
	s10 =	sld [smem:$0x3FAD]  }
0x3d: {  	_ =	shalt  }
0x3e: {  	_ =	shalt  }
0x3f: {  	_ =	shalt  }
0x40: {  	_ =	shalt  }
0x41: {  	_ =	shalt  }
0x42: {  	_ =	shalt  }
0x43: {  	_ =	shalt  }
0x44: {  	_ =	shalt  }
0x45: {  	_ =	shalt  }
0x46: {  	_ =	shalt  }
0x47: {  	_ =	shalt  }
0x48: {  	_ =	shalt  }
0x49: {  	_ =	shalt  }
0x4a: {  	_ =	shalt  }
0x4b: {  	_ =	shalt  }
0x4c: {  	_ =	shalt  }
0x4d: {  	_ =	shalt  }
0x4e: {  	_ =	shalt  }
0x4f: {  	_ =	shalt  }
0x50: {  	_ =	shalt  }
0x51: {  	_ =	shalt  }
0x52: {  	_ =	shalt  }
0x53: {  	_ =	shalt  }
0x54: {  	_ =	shalt  }
0x55: {  	_ =	shalt  }
0x56: {  	_ =	shalt  }
0x57: {  	_ =	shalt  }
0x58: {  	_ =	shalt  }
0x59: {  	_ =	shalt  }
0x5a: {  	_ =	shalt  }
0x5b: {  	_ =	shalt  }
0x5c: {  	_ =	shalt  }
0x5d: {  	_ =	shalt  }
0x5e: {  	_ =	shalt  }
0x5f: {  	_ =	shalt  }
0x60: {  	_ =	shalt  }
0x61: {  	_ =	shalt  }
0x62: {  	_ =	shalt  }
0x63: {  	_ =	shalt  }
0x64: {  	_ =	shalt  }
0x65: {  	_ =	shalt  }
0x66: {  	_ =	shalt  }
0x67: {  	_ =	shalt  }
0x68: {  	_ =	shalt  }
0x69: {  	_ =	shalt  }
0x6a: {  	_ =	shalt  }
0x6b: {  	_ =	shalt  }
0x6c: {  	_ =	shalt  }
0x6d: {  	_ =	shalt  }
0x6e: {  	_ =	shalt  }
0x6f: {  	_ =	shalt  }
0x70: {  	_ =	shalt  }
0x71: {  	_ =	shalt  }
0x72: {  	_ =	shalt  }
0x73: {  	_ =	shalt  }
0x74: {  	_ =	shalt  }
0x75: {  	_ =	shalt  }
0x76: {  	_ =	shalt  }
0x77: {  	_ =	shalt  }
0x78: {  	_ =	shalt  }
0x79: {  	_ =	shalt  }
0x7a: {  	_ =	shalt  }
0x7b: {  	_ =	shalt  }
0x7c: {  	_ =	shalt  }
0x7d: {  	_ =	shalt  }
0x7e: {  	_ =	shalt  }
0x7f: {  	_ =	shalt  }
0x80: {  	_ =	shalt  }
0x81: {  	_ =	shalt  }
0x82: {  	_ =	shalt  }
0x83: {  	_ =	shalt  }
0x84: {  	_ =	shalt  }
0x85: {  	_ =	shalt  }
0x86: {  	_ =	shalt  }
0x87: {  	_ =	shalt  }
.Lfunc_end0:
.L_simem_size_0:
called_computation.5_lowered:
.L_overlay_start_0:
0x88: {  	s2 =	sld [smem:$0x3FD9]  }
0x89: {  	s3 =	sld [smem:$0x3FFE];
	_ =	sdelay $0x1  }
0x8a: {  	s1 =	srdreg.scid  }
0x8b: {  	s0 =	sand.u32 $0x1, s1  }
0x8c: {  	s17 =	sshll.u32 s0, $0xA;
	s2 =	sadd.s32 s3, s2  }
0x8d: {  	s2 =	sadd.s32 s2, s17  }
0x8e: {  	[smem:$0x3FB9] =	sst s2  }
0x8f: {  	_ = 	snop  }
0x90: {  	s2 =	sld [smem:$0x3FD0];
	(tm) =	ssettm $0x1  }
0x91: {  	s18 =	sld [smem:$0x3FFB];
	_ =	sdelay $0x3  }
0x92: {  	_ =	strace s18  }
0x93: {  	s3 =	sld [smem:$0x3FFC];
	_ =	sdelay $0x3  }
0x94: {  	_ =	strace s3  }
0x95: {  	s3 =	sld [smem:$0x3FFD];
	_ =	sdelay $0x3  }
0x96: {  	_ =	strace s3  }
0x97: {  	_ =	strace $0x8FFFFFFF  }
0x98: {  	s19 =	sld [smem:$0x3FDB];
	_ =	sdelay $0x1  }
0x99: {  	s4 =	simm.s32 $_scs_section_size  }
0x9a: {  	s5 =	simm.s32 $_size__tile_overlayer_lowered;
	s6 =	simm.s32 $_tile_overlayer_lowered  }
0x9b: {  	s22 =	simm.s32 $0x1BFF;
	s21 =	sshll.u32 s6, $0x1;
	s3 =	sadd.s32 s4, s19  }
0x9c: {  	s7 =	simm.s32 $0x0;
	s20 =	sshll.u32 s5, $0x1;
	s5 =	sadd.s32 s21, s3  }
0x9d: {  	[timem:s7], [sflag:s22] =	dma.local [hbm:s5], s20  }
0x9e: {  	_ =	swait.ge [sflag:s22], s20  }
0x9f: {  	s4 =	ssub.s32 $0x0, s20;
	[sflag:s22] =	ssyncset.done $0x0  }
0xa0: {  	[sflag:s22] =	ssyncadd.s32 s4;
	_ =	sdelay $0x1  }
0xa1: {  	s23 =	simm.s32 $0x1B8B  }
0xa2: {  	_ =	swait.ge [sflag:s23], $0x1  }
0xa3: {  	[sflag:s23] =	ssyncset.done $0x0  }
0xa4: {  	s25 =	simm.s32 $0x1B8E;
	s24 =	sld [smem:$0x3FFE];
	[sflag:s23] =	ssyncadd.s32 $0xFFFFFFFF  }
0xa5: {  	s26 =	simm.s32 $execute0_lowered;
	[smem:$0x3FD2] =	sst s25  }
0xa6: {  	s5 =	sshll.u32 s26, $0x1;
	_ =	strace $0x80000055;
	[dreg:$0x1] =	wrdreg $0xFFFFFFFF  }
0xa7: {  	s28 =	simm.s32 $_size_execute0_lowered;
	s3 =	sadd.s32 s3, s5;
	[dreg:$0x0] =	wrdreg $0x0  }
0xa8: {  	s5 =	sshll.u32 s28, $0x1;
	[dreg:$0x2] =	wrdreg s3  }
0xa9: {  	[dreg:$0x3] =	wrdreg s5  }
0xaa: {  	[dreg:$0x4] =	wrdreg $0xC0  }
0xab: {  	_ =	task [dreg:s7], $0x5FFFF  }
0xac: {  	[dreg:$0x1] =	wrdreg $0xFFFFFFFF  }
0xad: {  	[dreg:$0x0] =	wrdreg $0x60  }
0xae: {  	[dreg:$0x2] =	wrdreg s24  }
0xaf: {  	[dreg:$0x3] =	wrdreg s2  }
0xb0: {  	[dreg:$0x4] =	wrdreg $0x21000  }
0xb1: {  	[dreg:$0x5] =	wrdreg $0x9  }
0xb2: {  	_ =	task.clear_ibuf [dreg:s7], $0x6FFFF;
	_ =	strace $0x90000055  }
0xb3: {  	s29 =	simm.s32 $0x9;
	_ =	strace $0x80000057  }
0xb4: {  	_ =	swait.ge [sflag:s29], $0x1  }
0xb5: {  	[sflag:s29] =	ssyncadd.s32 $0xFFFFFFFF  }
0xb6: {  	_ =	strace $0x90000057  }
0xb7: {  	_ =	sfence  }
0xb8: {  	s30 =	sld [smem:$0x0];
	_ =	sdelay $0x2  }
0xb9: {  	s31 =	sshll.u32 s1, $0xD;
	s1 =	sshrl.u32 s1, $0x2  }
0xba: {  	s3 =	sand.u32 $0x4000, s31;
	s1 =	sadd.s32 s1, s30  }
0xbb: {  	s0 =	sor.u32 s3, s0;
	s1 =	sshll.u32 s1, $0x11  }
0xbc: {  	s0 =	sor.u32 s1, s0  }
0xbd: {  	s0 =	sadd.s32 $0x8F2B, s0  }
0xbe: {  	[sflag:s0] =	ssyncadd.remote.s32 $0x1  }
0xbf: {  	_ =	sfence.sel $0xFFFF  }
0xc0: {  	[dreg:$0x0] =	wrdreg $0xFFFFFFFF;
	(pc) =	sbr.abs _section_cstart, $3  }
0xc1: {  	[dreg:$0x1] =	wrdreg $0xFFFFFFFF  }
0xc2: {  	_ =	task.clear_ibuf [dreg:s7], $0x2FFFF;
	_ =	strace $0x9FFFFFFF  }
0xc3: {  	(tm) =	ssettm $0x7FFFFFFF  }
tec
execute0_lowered:
.L_overlay_start_1:
0x0: {  	(tag) =	ssettag $0x1  }
0x1: {  	s0 =	rddreg [dreg:$0x0]  }
0x2: {  	s3 =	rddreg [dreg:$0x1]  }
0x3: {  	s1 =	rddreg [dreg:$0x2];
	s2 =	simm.s32 $0x0  }
0x4: {  	s4 =	srdreg.scid;
	s10 =	stileid.u32;
	s28 =	simm.s32 $0x80  }
0x5: {  	s29 =	simm.s32 $0x40;
	s30 =	simm.s32 $0xC0;
	s31 =	simm.s32 $0x1  }
0x6: {  	[smem:$0x7FF] =	sst s2;
	s6 =	sadd.s32 $0xF200, s0;
	s9 =	smul.u32 $0x28000, s10  }
0x7: {  	s7 =	sand.u32 $0x1, s4;
	s8 =	sadd.s32 $0x5200, s0;
	s4 =	sadd.s32 $0x23200, s0  }
0x8: {  	s15 =	smul.u32 $0xA000, s10;
	_ =	strace $0x80000056;
	s9 =	sshrl.u32 s9, $0x2  }
0x9: {  	s5 =	ssub.s32 $0x2, s7;
	s16 =	sshll.u32 s7, $0x4;
	s9 =	sadd.s32 s9, s1  }
0xa: {  	s14 =	sshrl.u32 s5, $0x1;
	s11 =	sor.u32 s10, s16;
	s12 =	sadd.s32 $0x1000, s9  }
0xb: {  	s0 =	ssub.s32 s5, s14;
	s17 =	sadd.s32 $0x2000, s9;
	[dreg:$0x4] =	wrdreg s12  }
0xc: {  	s5 =	sadd.s32 s15, s1;
	s18 =	sadd.s32 $0x3000, s9;
	[dreg:$0x5] =	wrdreg s17  }
0xd: {  	s16 =	smul.u32 $0x2800, s11;
	s19 =	sadd.s32 $0x4000, s9;
	[dreg:$0x6] =	wrdreg s18  }
0xe: {  	s20 =	sadd.s32 $0x5000, s9;
	s21 =	sadd.s32 $0x6000, s9;
	[dreg:$0x7] =	wrdreg s19  }
0xf: {  	s13 =	sadd.s32 $0x8000, s9;
	[dreg:$0x8] =	wrdreg s20;
	s17 =	smul.u32 $0xA0000, s7  }
0x10: {  	s14 =	sadd.s32 $0x9000, s9;
	[dreg:$0x9] =	wrdreg s21;
	s7 =	smul.u32 $0x28000, s7  }
0x11: {  	s12 =	sadd.s32 $0x7000, s9;
	s22 =	sshrl.u32 s16, $0x3;
	s18 =	smul.u32 $0x2800, s10  }
0x12: {  	s16 =	sadd.s32 s8, s22;
	s23 =	sadd.s32 $0x4F8, s22;
	s17 =	sadd.s32 s15, s17  }
0x13: {  	s15 =	sadd.s32 s6, s22;
	s7 =	sadd.s32 s18, s7;
	s18 =	smax.u32 s0, $0x1  }
0x14: {  	s19 =	sadd.s32 s6, s23;
	s20 =	sadd.s32 s8, s23;
	s17 =	sshrl.u32 s17, $0x3  }
0x15: {  	s24 =	sshrl.u32 s7, $0x3;
	s7 =	sor.u32 $0x80, s7;
	s17 =	sadd.s32 s3, s17  }
0x16: {  	s25 =	sadd.s32 s24, s6;
	s0 =	sadd.s32 s24, s8;
	s26 =	sshrl.u32 s7, $0x3  }
0x17: {  	s3 =	simm.s32 $0x2;
	s21 =	sadd.s32 $0x8, s25;
	s22 =	sadd.s32 $0x8, s0  }
0x18: {  	s23 =	sadd.s32 s26, s8;
	s24 =	sadd.s32 s26, s6;
	s25 =	simm.s32 $0x100  }
0x19: {  	v0 =	vimm.f32 $0.0e+00;
	s26 =	simm.s32 $0x3;
	s0 =	simm.s32 $0x1100;
	s6 =	simm.s32 $0x0  }
.LBB2_1:
0x1a: {  	s8 =	simm.s32 $0x100;
	s7 =	simm.s32 $0x0  }
.LBB2_2:
0x1b: {  	p0 =	sne.s32 s8, $0x3F00;
	[tilespmem:s7+$0x130] =	vst v0;
	s9 =	smov.u32 s8;
	s8 =	sadd.s32 $0x100, s8  }
.Ltmp0:
0x1c: {  	[tilespmem:s7+$0x120] =	vst v0;
	(pc) =	sbr.rel @p0 .LBB2_2-.Ltmp0, $3  }
0x1d: {  	[tilespmem:s7+$0x100] =	vst v0  }
0x1e: {  	[tilespmem:s7+$0x110] =	vst v0;
	_ =	sdelay $0x1  }
0x1f: {  	s7 =	sshra.s32 s9, $0x2  }
0x20: {  	[tilespmem:s7+$0x130] =	vst v0  }
0x21: {  	[tilespmem:s7+$0x120] =	vst v0  }
0x22: {  	[tilespmem:s7+$0x100] =	vst v0  }
0x23: {  	[tilespmem:s7+$0x110] =	vst v0  }
0x24: {  	[spmem:s5] =	stream.linear.scatter [tilespmem:s25], [sflag:$0x3], $0x1000, $0x38;
	[tilespmem:$0xC100] =	vst v63  }
0x25: {  	_ =	swait.ge [sflag:s26], $0x1000  }
0x26: {  	[sflag:s26] =	ssyncset.done $0x0  }
0x27: {  	s9 =	rddreg [dreg:$0x4];
	[sflag:s26] =	ssyncadd.s32 $0xFFFFF000  }
0x28: {  	[spmem:s9] =	stream.linear.scatter [tilespmem:s25], [sflag:$0x3], $0x1000, $0x38;
	[tilespmem:$0xC100] =	vst v63  }
0x29: {  	_ =	swait.ge [sflag:s26], $0x1000  }
0x2a: {  	[sflag:s26] =	ssyncset.done $0x0  }
0x2b: {  	s10 =	rddreg [dreg:$0x5];
	[sflag:s26] =	ssyncadd.s32 $0xFFFFF000  }
0x2c: {  	[spmem:s10] =	stream.linear.scatter [tilespmem:s25], [sflag:$0x3], $0x1000, $0x38;
	[tilespmem:$0xC100] =	vst v63  }
0x2d: {  	_ =	swait.ge [sflag:s26], $0x1000  }
0x2e: {  	[sflag:s26] =	ssyncset.done $0x0  }
0x2f: {  	s11 =	rddreg [dreg:$0x6];
	[sflag:s26] =	ssyncadd.s32 $0xFFFFF000  }
0x30: {  	[spmem:s11] =	stream.linear.scatter [tilespmem:s25], [sflag:$0x3], $0x1000, $0x38;
	[tilespmem:$0xC100] =	vst v63  }
0x31: {  	_ =	swait.ge [sflag:s26], $0x1000  }
0x32: {  	[sflag:s26] =	ssyncset.done $0x0  }
0x33: {  	s8 =	rddreg [dreg:$0x7];
	[sflag:s26] =	ssyncadd.s32 $0xFFFFF000  }
0x34: {  	[spmem:s8] =	stream.linear.scatter [tilespmem:s25], [sflag:$0x3], $0x1000, $0x38;
	[tilespmem:$0xC100] =	vst v63  }
0x35: {  	_ =	swait.ge [sflag:s26], $0x1000  }
0x36: {  	[sflag:s26] =	ssyncset.done $0x0  }
0x37: {  	s9 =	rddreg [dreg:$0x8];
	[sflag:s26] =	ssyncadd.s32 $0xFFFFF000  }
0x38: {  	[spmem:s9] =	stream.linear.scatter [tilespmem:s25], [sflag:$0x3], $0x1000, $0x38;
	[tilespmem:$0xC100] =	vst v63  }
0x39: {  	_ =	swait.ge [sflag:s26], $0x1000  }
0x3a: {  	[sflag:s26] =	ssyncset.done $0x0  }
0x3b: {  	s10 =	rddreg [dreg:$0x9];
	[sflag:s26] =	ssyncadd.s32 $0xFFFFF000  }
0x3c: {  	[spmem:s10] =	stream.linear.scatter [tilespmem:s25], [sflag:$0x3], $0x1000, $0x38;
	[tilespmem:$0xC100] =	vst v63  }
0x3d: {  	_ =	swait.ge [sflag:s26], $0x1000  }
0x3e: {  	[sflag:s26] =	ssyncset.done $0x0  }
0x3f: {  	[sflag:s26] =	ssyncadd.s32 $0xFFFFF000  }
0x40: {  	[spmem:s12] =	stream.linear.scatter [tilespmem:s25], [sflag:$0x3], $0x1000, $0x38;
	[tilespmem:$0xC100] =	vst v63  }
0x41: {  	_ =	swait.ge [sflag:s26], $0x1000  }
0x42: {  	[sflag:s26] =	ssyncset.done $0x0  }
0x43: {  	[sflag:s26] =	ssyncadd.s32 $0xFFFFF000  }
0x44: {  	[spmem:s13] =	stream.linear.scatter [tilespmem:s25], [sflag:$0x3], $0x1000, $0x38;
	[tilespmem:$0xC100] =	vst v63  }
0x45: {  	_ =	swait.ge [sflag:s26], $0x1000  }
0x46: {  	[sflag:s26] =	ssyncset.done $0x0  }
0x47: {  	[sflag:s26] =	ssyncadd.s32 $0xFFFFF000  }
0x48: {  	[spmem:s14] =	stream.linear.scatter [tilespmem:s25], [sflag:$0x3], $0x1000, $0x38;
	[tilespmem:$0xC100] =	vst v63  }
0x49: {  	_ =	swait.ge [sflag:s26], $0x1000  }
0x4a: {  	[sflag:s26] =	ssyncset.done $0x0  }
0x4b: {  	[sflag:s26] =	ssyncadd.s32 $0xFFFFF000  }
0x4c: {  	s11 =	simm.s32 $0x0;
	[bflag:$0x0] =	sbarrier.arrive $0xFFFF  }
0x4d: {  	[tilespmem:s11], [sflag:$0x3] =	stream.linear.gather [hbm4b:s15+s11], $0x40, $0x38;
	[tilespmem:$0xC100] =	vst v63  }
0x4e: {  	_ =	swait.ge [sflag:s26], $0x40  }
0x4f: {  	[sflag:s26] =	ssyncset.done $0x0  }
0x50: {  	[sflag:s26] =	ssyncadd.s32 $0xFFFFFFC0  }
0x51: {  	[tilespmem:s28], [sflag:$0x3] =	stream.linear.gather [hbm4b:s16+s11], $0x40, $0x38;
	[tilespmem:$0xC100] =	vst v63  }
0x52: {  	_ =	swait.ge [sflag:s26], $0x40  }
0x53: {  	[sflag:s26] =	ssyncset.done $0x0  }
0x54: {  	[sflag:s26] =	ssyncadd.s32 $0xFFFFFFC0  }
0x55: {  	[tilespmem:s25], [sflag:$0x1] =	stream.indirect.gather [hbm4b:s4+s29], $0x40, s11, s29, $0xb8;
	[tilespmem:$0xC100] =	vst v63  }
0x56: {  	s8 =	sadd.s32 $0x0, s21  }
0x57: {  	[tilespmem:s29], [sflag:$0x3] =	stream.linear.gather [hbm4b:s8+s2], $0x40, $0x38;
	[tilespmem:$0xC100] =	vst v63  }
0x58: {  	_ =	swait.ge [sflag:s26], $0x40  }
0x59: {  	[sflag:s26] =	ssyncset.done $0x0  }
0x5a: {  	s9 =	sadd.s32 $0x0, s22;
	[sflag:s26] =	ssyncadd.s32 $0xFFFFFFC0  }
0x5b: {  	[tilespmem:s30], [sflag:$0x3] =	stream.linear.gather [hbm4b:s9+s2], $0x40, $0x38;
	[tilespmem:$0xC100] =	vst v63  }
0x5c: {  	_ =	swait.ge [sflag:s26], $0x40  }
0x5d: {  	[sflag:s26] =	ssyncset.done $0x0  }
0x5e: {  	[sflag:s26] =	ssyncadd.s32 $0xFFFFFFC0  }
0x5f: {  	_ =	swait.ge [sflag:s31], $0x1000  }
0x60: {  	[sflag:s31] =	ssyncset.done $0x0  }
0x61: {  	[sflag:s31] =	ssyncadd.s32 $0xFFFFF000  }
0x62: {  	[tilespmem:s0], [sflag:$0x2] =	stream.indirect.gather [hbm4b:s4+s29], $0x40, s29, s29, $0xb8;
	[tilespmem:$0xC100] =	vst v63  }
0x63: {  	_ = 	snop  }
0x64: {  	[spmem:s1] =	stream.indirect.scatter.add.f32 [tilespmem:s25], [sflag:$0x3], $0x40, s28, s29, $0xb8;
	[tilespmem:$0xC100] =	vst v63  }
0x65: {  	_ =	swait.ge [sflag:s26], $0x1000  }
0x66: {  	[sflag:s26] =	ssyncset.done $0x0  }
0x67: {  	s10 =	sadd.s32 $0x0, s24;
	[sflag:s26] =	ssyncadd.s32 $0xFFFFF000  }
0x68: {  	[tilespmem:s2], [sflag:$0x3] =	stream.linear.gather [hbm4b:s10+s2], $0x40, $0x38;
	[tilespmem:$0xC100] =	vst v63  }
0x69: {  	_ =	swait.ge [sflag:s26], $0x40  }
0x6a: {  	[sflag:s26] =	ssyncset.done $0x0  }
0x6b: {  	s11 =	sadd.s32 $0x0, s23;
	[sflag:s26] =	ssyncadd.s32 $0xFFFFFFC0  }
0x6c: {  	[tilespmem:s28], [sflag:$0x3] =	stream.linear.gather [hbm4b:s11+s2], $0x40, $0x38;
	[tilespmem:$0xC100] =	vst v63  }
0x6d: {  	_ =	swait.ge [sflag:s26], $0x40  }
0x6e: {  	[sflag:s26] =	ssyncset.done $0x0  }
0x6f: {  	[sflag:s26] =	ssyncadd.s32 $0xFFFFFFC0  }
0x70: {  	[tilespmem:s25], [sflag:$0x1] =	stream.indirect.gather [hbm4b:s4+s29], $0x40, s2, s29, $0xb8;
	[tilespmem:$0xC100] =	vst v63  }
0x71: {  	_ =	swait.ge [sflag:s3], $0x1000  }
0x72: {  	[sflag:s3] =	ssyncset.done $0x0  }
0x73: {  	[sflag:s3] =	ssyncadd.s32 $0xFFFFF000  }
0x74: {  	[spmem:s1] =	stream.indirect.scatter.add.f32 [tilespmem:s0], [sflag:$0x3], $0x40, s30, s29, $0xb8;
	[tilespmem:$0xC100] =	vst v63  }
0x75: {  	_ =	swait.ge [sflag:s26], $0x1000  }
0x76: {  	s7 =	simm.s32 $0x10;
	s8 =	simm.s32 $0x20;
	[sflag:s26] =	ssyncset.done $0x0  }
.LBB2_4:
0x77: {  	s10 =	sadd.s32 s7, s21  }
0x78: {  	[sflag:s26] =	ssyncadd.s32 $0xFFFFF000;
	s11 =	smov.u32 s8;
	s9 =	sadd.s32 $0x10, s8  }
0x79: {  	[tilespmem:s29], [sflag:$0x3] =	stream.linear.gather [hbm4b:s10+s2], $0x40, $0x38;
	[tilespmem:$0xC100] =	vst v63  }
0x7a: {  	p0 =	sne.s32 s8, $0x4E0;
	_ =	swait.ge [sflag:s26], $0x40  }
0x7b: {  	[sflag:s26] =	ssyncset.done $0x0  }
0x7c: {  	s8 =	sadd.s32 s7, s22;
	[sflag:s26] =	ssyncadd.s32 $0xFFFFFFC0  }
0x7d: {  	[tilespmem:s30], [sflag:$0x3] =	stream.linear.gather [hbm4b:s8+s2], $0x40, $0x38;
	[tilespmem:$0xC100] =	vst v63  }
0x7e: {  	_ =	swait.ge [sflag:s26], $0x40  }
0x7f: {  	[sflag:s26] =	ssyncset.done $0x0  }
0x80: {  	[sflag:s26] =	ssyncadd.s32 $0xFFFFFFC0  }
0x81: {  	_ =	swait.ge [sflag:s31], $0x1000  }
0x82: {  	[sflag:s31] =	ssyncset.done $0x0  }
0x83: {  	[sflag:s31] =	ssyncadd.s32 $0xFFFFF000  }
0x84: {  	[tilespmem:s0], [sflag:$0x2] =	stream.indirect.gather [hbm4b:s4+s29], $0x40, s29, s29, $0xb8;
	[tilespmem:$0xC100] =	vst v63  }
0x85: {  	_ = 	snop  }
0x86: {  	[spmem:s1] =	stream.indirect.scatter.add.f32 [tilespmem:s25], [sflag:$0x3], $0x40, s28, s29, $0xb8;
	[tilespmem:$0xC100] =	vst v63  }
0x87: {  	_ =	swait.ge [sflag:s26], $0x1000  }
0x88: {  	[sflag:s26] =	ssyncset.done $0x0  }
0x89: {  	s8 =	sadd.s32 s7, s24;
	[sflag:s26] =	ssyncadd.s32 $0xFFFFF000  }
0x8a: {  	[tilespmem:s2], [sflag:$0x3] =	stream.linear.gather [hbm4b:s8+s2], $0x40, $0x38;
	[tilespmem:$0xC100] =	vst v63  }
0x8b: {  	_ =	swait.ge [sflag:s26], $0x40  }
0x8c: {  	[sflag:s26] =	ssyncset.done $0x0  }
0x8d: {  	s8 =	sadd.s32 s7, s23;
	s7 =	smov.u32 s11;
	[sflag:s26] =	ssyncadd.s32 $0xFFFFFFC0  }
0x8e: {  	[tilespmem:s28], [sflag:$0x3] =	stream.linear.gather [hbm4b:s8+s2], $0x40, $0x38;
	[tilespmem:$0xC100] =	vst v63  }
0x8f: {  	_ =	swait.ge [sflag:s26], $0x40  }
0x90: {  	[sflag:s26] =	ssyncset.done $0x0  }
0x91: {  	[sflag:s26] =	ssyncadd.s32 $0xFFFFFFC0  }
0x92: {  	[tilespmem:s25], [sflag:$0x1] =	stream.indirect.gather [hbm4b:s4+s29], $0x40, s2, s29, $0xb8;
	[tilespmem:$0xC100] =	vst v63  }
0x93: {  	_ =	swait.ge [sflag:s3], $0x1000  }
.Ltmp1:
0x94: {  	[sflag:s3] =	ssyncset.done $0x0;
	(pc) =	sbr.rel @p0 .LBB2_4-.Ltmp1, $4  }
0x95: {  	[sflag:s3] =	ssyncadd.s32 $0xFFFFF000  }
0x96: {  	[spmem:s1] =	stream.indirect.scatter.add.f32 [tilespmem:s0], [sflag:$0x3], $0x40, s30, s29, $0xb8;
	[tilespmem:$0xC100] =	vst v63  }
0x97: {  	_ =	swait.ge [sflag:s26], $0x1000  }
0x98: {  	s8 =	smov.u32 s9;
	[sflag:s26] =	ssyncset.done $0x0  }
0x99: {  	s8 =	sadd.s32 s7, s21;
	[sflag:s26] =	ssyncadd.s32 $0xFFFFF000  }
0x9a: {  	[tilespmem:s29], [sflag:$0x3] =	stream.linear.gather [hbm4b:s8+s2], $0x40, $0x38;
	[tilespmem:$0xC100] =	vst v63  }
0x9b: {  	_ =	swait.ge [sflag:s26], $0x40  }
0x9c: {  	[sflag:s26] =	ssyncset.done $0x0  }
0x9d: {  	s10 =	sadd.s32 s7, s22;
	[sflag:s26] =	ssyncadd.s32 $0xFFFFFFC0  }
0x9e: {  	[tilespmem:s30], [sflag:$0x3] =	stream.linear.gather [hbm4b:s10+s2], $0x40, $0x38;
	[tilespmem:$0xC100] =	vst v63  }
0x9f: {  	_ =	swait.ge [sflag:s26], $0x40  }
0xa0: {  	[sflag:s26] =	ssyncset.done $0x0  }
0xa1: {  	[sflag:s26] =	ssyncadd.s32 $0xFFFFFFC0  }
0xa2: {  	_ =	swait.ge [sflag:s31], $0x1000  }
0xa3: {  	[sflag:s31] =	ssyncset.done $0x0  }
0xa4: {  	[sflag:s31] =	ssyncadd.s32 $0xFFFFF000  }
0xa5: {  	[tilespmem:s0], [sflag:$0x2] =	stream.indirect.gather [hbm4b:s4+s29], $0x40, s29, s29, $0xb8;
	[tilespmem:$0xC100] =	vst v63  }
0xa6: {  	_ = 	snop  }
0xa7: {  	[spmem:s1] =	stream.indirect.scatter.add.f32 [tilespmem:s25], [sflag:$0x3], $0x40, s28, s29, $0xb8;
	[tilespmem:$0xC100] =	vst v63  }
0xa8: {  	_ =	swait.ge [sflag:s26], $0x1000  }
0xa9: {  	[sflag:s26] =	ssyncset.done $0x0  }
0xaa: {  	s11 =	sadd.s32 s7, s24;
	[sflag:s26] =	ssyncadd.s32 $0xFFFFF000  }
0xab: {  	[tilespmem:s2], [sflag:$0x3] =	stream.linear.gather [hbm4b:s11+s2], $0x40, $0x38;
	[tilespmem:$0xC100] =	vst v63  }
0xac: {  	_ =	swait.ge [sflag:s26], $0x40  }
0xad: {  	[sflag:s26] =	ssyncset.done $0x0  }
0xae: {  	s9 =	sadd.s32 s7, s23;
	[sflag:s26] =	ssyncadd.s32 $0xFFFFFFC0  }
0xaf: {  	[tilespmem:s28], [sflag:$0x3] =	stream.linear.gather [hbm4b:s9+s2], $0x40, $0x38;
	[tilespmem:$0xC100] =	vst v63  }
0xb0: {  	_ =	swait.ge [sflag:s26], $0x40  }
0xb1: {  	[sflag:s26] =	ssyncset.done $0x0  }
0xb2: {  	[sflag:s26] =	ssyncadd.s32 $0xFFFFFFC0  }
0xb3: {  	[tilespmem:s25], [sflag:$0x1] =	stream.indirect.gather [hbm4b:s4+s29], $0x40, s2, s29, $0xb8;
	[tilespmem:$0xC100] =	vst v63  }
0xb4: {  	_ =	swait.ge [sflag:s3], $0x1000  }
0xb5: {  	[sflag:s3] =	ssyncset.done $0x0  }
0xb6: {  	[sflag:s3] =	ssyncadd.s32 $0xFFFFF000  }
0xb7: {  	[spmem:s1] =	stream.indirect.scatter.add.f32 [tilespmem:s0], [sflag:$0x3], $0x40, s30, s29, $0xb8;
	[tilespmem:$0xC100] =	vst v63  }
0xb8: {  	_ =	swait.ge [sflag:s26], $0x1000  }
0xb9: {  	[sflag:s26] =	ssyncset.done $0x0  }
0xba: {  	[sflag:s26] =	ssyncadd.s32 $0xFFFFF000  }
0xbb: {  	[tilespmem:s29], [sflag:$0x3] =	stream.linear.gather [hbm4b:s19+s2], $0x40, $0x38;
	[tilespmem:$0xC100] =	vst v63  }
0xbc: {  	_ =	swait.ge [sflag:s26], $0x40  }
0xbd: {  	[sflag:s26] =	ssyncset.done $0x0  }
0xbe: {  	[sflag:s26] =	ssyncadd.s32 $0xFFFFFFC0  }
0xbf: {  	[tilespmem:s30], [sflag:$0x3] =	stream.linear.gather [hbm4b:s20+s2], $0x40, $0x38;
	[tilespmem:$0xC100] =	vst v63  }
0xc0: {  	_ =	swait.ge [sflag:s26], $0x40  }
0xc1: {  	[sflag:s26] =	ssyncset.done $0x0  }
0xc2: {  	[sflag:s26] =	ssyncadd.s32 $0xFFFFFFC0  }
0xc3: {  	_ =	swait.ge [sflag:s31], $0x1000  }
0xc4: {  	[sflag:s31] =	ssyncset.done $0x0  }
0xc5: {  	[sflag:s31] =	ssyncadd.s32 $0xFFFFF000  }
0xc6: {  	[tilespmem:s0], [sflag:$0x2] =	stream.indirect.gather [hbm4b:s4+s29], $0x40, s29, s29, $0xb8;
	[tilespmem:$0xC100] =	vst v63  }
0xc7: {  	_ = 	snop  }
0xc8: {  	[spmem:s1] =	stream.indirect.scatter.add.f32 [tilespmem:s25], [sflag:$0x3], $0x40, s28, s29, $0xb8;
	[tilespmem:$0xC100] =	vst v63  }
0xc9: {  	_ =	swait.ge [sflag:s26], $0x1000  }
0xca: {  	[sflag:s26] =	ssyncset.done $0x0  }
0xcb: {  	[sflag:s26] =	ssyncadd.s32 $0xFFFFF000  }
0xcc: {  	_ =	swait.ge [sflag:s3], $0x1000  }
0xcd: {  	[sflag:s3] =	ssyncset.done $0x0  }
0xce: {  	[sflag:s3] =	ssyncadd.s32 $0xFFFFF000  }
0xcf: {  	[spmem:s1] =	stream.indirect.scatter.add.f32 [tilespmem:s0], [sflag:$0x3], $0x40, s30, s29, $0xb8;
	[tilespmem:$0xC100] =	vst v63  }
0xd0: {  	s10 =	stileid.u32;
	_ =	swait.ge [sflag:s26], $0x1000  }
0xd1: {  	s6 =	sadd.s32 $0x1, s6;
	s7 =	sshll.u32 s10, $0x6;
	[sflag:s26] =	ssyncset.done $0x0  }
0xd2: {  	p0 =	sne.s32 s6, s18;
	s7 =	sor.u32 $0x1C03, s7;
	[sflag:s26] =	ssyncadd.s32 $0xFFFFF000  }
.Ltmp2:
0xd3: {  	s11 =	sshrl.u32 s5, $0x3;
	[bflag:$0x0] =	sbarrier.arrive $0xFFFF;
	(pc) =	sbr.rel @p0 .LBB2_1-.Ltmp2, $4  }
0xd4: {  	[hbm:s17], [sflag:s7] =	dma.local [spmem:s11], $0x1400  }
0xd5: {  	_ =	swait.ge [sflag:s26], $0x1400  }
0xd6: {  	[sflag:s26] =	ssyncset.done $0x0  }
0xd7: {  	[sflag:s26] =	ssyncadd.s32 $0xFFFFEC00  }
0xd8: {  	_ =	sfence.sel $0x180000  }
0xd9: {  	[bflag:$0x0] =	sbarrier.arrive $0xFFFF  }
0xda: {  	_ =	strace $0x90000056  }
0xdb: {  	s0 =	stileid.u32;
	[bflag:$0x2] =	sbarrier.arrive $0xFFFF  }
0xdc: {  	p0 =	sne.s32 s0, $0x0;
	s0 =	rddreg [dreg:$0x3]  }
0xdd: {  	s0 =	sadd.s32 @!p0 $0x100000, s0  }
0xde: {  	[sflag:s0] =	ssyncadd.tile.s32 @!p0 $0x1;
	_ =	shalt  }
.Lfunc_end2:
_tile_overlayer_lowered:
.L_overlay_start_2:
0xdf: {  	(tag) =	ssettag $0x2  }
0xe0: {  	s0 =	rddreg [dreg:$0x0];
	s2 =	stileid.u32  }
0xe1: {  	s1 =	rddreg [dreg:$0x1];
	p0 =	sne.s32 s2, $0x0  }
0xe2: {  	s3 =	rddreg [dreg:$0x2];
	[bflag:$0x3] =	sbarrier.arrive $0xFFFF;
	s2 =	simm.s32 @!p0 $0x1C03  }
0xe3: {  	[timem:s3], [sflag:s2] =	dma.local @!p0 [hbm:s0], s1  }
0xe4: {  	s0 =	simm.s32 @!p0 $0x3  }
0xe5: {  	_ =	swait.ge @!p0 [sflag:s0], s1  }
0xe6: {  	s1 =	ssub.s32 @!p0 $0x0, s1;
	[sflag:s0] =	ssyncset.done @!p0 $0x0  }
0xe7: {  	[sflag:s0] =	ssyncadd.s32 @!p0 s1  }
0xe8: {  	[bflag:$0x3] =	sbarrier.arrive $0xFFFF  }
0xe9: {  	_ =	shalt  }

// kernel: kernel.32.cloned.1.call-start
scs
__scs_entry_jumppad:
0x0: {  	(pc) =	sbr.rel $0x88, $3  }
0x1: {  	(tag) =	ssettag $0x0;
	lr =	simm.s32 $0x1  }
0x2: {  	[smem:$0x3F92] =	sst lr;
	_ =	strace $0xD0000000  }
0x3: {  	_ = 	snop  }
0x4: {  	_ = 	snop  }
0x5: {  	_ = 	snop  }
0x6: {  	_ = 	snop  }
0x7: {  	_ = 	snop  }
__scs_overlays_trampoline_lowered:
0x8: {  	[smem:$0x3FA1] =	sst s0  }
0x9: {  	[smem:$0x3FA2] =	sst s1  }
0xa: {  	[smem:$0x3FA3] =	sst s2  }
0xb: {  	[smem:$0x3FA4] =	sst s3  }
0xc: {  	[smem:$0x3FA5] =	sst s4  }
0xd: {  	[smem:$0x3FA6] =	sst s5  }
0xe: {  	[smem:$0x3FA7] =	sst s6  }
0xf: {  	[smem:$0x3FA8] =	sst s7  }
0x10: {  	[smem:$0x3FA9] =	sst s8  }
0x11: {  	[smem:$0x3FAA] =	sst s9;
	s0 =	simm.s32 @!p0 $0x0  }
0x12: {  	s1 =	sld [smem:$0x3F90];
	s0 =	simm.s32 @p0 $0x1  }
0x13: {  	[smem:$0x3FAB] =	sst s0;
	s0 =	simm.s32 @!p1 $0x0  }
0x14: {  	s2 =	sld [smem:$0x3F8F];
	s0 =	simm.s32 @p1 $0x1  }
0x15: {  	[smem:$0x3FAC] =	sst s0;
	s0 =	simm.s32 @!p2 $0x0  }
0x16: {  	s3 =	sld [smem:$0x3FDB];
	s0 =	simm.s32 @p2 $0x1  }
0x17: {  	s4 =	simm.s32 $0x1BF5;
	[smem:$0x3FAE] =	sst s0  }
0x18: {  	s0 =	sld [smem:$0x3F91];
	_ =	swait.ge [sflag:s4], $0x0  }
0x19: {  	s7 =	sld [smem:$0x3F92]  }
0x1a: {  	s8 =	sadd.s32 $0xFFFFE003, lr  }
0x1b: {  	s9 =	sadd.s32 $0xFFFFFEF7, lr;
	s5 =	simm.s32 $0xFFFFFFFF;
	p2 =	slt.u32 s8, $0xFFFFF086  }
0x1c: {  	p1 =	slt.u32 s9, $0xF7A;
	s5 =	simm.s32 @!p2 $0x0  }
0x1d: {  	s5 =	simm.s32 @p1 $0x1;
	p0 =	seq.s32 s7, s2  }
0x1e: {  	s7 =	smul.u32 @!p0 $0xF7A, s2;
	p2 =	seq.s32 @!p0 s5, $0x0  }
0x1f: {  	s9 =	smul.u32 $0xF7A, s1;
	s8 =	simm.s32 @!p0 $0x1BF5;
	p2 =	por !p2, p0  }
0x20: {  	[sflag:s8] =	ssyncset.s32 @!p0 $0xFFFFF086;
	s6 =	sadd.s32 @!p0 s3, s7;
	s7 =	simm.s32 @!p0 $0x108  }
0x21: {  	s3 =	sadd.s32 s3, s9;
	s6 =	sadd.s32 @!p0 $0x88, s6;
	s7 =	simm.s32 @p2 $0x1082  }
0x22: {  	[simem:s7], [sflag:s8] =	dma.local @!p0 [hbm:s6], $0xF7A  }
0x23: {  	s9 =	sor.u32 $0xD0000000, s2;
	s6 =	simm.s32 $0x108;
	_ =	swait.ge @!p0 [sflag:s8], $0x0  }
0x24: {  	s3 =	sadd.s32 $0x88, s3;
	s6 =	simm.s32 @!p1 $0x1082;
	[sflag:s4] =	ssyncset.s32 $0xFFFFF086  }
0x25: {  	[simem:s6], [sflag:s4] =	dma.local [hbm:s3], $0xF7A  }
0x26: {  	[smem:$0x3F92] =	sst s1;
	(tag) =	ssettag s2;
	_ =	strace s9  }
0x27: {  	s1 =	sld [smem:$0x3FA2]  }
0x28: {  	s2 =	sld [smem:$0x3FA3]  }
0x29: {  	s4 =	sld [smem:$0x3FA5]  }
0x2a: {  	p0 =	seq.s32 s5, $0x0;
	s5 =	sld [smem:$0x3FA6]  }
0x2b: {  	s6 =	sld [smem:$0x3FA7]  }
0x2c: {  	s7 =	sld [smem:$0x3FA8]  }
0x2d: {  	s3 =	simm.s32 $0x108;
	s8 =	sld [smem:$0x3FA9]  }
0x2e: {  	s3 =	simm.s32 @!p0 $0x1082;
	s9 =	sld [smem:$0x3FAA]  }
0x2f: {  	lr =	sadd.s32 s0, s3;
	s0 =	sld [smem:$0x3FA1]  }
0x30: {  	s3 =	sld [smem:$0x3FA4]  }
0x31: {  	[smem:$0x3FAD] =	sst s10  }
0x32: {  	s10 =	sld [smem:$0x3FAB];
	_ =	sdelay $0x3  }
0x33: {  	p0 =	seq.s32 s10, $0x1;
	s10 =	sld [smem:$0x3FAD];
	_ =	sdelay $0x3  }
0x34: {  	[smem:$0x3FAD] =	sst s10  }
0x35: {  	s10 =	sld [smem:$0x3FAC];
	_ =	sdelay $0x3  }
0x36: {  	p1 =	seq.s32 s10, $0x1;
	s10 =	sld [smem:$0x3FAD];
	_ =	sdelay $0x3  }
0x37: {  	[smem:$0x3FAD] =	sst s10  }
0x38: {  	s10 =	sld [smem:$0x3FAE]  }
0x39: {  	_ = 	snop;
	(pc) =	sbr.ind lr, $3  }
0x3a: {  	_ = 	snop  }
0x3b: {  	_ = 	snop  }
0x3c: {  	p2 =	seq.s32 s10, $0x1;
	s10 =	sld [smem:$0x3FAD]  }
0x3d: {  	_ =	shalt  }
0x3e: {  	_ =	shalt  }
0x3f: {  	_ =	shalt  }
0x40: {  	_ =	shalt  }
0x41: {  	_ =	shalt  }
0x42: {  	_ =	shalt  }
0x43: {  	_ =	shalt  }
0x44: {  	_ =	shalt  }
0x45: {  	_ =	shalt  }
0x46: {  	_ =	shalt  }
0x47: {  	_ =	shalt  }
0x48: {  	_ =	shalt  }
0x49: {  	_ =	shalt  }
0x4a: {  	_ =	shalt  }
0x4b: {  	_ =	shalt  }
0x4c: {  	_ =	shalt  }
0x4d: {  	_ =	shalt  }
0x4e: {  	_ =	shalt  }
0x4f: {  	_ =	shalt  }
0x50: {  	_ =	shalt  }
0x51: {  	_ =	shalt  }
0x52: {  	_ =	shalt  }
0x53: {  	_ =	shalt  }
0x54: {  	_ =	shalt  }
0x55: {  	_ =	shalt  }
0x56: {  	_ =	shalt  }
0x57: {  	_ =	shalt  }
0x58: {  	_ =	shalt  }
0x59: {  	_ =	shalt  }
0x5a: {  	_ =	shalt  }
0x5b: {  	_ =	shalt  }
0x5c: {  	_ =	shalt  }
0x5d: {  	_ =	shalt  }
0x5e: {  	_ =	shalt  }
0x5f: {  	_ =	shalt  }
0x60: {  	_ =	shalt  }
0x61: {  	_ =	shalt  }
0x62: {  	_ =	shalt  }
0x63: {  	_ =	shalt  }
0x64: {  	_ =	shalt  }
0x65: {  	_ =	shalt  }
0x66: {  	_ =	shalt  }
0x67: {  	_ =	shalt  }
0x68: {  	_ =	shalt  }
0x69: {  	_ =	shalt  }
0x6a: {  	_ =	shalt  }
0x6b: {  	_ =	shalt  }
0x6c: {  	_ =	shalt  }
0x6d: {  	_ =	shalt  }
0x6e: {  	_ =	shalt  }
0x6f: {  	_ =	shalt  }
0x70: {  	_ =	shalt  }
0x71: {  	_ =	shalt  }
0x72: {  	_ =	shalt  }
0x73: {  	_ =	shalt  }
0x74: {  	_ =	shalt  }
0x75: {  	_ =	shalt  }
0x76: {  	_ =	shalt  }
0x77: {  	_ =	shalt  }
0x78: {  	_ =	shalt  }
0x79: {  	_ =	shalt  }
0x7a: {  	_ =	shalt  }
0x7b: {  	_ =	shalt  }
0x7c: {  	_ =	shalt  }
0x7d: {  	_ =	shalt  }
0x7e: {  	_ =	shalt  }
0x7f: {  	_ =	shalt  }
0x80: {  	_ =	shalt  }
0x81: {  	_ =	shalt  }
0x82: {  	_ =	shalt  }
0x83: {  	_ =	shalt  }
0x84: {  	_ =	shalt  }
0x85: {  	_ =	shalt  }
0x86: {  	_ =	shalt  }
0x87: {  	_ =	shalt  }
.Lfunc_end0:
.L_simem_size_0:
called_computation.6_lowered:
.L_overlay_start_0:
0x88: {  	s2 =	sld [smem:$0x3FD9]  }
0x89: {  	s3 =	sld [smem:$0x3FFE];
	_ =	sdelay $0x1  }
0x8a: {  	s1 =	srdreg.scid  }
0x8b: {  	s0 =	sand.u32 $0x1, s1  }
0x8c: {  	s17 =	sshll.u32 s0, $0xA;
	s2 =	sadd.s32 s3, s2  }
0x8d: {  	s2 =	sadd.s32 s2, s17  }
0x8e: {  	[smem:$0x3FB9] =	sst s2  }
0x8f: {  	_ = 	snop  }
0x90: {  	s2 =	sld [smem:$0x3FD0];
	(tm) =	ssettm $0x1  }
0x91: {  	s18 =	sld [smem:$0x3FFB];
	_ =	sdelay $0x3  }
0x92: {  	_ =	strace s18  }
0x93: {  	s3 =	sld [smem:$0x3FFC];
	_ =	sdelay $0x3  }
0x94: {  	_ =	strace s3  }
0x95: {  	s3 =	sld [smem:$0x3FFD];
	_ =	sdelay $0x3  }
0x96: {  	_ =	strace s3  }
0x97: {  	_ =	strace $0x8FFFFFFF  }
0x98: {  	s19 =	sld [smem:$0x3FDB];
	_ =	sdelay $0x1  }
0x99: {  	s4 =	simm.s32 $_scs_section_size  }
0x9a: {  	s5 =	simm.s32 $_size__tile_overlayer_lowered;
	s6 =	simm.s32 $_tile_overlayer_lowered  }
0x9b: {  	s22 =	simm.s32 $0x1BFF;
	s21 =	sshll.u32 s6, $0x1;
	s3 =	sadd.s32 s4, s19  }
0x9c: {  	s7 =	simm.s32 $0x0;
	s20 =	sshll.u32 s5, $0x1;
	s5 =	sadd.s32 s21, s3  }
0x9d: {  	[timem:s7], [sflag:s22] =	dma.local [hbm:s5], s20  }
0x9e: {  	_ =	swait.ge [sflag:s22], s20  }
0x9f: {  	s4 =	ssub.s32 $0x0, s20;
	[sflag:s22] =	ssyncset.done $0x0  }
0xa0: {  	[sflag:s22] =	ssyncadd.s32 s4;
	_ =	sdelay $0x1  }
0xa1: {  	s23 =	simm.s32 $0x1B8B  }
0xa2: {  	_ =	swait.ge [sflag:s23], $0x1  }
0xa3: {  	[sflag:s23] =	ssyncset.done $0x0  }
0xa4: {  	s25 =	simm.s32 $0x1B8E;
	s24 =	sld [smem:$0x3FFE];
	[sflag:s23] =	ssyncadd.s32 $0xFFFFFFFF  }
0xa5: {  	s26 =	simm.s32 $execute0_lowered;
	[smem:$0x3FD2] =	sst s25  }
0xa6: {  	s5 =	sshll.u32 s26, $0x1;
	_ =	strace $0x80000058;
	[dreg:$0x1] =	wrdreg $0xFFFFFFFF  }
0xa7: {  	s28 =	simm.s32 $_size_execute0_lowered;
	s3 =	sadd.s32 s3, s5;
	[dreg:$0x0] =	wrdreg $0x0  }
0xa8: {  	s5 =	sshll.u32 s28, $0x1;
	[dreg:$0x2] =	wrdreg s3  }
0xa9: {  	[dreg:$0x3] =	wrdreg s5  }
0xaa: {  	[dreg:$0x4] =	wrdreg $0xC0  }
0xab: {  	_ =	task [dreg:s7], $0x5FFFF  }
0xac: {  	[dreg:$0x1] =	wrdreg $0xFFFFFFFF  }
0xad: {  	[dreg:$0x0] =	wrdreg $0x60  }
0xae: {  	[dreg:$0x2] =	wrdreg s24  }
0xaf: {  	[dreg:$0x3] =	wrdreg s2  }
0xb0: {  	[dreg:$0x4] =	wrdreg $0x9  }
0xb1: {  	_ =	task.clear_ibuf [dreg:s7], $0x5FFFF;
	_ =	strace $0x90000058  }
0xb2: {  	s29 =	simm.s32 $0x9;
	_ =	strace $0x8000005A  }
0xb3: {  	_ =	swait.ge [sflag:s29], $0x1  }
0xb4: {  	[sflag:s29] =	ssyncadd.s32 $0xFFFFFFFF  }
0xb5: {  	_ =	strace $0x9000005A  }
0xb6: {  	_ =	sfence  }
0xb7: {  	s30 =	sld [smem:$0x0];
	_ =	sdelay $0x2  }
0xb8: {  	s31 =	sshll.u32 s1, $0xD;
	s1 =	sshrl.u32 s1, $0x2  }
0xb9: {  	s3 =	sand.u32 $0x4000, s31;
	s1 =	sadd.s32 s1, s30  }
0xba: {  	s0 =	sor.u32 s3, s0;
	s1 =	sshll.u32 s1, $0x11  }
0xbb: {  	s0 =	sor.u32 s1, s0  }
0xbc: {  	s0 =	sadd.s32 $0x8F2B, s0  }
0xbd: {  	[sflag:s0] =	ssyncadd.remote.s32 $0x1  }
0xbe: {  	_ =	sfence.sel $0xFFFF  }
0xbf: {  	[dreg:$0x0] =	wrdreg $0xFFFFFFFF;
	(pc) =	sbr.abs _section_cstart, $3  }
0xc0: {  	[dreg:$0x1] =	wrdreg $0xFFFFFFFF  }
0xc1: {  	_ =	task.clear_ibuf [dreg:s7], $0x2FFFF;
	_ =	strace $0x9FFFFFFF  }
0xc2: {  	(tm) =	ssettm $0x7FFFFFFF  }
0xc3: {  	_ =	shalt  }
tec
execute0_lowered:
.L_overlay_start_1:
0x0: {  	(tag) =	ssettag $0x1  }
0x1: {  	s7 =	rddreg [dreg:$0x0]  }
0x2: {  	s1 =	rddreg [dreg:$0x1]  }
0x3: {  	s0 =	rddreg [dreg:$0x2]  }
0x4: {  	s2 =	simm.s32 $0x0;
	s4 =	srdreg.scid;
	s11 =	simm.s32 $0x80  }
0x5: {  	s12 =	simm.s32 $0x100;
	s13 =	simm.s32 $0x900;
	s14 =	simm.s32 $0x1  }
0x6: {  	s15 =	simm.s32 $0x2;
	s16 =	simm.s32 $0x0;
	[smem:$0x7FF] =	sst s2  }
0x7: {  	s3 =	sadd.s32 $0xF200, s7;
	s8 =	sand.u32 $0x1, s4;
	s5 =	sadd.s32 $0x5200, s7  }
0x8: {  	s6 =	sadd.s32 $0x19200, s7;
	s4 =	stileid.u32;
	s9 =	ssub.s32 $0x2, s8  }
0x9: {  	s7 =	sadd.s32 $0x1E200, s7;
	s8 =	sshll.u32 s8, $0x4;
	s10 =	sshrl.u32 s9, $0x1  }
0xa: {  	_ =	strace $0x80000059;
	s8 =	sor.u32 s4, s8;
	s9 =	ssub.s32 s9, s10  }
0xb: {  	s8 =	smul.u32 $0x2800, s8;
	s10 =	simm.s32 $0x3;
	s9 =	smax.u32 s9, $0x1  }
.LBB2_1:
0xc: {  	s17 =	simm.s32 $0x0  }
.LBB2_2:
0xd: {  	s18 =	sshll.u32 s17, $0x7  }
0xe: {  	s18 =	sadd.s32 s8, s18  }
0xf: {  	s19 =	sshrl.u32 s18, $0x3  }
0x10: {  	s21 =	simm.s32 $0x0;
	s20 =	sadd.s32 s3, s19  }
0x11: {  	[tilespmem:s21], [sflag:$0x3] =	stream.linear.gather [hbm4b:s20+s21], $0x80, $0x38;
	[tilespmem:$0x1100] =	vst v63  }
0x12: {  	_ =	swait.ge [sflag:s10], $0x80  }
0x13: {  	[sflag:s10] =	ssyncset.done $0x0  }
0x14: {  	s19 =	sadd.s32 s5, s19;
	[sflag:s10] =	ssyncadd.s32 $0xFFFFFF80  }
0x15: {  	[tilespmem:s11], [sflag:$0x3] =	stream.linear.gather [hbm4b:s19+s21], $0x80, $0x38;
	[tilespmem:$0x1100] =	vst v63  }
0x16: {  	_ =	swait.ge [sflag:s10], $0x80  }
0x17: {  	[sflag:s10] =	ssyncset.done $0x0  }
0x18: {  	[sflag:s10] =	ssyncadd.s32 $0xFFFFFF80  }
0x19: {  	[tilespmem:s12], [sflag:$0x1] =	stream.indirect.gather [hbm4b:s1+s11], $0x10, s21, s11, $0xb8;
	[tilespmem:$0x1100] =	vst v63  }
0x1a: {  	_ = 	snop  }
0x1b: {  	[tilespmem:s13], [sflag:$0x2] =	stream.indirect.gather [hbm4b:s6+s11], $0x10, s11, s11, $0xb8;
	[tilespmem:$0x1100] =	vst v63  }
0x1c: {  	_ =	swait.ge [sflag:s14], $0x800  }
0x1d: {  	[sflag:s14] =	ssyncset.done $0x0  }
0x1e: {  	[sflag:s14] =	ssyncadd.s32 $0xFFFFF800  }
0x1f: {  	_ =	swait.ge [sflag:s15], $0x800  }
0x20: {  	[sflag:s15] =	ssyncset.done $0x0  }
0x21: {  	s19 =	simm.s32 $0x0;
	[sflag:s15] =	ssyncadd.s32 $0xFFFFF800  }
0x22: {  	s20 =	simm.s32 $0x40;
	v0 =	vld [tilespmem:s19+$0x900]  }
.LBB2_3:
0x23: {  	p0 =	sne.s32 s20, $0x1FC0;
	v1 =	vld [tilespmem:s19+$0x100];
	_ =	sdelay $0x2  }
.Ltmp0:
0x24: {  	(pc) =	sbr.rel @p0 .LBB2_3-.Ltmp0, $4  }
0x25: {  	_ = 	snop  }
0x26: {  	v1 =	vadd.f32 v0, v1  }
0x27: {  	s21 =	sshra.s32 s20, $0x2  }
0x28: {  	s20 =	sadd.s32 $0x40, s20;
	v0 =	vld [tilespmem:s21+$0x900];
	[tilespmem:s19+$0x100] =	vst v1;
	s19 =	smov.u32 s21  }
0x29: {  	v1 =	vld [tilespmem:s19+$0x100];
	_ =	sdelay $0x4  }
0x2a: {  	s17 =	sadd.s32 $0x1, s17;
	v0 =	vadd.f32 v0, v1  }
0x2b: {  	s18 =	sshll.u32 s18, $0x1;
	p0 =	sne.s32 s17, $0x50  }
.Ltmp1:
0x2c: {  	s18 =	sadd.s32 s7, s18;
	[tilespmem:s19+$0x100] =	vst v0;
	(pc) =	sbr.rel @p0 .LBB2_2-.Ltmp1, $4  }
0x2d: {  	[hbm4b:s18+s2] =	stream.linear.scatter [tilespmem:s12], [sflag:$0x3], $0x800, $0x38;
	[tilespmem:$0x1100] =	vst v63  }
0x2e: {  	_ =	swait.ge [sflag:s10], $0x800  }
0x2f: {  	[sflag:s10] =	ssyncset.done $0x0  }
0x30: {  	[sflag:s10] =	ssyncadd.s32 $0xFFFFF800  }
0x31: {  	s16 =	sadd.s32 $0x1, s16  }
0x32: {  	p0 =	sne.s32 s16, s9  }
.Ltmp2:
0x33: {  	_ = 	snop;
	(pc) =	sbr.rel @p0 .LBB2_1-.Ltmp2, $1  }
0x34: {  	_ =	sdelay $0x3  }
0x35: {  	_ =	sfence.sel $0x180000  }
0x36: {  	[bflag:$0x0] =	sbarrier.arrive $0xFFFF  }
0x37: {  	p0 =	sne.s32 s4, $0x0;
	_ =	strace $0x90000059  }
0x38: {  	s0 =	sadd.s32 @!p0 $0x100000, s0;
	[bflag:$0x2] =	sbarrier.arrive $0xFFFF  }
0x39: {  	[sflag:s0] =	ssyncadd.tile.s32 @!p0 $0x1;
	_ =	shalt  }
.Lfunc_end2:
_tile_overlayer_lowered:
.L_overlay_start_2:
0x3a: {  	(tag) =	ssettag $0x2  }
0x3b: {  	s0 =	rddreg [dreg:$0x0];
	s2 =	stileid.u32  }
0x3c: {  	s1 =	rddreg [dreg:$0x1];
	p0 =	sne.s32 s2, $0x0  }
0x3d: {  	s3 =	rddreg [dreg:$0x2];
	[bflag:$0x3] =	sbarrier.arrive $0xFFFF;
	s2 =	simm.s32 @!p0 $0x1C03  }
0x3e: {  	[timem:s3], [sflag:s2] =	dma.local @!p0 [hbm:s0], s1  }
0x3f: {  	s0 =	simm.s32 @!p0 $0x3  }
0x40: {  	_ =	swait.ge @!p0 [sflag:s0], s1  }
0x41: {  	s1 =	ssub.s32 @!p0 $0x0, s1;
	[sflag:s0] =	ssyncset.done @!p0 $0x0  }
0x42: {  	[sflag:s0] =	ssyncadd.s32 @!p0 s1  }
0x43: {  	[bflag:$0x3] =	sbarrier.arrive $0xFFFF  }
0x44: {  	_ =	shalt  }

</sc_bundles>
